<compile_context>
chip_gen: v7x
topology: tpu7x:2x2x1
jax: 0.10.2.dev20260603
libtpu: 0.0.44.dev20260713+nightly
codegen_flags: <defaults>
</compile_context>

<pallas_src>
import jax
import jax.numpy as jnp
from jax import lax
from jax.experimental import pallas as pl
from jax.experimental.pallas import tpu as pltpu
from jax.experimental.pallas import tpu_sc as plsc

N = 10000
F = 128
C = 47
CP = 48
NC, NS = 2, 16
NW = NC * NS
NPAD = 10240
CHUNK = 128
EPT = 10240
NCHUNK = EPT // CHUNK
GCH = 80
NBUF = 4
NGCH = EPT // GCH
K0 = 192
K1 = 2 * NGCH - K0
EPAD = NW * EPT
R16 = NPAD // NS
RBLK = 512
GRID = NPAD // RBLK



def _sc_mesh():
  return plsc.VectorSubcoreMesh(
      core_axis_name="c", subcore_axis_name="s",
      num_cores=NC, num_subcores=NS)


def _make_sc_agg(width):
  out_type = jax.ShapeDtypeStruct((2 * NPAD, width), jnp.float32)
  scratch = (
      pltpu.VMEM_SHARED((NPAD, width), jnp.float32),
  ) + tuple(
      pltpu.VMEM((GCH,), jnp.int32) for _ in range(2 * NBUF)
  ) + tuple(
      pltpu.VMEM((GCH, width), jnp.float32) for _ in range(NBUF)
  ) + tuple(
      pltpu.SemaphoreType.DMA for _ in range(NBUF)
  )

  def body(table, srcp, dstp, zrow, s_out, acc_sh, *bufs):
    srcs = bufs[0:2 * NBUF:2]
    dsts = bufs[1:2 * NBUF:2]
    rows = bufs[2 * NBUF:3 * NBUF]
    sems = bufs[3 * NBUF:4 * NBUF]
    cid = lax.axis_index("c")
    sid = lax.axis_index("s")
    wid = sid * NC + cid

    pltpu.sync_copy(zrow.at[pl.ds(0, GCH)], rows[0])

    def zstep(k, carry):
      pltpu.sync_copy(rows[0], acc_sh.at[pl.ds(sid * R16 + k * GCH, GCH)])
      return carry

    lax.fori_loop(0, R16 // GCH, zstep, 0)
    plsc.subcore_barrier()

    ngch = jnp.where(cid == 0, K0, K1)
    base0 = jnp.where(cid == 0, sid * K0, NS * K0 + sid * K1) * GCH

    def load_idx(i, sv, dv):
      base = base0 + i * GCH
      pltpu.sync_copy(srcp.at[pl.ds(base, GCH)], sv)
      pltpu.sync_copy(dstp.at[pl.ds(base, GCH)], dv)

    for b in range(NBUF):
      load_idx(b, srcs[b], dsts[b])
      pltpu.async_copy(table.at[srcs[b]], rows[b], sems[b])

    def group(g, carry):
      for b in range(NBUF):
        i = NBUF * g + b
        pltpu.make_async_copy(table.at[srcs[b]], rows[b], sems[b]).wait()
        pltpu.sync_copy(rows[b], acc_sh.at[dsts[b]], add=True)
        load_idx(i + NBUF, srcs[b], dsts[b])
        pltpu.async_copy(table.at[srcs[b]], rows[b], sems[b])
      return carry

    lax.fori_loop(0, ngch // NBUF - 1, group, 0)

    for b in range(NBUF):
      pltpu.make_async_copy(table.at[srcs[b]], rows[b], sems[b]).wait()
      pltpu.sync_copy(rows[b], acc_sh.at[dsts[b]], add=True)

    plsc.subcore_barrier()

    def wstep(k, carry):
      off = sid * R16 + k * GCH
      pltpu.sync_copy(acc_sh.at[pl.ds(off, GCH)], rows[0])
      pltpu.sync_copy(rows[0], s_out.at[pl.ds(cid * NPAD + off, GCH)])
      return carry

    lax.fori_loop(0, R16 // GCH, wstep, 0)

  return pl.kernel(body, out_type=out_type, mesh=_sc_mesh(),
                   scratch_types=scratch)


def _make_sc_deg():
  out_type = jax.ShapeDtypeStruct((2 * NPAD, F), jnp.float32)
  scratch = (
      pltpu.VMEM_SHARED((NPAD, F), jnp.float32),
      pltpu.VMEM((CHUNK,), jnp.int32),
      pltpu.VMEM((CHUNK, F), jnp.float32),
  )

  def body(dstp, ones_h, d_out, deg_sh, dst_v, rows_v):
    cid = lax.axis_index("c")
    sid = lax.axis_index("s")
    wid = sid * NC + cid

    pltpu.sync_copy(ones_h.at[1], rows_v)

    def zstep(k, carry):
      pltpu.sync_copy(rows_v, deg_sh.at[pl.ds(sid * R16 + k * CHUNK, CHUNK)])
      return carry

    lax.fori_loop(0, R16 // CHUNK, zstep, 0)
    pltpu.sync_copy(ones_h.at[0], rows_v)
    plsc.subcore_barrier()

    base0 = wid * EPT

    def step(i, carry):
      pltpu.sync_copy(dstp.at[pl.ds(base0 + i * CHUNK, CHUNK)], dst_v)
      pltpu.sync_copy(rows_v, deg_sh.at[dst_v], add=True)
      return carry

    lax.fori_loop(0, NCHUNK, step, 0)
    plsc.subcore_barrier()

    def wstep(k, carry):
      off = sid * R16 + k * CHUNK
      pltpu.sync_copy(deg_sh.at[pl.ds(off, CHUNK)], rows_v)
      pltpu.sync_copy(rows_v, d_out.at[pl.ds(cid * NPAD + off, CHUNK)])
      return carry

    lax.fori_loop(0, R16 // CHUNK, wstep, 0)

  return pl.kernel(body, out_type=out_type, mesh=_sc_mesh(),
                   scratch_types=scratch)



def _row_spec(w):
  return pl.BlockSpec((RBLK, w), lambda i: (i, 0))


def _full_spec(r, w):
  return pl.BlockSpec((r, w), lambda i: (0, 0))


def _inv_deg(d0, d1):
  return 1.0 / jnp.maximum(d0[:, 0:1] + d1[:, 0:1], 1.0)


def _tc_layer1(s0, s1, d0, d1, x, wlT, bl, wrT, out):
  agg = (s0[...] + s1[...]) * _inv_deg(d0, d1)
  y = jnp.dot(agg, wlT[...], preferred_element_type=jnp.float32) + bl[...]
  y = y + jnp.dot(x[...], wrT[...], preferred_element_type=jnp.float32)
  out[...] = jnp.maximum(y, 0.0)


def _tc_final(s0, s1, d0, d1, h2, wl3T, wr3T, bl3, out):
  agg = (s0[...] + s1[...]) * _inv_deg(d0, d1)
  logits = jnp.dot(agg, wl3T[...], preferred_element_type=jnp.float32)
  logits = logits + jnp.dot(h2[...], wr3T[...],
                            preferred_element_type=jnp.float32) + bl3[...]
  mask = lax.broadcasted_iota(jnp.int32, (1, CP), 1) < C
  masked = jnp.where(mask, logits, -jnp.inf)
  m = jnp.max(masked, axis=1, keepdims=True)
  ex = jnp.where(mask, jnp.exp(logits - m), 0.0)
  lse = jnp.log(jnp.sum(ex, axis=1, keepdims=True)) + m
  out[...] = logits - lse



def kernel(x, edge_index, Wl1, bl1, Wr1, Wl2, bl2, Wr2, Wl3, bl3, Wr3):
  e = edge_index.shape[1]
  pad = EPAD - e
  src = jnp.concatenate([edge_index[0], jnp.zeros((pad,), jnp.int32)])
  dst = jnp.concatenate([edge_index[1], jnp.full((pad,), N, jnp.int32)])

  zacc = jnp.zeros((NPAD, F), jnp.float32)
  const_rows = jnp.stack([jnp.ones((CHUNK, F), jnp.float32),
                          jnp.zeros((CHUNK, F), jnp.float32)])

  wl1T, wr1T = Wl1.T, Wr1.T
  wl2T, wr2T = Wl2.T, Wr2.T
  wl3T = jnp.pad(Wl3.T, ((0, 0), (0, CP - C)))
  wr3T = jnp.pad(Wr3.T, ((0, 0), (0, CP - C)))
  bl3p = jnp.pad(bl3[None, :], ((0, 0), (0, CP - C)))
  bl1r = bl1[None, :]
  bl2r = bl2[None, :]

  agg128 = _make_sc_agg(F)

  dd = _make_sc_deg()(dst, const_rows)
  d0, d1 = dd[:NPAD], dd[NPAD:]

  ss = agg128(x, src, dst, zacc)
  s10, s11 = ss[:NPAD], ss[NPAD:]

  h1 = pl.pallas_call(
      _tc_layer1,
      grid=(GRID,),
      in_specs=[_row_spec(F), _row_spec(F), _row_spec(F), _row_spec(F),
                _row_spec(F), _full_spec(F, F), _full_spec(1, F),
                _full_spec(F, F)],
      out_specs=_row_spec(F),
      out_shape=jax.ShapeDtypeStruct((N, F), jnp.float32),
  )(s10, s11, d0, d1, x, wl1T, bl1r, wr1T)

  ss = agg128(h1, src, dst, zacc)
  s20, s21 = ss[:NPAD], ss[NPAD:]

  h2 = pl.pallas_call(
      _tc_layer1,
      grid=(GRID,),
      in_specs=[_row_spec(F), _row_spec(F), _row_spec(F), _row_spec(F),
                _row_spec(F), _full_spec(F, F), _full_spec(1, F),
                _full_spec(F, F)],
      out_specs=_row_spec(F),
      out_shape=jax.ShapeDtypeStruct((N, F), jnp.float32),
  )(s20, s21, d0, d1, h1, wl2T, bl2r, wr2T)

  ss = agg128(h2, src, dst, zacc)
  s30, s31 = ss[:NPAD], ss[NPAD:]

  outp = pl.pallas_call(
      _tc_final,
      grid=(GRID,),
      in_specs=[_row_spec(F), _row_spec(F), _row_spec(F), _row_spec(F),
                _row_spec(F), _full_spec(F, CP), _full_spec(F, CP),
                _full_spec(1, CP)],
      out_specs=_row_spec(CP),
      out_shape=jax.ShapeDtypeStruct((N, CP), jnp.float32),
  )(s30, s31, d0, d1, h2, wl3T, wr3T, bl3p)

  return outp[:, :C]

# --- scband reference (transcript-rebuilt; emitter-appended) ---
"""Pipeline reference for scband-sage-products-4836133175937 (READ-ONLY COPY).

The authoritative reference and input builder live on the scoring server;
editing this copy changes nothing except your own understanding.
"""

import jax, jax.numpy as jnp
import numpy as np

N = 10000
E = 320000
F_IN = 128
H = 128
C = 47


def _glorot_linear(key, out_dim, in_dim, bias=True):
    s = 1.0 / np.sqrt(in_dim)
    kw, kb = jax.random.split(key)
    W = jax.random.uniform(kw, (out_dim, in_dim), minval=-s, maxval=s, dtype=jnp.float32)
    if bias:
        b = jax.random.uniform(kb, (out_dim,), minval=-s, maxval=s, dtype=jnp.float32)
        return W, b
    return W, None


def setup_inputs(seed: int = 0) -> dict:
    key = jax.random.key(seed)
    ks = jax.random.split(key, 8)
    x = jax.random.normal(ks[0], (N, F_IN), dtype=jnp.float32)
    edge_index = jax.random.randint(ks[1], (2, E), 0, N, dtype=jnp.int32)
    Wl1, bl1 = _glorot_linear(ks[2], H, F_IN, bias=True)
    Wr1, _ = _glorot_linear(ks[3], H, F_IN, bias=False)
    Wl2, bl2 = _glorot_linear(ks[4], H, H, bias=True)
    Wr2, _ = _glorot_linear(ks[5], H, H, bias=False)
    Wl3, bl3 = _glorot_linear(ks[6], C, H, bias=True)
    Wr3, _ = _glorot_linear(ks[7], C, H, bias=False)
    return {"x": x, "edge_index": edge_index,
            "Wl1": Wl1, "bl1": bl1, "Wr1": Wr1,
            "Wl2": Wl2, "bl2": bl2, "Wr2": Wr2,
            "Wl3": Wl3, "bl3": bl3, "Wr3": Wr3}


def _sage_conv(x, edge_index, Wl, bl, Wr):
    # PyG SAGEConv with mean aggregation:
    # out = lin_l(mean_{j in N(i)} x_j) + lin_r(x_i)
    src = edge_index[0]
    dst = edge_index[1]
    msgs = jnp.take(x, src, axis=0)                       # gather (SparseCore)
    summed = jax.ops.segment_sum(msgs, dst, num_segments=N)  # scatter-add
    deg = jax.ops.segment_sum(jnp.ones((edge_index.shape[1],), dtype=x.dtype), dst, num_segments=N)
    agg = summed / jnp.clip(deg, 1.0)[:, None]
    return agg @ Wl.T + bl + x @ Wr.T


def reference(x, edge_index, Wl1, bl1, Wr1, Wl2, bl2, Wr2, Wl3, bl3, Wr3):
    # eval mode: dropout is identity
    h = _sage_conv(x, edge_index, Wl1, bl1, Wr1)
    h = jax.nn.relu(h)
    h = _sage_conv(h, edge_index, Wl2, bl2, Wr2)
    h = jax.nn.relu(h)
    h = _sage_conv(h, edge_index, Wl3, bl3, Wr3)
    return jax.nn.log_softmax(h, axis=-1)

if __name__ == "__main__":
    import jax
    _d = setup_inputs()
    print(jax.jit(kernel)(*tuple(_d.values())))

</pallas_src>

<mosaic_0001>
#map = affine_map<(d0, d1) -> (0, 0)>
#map1 = affine_map<(d0, d1) -> (0)>
module attributes {stable_mosaic.version = 14 : i64} {
  func.func @body(%arg0: i32, %arg1: i32, %arg2: memref<10000x128xf32, #tpu.memory_space<hbm>>, %arg3: memref<327680xi32, #tpu.memory_space<hbm>>, %arg4: memref<327680xi32, #tpu.memory_space<hbm>>, %arg5: memref<10240x128xf32, #tpu.memory_space<hbm>>, %arg6: memref<20480x128xf32, #tpu.memory_space<hbm>>, %arg7: memref<10240x128xf32, #tpu.memory_space<vmem_shared>>, %arg8: memref<80xi32, #tpu.memory_space<vmem>>, %arg9: memref<80xi32, #tpu.memory_space<vmem>>, %arg10: memref<80xi32, #tpu.memory_space<vmem>>, %arg11: memref<80xi32, #tpu.memory_space<vmem>>, %arg12: memref<80xi32, #tpu.memory_space<vmem>>, %arg13: memref<80xi32, #tpu.memory_space<vmem>>, %arg14: memref<80xi32, #tpu.memory_space<vmem>>, %arg15: memref<80xi32, #tpu.memory_space<vmem>>, %arg16: memref<80x128xf32, #tpu.memory_space<vmem>>, %arg17: memref<80x128xf32, #tpu.memory_space<vmem>>, %arg18: memref<80x128xf32, #tpu.memory_space<vmem>>, %arg19: memref<80x128xf32, #tpu.memory_space<vmem>>, %arg20: memref<!tpu.dma_semaphore, #tpu.memory_space<semaphore_mem>>, %arg21: memref<!tpu.dma_semaphore, #tpu.memory_space<semaphore_mem>>, %arg22: memref<!tpu.dma_semaphore, #tpu.memory_space<semaphore_mem>>, %arg23: memref<!tpu.dma_semaphore, #tpu.memory_space<semaphore_mem>>) attributes {dimension_semantics = [#tpu.dimension_semantics<core_parallel>, #tpu.dimension_semantics<subcore_parallel>], iteration_bounds = array<i64: 2, 16>, scalar_prefetch = 0 : i64, scratch_operands = 17 : i64, tpu.core_type = #tpu.core_type<sc_vector_subcore>, window_params = [{transform_indices = #map}, {transform_indices = #map1}, {transform_indices = #map1}, {transform_indices = #map}, {transform_indices = #map}]} {
    %mul3A = arith.constant 2 : i32
    %mul3A_0 = arith.muli %arg1, %mul3A : i32
    %add3A = arith.addi %mul3A_0, %arg0 : i32
    "tpu.region"() ({
      %run_scoped3A = tpu.sem_alloc : memref<!tpu.dma_semaphore, #tpu.memory_space<semaphore_mem>>
      %dma_start3A_85 = arith.constant 0 : i32
      %dma_start3A_86 = arith.constant 0 : i32
      %dma_start3A_87 = tpu.memref_slice %arg5[%dma_start3A_85, %dma_start3A_86] : memref<10240x128xf32, #tpu.memory_space<hbm>> -> memref<80x128xf32, #tpu.memory_space<hbm>>
      %dma_start3A_88 = arith.constant 0 : i32
      %dma_start3A_89 = arith.constant 0 : i32
      %dma_start3A_90 = tpu.memref_slice %arg5[%dma_start3A_88, %dma_start3A_89] : memref<10240x128xf32, #tpu.memory_space<hbm>> -> memref<80x128xf32, #tpu.memory_space<hbm>>
      tpu.enqueue_dma source(%dma_start3A_90 : memref<80x128xf32, #tpu.memory_space<hbm>>) target(%arg16 : memref<80x128xf32, #tpu.memory_space<vmem>>) target_semaphore(%run_scoped3A : memref<!tpu.dma_semaphore, #tpu.memory_space<semaphore_mem>>)
      %dma_wait3A_91 = arith.constant 0 : i32
      %dma_wait3A_92 = arith.constant 0 : i32
      %dma_wait3A_93 = tpu.memref_slice %arg5[%dma_wait3A_91, %dma_wait3A_92] : memref<10240x128xf32, #tpu.memory_space<hbm>> -> memref<80x128xf32, #tpu.memory_space<hbm>>
      %dma_wait3A_94 = arith.constant 0 : i32
      %dma_wait3A_95 = arith.constant 0 : i32
      %dma_wait3A_96 = tpu.memref_slice %arg5[%dma_wait3A_94, %dma_wait3A_95] : memref<10240x128xf32, #tpu.memory_space<hbm>> -> memref<80x128xf32, #tpu.memory_space<hbm>>
      tpu.wait_dma2 semaphore(%run_scoped3A : memref<!tpu.dma_semaphore, #tpu.memory_space<semaphore_mem>>) src(%dma_wait3A_96 : memref<80x128xf32, #tpu.memory_space<hbm>>) dst(%arg16 : memref<80x128xf32, #tpu.memory_space<vmem>>)
      tpu.yield
    }) : () -> ()
    %scan3A = arith.constant 0 : i32
    %scan3A_1 = arith.constant 0 : i32
    %scan3A_2 = arith.constant 8 : i32
    %scan3A_3 = arith.addi %scan3A_1, %scan3A_2 : i32
    %scan3A_4 = arith.constant 1 : i32
    scf.for %scan3A_85 = %scan3A_1 to %scan3A_3 step %scan3A_4  : i32 {
      %mul3A_86 = arith.constant 640 : i32
      %mul3A_87 = arith.muli %arg1, %mul3A_86 : i32
      %mul3A_88 = arith.constant 80 : i32
      %mul3A_89 = arith.muli %scan3A_85, %mul3A_88 : i32
      %add3A_90 = arith.addi %mul3A_87, %mul3A_89 : i32
      "tpu.region"() ({
        %run_scoped3A = tpu.sem_alloc : memref<!tpu.dma_semaphore, #tpu.memory_space<semaphore_mem>>
        %dma_start3A_91 = arith.constant 0 : i32
        %dma_start3A_92 = tpu.memref_slice %arg7[%add3A_90, %dma_start3A_91] : memref<10240x128xf32, #tpu.memory_space<vmem_shared>> -> memref<80x128xf32, #tpu.memory_space<vmem_shared>>
        %dma_start3A_93 = arith.constant 0 : i32
        %dma_start3A_94 = tpu.memref_slice %arg7[%add3A_90, %dma_start3A_93] : memref<10240x128xf32, #tpu.memory_space<vmem_shared>> -> memref<80x128xf32, #tpu.memory_space<vmem_shared>>
        tpu.enqueue_dma source(%arg16 : memref<80x128xf32, #tpu.memory_space<vmem>>) target(%dma_start3A_94 : memref<80x128xf32, #tpu.memory_space<vmem_shared>>) target_semaphore(%run_scoped3A : memref<!tpu.dma_semaphore, #tpu.memory_space<semaphore_mem>>)
        %dma_wait3A_95 = arith.constant 0 : i32
        %dma_wait3A_96 = tpu.memref_slice %arg7[%add3A_90, %dma_wait3A_95] : memref<10240x128xf32, #tpu.memory_space<vmem_shared>> -> memref<80x128xf32, #tpu.memory_space<vmem_shared>>
        %dma_wait3A_97 = arith.constant 0 : i32
        %dma_wait3A_98 = tpu.memref_slice %arg7[%add3A_90, %dma_wait3A_97] : memref<10240x128xf32, #tpu.memory_space<vmem_shared>> -> memref<80x128xf32, #tpu.memory_space<vmem_shared>>
        tpu.wait_dma2 semaphore(%run_scoped3A : memref<!tpu.dma_semaphore, #tpu.memory_space<semaphore_mem>>) src(%arg16 : memref<80x128xf32, #tpu.memory_space<vmem>>) dst(%dma_wait3A_98 : memref<80x128xf32, #tpu.memory_space<vmem_shared>>)
        tpu.yield
      }) : () -> ()
    }
    %scan3A_5 = arith.constant 8 : i32
    %barrier3A = arith.constant 0 : index
    tpu.barrier barrier_id(%barrier3A)
    %eq3A = arith.constant 0 : i32
    %eq3A_6 = arith.cmpi eq, %arg0, %eq3A : i32
    %jit3A = arith.constant 192 : i32
    %jit3A_7 = arith.constant 64 : i32
    %select_n3A = arith.select %eq3A_6, %jit3A, %jit3A_7 : i32
    %eq3A_8 = arith.constant 0 : i32
    %eq3A_9 = arith.cmpi eq, %arg0, %eq3A_8 : i32
    %mul3A_10 = arith.constant 192 : i32
    %mul3A_11 = arith.muli %arg1, %mul3A_10 : i32
    %mul3A_12 = arith.constant 64 : i32
    %mul3A_13 = arith.muli %arg1, %mul3A_12 : i32
    %add3A_14 = arith.constant 3072 : i32
    %add3A_15 = arith.addi %add3A_14, %mul3A_13 : i32
    %select_n3A_16 = arith.select %eq3A_9, %mul3A_11, %add3A_15 : i32
    %mul3A_17 = arith.constant 80 : i32
    %mul3A_18 = arith.muli %select_n3A_16, %mul3A_17 : i32
    %add3A_19 = arith.constant 0 : i32
    %add3A_20 = arith.addi %mul3A_18, %add3A_19 : i32
    "tpu.region"() ({
      %run_scoped3A = tpu.sem_alloc : memref<!tpu.dma_semaphore, #tpu.memory_space<semaphore_mem>>
      %dma_start3A_85 = tpu.memref_slice %arg3[%add3A_20] : memref<327680xi32, #tpu.memory_space<hbm>> -> memref<80xi32, #tpu.memory_space<hbm>>
      %dma_start3A_86 = tpu.memref_slice %arg3[%add3A_20] : memref<327680xi32, #tpu.memory_space<hbm>> -> memref<80xi32, #tpu.memory_space<hbm>>
      tpu.enqueue_dma source(%dma_start3A_86 : memref<80xi32, #tpu.memory_space<hbm>>) target(%arg8 : memref<80xi32, #tpu.memory_space<vmem>>) target_semaphore(%run_scoped3A : memref<!tpu.dma_semaphore, #tpu.memory_space<semaphore_mem>>)
      %dma_wait3A_87 = tpu.memref_slice %arg3[%add3A_20] : memref<327680xi32, #tpu.memory_space<hbm>> -> memref<80xi32, #tpu.memory_space<hbm>>
      %dma_wait3A_88 = tpu.memref_slice %arg3[%add3A_20] : memref<327680xi32, #tpu.memory_space<hbm>> -> memref<80xi32, #tpu.memory_space<hbm>>
      tpu.wait_dma2 semaphore(%run_scoped3A : memref<!tpu.dma_semaphore, #tpu.memory_space<semaphore_mem>>) src(%dma_wait3A_88 : memref<80xi32, #tpu.memory_space<hbm>>) dst(%arg8 : memref<80xi32, #tpu.memory_space<vmem>>)
      tpu.yield
    }) : () -> ()
    "tpu.region"() ({
      %run_scoped3A = tpu.sem_alloc : memref<!tpu.dma_semaphore, #tpu.memory_space<semaphore_mem>>
      %dma_start3A_85 = tpu.memref_slice %arg4[%add3A_20] : memref<327680xi32, #tpu.memory_space<hbm>> -> memref<80xi32, #tpu.memory_space<hbm>>
      %dma_start3A_86 = tpu.memref_slice %arg4[%add3A_20] : memref<327680xi32, #tpu.memory_space<hbm>> -> memref<80xi32, #tpu.memory_space<hbm>>
      tpu.enqueue_dma source(%dma_start3A_86 : memref<80xi32, #tpu.memory_space<hbm>>) target(%arg9 : memref<80xi32, #tpu.memory_space<vmem>>) target_semaphore(%run_scoped3A : memref<!tpu.dma_semaphore, #tpu.memory_space<semaphore_mem>>)
      %dma_wait3A_87 = tpu.memref_slice %arg4[%add3A_20] : memref<327680xi32, #tpu.memory_space<hbm>> -> memref<80xi32, #tpu.memory_space<hbm>>
      %dma_wait3A_88 = tpu.memref_slice %arg4[%add3A_20] : memref<327680xi32, #tpu.memory_space<hbm>> -> memref<80xi32, #tpu.memory_space<hbm>>
      tpu.wait_dma2 semaphore(%run_scoped3A : memref<!tpu.dma_semaphore, #tpu.memory_space<semaphore_mem>>) src(%dma_wait3A_88 : memref<80xi32, #tpu.memory_space<hbm>>) dst(%arg9 : memref<80xi32, #tpu.memory_space<vmem>>)
      tpu.yield
    }) : () -> ()
    %dma_start3A = arith.constant 0 : i32
    %dma_start3A_21 = arith.constant 0 : i32
    %dma_start3A_22 = tpu.memref_slice %arg2[%dma_start3A, %dma_start3A_21] : memref<10000x128xf32, #tpu.memory_space<hbm>> -> memref<10000x128xf32, #tpu.memory_space<hbm>>
    tpu.enqueue_indirect_dma source(%dma_start3A_22 : memref<10000x128xf32, #tpu.memory_space<hbm>>) target(%arg16 : memref<80x128xf32, #tpu.memory_space<vmem>>) offsets(%arg8 : memref<80xi32, #tpu.memory_space<vmem>>) semaphore(%arg20 : memref<!tpu.dma_semaphore, #tpu.memory_space<semaphore_mem>>)
    %add3A_23 = arith.constant 80 : i32
    %add3A_24 = arith.addi %mul3A_18, %add3A_23 : i32
    "tpu.region"() ({
      %run_scoped3A = tpu.sem_alloc : memref<!tpu.dma_semaphore, #tpu.memory_space<semaphore_mem>>
      %dma_start3A_85 = tpu.memref_slice %arg3[%add3A_24] : memref<327680xi32, #tpu.memory_space<hbm>> -> memref<80xi32, #tpu.memory_space<hbm>>
      %dma_start3A_86 = tpu.memref_slice %arg3[%add3A_24] : memref<327680xi32, #tpu.memory_space<hbm>> -> memref<80xi32, #tpu.memory_space<hbm>>
      tpu.enqueue_dma source(%dma_start3A_86 : memref<80xi32, #tpu.memory_space<hbm>>) target(%arg10 : memref<80xi32, #tpu.memory_space<vmem>>) target_semaphore(%run_scoped3A : memref<!tpu.dma_semaphore, #tpu.memory_space<semaphore_mem>>)
      %dma_wait3A_87 = tpu.memref_slice %arg3[%add3A_24] : memref<327680xi32, #tpu.memory_space<hbm>> -> memref<80xi32, #tpu.memory_space<hbm>>
      %dma_wait3A_88 = tpu.memref_slice %arg3[%add3A_24] : memref<327680xi32, #tpu.memory_space<hbm>> -> memref<80xi32, #tpu.memory_space<hbm>>
      tpu.wait_dma2 semaphore(%run_scoped3A : memref<!tpu.dma_semaphore, #tpu.memory_space<semaphore_mem>>) src(%dma_wait3A_88 : memref<80xi32, #tpu.memory_space<hbm>>) dst(%arg10 : memref<80xi32, #tpu.memory_space<vmem>>)
      tpu.yield
    }) : () -> ()
    "tpu.region"() ({
      %run_scoped3A = tpu.sem_alloc : memref<!tpu.dma_semaphore, #tpu.memory_space<semaphore_mem>>
      %dma_start3A_85 = tpu.memref_slice %arg4[%add3A_24] : memref<327680xi32, #tpu.memory_space<hbm>> -> memref<80xi32, #tpu.memory_space<hbm>>
      %dma_start3A_86 = tpu.memref_slice %arg4[%add3A_24] : memref<327680xi32, #tpu.memory_space<hbm>> -> memref<80xi32, #tpu.memory_space<hbm>>
      tpu.enqueue_dma source(%dma_start3A_86 : memref<80xi32, #tpu.memory_space<hbm>>) target(%arg11 : memref<80xi32, #tpu.memory_space<vmem>>) target_semaphore(%run_scoped3A : memref<!tpu.dma_semaphore, #tpu.memory_space<semaphore_mem>>)
      %dma_wait3A_87 = tpu.memref_slice %arg4[%add3A_24] : memref<327680xi32, #tpu.memory_space<hbm>> -> memref<80xi32, #tpu.memory_space<hbm>>
      %dma_wait3A_88 = tpu.memref_slice %arg4[%add3A_24] : memref<327680xi32, #tpu.memory_space<hbm>> -> memref<80xi32, #tpu.memory_space<hbm>>
      tpu.wait_dma2 semaphore(%run_scoped3A : memref<!tpu.dma_semaphore, #tpu.memory_space<semaphore_mem>>) src(%dma_wait3A_88 : memref<80xi32, #tpu.memory_space<hbm>>) dst(%arg11 : memref<80xi32, #tpu.memory_space<vmem>>)
      tpu.yield
    }) : () -> ()
    %dma_start3A_25 = arith.constant 0 : i32
    %dma_start3A_26 = arith.constant 0 : i32
    %dma_start3A_27 = tpu.memref_slice %arg2[%dma_start3A_25, %dma_start3A_26] : memref<10000x128xf32, #tpu.memory_space<hbm>> -> memref<10000x128xf32, #tpu.memory_space<hbm>>
    tpu.enqueue_indirect_dma source(%dma_start3A_27 : memref<10000x128xf32, #tpu.memory_space<hbm>>) target(%arg17 : memref<80x128xf32, #tpu.memory_space<vmem>>) offsets(%arg10 : memref<80xi32, #tpu.memory_space<vmem>>) semaphore(%arg21 : memref<!tpu.dma_semaphore, #tpu.memory_space<semaphore_mem>>)
    %add3A_28 = arith.constant 160 : i32
    %add3A_29 = arith.addi %mul3A_18, %add3A_28 : i32
    "tpu.region"() ({
      %run_scoped3A = tpu.sem_alloc : memref<!tpu.dma_semaphore, #tpu.memory_space<semaphore_mem>>
      %dma_start3A_85 = tpu.memref_slice %arg3[%add3A_29] : memref<327680xi32, #tpu.memory_space<hbm>> -> memref<80xi32, #tpu.memory_space<hbm>>
      %dma_start3A_86 = tpu.memref_slice %arg3[%add3A_29] : memref<327680xi32, #tpu.memory_space<hbm>> -> memref<80xi32, #tpu.memory_space<hbm>>
      tpu.enqueue_dma source(%dma_start3A_86 : memref<80xi32, #tpu.memory_space<hbm>>) target(%arg12 : memref<80xi32, #tpu.memory_space<vmem>>) target_semaphore(%run_scoped3A : memref<!tpu.dma_semaphore, #tpu.memory_space<semaphore_mem>>)
      %dma_wait3A_87 = tpu.memref_slice %arg3[%add3A_29] : memref<327680xi32, #tpu.memory_space<hbm>> -> memref<80xi32, #tpu.memory_space<hbm>>
      %dma_wait3A_88 = tpu.memref_slice %arg3[%add3A_29] : memref<327680xi32, #tpu.memory_space<hbm>> -> memref<80xi32, #tpu.memory_space<hbm>>
      tpu.wait_dma2 semaphore(%run_scoped3A : memref<!tpu.dma_semaphore, #tpu.memory_space<semaphore_mem>>) src(%dma_wait3A_88 : memref<80xi32, #tpu.memory_space<hbm>>) dst(%arg12 : memref<80xi32, #tpu.memory_space<vmem>>)
      tpu.yield
    }) : () -> ()
    "tpu.region"() ({
      %run_scoped3A = tpu.sem_alloc : memref<!tpu.dma_semaphore, #tpu.memory_space<semaphore_mem>>
      %dma_start3A_85 = tpu.memref_slice %arg4[%add3A_29] : memref<327680xi32, #tpu.memory_space<hbm>> -> memref<80xi32, #tpu.memory_space<hbm>>
      %dma_start3A_86 = tpu.memref_slice %arg4[%add3A_29] : memref<327680xi32, #tpu.memory_space<hbm>> -> memref<80xi32, #tpu.memory_space<hbm>>
      tpu.enqueue_dma source(%dma_start3A_86 : memref<80xi32, #tpu.memory_space<hbm>>) target(%arg13 : memref<80xi32, #tpu.memory_space<vmem>>) target_semaphore(%run_scoped3A : memref<!tpu.dma_semaphore, #tpu.memory_space<semaphore_mem>>)
      %dma_wait3A_87 = tpu.memref_slice %arg4[%add3A_29] : memref<327680xi32, #tpu.memory_space<hbm>> -> memref<80xi32, #tpu.memory_space<hbm>>
      %dma_wait3A_88 = tpu.memref_slice %arg4[%add3A_29] : memref<327680xi32, #tpu.memory_space<hbm>> -> memref<80xi32, #tpu.memory_space<hbm>>
      tpu.wait_dma2 semaphore(%run_scoped3A : memref<!tpu.dma_semaphore, #tpu.memory_space<semaphore_mem>>) src(%dma_wait3A_88 : memref<80xi32, #tpu.memory_space<hbm>>) dst(%arg13 : memref<80xi32, #tpu.memory_space<vmem>>)
      tpu.yield
    }) : () -> ()
    %dma_start3A_30 = arith.constant 0 : i32
    %dma_start3A_31 = arith.constant 0 : i32
    %dma_start3A_32 = tpu.memref_slice %arg2[%dma_start3A_30, %dma_start3A_31] : memref<10000x128xf32, #tpu.memory_space<hbm>> -> memref<10000x128xf32, #tpu.memory_space<hbm>>
    tpu.enqueue_indirect_dma source(%dma_start3A_32 : memref<10000x128xf32, #tpu.memory_space<hbm>>) target(%arg18 : memref<80x128xf32, #tpu.memory_space<vmem>>) offsets(%arg12 : memref<80xi32, #tpu.memory_space<vmem>>) semaphore(%arg22 : memref<!tpu.dma_semaphore, #tpu.memory_space<semaphore_mem>>)
    %add3A_33 = arith.constant 240 : i32
    %add3A_34 = arith.addi %mul3A_18, %add3A_33 : i32
    "tpu.region"() ({
      %run_scoped3A = tpu.sem_alloc : memref<!tpu.dma_semaphore, #tpu.memory_space<semaphore_mem>>
      %dma_start3A_85 = tpu.memref_slice %arg3[%add3A_34] : memref<327680xi32, #tpu.memory_space<hbm>> -> memref<80xi32, #tpu.memory_space<hbm>>
      %dma_start3A_86 = tpu.memref_slice %arg3[%add3A_34] : memref<327680xi32, #tpu.memory_space<hbm>> -> memref<80xi32, #tpu.memory_space<hbm>>
      tpu.enqueue_dma source(%dma_start3A_86 : memref<80xi32, #tpu.memory_space<hbm>>) target(%arg14 : memref<80xi32, #tpu.memory_space<vmem>>) target_semaphore(%run_scoped3A : memref<!tpu.dma_semaphore, #tpu.memory_space<semaphore_mem>>)
      %dma_wait3A_87 = tpu.memref_slice %arg3[%add3A_34] : memref<327680xi32, #tpu.memory_space<hbm>> -> memref<80xi32, #tpu.memory_space<hbm>>
      %dma_wait3A_88 = tpu.memref_slice %arg3[%add3A_34] : memref<327680xi32, #tpu.memory_space<hbm>> -> memref<80xi32, #tpu.memory_space<hbm>>
      tpu.wait_dma2 semaphore(%run_scoped3A : memref<!tpu.dma_semaphore, #tpu.memory_space<semaphore_mem>>) src(%dma_wait3A_88 : memref<80xi32, #tpu.memory_space<hbm>>) dst(%arg14 : memref<80xi32, #tpu.memory_space<vmem>>)
      tpu.yield
    }) : () -> ()
    "tpu.region"() ({
      %run_scoped3A = tpu.sem_alloc : memref<!tpu.dma_semaphore, #tpu.memory_space<semaphore_mem>>
      %dma_start3A_85 = tpu.memref_slice %arg4[%add3A_34] : memref<327680xi32, #tpu.memory_space<hbm>> -> memref<80xi32, #tpu.memory_space<hbm>>
      %dma_start3A_86 = tpu.memref_slice %arg4[%add3A_34] : memref<327680xi32, #tpu.memory_space<hbm>> -> memref<80xi32, #tpu.memory_space<hbm>>
      tpu.enqueue_dma source(%dma_start3A_86 : memref<80xi32, #tpu.memory_space<hbm>>) target(%arg15 : memref<80xi32, #tpu.memory_space<vmem>>) target_semaphore(%run_scoped3A : memref<!tpu.dma_semaphore, #tpu.memory_space<semaphore_mem>>)
      %dma_wait3A_87 = tpu.memref_slice %arg4[%add3A_34] : memref<327680xi32, #tpu.memory_space<hbm>> -> memref<80xi32, #tpu.memory_space<hbm>>
      %dma_wait3A_88 = tpu.memref_slice %arg4[%add3A_34] : memref<327680xi32, #tpu.memory_space<hbm>> -> memref<80xi32, #tpu.memory_space<hbm>>
      tpu.wait_dma2 semaphore(%run_scoped3A : memref<!tpu.dma_semaphore, #tpu.memory_space<semaphore_mem>>) src(%dma_wait3A_88 : memref<80xi32, #tpu.memory_space<hbm>>) dst(%arg15 : memref<80xi32, #tpu.memory_space<vmem>>)
      tpu.yield
    }) : () -> ()
    %dma_start3A_35 = arith.constant 0 : i32
    %dma_start3A_36 = arith.constant 0 : i32
    %dma_start3A_37 = tpu.memref_slice %arg2[%dma_start3A_35, %dma_start3A_36] : memref<10000x128xf32, #tpu.memory_space<hbm>> -> memref<10000x128xf32, #tpu.memory_space<hbm>>
    tpu.enqueue_indirect_dma source(%dma_start3A_37 : memref<10000x128xf32, #tpu.memory_space<hbm>>) target(%arg19 : memref<80x128xf32, #tpu.memory_space<vmem>>) offsets(%arg14 : memref<80xi32, #tpu.memory_space<vmem>>) semaphore(%arg23 : memref<!tpu.dma_semaphore, #tpu.memory_space<semaphore_mem>>)
    %jit3A_38 = arith.constant 4 : i32
    %div3A = arith.divsi %select_n3A, %jit3A_38 : i32
    %sign3A = arith.constant 0 : i32
    %sign3A_39 = arith.cmpi sgt, %select_n3A, %sign3A : i32
    %sign3A_40 = arith.extui %sign3A_39 : i1 to i32
    %sign3A_41 = arith.constant 0 : i32
    %sign3A_42 = arith.cmpi slt, %select_n3A, %sign3A_41 : i32
    %sign3A_43 = arith.extui %sign3A_42 : i1 to i32
    %sign3A_44 = arith.subi %sign3A_40, %sign3A_43 : i32
    %sign3A_45 = arith.constant 0 : i32
    %sign3A_46 = arith.cmpi sgt, %jit3A_38, %sign3A_45 : i32
    %sign3A_47 = arith.extui %sign3A_46 : i1 to i32
    %sign3A_48 = arith.constant 0 : i32
    %sign3A_49 = arith.cmpi slt, %jit3A_38, %sign3A_48 : i32
    %sign3A_50 = arith.extui %sign3A_49 : i1 to i32
    %sign3A_51 = arith.subi %sign3A_47, %sign3A_50 : i32
    %ne3A = arith.cmpi ne, %sign3A_44, %sign3A_51 : i32
    %rem3A = arith.remsi %select_n3A, %jit3A_38 : i32
    %ne3A_52 = arith.constant 0 : i32
    %ne3A_53 = arith.cmpi ne, %rem3A, %ne3A_52 : i32
    %and3A = arith.andi %ne3A, %ne3A_53 : i1
    %sub3A = arith.constant 1 : i32
    %sub3A_54 = arith.subi %div3A, %sub3A : i32
    %select_n3A_55 = arith.select %and3A, %sub3A_54, %div3A : i32
    %sub3A_56 = arith.constant 1 : i32
    %sub3A_57 = arith.subi %select_n3A_55, %sub3A_56 : i32
    %while3A = arith.constant 0 : i32
    %while3A_58 = arith.constant 0 : i32
    %while3A_59 = arith.subi %sub3A_57, %while3A_58 : i32
    %while3A_60 = arith.addi %while3A_58, %while3A_59 : i32
    %while3A_61 = arith.constant 1 : i32
    %while3A_62 = arith.divsi %while3A_59, %while3A_61 : i32
    %while3A_63 = arith.muli %while3A_62, %while3A_61 : i32
    %while3A_64 = arith.addi %while3A_58, %while3A_63 : i32
    %while3A_65 = arith.constant 1 : i32
    scf.for %while3A_85 = %while3A_58 to %while3A_64 step %while3A_65  : i32 {
      %mul3A_86 = arith.constant 4 : i32
      %mul3A_87 = arith.muli %mul3A_86, %while3A_85 : i32
      %add3A_88 = arith.constant 0 : i32
      %add3A_89 = arith.addi %mul3A_87, %add3A_88 : i32
      %dma_wait3A_90 = arith.constant 0 : i32
      %dma_wait3A_91 = arith.constant 0 : i32
      %dma_wait3A_92 = tpu.memref_slice %arg2[%dma_wait3A_90, %dma_wait3A_91] : memref<10000x128xf32, #tpu.memory_space<hbm>> -> memref<10000x128xf32, #tpu.memory_space<hbm>>
      tpu.wait_indirect_dma semaphore(%arg20 : memref<!tpu.dma_semaphore, #tpu.memory_space<semaphore_mem>>) src(%dma_wait3A_92 : memref<10000x128xf32, #tpu.memory_space<hbm>>) dst(%arg16 : memref<80x128xf32, #tpu.memory_space<vmem>>)
      "tpu.region"() ({
        %run_scoped3A = tpu.sem_alloc : memref<!tpu.dma_semaphore, #tpu.memory_space<semaphore_mem>>
        %dma_start3A_146 = arith.constant 0 : i32
        %dma_start3A_147 = arith.constant 0 : i32
        %dma_start3A_148 = tpu.memref_slice %arg7[%dma_start3A_146, %dma_start3A_147] : memref<10240x128xf32, #tpu.memory_space<vmem_shared>> -> memref<10240x128xf32, #tpu.memory_space<vmem_shared>>
        tpu.enqueue_indirect_dma source(%arg16 : memref<80x128xf32, #tpu.memory_space<vmem>>) target(%dma_start3A_148 : memref<10240x128xf32, #tpu.memory_space<vmem_shared>>) offsets(%arg9 : memref<80xi32, #tpu.memory_space<vmem>>) semaphore(%run_scoped3A : memref<!tpu.dma_semaphore, #tpu.memory_space<semaphore_mem>>) {add = true}
        %dma_wait3A_149 = arith.constant 0 : i32
        %dma_wait3A_150 = arith.constant 0 : i32
        %dma_wait3A_151 = tpu.memref_slice %arg7[%dma_wait3A_149, %dma_wait3A_150] : memref<10240x128xf32, #tpu.memory_space<vmem_shared>> -> memref<10240x128xf32, #tpu.memory_space<vmem_shared>>
        tpu.wait_indirect_dma semaphore(%run_scoped3A : memref<!tpu.dma_semaphore, #tpu.memory_space<semaphore_mem>>) src(%arg16 : memref<80x128xf32, #tpu.memory_space<vmem>>) dst(%dma_wait3A_151 : memref<10240x128xf32, #tpu.memory_space<vmem_shared>>)
        tpu.yield
      }) : () -> ()
      %add3A_93 = arith.constant 4 : i32
      %add3A_94 = arith.addi %add3A_89, %add3A_93 : i32
      %mul3A_95 = arith.constant 80 : i32
      %mul3A_96 = arith.muli %add3A_94, %mul3A_95 : i32
      %add3A_97 = arith.addi %mul3A_18, %mul3A_96 : i32
      "tpu.region"() ({
        %run_scoped3A = tpu.sem_alloc : memref<!tpu.dma_semaphore, #tpu.memory_space<semaphore_mem>>
        %dma_start3A_146 = tpu.memref_slice %arg3[%add3A_97] : memref<327680xi32, #tpu.memory_space<hbm>> -> memref<80xi32, #tpu.memory_space<hbm>>
        %dma_start3A_147 = tpu.memref_slice %arg3[%add3A_97] : memref<327680xi32, #tpu.memory_space<hbm>> -> memref<80xi32, #tpu.memory_space<hbm>>
        tpu.enqueue_dma source(%dma_start3A_147 : memref<80xi32, #tpu.memory_space<hbm>>) target(%arg8 : memref<80xi32, #tpu.memory_space<vmem>>) target_semaphore(%run_scoped3A : memref<!tpu.dma_semaphore, #tpu.memory_space<semaphore_mem>>)
        %dma_wait3A_148 = tpu.memref_slice %arg3[%add3A_97] : memref<327680xi32, #tpu.memory_space<hbm>> -> memref<80xi32, #tpu.memory_space<hbm>>
        %dma_wait3A_149 = tpu.memref_slice %arg3[%add3A_97] : memref<327680xi32, #tpu.memory_space<hbm>> -> memref<80xi32, #tpu.memory_space<hbm>>
        tpu.wait_dma2 semaphore(%run_scoped3A : memref<!tpu.dma_semaphore, #tpu.memory_space<semaphore_mem>>) src(%dma_wait3A_149 : memref<80xi32, #tpu.memory_space<hbm>>) dst(%arg8 : memref<80xi32, #tpu.memory_space<vmem>>)
        tpu.yield
      }) : () -> ()
      "tpu.region"() ({
        %run_scoped3A = tpu.sem_alloc : memref<!tpu.dma_semaphore, #tpu.memory_space<semaphore_mem>>
        %dma_start3A_146 = tpu.memref_slice %arg4[%add3A_97] : memref<327680xi32, #tpu.memory_space<hbm>> -> memref<80xi32, #tpu.memory_space<hbm>>
        %dma_start3A_147 = tpu.memref_slice %arg4[%add3A_97] : memref<327680xi32, #tpu.memory_space<hbm>> -> memref<80xi32, #tpu.memory_space<hbm>>
        tpu.enqueue_dma source(%dma_start3A_147 : memref<80xi32, #tpu.memory_space<hbm>>) target(%arg9 : memref<80xi32, #tpu.memory_space<vmem>>) target_semaphore(%run_scoped3A : memref<!tpu.dma_semaphore, #tpu.memory_space<semaphore_mem>>)
        %dma_wait3A_148 = tpu.memref_slice %arg4[%add3A_97] : memref<327680xi32, #tpu.memory_space<hbm>> -> memref<80xi32, #tpu.memory_space<hbm>>
        %dma_wait3A_149 = tpu.memref_slice %arg4[%add3A_97] : memref<327680xi32, #tpu.memory_space<hbm>> -> memref<80xi32, #tpu.memory_space<hbm>>
        tpu.wait_dma2 semaphore(%run_scoped3A : memref<!tpu.dma_semaphore, #tpu.memory_space<semaphore_mem>>) src(%dma_wait3A_149 : memref<80xi32, #tpu.memory_space<hbm>>) dst(%arg9 : memref<80xi32, #tpu.memory_space<vmem>>)
        tpu.yield
      }) : () -> ()
      %dma_start3A_98 = arith.constant 0 : i32
      %dma_start3A_99 = arith.constant 0 : i32
      %dma_start3A_100 = tpu.memref_slice %arg2[%dma_start3A_98, %dma_start3A_99] : memref<10000x128xf32, #tpu.memory_space<hbm>> -> memref<10000x128xf32, #tpu.memory_space<hbm>>
      tpu.enqueue_indirect_dma source(%dma_start3A_100 : memref<10000x128xf32, #tpu.memory_space<hbm>>) target(%arg16 : memref<80x128xf32, #tpu.memory_space<vmem>>) offsets(%arg8 : memref<80xi32, #tpu.memory_space<vmem>>) semaphore(%arg20 : memref<!tpu.dma_semaphore, #tpu.memory_space<semaphore_mem>>)
      %mul3A_101 = arith.constant 4 : i32
      %mul3A_102 = arith.muli %mul3A_101, %while3A_85 : i32
      %add3A_103 = arith.constant 1 : i32
      %add3A_104 = arith.addi %mul3A_102, %add3A_103 : i32
      %dma_wait3A_105 = arith.constant 0 : i32
      %dma_wait3A_106 = arith.constant 0 : i32
      %dma_wait3A_107 = tpu.memref_slice %arg2[%dma_wait3A_105, %dma_wait3A_106] : memref<10000x128xf32, #tpu.memory_space<hbm>> -> memref<10000x128xf32, #tpu.memory_space<hbm>>
      tpu.wait_indirect_dma semaphore(%arg21 : memref<!tpu.dma_semaphore, #tpu.memory_space<semaphore_mem>>) src(%dma_wait3A_107 : memref<10000x128xf32, #tpu.memory_space<hbm>>) dst(%arg17 : memref<80x128xf32, #tpu.memory_space<vmem>>)
      "tpu.region"() ({
        %run_scoped3A = tpu.sem_alloc : memref<!tpu.dma_semaphore, #tpu.memory_space<semaphore_mem>>
        %dma_start3A_146 = arith.constant 0 : i32
        %dma_start3A_147 = arith.constant 0 : i32
        %dma_start3A_148 = tpu.memref_slice %arg7[%dma_start3A_146, %dma_start3A_147] : memref<10240x128xf32, #tpu.memory_space<vmem_shared>> -> memref<10240x128xf32, #tpu.memory_space<vmem_shared>>
        tpu.enqueue_indirect_dma source(%arg17 : memref<80x128xf32, #tpu.memory_space<vmem>>) target(%dma_start3A_148 : memref<10240x128xf32, #tpu.memory_space<vmem_shared>>) offsets(%arg11 : memref<80xi32, #tpu.memory_space<vmem>>) semaphore(%run_scoped3A : memref<!tpu.dma_semaphore, #tpu.memory_space<semaphore_mem>>) {add = true}
        %dma_wait3A_149 = arith.constant 0 : i32
        %dma_wait3A_150 = arith.constant 0 : i32
        %dma_wait3A_151 = tpu.memref_slice %arg7[%dma_wait3A_149, %dma_wait3A_150] : memref<10240x128xf32, #tpu.memory_space<vmem_shared>> -> memref<10240x128xf32, #tpu.memory_space<vmem_shared>>
        tpu.wait_indirect_dma semaphore(%run_scoped3A : memref<!tpu.dma_semaphore, #tpu.memory_space<semaphore_mem>>) src(%arg17 : memref<80x128xf32, #tpu.memory_space<vmem>>) dst(%dma_wait3A_151 : memref<10240x128xf32, #tpu.memory_space<vmem_shared>>)
        tpu.yield
      }) : () -> ()
      %add3A_108 = arith.constant 4 : i32
      %add3A_109 = arith.addi %add3A_104, %add3A_108 : i32
      %mul3A_110 = arith.constant 80 : i32
      %mul3A_111 = arith.muli %add3A_109, %mul3A_110 : i32
      %add3A_112 = arith.addi %mul3A_18, %mul3A_111 : i32
      "tpu.region"() ({
        %run_scoped3A = tpu.sem_alloc : memref<!tpu.dma_semaphore, #tpu.memory_space<semaphore_mem>>
        %dma_start3A_146 = tpu.memref_slice %arg3[%add3A_112] : memref<327680xi32, #tpu.memory_space<hbm>> -> memref<80xi32, #tpu.memory_space<hbm>>
        %dma_start3A_147 = tpu.memref_slice %arg3[%add3A_112] : memref<327680xi32, #tpu.memory_space<hbm>> -> memref<80xi32, #tpu.memory_space<hbm>>
        tpu.enqueue_dma source(%dma_start3A_147 : memref<80xi32, #tpu.memory_space<hbm>>) target(%arg10 : memref<80xi32, #tpu.memory_space<vmem>>) target_semaphore(%run_scoped3A : memref<!tpu.dma_semaphore, #tpu.memory_space<semaphore_mem>>)
        %dma_wait3A_148 = tpu.memref_slice %arg3[%add3A_112] : memref<327680xi32, #tpu.memory_space<hbm>> -> memref<80xi32, #tpu.memory_space<hbm>>
        %dma_wait3A_149 = tpu.memref_slice %arg3[%add3A_112] : memref<327680xi32, #tpu.memory_space<hbm>> -> memref<80xi32, #tpu.memory_space<hbm>>
        tpu.wait_dma2 semaphore(%run_scoped3A : memref<!tpu.dma_semaphore, #tpu.memory_space<semaphore_mem>>) src(%dma_wait3A_149 : memref<80xi32, #tpu.memory_space<hbm>>) dst(%arg10 : memref<80xi32, #tpu.memory_space<vmem>>)
        tpu.yield
      }) : () -> ()
      "tpu.region"() ({
        %run_scoped3A = tpu.sem_alloc : memref<!tpu.dma_semaphore, #tpu.memory_space<semaphore_mem>>
        %dma_start3A_146 = tpu.memref_slice %arg4[%add3A_112] : memref<327680xi32, #tpu.memory_space<hbm>> -> memref<80xi32, #tpu.memory_space<hbm>>
        %dma_start3A_147 = tpu.memref_slice %arg4[%add3A_112] : memref<327680xi32, #tpu.memory_space<hbm>> -> memref<80xi32, #tpu.memory_space<hbm>>
        tpu.enqueue_dma source(%dma_start3A_147 : memref<80xi32, #tpu.memory_space<hbm>>) target(%arg11 : memref<80xi32, #tpu.memory_space<vmem>>) target_semaphore(%run_scoped3A : memref<!tpu.dma_semaphore, #tpu.memory_space<semaphore_mem>>)
        %dma_wait3A_148 = tpu.memref_slice %arg4[%add3A_112] : memref<327680xi32, #tpu.memory_space<hbm>> -> memref<80xi32, #tpu.memory_space<hbm>>
        %dma_wait3A_149 = tpu.memref_slice %arg4[%add3A_112] : memref<327680xi32, #tpu.memory_space<hbm>> -> memref<80xi32, #tpu.memory_space<hbm>>
        tpu.wait_dma2 semaphore(%run_scoped3A : memref<!tpu.dma_semaphore, #tpu.memory_space<semaphore_mem>>) src(%dma_wait3A_149 : memref<80xi32, #tpu.memory_space<hbm>>) dst(%arg11 : memref<80xi32, #tpu.memory_space<vmem>>)
        tpu.yield
      }) : () -> ()
      %dma_start3A_113 = arith.constant 0 : i32
      %dma_start3A_114 = arith.constant 0 : i32
      %dma_start3A_115 = tpu.memref_slice %arg2[%dma_start3A_113, %dma_start3A_114] : memref<10000x128xf32, #tpu.memory_space<hbm>> -> memref<10000x128xf32, #tpu.memory_space<hbm>>
      tpu.enqueue_indirect_dma source(%dma_start3A_115 : memref<10000x128xf32, #tpu.memory_space<hbm>>) target(%arg17 : memref<80x128xf32, #tpu.memory_space<vmem>>) offsets(%arg10 : memref<80xi32, #tpu.memory_space<vmem>>) semaphore(%arg21 : memref<!tpu.dma_semaphore, #tpu.memory_space<semaphore_mem>>)
      %mul3A_116 = arith.constant 4 : i32
      %mul3A_117 = arith.muli %mul3A_116, %while3A_85 : i32
      %add3A_118 = arith.constant 2 : i32
      %add3A_119 = arith.addi %mul3A_117, %add3A_118 : i32
      %dma_wait3A_120 = arith.constant 0 : i32
      %dma_wait3A_121 = arith.constant 0 : i32
      %dma_wait3A_122 = tpu.memref_slice %arg2[%dma_wait3A_120, %dma_wait3A_121] : memref<10000x128xf32, #tpu.memory_space<hbm>> -> memref<10000x128xf32, #tpu.memory_space<hbm>>
      tpu.wait_indirect_dma semaphore(%arg22 : memref<!tpu.dma_semaphore, #tpu.memory_space<semaphore_mem>>) src(%dma_wait3A_122 : memref<10000x128xf32, #tpu.memory_space<hbm>>) dst(%arg18 : memref<80x128xf32, #tpu.memory_space<vmem>>)
      "tpu.region"() ({
        %run_scoped3A = tpu.sem_alloc : memref<!tpu.dma_semaphore, #tpu.memory_space<semaphore_mem>>
        %dma_start3A_146 = arith.constant 0 : i32
        %dma_start3A_147 = arith.constant 0 : i32
        %dma_start3A_148 = tpu.memref_slice %arg7[%dma_start3A_146, %dma_start3A_147] : memref<10240x128xf32, #tpu.memory_space<vmem_shared>> -> memref<10240x128xf32, #tpu.memory_space<vmem_shared>>
        tpu.enqueue_indirect_dma source(%arg18 : memref<80x128xf32, #tpu.memory_space<vmem>>) target(%dma_start3A_148 : memref<10240x128xf32, #tpu.memory_space<vmem_shared>>) offsets(%arg13 : memref<80xi32, #tpu.memory_space<vmem>>) semaphore(%run_scoped3A : memref<!tpu.dma_semaphore, #tpu.memory_space<semaphore_mem>>) {add = true}
        %dma_wait3A_149 = arith.constant 0 : i32
        %dma_wait3A_150 = arith.constant 0 : i32
        %dma_wait3A_151 = tpu.memref_slice %arg7[%dma_wait3A_149, %dma_wait3A_150] : memref<10240x128xf32, #tpu.memory_space<vmem_shared>> -> memref<10240x128xf32, #tpu.memory_space<vmem_shared>>
        tpu.wait_indirect_dma semaphore(%run_scoped3A : memref<!tpu.dma_semaphore, #tpu.memory_space<semaphore_mem>>) src(%arg18 : memref<80x128xf32, #tpu.memory_space<vmem>>) dst(%dma_wait3A_151 : memref<10240x128xf32, #tpu.memory_space<vmem_shared>>)
        tpu.yield
      }) : () -> ()
      %add3A_123 = arith.constant 4 : i32
      %add3A_124 = arith.addi %add3A_119, %add3A_123 : i32
      %mul3A_125 = arith.constant 80 : i32
      %mul3A_126 = arith.muli %add3A_124, %mul3A_125 : i32
      %add3A_127 = arith.addi %mul3A_18, %mul3A_126 : i32
      "tpu.region"() ({
        %run_scoped3A = tpu.sem_alloc : memref<!tpu.dma_semaphore, #tpu.memory_space<semaphore_mem>>
        %dma_start3A_146 = tpu.memref_slice %arg3[%add3A_127] : memref<327680xi32, #tpu.memory_space<hbm>> -> memref<80xi32, #tpu.memory_space<hbm>>
        %dma_start3A_147 = tpu.memref_slice %arg3[%add3A_127] : memref<327680xi32, #tpu.memory_space<hbm>> -> memref<80xi32, #tpu.memory_space<hbm>>
        tpu.enqueue_dma source(%dma_start3A_147 : memref<80xi32, #tpu.memory_space<hbm>>) target(%arg12 : memref<80xi32, #tpu.memory_space<vmem>>) target_semaphore(%run_scoped3A : memref<!tpu.dma_semaphore, #tpu.memory_space<semaphore_mem>>)
        %dma_wait3A_148 = tpu.memref_slice %arg3[%add3A_127] : memref<327680xi32, #tpu.memory_space<hbm>> -> memref<80xi32, #tpu.memory_space<hbm>>
        %dma_wait3A_149 = tpu.memref_slice %arg3[%add3A_127] : memref<327680xi32, #tpu.memory_space<hbm>> -> memref<80xi32, #tpu.memory_space<hbm>>
        tpu.wait_dma2 semaphore(%run_scoped3A : memref<!tpu.dma_semaphore, #tpu.memory_space<semaphore_mem>>) src(%dma_wait3A_149 : memref<80xi32, #tpu.memory_space<hbm>>) dst(%arg12 : memref<80xi32, #tpu.memory_space<vmem>>)
        tpu.yield
      }) : () -> ()
      "tpu.region"() ({
        %run_scoped3A = tpu.sem_alloc : memref<!tpu.dma_semaphore, #tpu.memory_space<semaphore_mem>>
        %dma_start3A_146 = tpu.memref_slice %arg4[%add3A_127] : memref<327680xi32, #tpu.memory_space<hbm>> -> memref<80xi32, #tpu.memory_space<hbm>>
        %dma_start3A_147 = tpu.memref_slice %arg4[%add3A_127] : memref<327680xi32, #tpu.memory_space<hbm>> -> memref<80xi32, #tpu.memory_space<hbm>>
        tpu.enqueue_dma source(%dma_start3A_147 : memref<80xi32, #tpu.memory_space<hbm>>) target(%arg13 : memref<80xi32, #tpu.memory_space<vmem>>) target_semaphore(%run_scoped3A : memref<!tpu.dma_semaphore, #tpu.memory_space<semaphore_mem>>)
        %dma_wait3A_148 = tpu.memref_slice %arg4[%add3A_127] : memref<327680xi32, #tpu.memory_space<hbm>> -> memref<80xi32, #tpu.memory_space<hbm>>
        %dma_wait3A_149 = tpu.memref_slice %arg4[%add3A_127] : memref<327680xi32, #tpu.memory_space<hbm>> -> memref<80xi32, #tpu.memory_space<hbm>>
        tpu.wait_dma2 semaphore(%run_scoped3A : memref<!tpu.dma_semaphore, #tpu.memory_space<semaphore_mem>>) src(%dma_wait3A_149 : memref<80xi32, #tpu.memory_space<hbm>>) dst(%arg13 : memref<80xi32, #tpu.memory_space<vmem>>)
        tpu.yield
      }) : () -> ()
      %dma_start3A_128 = arith.constant 0 : i32
      %dma_start3A_129 = arith.constant 0 : i32
      %dma_start3A_130 = tpu.memref_slice %arg2[%dma_start3A_128, %dma_start3A_129] : memref<10000x128xf32, #tpu.memory_space<hbm>> -> memref<10000x128xf32, #tpu.memory_space<hbm>>
      tpu.enqueue_indirect_dma source(%dma_start3A_130 : memref<10000x128xf32, #tpu.memory_space<hbm>>) target(%arg18 : memref<80x128xf32, #tpu.memory_space<vmem>>) offsets(%arg12 : memref<80xi32, #tpu.memory_space<vmem>>) semaphore(%arg22 : memref<!tpu.dma_semaphore, #tpu.memory_space<semaphore_mem>>)
      %mul3A_131 = arith.constant 4 : i32
      %mul3A_132 = arith.muli %mul3A_131, %while3A_85 : i32
      %add3A_133 = arith.constant 3 : i32
      %add3A_134 = arith.addi %mul3A_132, %add3A_133 : i32
      %dma_wait3A_135 = arith.constant 0 : i32
      %dma_wait3A_136 = arith.constant 0 : i32
      %dma_wait3A_137 = tpu.memref_slice %arg2[%dma_wait3A_135, %dma_wait3A_136] : memref<10000x128xf32, #tpu.memory_space<hbm>> -> memref<10000x128xf32, #tpu.memory_space<hbm>>
      tpu.wait_indirect_dma semaphore(%arg23 : memref<!tpu.dma_semaphore, #tpu.memory_space<semaphore_mem>>) src(%dma_wait3A_137 : memref<10000x128xf32, #tpu.memory_space<hbm>>) dst(%arg19 : memref<80x128xf32, #tpu.memory_space<vmem>>)
      "tpu.region"() ({
        %run_scoped3A = tpu.sem_alloc : memref<!tpu.dma_semaphore, #tpu.memory_space<semaphore_mem>>
        %dma_start3A_146 = arith.constant 0 : i32
        %dma_start3A_147 = arith.constant 0 : i32
        %dma_start3A_148 = tpu.memref_slice %arg7[%dma_start3A_146, %dma_start3A_147] : memref<10240x128xf32, #tpu.memory_space<vmem_shared>> -> memref<10240x128xf32, #tpu.memory_space<vmem_shared>>
        tpu.enqueue_indirect_dma source(%arg19 : memref<80x128xf32, #tpu.memory_space<vmem>>) target(%dma_start3A_148 : memref<10240x128xf32, #tpu.memory_space<vmem_shared>>) offsets(%arg15 : memref<80xi32, #tpu.memory_space<vmem>>) semaphore(%run_scoped3A : memref<!tpu.dma_semaphore, #tpu.memory_space<semaphore_mem>>) {add = true}
        %dma_wait3A_149 = arith.constant 0 : i32
        %dma_wait3A_150 = arith.constant 0 : i32
        %dma_wait3A_151 = tpu.memref_slice %arg7[%dma_wait3A_149, %dma_wait3A_150] : memref<10240x128xf32, #tpu.memory_space<vmem_shared>> -> memref<10240x128xf32, #tpu.memory_space<vmem_shared>>
        tpu.wait_indirect_dma semaphore(%run_scoped3A : memref<!tpu.dma_semaphore, #tpu.memory_space<semaphore_mem>>) src(%arg19 : memref<80x128xf32, #tpu.memory_space<vmem>>) dst(%dma_wait3A_151 : memref<10240x128xf32, #tpu.memory_space<vmem_shared>>)
        tpu.yield
      }) : () -> ()
      %add3A_138 = arith.constant 4 : i32
      %add3A_139 = arith.addi %add3A_134, %add3A_138 : i32
      %mul3A_140 = arith.constant 80 : i32
      %mul3A_141 = arith.muli %add3A_139, %mul3A_140 : i32
      %add3A_142 = arith.addi %mul3A_18, %mul3A_141 : i32
      "tpu.region"() ({
        %run_scoped3A = tpu.sem_alloc : memref<!tpu.dma_semaphore, #tpu.memory_space<semaphore_mem>>
        %dma_start3A_146 = tpu.memref_slice %arg3[%add3A_142] : memref<327680xi32, #tpu.memory_space<hbm>> -> memref<80xi32, #tpu.memory_space<hbm>>
        %dma_start3A_147 = tpu.memref_slice %arg3[%add3A_142] : memref<327680xi32, #tpu.memory_space<hbm>> -> memref<80xi32, #tpu.memory_space<hbm>>
        tpu.enqueue_dma source(%dma_start3A_147 : memref<80xi32, #tpu.memory_space<hbm>>) target(%arg14 : memref<80xi32, #tpu.memory_space<vmem>>) target_semaphore(%run_scoped3A : memref<!tpu.dma_semaphore, #tpu.memory_space<semaphore_mem>>)
        %dma_wait3A_148 = tpu.memref_slice %arg3[%add3A_142] : memref<327680xi32, #tpu.memory_space<hbm>> -> memref<80xi32, #tpu.memory_space<hbm>>
        %dma_wait3A_149 = tpu.memref_slice %arg3[%add3A_142] : memref<327680xi32, #tpu.memory_space<hbm>> -> memref<80xi32, #tpu.memory_space<hbm>>
        tpu.wait_dma2 semaphore(%run_scoped3A : memref<!tpu.dma_semaphore, #tpu.memory_space<semaphore_mem>>) src(%dma_wait3A_149 : memref<80xi32, #tpu.memory_space<hbm>>) dst(%arg14 : memref<80xi32, #tpu.memory_space<vmem>>)
        tpu.yield
      }) : () -> ()
      "tpu.region"() ({
        %run_scoped3A = tpu.sem_alloc : memref<!tpu.dma_semaphore, #tpu.memory_space<semaphore_mem>>
        %dma_start3A_146 = tpu.memref_slice %arg4[%add3A_142] : memref<327680xi32, #tpu.memory_space<hbm>> -> memref<80xi32, #tpu.memory_space<hbm>>
        %dma_start3A_147 = tpu.memref_slice %arg4[%add3A_142] : memref<327680xi32, #tpu.memory_space<hbm>> -> memref<80xi32, #tpu.memory_space<hbm>>
        tpu.enqueue_dma source(%dma_start3A_147 : memref<80xi32, #tpu.memory_space<hbm>>) target(%arg15 : memref<80xi32, #tpu.memory_space<vmem>>) target_semaphore(%run_scoped3A : memref<!tpu.dma_semaphore, #tpu.memory_space<semaphore_mem>>)
        %dma_wait3A_148 = tpu.memref_slice %arg4[%add3A_142] : memref<327680xi32, #tpu.memory_space<hbm>> -> memref<80xi32, #tpu.memory_space<hbm>>
        %dma_wait3A_149 = tpu.memref_slice %arg4[%add3A_142] : memref<327680xi32, #tpu.memory_space<hbm>> -> memref<80xi32, #tpu.memory_space<hbm>>
        tpu.wait_dma2 semaphore(%run_scoped3A : memref<!tpu.dma_semaphore, #tpu.memory_space<semaphore_mem>>) src(%dma_wait3A_149 : memref<80xi32, #tpu.memory_space<hbm>>) dst(%arg15 : memref<80xi32, #tpu.memory_space<vmem>>)
        tpu.yield
      }) : () -> ()
      %dma_start3A_143 = arith.constant 0 : i32
      %dma_start3A_144 = arith.constant 0 : i32
      %dma_start3A_145 = tpu.memref_slice %arg2[%dma_start3A_143, %dma_start3A_144] : memref<10000x128xf32, #tpu.memory_space<hbm>> -> memref<10000x128xf32, #tpu.memory_space<hbm>>
      tpu.enqueue_indirect_dma source(%dma_start3A_145 : memref<10000x128xf32, #tpu.memory_space<hbm>>) target(%arg19 : memref<80x128xf32, #tpu.memory_space<vmem>>) offsets(%arg14 : memref<80xi32, #tpu.memory_space<vmem>>) semaphore(%arg23 : memref<!tpu.dma_semaphore, #tpu.memory_space<semaphore_mem>>)
    }
    %while3A_66 = arith.constant 1 : i32
    scf.for %while3A_85 = %while3A_64 to %while3A_60 step %while3A_66  : i32 {
      %mul3A_86 = arith.constant 4 : i32
      %mul3A_87 = arith.muli %mul3A_86, %while3A_85 : i32
      %add3A_88 = arith.constant 0 : i32
      %add3A_89 = arith.addi %mul3A_87, %add3A_88 : i32
      %dma_wait3A_90 = arith.constant 0 : i32
      %dma_wait3A_91 = arith.constant 0 : i32
      %dma_wait3A_92 = tpu.memref_slice %arg2[%dma_wait3A_90, %dma_wait3A_91] : memref<10000x128xf32, #tpu.memory_space<hbm>> -> memref<10000x128xf32, #tpu.memory_space<hbm>>
      tpu.wait_indirect_dma semaphore(%arg20 : memref<!tpu.dma_semaphore, #tpu.memory_space<semaphore_mem>>) src(%dma_wait3A_92 : memref<10000x128xf32, #tpu.memory_space<hbm>>) dst(%arg16 : memref<80x128xf32, #tpu.memory_space<vmem>>)
      "tpu.region"() ({
        %run_scoped3A = tpu.sem_alloc : memref<!tpu.dma_semaphore, #tpu.memory_space<semaphore_mem>>
        %dma_start3A_146 = arith.constant 0 : i32
        %dma_start3A_147 = arith.constant 0 : i32
        %dma_start3A_148 = tpu.memref_slice %arg7[%dma_start3A_146, %dma_start3A_147] : memref<10240x128xf32, #tpu.memory_space<vmem_shared>> -> memref<10240x128xf32, #tpu.memory_space<vmem_shared>>
        tpu.enqueue_indirect_dma source(%arg16 : memref<80x128xf32, #tpu.memory_space<vmem>>) target(%dma_start3A_148 : memref<10240x128xf32, #tpu.memory_space<vmem_shared>>) offsets(%arg9 : memref<80xi32, #tpu.memory_space<vmem>>) semaphore(%run_scoped3A : memref<!tpu.dma_semaphore, #tpu.memory_space<semaphore_mem>>) {add = true}
        %dma_wait3A_149 = arith.constant 0 : i32
        %dma_wait3A_150 = arith.constant 0 : i32
        %dma_wait3A_151 = tpu.memref_slice %arg7[%dma_wait3A_149, %dma_wait3A_150] : memref<10240x128xf32, #tpu.memory_space<vmem_shared>> -> memref<10240x128xf32, #tpu.memory_space<vmem_shared>>
        tpu.wait_indirect_dma semaphore(%run_scoped3A : memref<!tpu.dma_semaphore, #tpu.memory_space<semaphore_mem>>) src(%arg16 : memref<80x128xf32, #tpu.memory_space<vmem>>) dst(%dma_wait3A_151 : memref<10240x128xf32, #tpu.memory_space<vmem_shared>>)
        tpu.yield
      }) : () -> ()
      %add3A_93 = arith.constant 4 : i32
      %add3A_94 = arith.addi %add3A_89, %add3A_93 : i32
      %mul3A_95 = arith.constant 80 : i32
      %mul3A_96 = arith.muli %add3A_94, %mul3A_95 : i32
      %add3A_97 = arith.addi %mul3A_18, %mul3A_96 : i32
      "tpu.region"() ({
        %run_scoped3A = tpu.sem_alloc : memref<!tpu.dma_semaphore, #tpu.memory_space<semaphore_mem>>
        %dma_start3A_146 = tpu.memref_slice %arg3[%add3A_97] : memref<327680xi32, #tpu.memory_space<hbm>> -> memref<80xi32, #tpu.memory_space<hbm>>
        %dma_start3A_147 = tpu.memref_slice %arg3[%add3A_97] : memref<327680xi32, #tpu.memory_space<hbm>> -> memref<80xi32, #tpu.memory_space<hbm>>
        tpu.enqueue_dma source(%dma_start3A_147 : memref<80xi32, #tpu.memory_space<hbm>>) target(%arg8 : memref<80xi32, #tpu.memory_space<vmem>>) target_semaphore(%run_scoped3A : memref<!tpu.dma_semaphore, #tpu.memory_space<semaphore_mem>>)
        %dma_wait3A_148 = tpu.memref_slice %arg3[%add3A_97] : memref<327680xi32, #tpu.memory_space<hbm>> -> memref<80xi32, #tpu.memory_space<hbm>>
        %dma_wait3A_149 = tpu.memref_slice %arg3[%add3A_97] : memref<327680xi32, #tpu.memory_space<hbm>> -> memref<80xi32, #tpu.memory_space<hbm>>
        tpu.wait_dma2 semaphore(%run_scoped3A : memref<!tpu.dma_semaphore, #tpu.memory_space<semaphore_mem>>) src(%dma_wait3A_149 : memref<80xi32, #tpu.memory_space<hbm>>) dst(%arg8 : memref<80xi32, #tpu.memory_space<vmem>>)
        tpu.yield
      }) : () -> ()
      "tpu.region"() ({
        %run_scoped3A = tpu.sem_alloc : memref<!tpu.dma_semaphore, #tpu.memory_space<semaphore_mem>>
        %dma_start3A_146 = tpu.memref_slice %arg4[%add3A_97] : memref<327680xi32, #tpu.memory_space<hbm>> -> memref<80xi32, #tpu.memory_space<hbm>>
        %dma_start3A_147 = tpu.memref_slice %arg4[%add3A_97] : memref<327680xi32, #tpu.memory_space<hbm>> -> memref<80xi32, #tpu.memory_space<hbm>>
        tpu.enqueue_dma source(%dma_start3A_147 : memref<80xi32, #tpu.memory_space<hbm>>) target(%arg9 : memref<80xi32, #tpu.memory_space<vmem>>) target_semaphore(%run_scoped3A : memref<!tpu.dma_semaphore, #tpu.memory_space<semaphore_mem>>)
        %dma_wait3A_148 = tpu.memref_slice %arg4[%add3A_97] : memref<327680xi32, #tpu.memory_space<hbm>> -> memref<80xi32, #tpu.memory_space<hbm>>
        %dma_wait3A_149 = tpu.memref_slice %arg4[%add3A_97] : memref<327680xi32, #tpu.memory_space<hbm>> -> memref<80xi32, #tpu.memory_space<hbm>>
        tpu.wait_dma2 semaphore(%run_scoped3A : memref<!tpu.dma_semaphore, #tpu.memory_space<semaphore_mem>>) src(%dma_wait3A_149 : memref<80xi32, #tpu.memory_space<hbm>>) dst(%arg9 : memref<80xi32, #tpu.memory_space<vmem>>)
        tpu.yield
      }) : () -> ()
      %dma_start3A_98 = arith.constant 0 : i32
      %dma_start3A_99 = arith.constant 0 : i32
      %dma_start3A_100 = tpu.memref_slice %arg2[%dma_start3A_98, %dma_start3A_99] : memref<10000x128xf32, #tpu.memory_space<hbm>> -> memref<10000x128xf32, #tpu.memory_space<hbm>>
      tpu.enqueue_indirect_dma source(%dma_start3A_100 : memref<10000x128xf32, #tpu.memory_space<hbm>>) target(%arg16 : memref<80x128xf32, #tpu.memory_space<vmem>>) offsets(%arg8 : memref<80xi32, #tpu.memory_space<vmem>>) semaphore(%arg20 : memref<!tpu.dma_semaphore, #tpu.memory_space<semaphore_mem>>)
      %mul3A_101 = arith.constant 4 : i32
      %mul3A_102 = arith.muli %mul3A_101, %while3A_85 : i32
      %add3A_103 = arith.constant 1 : i32
      %add3A_104 = arith.addi %mul3A_102, %add3A_103 : i32
      %dma_wait3A_105 = arith.constant 0 : i32
      %dma_wait3A_106 = arith.constant 0 : i32
      %dma_wait3A_107 = tpu.memref_slice %arg2[%dma_wait3A_105, %dma_wait3A_106] : memref<10000x128xf32, #tpu.memory_space<hbm>> -> memref<10000x128xf32, #tpu.memory_space<hbm>>
      tpu.wait_indirect_dma semaphore(%arg21 : memref<!tpu.dma_semaphore, #tpu.memory_space<semaphore_mem>>) src(%dma_wait3A_107 : memref<10000x128xf32, #tpu.memory_space<hbm>>) dst(%arg17 : memref<80x128xf32, #tpu.memory_space<vmem>>)
      "tpu.region"() ({
        %run_scoped3A = tpu.sem_alloc : memref<!tpu.dma_semaphore, #tpu.memory_space<semaphore_mem>>
        %dma_start3A_146 = arith.constant 0 : i32
        %dma_start3A_147 = arith.constant 0 : i32
        %dma_start3A_148 = tpu.memref_slice %arg7[%dma_start3A_146, %dma_start3A_147] : memref<10240x128xf32, #tpu.memory_space<vmem_shared>> -> memref<10240x128xf32, #tpu.memory_space<vmem_shared>>
        tpu.enqueue_indirect_dma source(%arg17 : memref<80x128xf32, #tpu.memory_space<vmem>>) target(%dma_start3A_148 : memref<10240x128xf32, #tpu.memory_space<vmem_shared>>) offsets(%arg11 : memref<80xi32, #tpu.memory_space<vmem>>) semaphore(%run_scoped3A : memref<!tpu.dma_semaphore, #tpu.memory_space<semaphore_mem>>) {add = true}
        %dma_wait3A_149 = arith.constant 0 : i32
        %dma_wait3A_150 = arith.constant 0 : i32
        %dma_wait3A_151 = tpu.memref_slice %arg7[%dma_wait3A_149, %dma_wait3A_150] : memref<10240x128xf32, #tpu.memory_space<vmem_shared>> -> memref<10240x128xf32, #tpu.memory_space<vmem_shared>>
        tpu.wait_indirect_dma semaphore(%run_scoped3A : memref<!tpu.dma_semaphore, #tpu.memory_space<semaphore_mem>>) src(%arg17 : memref<80x128xf32, #tpu.memory_space<vmem>>) dst(%dma_wait3A_151 : memref<10240x128xf32, #tpu.memory_space<vmem_shared>>)
        tpu.yield
      }) : () -> ()
      %add3A_108 = arith.constant 4 : i32
      %add3A_109 = arith.addi %add3A_104, %add3A_108 : i32
      %mul3A_110 = arith.constant 80 : i32
      %mul3A_111 = arith.muli %add3A_109, %mul3A_110 : i32
      %add3A_112 = arith.addi %mul3A_18, %mul3A_111 : i32
      "tpu.region"() ({
        %run_scoped3A = tpu.sem_alloc : memref<!tpu.dma_semaphore, #tpu.memory_space<semaphore_mem>>
        %dma_start3A_146 = tpu.memref_slice %arg3[%add3A_112] : memref<327680xi32, #tpu.memory_space<hbm>> -> memref<80xi32, #tpu.memory_space<hbm>>
        %dma_start3A_147 = tpu.memref_slice %arg3[%add3A_112] : memref<327680xi32, #tpu.memory_space<hbm>> -> memref<80xi32, #tpu.memory_space<hbm>>
        tpu.enqueue_dma source(%dma_start3A_147 : memref<80xi32, #tpu.memory_space<hbm>>) target(%arg10 : memref<80xi32, #tpu.memory_space<vmem>>) target_semaphore(%run_scoped3A : memref<!tpu.dma_semaphore, #tpu.memory_space<semaphore_mem>>)
        %dma_wait3A_148 = tpu.memref_slice %arg3[%add3A_112] : memref<327680xi32, #tpu.memory_space<hbm>> -> memref<80xi32, #tpu.memory_space<hbm>>
        %dma_wait3A_149 = tpu.memref_slice %arg3[%add3A_112] : memref<327680xi32, #tpu.memory_space<hbm>> -> memref<80xi32, #tpu.memory_space<hbm>>
        tpu.wait_dma2 semaphore(%run_scoped3A : memref<!tpu.dma_semaphore, #tpu.memory_space<semaphore_mem>>) src(%dma_wait3A_149 : memref<80xi32, #tpu.memory_space<hbm>>) dst(%arg10 : memref<80xi32, #tpu.memory_space<vmem>>)
        tpu.yield
      }) : () -> ()
      "tpu.region"() ({
        %run_scoped3A = tpu.sem_alloc : memref<!tpu.dma_semaphore, #tpu.memory_space<semaphore_mem>>
        %dma_start3A_146 = tpu.memref_slice %arg4[%add3A_112] : memref<327680xi32, #tpu.memory_space<hbm>> -> memref<80xi32, #tpu.memory_space<hbm>>
        %dma_start3A_147 = tpu.memref_slice %arg4[%add3A_112] : memref<327680xi32, #tpu.memory_space<hbm>> -> memref<80xi32, #tpu.memory_space<hbm>>
        tpu.enqueue_dma source(%dma_start3A_147 : memref<80xi32, #tpu.memory_space<hbm>>) target(%arg11 : memref<80xi32, #tpu.memory_space<vmem>>) target_semaphore(%run_scoped3A : memref<!tpu.dma_semaphore, #tpu.memory_space<semaphore_mem>>)
        %dma_wait3A_148 = tpu.memref_slice %arg4[%add3A_112] : memref<327680xi32, #tpu.memory_space<hbm>> -> memref<80xi32, #tpu.memory_space<hbm>>
        %dma_wait3A_149 = tpu.memref_slice %arg4[%add3A_112] : memref<327680xi32, #tpu.memory_space<hbm>> -> memref<80xi32, #tpu.memory_space<hbm>>
        tpu.wait_dma2 semaphore(%run_scoped3A : memref<!tpu.dma_semaphore, #tpu.memory_space<semaphore_mem>>) src(%dma_wait3A_149 : memref<80xi32, #tpu.memory_space<hbm>>) dst(%arg11 : memref<80xi32, #tpu.memory_space<vmem>>)
        tpu.yield
      }) : () -> ()
      %dma_start3A_113 = arith.constant 0 : i32
      %dma_start3A_114 = arith.constant 0 : i32
      %dma_start3A_115 = tpu.memref_slice %arg2[%dma_start3A_113, %dma_start3A_114] : memref<10000x128xf32, #tpu.memory_space<hbm>> -> memref<10000x128xf32, #tpu.memory_space<hbm>>
      tpu.enqueue_indirect_dma source(%dma_start3A_115 : memref<10000x128xf32, #tpu.memory_space<hbm>>) target(%arg17 : memref<80x128xf32, #tpu.memory_space<vmem>>) offsets(%arg10 : memref<80xi32, #tpu.memory_space<vmem>>) semaphore(%arg21 : memref<!tpu.dma_semaphore, #tpu.memory_space<semaphore_mem>>)
      %mul3A_116 = arith.constant 4 : i32
      %mul3A_117 = arith.muli %mul3A_116, %while3A_85 : i32
      %add3A_118 = arith.constant 2 : i32
      %add3A_119 = arith.addi %mul3A_117, %add3A_118 : i32
      %dma_wait3A_120 = arith.constant 0 : i32
      %dma_wait3A_121 = arith.constant 0 : i32
      %dma_wait3A_122 = tpu.memref_slice %arg2[%dma_wait3A_120, %dma_wait3A_121] : memref<10000x128xf32, #tpu.memory_space<hbm>> -> memref<10000x128xf32, #tpu.memory_space<hbm>>
      tpu.wait_indirect_dma semaphore(%arg22 : memref<!tpu.dma_semaphore, #tpu.memory_space<semaphore_mem>>) src(%dma_wait3A_122 : memref<10000x128xf32, #tpu.memory_space<hbm>>) dst(%arg18 : memref<80x128xf32, #tpu.memory_space<vmem>>)
      "tpu.region"() ({
        %run_scoped3A = tpu.sem_alloc : memref<!tpu.dma_semaphore, #tpu.memory_space<semaphore_mem>>
        %dma_start3A_146 = arith.constant 0 : i32
        %dma_start3A_147 = arith.constant 0 : i32
        %dma_start3A_148 = tpu.memref_slice %arg7[%dma_start3A_146, %dma_start3A_147] : memref<10240x128xf32, #tpu.memory_space<vmem_shared>> -> memref<10240x128xf32, #tpu.memory_space<vmem_shared>>
        tpu.enqueue_indirect_dma source(%arg18 : memref<80x128xf32, #tpu.memory_space<vmem>>) target(%dma_start3A_148 : memref<10240x128xf32, #tpu.memory_space<vmem_shared>>) offsets(%arg13 : memref<80xi32, #tpu.memory_space<vmem>>) semaphore(%run_scoped3A : memref<!tpu.dma_semaphore, #tpu.memory_space<semaphore_mem>>) {add = true}
        %dma_wait3A_149 = arith.constant 0 : i32
        %dma_wait3A_150 = arith.constant 0 : i32
        %dma_wait3A_151 = tpu.memref_slice %arg7[%dma_wait3A_149, %dma_wait3A_150] : memref<10240x128xf32, #tpu.memory_space<vmem_shared>> -> memref<10240x128xf32, #tpu.memory_space<vmem_shared>>
        tpu.wait_indirect_dma semaphore(%run_scoped3A : memref<!tpu.dma_semaphore, #tpu.memory_space<semaphore_mem>>) src(%arg18 : memref<80x128xf32, #tpu.memory_space<vmem>>) dst(%dma_wait3A_151 : memref<10240x128xf32, #tpu.memory_space<vmem_shared>>)
        tpu.yield
      }) : () -> ()
      %add3A_123 = arith.constant 4 : i32
      %add3A_124 = arith.addi %add3A_119, %add3A_123 : i32
      %mul3A_125 = arith.constant 80 : i32
      %mul3A_126 = arith.muli %add3A_124, %mul3A_125 : i32
      %add3A_127 = arith.addi %mul3A_18, %mul3A_126 : i32
      "tpu.region"() ({
        %run_scoped3A = tpu.sem_alloc : memref<!tpu.dma_semaphore, #tpu.memory_space<semaphore_mem>>
        %dma_start3A_146 = tpu.memref_slice %arg3[%add3A_127] : memref<327680xi32, #tpu.memory_space<hbm>> -> memref<80xi32, #tpu.memory_space<hbm>>
        %dma_start3A_147 = tpu.memref_slice %arg3[%add3A_127] : memref<327680xi32, #tpu.memory_space<hbm>> -> memref<80xi32, #tpu.memory_space<hbm>>
        tpu.enqueue_dma source(%dma_start3A_147 : memref<80xi32, #tpu.memory_space<hbm>>) target(%arg12 : memref<80xi32, #tpu.memory_space<vmem>>) target_semaphore(%run_scoped3A : memref<!tpu.dma_semaphore, #tpu.memory_space<semaphore_mem>>)
        %dma_wait3A_148 = tpu.memref_slice %arg3[%add3A_127] : memref<327680xi32, #tpu.memory_space<hbm>> -> memref<80xi32, #tpu.memory_space<hbm>>
        %dma_wait3A_149 = tpu.memref_slice %arg3[%add3A_127] : memref<327680xi32, #tpu.memory_space<hbm>> -> memref<80xi32, #tpu.memory_space<hbm>>
        tpu.wait_dma2 semaphore(%run_scoped3A : memref<!tpu.dma_semaphore, #tpu.memory_space<semaphore_mem>>) src(%dma_wait3A_149 : memref<80xi32, #tpu.memory_space<hbm>>) dst(%arg12 : memref<80xi32, #tpu.memory_space<vmem>>)
        tpu.yield
      }) : () -> ()
      "tpu.region"() ({
        %run_scoped3A = tpu.sem_alloc : memref<!tpu.dma_semaphore, #tpu.memory_space<semaphore_mem>>
        %dma_start3A_146 = tpu.memref_slice %arg4[%add3A_127] : memref<327680xi32, #tpu.memory_space<hbm>> -> memref<80xi32, #tpu.memory_space<hbm>>
        %dma_start3A_147 = tpu.memref_slice %arg4[%add3A_127] : memref<327680xi32, #tpu.memory_space<hbm>> -> memref<80xi32, #tpu.memory_space<hbm>>
        tpu.enqueue_dma source(%dma_start3A_147 : memref<80xi32, #tpu.memory_space<hbm>>) target(%arg13 : memref<80xi32, #tpu.memory_space<vmem>>) target_semaphore(%run_scoped3A : memref<!tpu.dma_semaphore, #tpu.memory_space<semaphore_mem>>)
        %dma_wait3A_148 = tpu.memref_slice %arg4[%add3A_127] : memref<327680xi32, #tpu.memory_space<hbm>> -> memref<80xi32, #tpu.memory_space<hbm>>
        %dma_wait3A_149 = tpu.memref_slice %arg4[%add3A_127] : memref<327680xi32, #tpu.memory_space<hbm>> -> memref<80xi32, #tpu.memory_space<hbm>>
        tpu.wait_dma2 semaphore(%run_scoped3A : memref<!tpu.dma_semaphore, #tpu.memory_space<semaphore_mem>>) src(%dma_wait3A_149 : memref<80xi32, #tpu.memory_space<hbm>>) dst(%arg13 : memref<80xi32, #tpu.memory_space<vmem>>)
        tpu.yield
      }) : () -> ()
      %dma_start3A_128 = arith.constant 0 : i32
      %dma_start3A_129 = arith.constant 0 : i32
      %dma_start3A_130 = tpu.memref_slice %arg2[%dma_start3A_128, %dma_start3A_129] : memref<10000x128xf32, #tpu.memory_space<hbm>> -> memref<10000x128xf32, #tpu.memory_space<hbm>>
      tpu.enqueue_indirect_dma source(%dma_start3A_130 : memref<10000x128xf32, #tpu.memory_space<hbm>>) target(%arg18 : memref<80x128xf32, #tpu.memory_space<vmem>>) offsets(%arg12 : memref<80xi32, #tpu.memory_space<vmem>>) semaphore(%arg22 : memref<!tpu.dma_semaphore, #tpu.memory_space<semaphore_mem>>)
      %mul3A_131 = arith.constant 4 : i32
      %mul3A_132 = arith.muli %mul3A_131, %while3A_85 : i32
      %add3A_133 = arith.constant 3 : i32
      %add3A_134 = arith.addi %mul3A_132, %add3A_133 : i32
      %dma_wait3A_135 = arith.constant 0 : i32
      %dma_wait3A_136 = arith.constant 0 : i32
      %dma_wait3A_137 = tpu.memref_slice %arg2[%dma_wait3A_135, %dma_wait3A_136] : memref<10000x128xf32, #tpu.memory_space<hbm>> -> memref<10000x128xf32, #tpu.memory_space<hbm>>
      tpu.wait_indirect_dma semaphore(%arg23 : memref<!tpu.dma_semaphore, #tpu.memory_space<semaphore_mem>>) src(%dma_wait3A_137 : memref<10000x128xf32, #tpu.memory_space<hbm>>) dst(%arg19 : memref<80x128xf32, #tpu.memory_space<vmem>>)
      "tpu.region"() ({
        %run_scoped3A = tpu.sem_alloc : memref<!tpu.dma_semaphore, #tpu.memory_space<semaphore_mem>>
        %dma_start3A_146 = arith.constant 0 : i32
        %dma_start3A_147 = arith.constant 0 : i32
        %dma_start3A_148 = tpu.memref_slice %arg7[%dma_start3A_146, %dma_start3A_147] : memref<10240x128xf32, #tpu.memory_space<vmem_shared>> -> memref<10240x128xf32, #tpu.memory_space<vmem_shared>>
        tpu.enqueue_indirect_dma source(%arg19 : memref<80x128xf32, #tpu.memory_space<vmem>>) target(%dma_start3A_148 : memref<10240x128xf32, #tpu.memory_space<vmem_shared>>) offsets(%arg15 : memref<80xi32, #tpu.memory_space<vmem>>) semaphore(%run_scoped3A : memref<!tpu.dma_semaphore, #tpu.memory_space<semaphore_mem>>) {add = true}
        %dma_wait3A_149 = arith.constant 0 : i32
        %dma_wait3A_150 = arith.constant 0 : i32
        %dma_wait3A_151 = tpu.memref_slice %arg7[%dma_wait3A_149, %dma_wait3A_150] : memref<10240x128xf32, #tpu.memory_space<vmem_shared>> -> memref<10240x128xf32, #tpu.memory_space<vmem_shared>>
        tpu.wait_indirect_dma semaphore(%run_scoped3A : memref<!tpu.dma_semaphore, #tpu.memory_space<semaphore_mem>>) src(%arg19 : memref<80x128xf32, #tpu.memory_space<vmem>>) dst(%dma_wait3A_151 : memref<10240x128xf32, #tpu.memory_space<vmem_shared>>)
        tpu.yield
      }) : () -> ()
      %add3A_138 = arith.constant 4 : i32
      %add3A_139 = arith.addi %add3A_134, %add3A_138 : i32
      %mul3A_140 = arith.constant 80 : i32
      %mul3A_141 = arith.muli %add3A_139, %mul3A_140 : i32
      %add3A_142 = arith.addi %mul3A_18, %mul3A_141 : i32
      "tpu.region"() ({
        %run_scoped3A = tpu.sem_alloc : memref<!tpu.dma_semaphore, #tpu.memory_space<semaphore_mem>>
        %dma_start3A_146 = tpu.memref_slice %arg3[%add3A_142] : memref<327680xi32, #tpu.memory_space<hbm>> -> memref<80xi32, #tpu.memory_space<hbm>>
        %dma_start3A_147 = tpu.memref_slice %arg3[%add3A_142] : memref<327680xi32, #tpu.memory_space<hbm>> -> memref<80xi32, #tpu.memory_space<hbm>>
        tpu.enqueue_dma source(%dma_start3A_147 : memref<80xi32, #tpu.memory_space<hbm>>) target(%arg14 : memref<80xi32, #tpu.memory_space<vmem>>) target_semaphore(%run_scoped3A : memref<!tpu.dma_semaphore, #tpu.memory_space<semaphore_mem>>)
        %dma_wait3A_148 = tpu.memref_slice %arg3[%add3A_142] : memref<327680xi32, #tpu.memory_space<hbm>> -> memref<80xi32, #tpu.memory_space<hbm>>
        %dma_wait3A_149 = tpu.memref_slice %arg3[%add3A_142] : memref<327680xi32, #tpu.memory_space<hbm>> -> memref<80xi32, #tpu.memory_space<hbm>>
        tpu.wait_dma2 semaphore(%run_scoped3A : memref<!tpu.dma_semaphore, #tpu.memory_space<semaphore_mem>>) src(%dma_wait3A_149 : memref<80xi32, #tpu.memory_space<hbm>>) dst(%arg14 : memref<80xi32, #tpu.memory_space<vmem>>)
        tpu.yield
      }) : () -> ()
      "tpu.region"() ({
        %run_scoped3A = tpu.sem_alloc : memref<!tpu.dma_semaphore, #tpu.memory_space<semaphore_mem>>
        %dma_start3A_146 = tpu.memref_slice %arg4[%add3A_142] : memref<327680xi32, #tpu.memory_space<hbm>> -> memref<80xi32, #tpu.memory_space<hbm>>
        %dma_start3A_147 = tpu.memref_slice %arg4[%add3A_142] : memref<327680xi32, #tpu.memory_space<hbm>> -> memref<80xi32, #tpu.memory_space<hbm>>
        tpu.enqueue_dma source(%dma_start3A_147 : memref<80xi32, #tpu.memory_space<hbm>>) target(%arg15 : memref<80xi32, #tpu.memory_space<vmem>>) target_semaphore(%run_scoped3A : memref<!tpu.dma_semaphore, #tpu.memory_space<semaphore_mem>>)
        %dma_wait3A_148 = tpu.memref_slice %arg4[%add3A_142] : memref<327680xi32, #tpu.memory_space<hbm>> -> memref<80xi32, #tpu.memory_space<hbm>>
        %dma_wait3A_149 = tpu.memref_slice %arg4[%add3A_142] : memref<327680xi32, #tpu.memory_space<hbm>> -> memref<80xi32, #tpu.memory_space<hbm>>
        tpu.wait_dma2 semaphore(%run_scoped3A : memref<!tpu.dma_semaphore, #tpu.memory_space<semaphore_mem>>) src(%dma_wait3A_149 : memref<80xi32, #tpu.memory_space<hbm>>) dst(%arg15 : memref<80xi32, #tpu.memory_space<vmem>>)
        tpu.yield
      }) : () -> ()
      %dma_start3A_143 = arith.constant 0 : i32
      %dma_start3A_144 = arith.constant 0 : i32
      %dma_start3A_145 = tpu.memref_slice %arg2[%dma_start3A_143, %dma_start3A_144] : memref<10000x128xf32, #tpu.memory_space<hbm>> -> memref<10000x128xf32, #tpu.memory_space<hbm>>
      tpu.enqueue_indirect_dma source(%dma_start3A_145 : memref<10000x128xf32, #tpu.memory_space<hbm>>) target(%arg19 : memref<80x128xf32, #tpu.memory_space<vmem>>) offsets(%arg14 : memref<80xi32, #tpu.memory_space<vmem>>) semaphore(%arg23 : memref<!tpu.dma_semaphore, #tpu.memory_space<semaphore_mem>>)
    }
    %dma_wait3A = arith.constant 0 : i32
    %dma_wait3A_67 = arith.constant 0 : i32
    %dma_wait3A_68 = tpu.memref_slice %arg2[%dma_wait3A, %dma_wait3A_67] : memref<10000x128xf32, #tpu.memory_space<hbm>> -> memref<10000x128xf32, #tpu.memory_space<hbm>>
    tpu.wait_indirect_dma semaphore(%arg20 : memref<!tpu.dma_semaphore, #tpu.memory_space<semaphore_mem>>) src(%dma_wait3A_68 : memref<10000x128xf32, #tpu.memory_space<hbm>>) dst(%arg16 : memref<80x128xf32, #tpu.memory_space<vmem>>)
    "tpu.region"() ({
      %run_scoped3A = tpu.sem_alloc : memref<!tpu.dma_semaphore, #tpu.memory_space<semaphore_mem>>
      %dma_start3A_85 = arith.constant 0 : i32
      %dma_start3A_86 = arith.constant 0 : i32
      %dma_start3A_87 = tpu.memref_slice %arg7[%dma_start3A_85, %dma_start3A_86] : memref<10240x128xf32, #tpu.memory_space<vmem_shared>> -> memref<10240x128xf32, #tpu.memory_space<vmem_shared>>
      tpu.enqueue_indirect_dma source(%arg16 : memref<80x128xf32, #tpu.memory_space<vmem>>) target(%dma_start3A_87 : memref<10240x128xf32, #tpu.memory_space<vmem_shared>>) offsets(%arg9 : memref<80xi32, #tpu.memory_space<vmem>>) semaphore(%run_scoped3A : memref<!tpu.dma_semaphore, #tpu.memory_space<semaphore_mem>>) {add = true}
      %dma_wait3A_88 = arith.constant 0 : i32
      %dma_wait3A_89 = arith.constant 0 : i32
      %dma_wait3A_90 = tpu.memref_slice %arg7[%dma_wait3A_88, %dma_wait3A_89] : memref<10240x128xf32, #tpu.memory_space<vmem_shared>> -> memref<10240x128xf32, #tpu.memory_space<vmem_shared>>
      tpu.wait_indirect_dma semaphore(%run_scoped3A : memref<!tpu.dma_semaphore, #tpu.memory_space<semaphore_mem>>) src(%arg16 : memref<80x128xf32, #tpu.memory_space<vmem>>) dst(%dma_wait3A_90 : memref<10240x128xf32, #tpu.memory_space<vmem_shared>>)
      tpu.yield
    }) : () -> ()
    %dma_wait3A_69 = arith.constant 0 : i32
    %dma_wait3A_70 = arith.constant 0 : i32
    %dma_wait3A_71 = tpu.memref_slice %arg2[%dma_wait3A_69, %dma_wait3A_70] : memref<10000x128xf32, #tpu.memory_space<hbm>> -> memref<10000x128xf32, #tpu.memory_space<hbm>>
    tpu.wait_indirect_dma semaphore(%arg21 : memref<!tpu.dma_semaphore, #tpu.memory_space<semaphore_mem>>) src(%dma_wait3A_71 : memref<10000x128xf32, #tpu.memory_space<hbm>>) dst(%arg17 : memref<80x128xf32, #tpu.memory_space<vmem>>)
    "tpu.region"() ({
      %run_scoped3A = tpu.sem_alloc : memref<!tpu.dma_semaphore, #tpu.memory_space<semaphore_mem>>
      %dma_start3A_85 = arith.constant 0 : i32
      %dma_start3A_86 = arith.constant 0 : i32
      %dma_start3A_87 = tpu.memref_slice %arg7[%dma_start3A_85, %dma_start3A_86] : memref<10240x128xf32, #tpu.memory_space<vmem_shared>> -> memref<10240x128xf32, #tpu.memory_space<vmem_shared>>
      tpu.enqueue_indirect_dma source(%arg17 : memref<80x128xf32, #tpu.memory_space<vmem>>) target(%dma_start3A_87 : memref<10240x128xf32, #tpu.memory_space<vmem_shared>>) offsets(%arg11 : memref<80xi32, #tpu.memory_space<vmem>>) semaphore(%run_scoped3A : memref<!tpu.dma_semaphore, #tpu.memory_space<semaphore_mem>>) {add = true}
      %dma_wait3A_88 = arith.constant 0 : i32
      %dma_wait3A_89 = arith.constant 0 : i32
      %dma_wait3A_90 = tpu.memref_slice %arg7[%dma_wait3A_88, %dma_wait3A_89] : memref<10240x128xf32, #tpu.memory_space<vmem_shared>> -> memref<10240x128xf32, #tpu.memory_space<vmem_shared>>
      tpu.wait_indirect_dma semaphore(%run_scoped3A : memref<!tpu.dma_semaphore, #tpu.memory_space<semaphore_mem>>) src(%arg17 : memref<80x128xf32, #tpu.memory_space<vmem>>) dst(%dma_wait3A_90 : memref<10240x128xf32, #tpu.memory_space<vmem_shared>>)
      tpu.yield
    }) : () -> ()
    %dma_wait3A_72 = arith.constant 0 : i32
    %dma_wait3A_73 = arith.constant 0 : i32
    %dma_wait3A_74 = tpu.memref_slice %arg2[%dma_wait3A_72, %dma_wait3A_73] : memref<10000x128xf32, #tpu.memory_space<hbm>> -> memref<10000x128xf32, #tpu.memory_space<hbm>>
    tpu.wait_indirect_dma semaphore(%arg22 : memref<!tpu.dma_semaphore, #tpu.memory_space<semaphore_mem>>) src(%dma_wait3A_74 : memref<10000x128xf32, #tpu.memory_space<hbm>>) dst(%arg18 : memref<80x128xf32, #tpu.memory_space<vmem>>)
    "tpu.region"() ({
      %run_scoped3A = tpu.sem_alloc : memref<!tpu.dma_semaphore, #tpu.memory_space<semaphore_mem>>
      %dma_start3A_85 = arith.constant 0 : i32
      %dma_start3A_86 = arith.constant 0 : i32
      %dma_start3A_87 = tpu.memref_slice %arg7[%dma_start3A_85, %dma_start3A_86] : memref<10240x128xf32, #tpu.memory_space<vmem_shared>> -> memref<10240x128xf32, #tpu.memory_space<vmem_shared>>
      tpu.enqueue_indirect_dma source(%arg18 : memref<80x128xf32, #tpu.memory_space<vmem>>) target(%dma_start3A_87 : memref<10240x128xf32, #tpu.memory_space<vmem_shared>>) offsets(%arg13 : memref<80xi32, #tpu.memory_space<vmem>>) semaphore(%run_scoped3A : memref<!tpu.dma_semaphore, #tpu.memory_space<semaphore_mem>>) {add = true}
      %dma_wait3A_88 = arith.constant 0 : i32
      %dma_wait3A_89 = arith.constant 0 : i32
      %dma_wait3A_90 = tpu.memref_slice %arg7[%dma_wait3A_88, %dma_wait3A_89] : memref<10240x128xf32, #tpu.memory_space<vmem_shared>> -> memref<10240x128xf32, #tpu.memory_space<vmem_shared>>
      tpu.wait_indirect_dma semaphore(%run_scoped3A : memref<!tpu.dma_semaphore, #tpu.memory_space<semaphore_mem>>) src(%arg18 : memref<80x128xf32, #tpu.memory_space<vmem>>) dst(%dma_wait3A_90 : memref<10240x128xf32, #tpu.memory_space<vmem_shared>>)
      tpu.yield
    }) : () -> ()
    %dma_wait3A_75 = arith.constant 0 : i32
    %dma_wait3A_76 = arith.constant 0 : i32
    %dma_wait3A_77 = tpu.memref_slice %arg2[%dma_wait3A_75, %dma_wait3A_76] : memref<10000x128xf32, #tpu.memory_space<hbm>> -> memref<10000x128xf32, #tpu.memory_space<hbm>>
    tpu.wait_indirect_dma semaphore(%arg23 : memref<!tpu.dma_semaphore, #tpu.memory_space<semaphore_mem>>) src(%dma_wait3A_77 : memref<10000x128xf32, #tpu.memory_space<hbm>>) dst(%arg19 : memref<80x128xf32, #tpu.memory_space<vmem>>)
    "tpu.region"() ({
      %run_scoped3A = tpu.sem_alloc : memref<!tpu.dma_semaphore, #tpu.memory_space<semaphore_mem>>
      %dma_start3A_85 = arith.constant 0 : i32
      %dma_start3A_86 = arith.constant 0 : i32
      %dma_start3A_87 = tpu.memref_slice %arg7[%dma_start3A_85, %dma_start3A_86] : memref<10240x128xf32, #tpu.memory_space<vmem_shared>> -> memref<10240x128xf32, #tpu.memory_space<vmem_shared>>
      tpu.enqueue_indirect_dma source(%arg19 : memref<80x128xf32, #tpu.memory_space<vmem>>) target(%dma_start3A_87 : memref<10240x128xf32, #tpu.memory_space<vmem_shared>>) offsets(%arg15 : memref<80xi32, #tpu.memory_space<vmem>>) semaphore(%run_scoped3A : memref<!tpu.dma_semaphore, #tpu.memory_space<semaphore_mem>>) {add = true}
      %dma_wait3A_88 = arith.constant 0 : i32
      %dma_wait3A_89 = arith.constant 0 : i32
      %dma_wait3A_90 = tpu.memref_slice %arg7[%dma_wait3A_88, %dma_wait3A_89] : memref<10240x128xf32, #tpu.memory_space<vmem_shared>> -> memref<10240x128xf32, #tpu.memory_space<vmem_shared>>
      tpu.wait_indirect_dma semaphore(%run_scoped3A : memref<!tpu.dma_semaphore, #tpu.memory_space<semaphore_mem>>) src(%arg19 : memref<80x128xf32, #tpu.memory_space<vmem>>) dst(%dma_wait3A_90 : memref<10240x128xf32, #tpu.memory_space<vmem_shared>>)
      tpu.yield
    }) : () -> ()
    %barrier3A_78 = arith.constant 0 : index
    tpu.barrier barrier_id(%barrier3A_78)
    %scan3A_79 = arith.constant 0 : i32
    %scan3A_80 = arith.constant 0 : i32
    %scan3A_81 = arith.constant 8 : i32
    %scan3A_82 = arith.addi %scan3A_80, %scan3A_81 : i32
    %scan3A_83 = arith.constant 1 : i32
    scf.for %scan3A_85 = %scan3A_80 to %scan3A_82 step %scan3A_83  : i32 {
      %mul3A_86 = arith.constant 640 : i32
      %mul3A_87 = arith.muli %arg1, %mul3A_86 : i32
      %mul3A_88 = arith.constant 80 : i32
      %mul3A_89 = arith.muli %scan3A_85, %mul3A_88 : i32
      %add3A_90 = arith.addi %mul3A_87, %mul3A_89 : i32
      "tpu.region"() ({
        %run_scoped3A = tpu.sem_alloc : memref<!tpu.dma_semaphore, #tpu.memory_space<semaphore_mem>>
        %dma_start3A_94 = arith.constant 0 : i32
        %dma_start3A_95 = tpu.memref_slice %arg7[%add3A_90, %dma_start3A_94] : memref<10240x128xf32, #tpu.memory_space<vmem_shared>> -> memref<80x128xf32, #tpu.memory_space<vmem_shared>>
        %dma_start3A_96 = arith.constant 0 : i32
        %dma_start3A_97 = tpu.memref_slice %arg7[%add3A_90, %dma_start3A_96] : memref<10240x128xf32, #tpu.memory_space<vmem_shared>> -> memref<80x128xf32, #tpu.memory_space<vmem_shared>>
        tpu.enqueue_dma source(%dma_start3A_97 : memref<80x128xf32, #tpu.memory_space<vmem_shared>>) target(%arg16 : memref<80x128xf32, #tpu.memory_space<vmem>>) target_semaphore(%run_scoped3A : memref<!tpu.dma_semaphore, #tpu.memory_space<semaphore_mem>>)
        %dma_wait3A_98 = arith.constant 0 : i32
        %dma_wait3A_99 = tpu.memref_slice %arg7[%add3A_90, %dma_wait3A_98] : memref<10240x128xf32, #tpu.memory_space<vmem_shared>> -> memref<80x128xf32, #tpu.memory_space<vmem_shared>>
        %dma_wait3A_100 = arith.constant 0 : i32
        %dma_wait3A_101 = tpu.memref_slice %arg7[%add3A_90, %dma_wait3A_100] : memref<10240x128xf32, #tpu.memory_space<vmem_shared>> -> memref<80x128xf32, #tpu.memory_space<vmem_shared>>
        tpu.wait_dma2 semaphore(%run_scoped3A : memref<!tpu.dma_semaphore, #tpu.memory_space<semaphore_mem>>) src(%dma_wait3A_101 : memref<80x128xf32, #tpu.memory_space<vmem_shared>>) dst(%arg16 : memref<80x128xf32, #tpu.memory_space<vmem>>)
        tpu.yield
      }) : () -> ()
      %mul3A_91 = arith.constant 10240 : i32
      %mul3A_92 = arith.muli %arg0, %mul3A_91 : i32
      %add3A_93 = arith.addi %mul3A_92, %add3A_90 : i32
      "tpu.region"() ({
        %run_scoped3A = tpu.sem_alloc : memref<!tpu.dma_semaphore, #tpu.memory_space<semaphore_mem>>
        %dma_start3A_94 = arith.constant 0 : i32
        %dma_start3A_95 = tpu.memref_slice %arg6[%add3A_93, %dma_start3A_94] : memref<20480x128xf32, #tpu.memory_space<hbm>> -> memref<80x128xf32, #tpu.memory_space<hbm>>
        %dma_start3A_96 = arith.constant 0 : i32
        %dma_start3A_97 = tpu.memref_slice %arg6[%add3A_93, %dma_start3A_96] : memref<20480x128xf32, #tpu.memory_space<hbm>> -> memref<80x128xf32, #tpu.memory_space<hbm>>
        tpu.enqueue_dma source(%arg16 : memref<80x128xf32, #tpu.memory_space<vmem>>) target(%dma_start3A_97 : memref<80x128xf32, #tpu.memory_space<hbm>>) target_semaphore(%run_scoped3A : memref<!tpu.dma_semaphore, #tpu.memory_space<semaphore_mem>>)
        %dma_wait3A_98 = arith.constant 0 : i32
        %dma_wait3A_99 = tpu.memref_slice %arg6[%add3A_93, %dma_wait3A_98] : memref<20480x128xf32, #tpu.memory_space<hbm>> -> memref<80x128xf32, #tpu.memory_space<hbm>>
        %dma_wait3A_100 = arith.constant 0 : i32
        %dma_wait3A_101 = tpu.memref_slice %arg6[%add3A_93, %dma_wait3A_100] : memref<20480x128xf32, #tpu.memory_space<hbm>> -> memref<80x128xf32, #tpu.memory_space<hbm>>
        tpu.wait_dma2 semaphore(%run_scoped3A : memref<!tpu.dma_semaphore, #tpu.memory_space<semaphore_mem>>) src(%arg16 : memref<80x128xf32, #tpu.memory_space<vmem>>) dst(%dma_wait3A_101 : memref<80x128xf32, #tpu.memory_space<hbm>>)
        tpu.yield
      }) : () -> ()
    }
    %scan3A_84 = arith.constant 8 : i32
    return
  }
}

#map = affine_map<(d0, d1) -> (0, 0)>
#map1 = affine_map<(d0, d1) -> (0)>
module attributes {stable_mosaic.version = 14 : i64} {
  func.func @body(%arg0: i32, %arg1: i32, %arg2: memref<10000x128xf32, #tpu.memory_space<hbm>>, %arg3: memref<327680xi32, #tpu.memory_space<hbm>>, %arg4: memref<327680xi32, #tpu.memory_space<hbm>>, %arg5: memref<10240x128xf32, #tpu.memory_space<hbm>>, %arg6: memref<20480x128xf32, #tpu.memory_space<hbm>>, %arg7: memref<10240x128xf32, #tpu.memory_space<vmem_shared>>, %arg8: memref<80xi32, #tpu.memory_space<vmem>>, %arg9: memref<80xi32, #tpu.memory_space<vmem>>, %arg10: memref<80xi32, #tpu.memory_space<vmem>>, %arg11: memref<80xi32, #tpu.memory_space<vmem>>, %arg12: memref<80xi32, #tpu.memory_space<vmem>>, %arg13: memref<80xi32, #tpu.memory_space<vmem>>, %arg14: memref<80xi32, #tpu.memory_space<vmem>>, %arg15: memref<80xi32, #tpu.memory_space<vmem>>, %arg16: memref<80x128xf32, #tpu.memory_space<vmem>>, %arg17: memref<80x128xf32, #tpu.memory_space<vmem>>, %arg18: memref<80x128xf32, #tpu.memory_space<vmem>>, %arg19: memref<80x128xf32, #tpu.memory_space<vmem>>, %arg20: memref<!tpu.dma_semaphore, #tpu.memory_space<semaphore_mem>>, %arg21: memref<!tpu.dma_semaphore, #tpu.memory_space<semaphore_mem>>, %arg22: memref<!tpu.dma_semaphore, #tpu.memory_space<semaphore_mem>>, %arg23: memref<!tpu.dma_semaphore, #tpu.memory_space<semaphore_mem>>) attributes {dimension_semantics = [#tpu.dimension_semantics<core_parallel>, #tpu.dimension_semantics<subcore_parallel>], iteration_bounds = array<i64: 2, 16>, scalar_prefetch = 0 : i64, scratch_operands = 17 : i64, tpu.core_type = #tpu.core_type<sc_vector_subcore>, window_params = [{transform_indices = #map}, {transform_indices = #map1}, {transform_indices = #map1}, {transform_indices = #map}, {transform_indices = #map}]} {
    %mul3A = arith.constant 2 : i32
    %mul3A_0 = arith.muli %arg1, %mul3A : i32
    %add3A = arith.addi %mul3A_0, %arg0 : i32
    "tpu.region"() ({
      %run_scoped3A = tpu.sem_alloc : memref<!tpu.dma_semaphore, #tpu.memory_space<semaphore_mem>>
      %dma_start3A_85 = arith.constant 0 : i32
      %dma_start3A_86 = arith.constant 0 : i32
      %dma_start3A_87 = tpu.memref_slice %arg5[%dma_start3A_85, %dma_start3A_86] : memref<10240x128xf32, #tpu.memory_space<hbm>> -> memref<80x128xf32, #tpu.memory_space<hbm>>
      %dma_start3A_88 = arith.constant 0 : i32
      %dma_start3A_89 = arith.constant 0 : i32
      %dma_start3A_90 = tpu.memref_slice %arg5[%dma_start3A_88, %dma_start3A_89] : memref<10240x128xf32, #tpu.memory_space<hbm>> -> memref<80x128xf32, #tpu.memory_space<hbm>>
      tpu.enqueue_dma source(%dma_start3A_90 : memref<80x128xf32, #tpu.memory_space<hbm>>) target(%arg16 : memref<80x128xf32, #tpu.memory_space<vmem>>) target_semaphore(%run_scoped3A : memref<!tpu.dma_semaphore, #tpu.memory_space<semaphore_mem>>)
      %dma_wait3A_91 = arith.constant 0 : i32
      %dma_wait3A_92 = arith.constant 0 : i32
      %dma_wait3A_93 = tpu.memref_slice %arg5[%dma_wait3A_91, %dma_wait3A_92] : memref<10240x128xf32, #tpu.memory_space<hbm>> -> memref<80x128xf32, #tpu.memory_space<hbm>>
      %dma_wait3A_94 = arith.constant 0 : i32
      %dma_wait3A_95 = arith.constant 0 : i32
      %dma_wait3A_96 = tpu.memref_slice %arg5[%dma_wait3A_94, %dma_wait3A_95] : memref<10240x128xf32, #tpu.memory_space<hbm>> -> memref<80x128xf32, #tpu.memory_space<hbm>>
      tpu.wait_dma2 semaphore(%run_scoped3A : memref<!tpu.dma_semaphore, #tpu.memory_space<semaphore_mem>>) src(%dma_wait3A_96 : memref<80x128xf32, #tpu.memory_space<hbm>>) dst(%arg16 : memref<80x128xf32, #tpu.memory_space<vmem>>)
      tpu.yield
    }) : () -> ()
    %scan3A = arith.constant 0 : i32
    %scan3A_1 = arith.constant 0 : i32
    %scan3A_2 = arith.constant 8 : i32
    %scan3A_3 = arith.addi %scan3A_1, %scan3A_2 : i32
    %scan3A_4 = arith.constant 1 : i32
    scf.for %scan3A_85 = %scan3A_1 to %scan3A_3 step %scan3A_4  : i32 {
      %mul3A_86 = arith.constant 640 : i32
      %mul3A_87 = arith.muli %arg1, %mul3A_86 : i32
      %mul3A_88 = arith.constant 80 : i32
      %mul3A_89 = arith.muli %scan3A_85, %mul3A_88 : i32
      %add3A_90 = arith.addi %mul3A_87, %mul3A_89 : i32
      "tpu.region"() ({
        %run_scoped3A = tpu.sem_alloc : memref<!tpu.dma_semaphore, #tpu.memory_space<semaphore_mem>>
        %dma_start3A_91 = arith.constant 0 : i32
        %dma_start3A_92 = tpu.memref_slice %arg7[%add3A_90, %dma_start3A_91] : memref<10240x128xf32, #tpu.memory_space<vmem_shared>> -> memref<80x128xf32, #tpu.memory_space<vmem_shared>>
        %dma_start3A_93 = arith.constant 0 : i32
        %dma_start3A_94 = tpu.memref_slice %arg7[%add3A_90, %dma_start3A_93] : memref<10240x128xf32, #tpu.memory_space<vmem_shared>> -> memref<80x128xf32, #tpu.memory_space<vmem_shared>>
        tpu.enqueue_dma source(%arg16 : memref<80x128xf32, #tpu.memory_space<vmem>>) target(%dma_start3A_94 : memref<80x128xf32, #tpu.memory_space<vmem_shared>>) target_semaphore(%run_scoped3A : memref<!tpu.dma_semaphore, #tpu.memory_space<semaphore_mem>>)
        %dma_wait3A_95 = arith.constant 0 : i32
        %dma_wait3A_96 = tpu.memref_slice %arg7[%add3A_90, %dma_wait3A_95] : memref<10240x128xf32, #tpu.memory_space<vmem_shared>> -> memref<80x128xf32, #tpu.memory_space<vmem_shared>>
        %dma_wait3A_97 = arith.constant 0 : i32
        %dma_wait3A_98 = tpu.memref_slice %arg7[%add3A_90, %dma_wait3A_97] : memref<10240x128xf32, #tpu.memory_space<vmem_shared>> -> memref<80x128xf32, #tpu.memory_space<vmem_shared>>
        tpu.wait_dma2 semaphore(%run_scoped3A : memref<!tpu.dma_semaphore, #tpu.memory_space<semaphore_mem>>) src(%arg16 : memref<80x128xf32, #tpu.memory_space<vmem>>) dst(%dma_wait3A_98 : memref<80x128xf32, #tpu.memory_space<vmem_shared>>)
        tpu.yield
      }) : () -> ()
    }
    %scan3A_5 = arith.constant 8 : i32
    %barrier3A = arith.constant 0 : index
    tpu.barrier barrier_id(%barrier3A)
    %eq3A = arith.constant 0 : i32
    %eq3A_6 = arith.cmpi eq, %arg0, %eq3A : i32
    %jit3A = arith.constant 192 : i32
    %jit3A_7 = arith.constant 64 : i32
    %select_n3A = arith.select %eq3A_6, %jit3A, %jit3A_7 : i32
    %eq3A_8 = arith.constant 0 : i32
    %eq3A_9 = arith.cmpi eq, %arg0, %eq3A_8 : i32
    %mul3A_10 = arith.constant 192 : i32
    %mul3A_11 = arith.muli %arg1, %mul3A_10 : i32
    %mul3A_12 = arith.constant 64 : i32
    %mul3A_13 = arith.muli %arg1, %mul3A_12 : i32
    %add3A_14 = arith.constant 3072 : i32
    %add3A_15 = arith.addi %add3A_14, %mul3A_13 : i32
    %select_n3A_16 = arith.select %eq3A_9, %mul3A_11, %add3A_15 : i32
    %mul3A_17 = arith.constant 80 : i32
    %mul3A_18 = arith.muli %select_n3A_16, %mul3A_17 : i32
    %add3A_19 = arith.constant 0 : i32
    %add3A_20 = arith.addi %mul3A_18, %add3A_19 : i32
    "tpu.region"() ({
      %run_scoped3A = tpu.sem_alloc : memref<!tpu.dma_semaphore, #tpu.memory_space<semaphore_mem>>
      %dma_start3A_85 = tpu.memref_slice %arg3[%add3A_20] : memref<327680xi32, #tpu.memory_space<hbm>> -> memref<80xi32, #tpu.memory_space<hbm>>
      %dma_start3A_86 = tpu.memref_slice %arg3[%add3A_20] : memref<327680xi32, #tpu.memory_space<hbm>> -> memref<80xi32, #tpu.memory_space<hbm>>
      tpu.enqueue_dma source(%dma_start3A_86 : memref<80xi32, #tpu.memory_space<hbm>>) target(%arg8 : memref<80xi32, #tpu.memory_space<vmem>>) target_semaphore(%run_scoped3A : memref<!tpu.dma_semaphore, #tpu.memory_space<semaphore_mem>>)
      %dma_wait3A_87 = tpu.memref_slice %arg3[%add3A_20] : memref<327680xi32, #tpu.memory_space<hbm>> -> memref<80xi32, #tpu.memory_space<hbm>>
      %dma_wait3A_88 = tpu.memref_slice %arg3[%add3A_20] : memref<327680xi32, #tpu.memory_space<hbm>> -> memref<80xi32, #tpu.memory_space<hbm>>
      tpu.wait_dma2 semaphore(%run_scoped3A : memref<!tpu.dma_semaphore, #tpu.memory_space<semaphore_mem>>) src(%dma_wait3A_88 : memref<80xi32, #tpu.memory_space<hbm>>) dst(%arg8 : memref<80xi32, #tpu.memory_space<vmem>>)
      tpu.yield
    }) : () -> ()
    "tpu.region"() ({
      %run_scoped3A = tpu.sem_alloc : memref<!tpu.dma_semaphore, #tpu.memory_space<semaphore_mem>>
      %dma_start3A_85 = tpu.memref_slice %arg4[%add3A_20] : memref<327680xi32, #tpu.memory_space<hbm>> -> memref<80xi32, #tpu.memory_space<hbm>>
      %dma_start3A_86 = tpu.memref_slice %arg4[%add3A_20] : memref<327680xi32, #tpu.memory_space<hbm>> -> memref<80xi32, #tpu.memory_space<hbm>>
      tpu.enqueue_dma source(%dma_start3A_86 : memref<80xi32, #tpu.memory_space<hbm>>) target(%arg9 : memref<80xi32, #tpu.memory_space<vmem>>) target_semaphore(%run_scoped3A : memref<!tpu.dma_semaphore, #tpu.memory_space<semaphore_mem>>)
      %dma_wait3A_87 = tpu.memref_slice %arg4[%add3A_20] : memref<327680xi32, #tpu.memory_space<hbm>> -> memref<80xi32, #tpu.memory_space<hbm>>
      %dma_wait3A_88 = tpu.memref_slice %arg4[%add3A_20] : memref<327680xi32, #tpu.memory_space<hbm>> -> memref<80xi32, #tpu.memory_space<hbm>>
      tpu.wait_dma2 semaphore(%run_scoped3A : memref<!tpu.dma_semaphore, #tpu.memory_space<semaphore_mem>>) src(%dma_wait3A_88 : memref<80xi32, #tpu.memory_space<hbm>>) dst(%arg9 : memref<80xi32, #tpu.memory_space<vmem>>)
      tpu.yield
    }) : () -> ()
    %dma_start3A = arith.constant 0 : i32
    %dma_start3A_21 = arith.constant 0 : i32
    %dma_start3A_22 = tpu.memref_slice %arg2[%dma_start3A, %dma_start3A_21] : memref<10000x128xf32, #tpu.memory_space<hbm>> -> memref<10000x128xf32, #tpu.memory_space<hbm>>
    tpu.enqueue_indirect_dma source(%dma_start3A_22 : memref<10000x128xf32, #tpu.memory_space<hbm>>) target(%arg16 : memref<80x128xf32, #tpu.memory_space<vmem>>) offsets(%arg8 : memref<80xi32, #tpu.memory_space<vmem>>) semaphore(%arg20 : memref<!tpu.dma_semaphore, #tpu.memory_space<semaphore_mem>>)
    %add3A_23 = arith.constant 80 : i32
    %add3A_24 = arith.addi %mul3A_18, %add3A_23 : i32
    "tpu.region"() ({
      %run_scoped3A = tpu.sem_alloc : memref<!tpu.dma_semaphore, #tpu.memory_space<semaphore_mem>>
      %dma_start3A_85 = tpu.memref_slice %arg3[%add3A_24] : memref<327680xi32, #tpu.memory_space<hbm>> -> memref<80xi32, #tpu.memory_space<hbm>>
      %dma_start3A_86 = tpu.memref_slice %arg3[%add3A_24] : memref<327680xi32, #tpu.memory_space<hbm>> -> memref<80xi32, #tpu.memory_space<hbm>>
      tpu.enqueue_dma source(%dma_start3A_86 : memref<80xi32, #tpu.memory_space<hbm>>) target(%arg10 : memref<80xi32, #tpu.memory_space<vmem>>) target_semaphore(%run_scoped3A : memref<!tpu.dma_semaphore, #tpu.memory_space<semaphore_mem>>)
      %dma_wait3A_87 = tpu.memref_slice %arg3[%add3A_24] : memref<327680xi32, #tpu.memory_space<hbm>> -> memref<80xi32, #tpu.memory_space<hbm>>
      %dma_wait3A_88 = tpu.memref_slice %arg3[%add3A_24] : memref<327680xi32, #tpu.memory_space<hbm>> -> memref<80xi32, #tpu.memory_space<hbm>>
      tpu.wait_dma2 semaphore(%run_scoped3A : memref<!tpu.dma_semaphore, #tpu.memory_space<semaphore_mem>>) src(%dma_wait3A_88 : memref<80xi32, #tpu.memory_space<hbm>>) dst(%arg10 : memref<80xi32, #tpu.memory_space<vmem>>)
      tpu.yield
    }) : () -> ()
    "tpu.region"() ({
      %run_scoped3A = tpu.sem_alloc : memref<!tpu.dma_semaphore, #tpu.memory_space<semaphore_mem>>
      %dma_start3A_85 = tpu.memref_slice %arg4[%add3A_24] : memref<327680xi32, #tpu.memory_space<hbm>> -> memref<80xi32, #tpu.memory_space<hbm>>
      %dma_start3A_86 = tpu.memref_slice %arg4[%add3A_24] : memref<327680xi32, #tpu.memory_space<hbm>> -> memref<80xi32, #tpu.memory_space<hbm>>
      tpu.enqueue_dma source(%dma_start3A_86 : memref<80xi32, #tpu.memory_space<hbm>>) target(%arg11 : memref<80xi32, #tpu.memory_space<vmem>>) target_semaphore(%run_scoped3A : memref<!tpu.dma_semaphore, #tpu.memory_space<semaphore_mem>>)
      %dma_wait3A_87 = tpu.memref_slice %arg4[%add3A_24] : memref<327680xi32, #tpu.memory_space<hbm>> -> memref<80xi32, #tpu.memory_space<hbm>>
      %dma_wait3A_88 = tpu.memref_slice %arg4[%add3A_24] : memref<327680xi32, #tpu.memory_space<hbm>> -> memref<80xi32, #tpu.memory_space<hbm>>
      tpu.wait_dma2 semaphore(%run_scoped3A : memref<!tpu.dma_semaphore, #tpu.memory_space<semaphore_mem>>) src(%dma_wait3A_88 : memref<80xi32, #tpu.memory_space<hbm>>) dst(%arg11 : memref<80xi32, #tpu.memory_space<vmem>>)
      tpu.yield
    }) : () -> ()
    %dma_start3A_25 = arith.constant 0 : i32
    %dma_start3A_26 = arith.constant 0 : i32
    %dma_start3A_27 = tpu.memref_slice %arg2[%dma_start3A_25, %dma_start3A_26] : memref<10000x128xf32, #tpu.memory_space<hbm>> -> memref<10000x128xf32, #tpu.memory_space<hbm>>
    tpu.enqueue_indirect_dma source(%dma_start3A_27 : memref<10000x128xf32, #tpu.memory_space<hbm>>) target(%arg17 : memref<80x128xf32, #tpu.memory_space<vmem>>) offsets(%arg10 : memref<80xi32, #tpu.memory_space<vmem>>) semaphore(%arg21 : memref<!tpu.dma_semaphore, #tpu.memory_space<semaphore_mem>>)
    %add3A_28 = arith.constant 160 : i32
    %add3A_29 = arith.addi %mul3A_18, %add3A_28 : i32
    "tpu.region"() ({
      %run_scoped3A = tpu.sem_alloc : memref<!tpu.dma_semaphore, #tpu.memory_space<semaphore_mem>>
      %dma_start3A_85 = tpu.memref_slice %arg3[%add3A_29] : memref<327680xi32, #tpu.memory_space<hbm>> -> memref<80xi32, #tpu.memory_space<hbm>>
      %dma_start3A_86 = tpu.memref_slice %arg3[%add3A_29] : memref<327680xi32, #tpu.memory_space<hbm>> -> memref<80xi32, #tpu.memory_space<hbm>>
      tpu.enqueue_dma source(%dma_start3A_86 : memref<80xi32, #tpu.memory_space<hbm>>) target(%arg12 : memref<80xi32, #tpu.memory_space<vmem>>) target_semaphore(%run_scoped3A : memref<!tpu.dma_semaphore, #tpu.memory_space<semaphore_mem>>)
      %dma_wait3A_87 = tpu.memref_slice %arg3[%add3A_29] : memref<327680xi32, #tpu.memory_space<hbm>> -> memref<80xi32, #tpu.memory_space<hbm>>
      %dma_wait3A_88 = tpu.memref_slice %arg3[%add3A_29] : memref<327680xi32, #tpu.memory_space<hbm>> -> memref<80xi32, #tpu.memory_space<hbm>>
      tpu.wait_dma2 semaphore(%run_scoped3A : memref<!tpu.dma_semaphore, #tpu.memory_space<semaphore_mem>>) src(%dma_wait3A_88 : memref<80xi32, #tpu.memory_space<hbm>>) dst(%arg12 : memref<80xi32, #tpu.memory_space<vmem>>)
      tpu.yield
    }) : () -> ()
    "tpu.region"() ({
      %run_scoped3A = tpu.sem_alloc : memref<!tpu.dma_semaphore, #tpu.memory_space<semaphore_mem>>
      %dma_start3A_85 = tpu.memref_slice %arg4[%add3A_29] : memref<327680xi32, #tpu.memory_space<hbm>> -> memref<80xi32, #tpu.memory_space<hbm>>
      %dma_start3A_86 = tpu.memref_slice %arg4[%add3A_29] : memref<327680xi32, #tpu.memory_space<hbm>> -> memref<80xi32, #tpu.memory_space<hbm>>
      tpu.enqueue_dma source(%dma_start3A_86 : memref<80xi32, #tpu.memory_space<hbm>>) target(%arg13 : memref<80xi32, #tpu.memory_space<vmem>>) target_semaphore(%run_scoped3A : memref<!tpu.dma_semaphore, #tpu.memory_space<semaphore_mem>>)
      %dma_wait3A_87 = tpu.memref_slice %arg4[%add3A_29] : memref<327680xi32, #tpu.memory_space<hbm>> -> memref<80xi32, #tpu.memory_space<hbm>>
      %dma_wait3A_88 = tpu.memref_slice %arg4[%add3A_29] : memref<327680xi32, #tpu.memory_space<hbm>> -> memref<80xi32, #tpu.memory_space<hbm>>
      tpu.wait_dma2 semaphore(%run_scoped3A : memref<!tpu.dma_semaphore, #tpu.memory_space<semaphore_mem>>) src(%dma_wait3A_88 : memref<80xi32, #tpu.memory_space<hbm>>) dst(%arg13 : memref<80xi32, #tpu.memory_space<vmem>>)
      tpu.yield
    }) : () -> ()
    %dma_start3A_30 = arith.constant 0 : i32
    %dma_start3A_31 = arith.constant 0 : i32
    %dma_start3A_32 = tpu.memref_slice %arg2[%dma_start3A_30, %dma_start3A_31] : memref<10000x128xf32, #tpu.memory_space<hbm>> -> memref<10000x128xf32, #tpu.memory_space<hbm>>
    tpu.enqueue_indirect_dma source(%dma_start3A_32 : memref<10000x128xf32, #tpu.memory_space<hbm>>) target(%arg18 : memref<80x128xf32, #tpu.memory_space<vmem>>) offsets(%arg12 : memref<80xi32, #tpu.memory_space<vmem>>) semaphore(%arg22 : memref<!tpu.dma_semaphore, #tpu.memory_space<semaphore_mem>>)
    %add3A_33 = arith.constant 240 : i32
    %add3A_34 = arith.addi %mul3A_18, %add3A_33 : i32
    "tpu.region"() ({
      %run_scoped3A = tpu.sem_alloc : memref<!tpu.dma_semaphore, #tpu.memory_space<semaphore_mem>>
      %dma_start3A_85 = tpu.memref_slice %arg3[%add3A_34] : memref<327680xi32, #tpu.memory_space<hbm>> -> memref<80xi32, #tpu.memory_space<hbm>>
      %dma_start3A_86 = tpu.memref_slice %arg3[%add3A_34] : memref<327680xi32, #tpu.memory_space<hbm>> -> memref<80xi32, #tpu.memory_space<hbm>>
      tpu.enqueue_dma source(%dma_start3A_86 : memref<80xi32, #tpu.memory_space<hbm>>) target(%arg14 : memref<80xi32, #tpu.memory_space<vmem>>) target_semaphore(%run_scoped3A : memref<!tpu.dma_semaphore, #tpu.memory_space<semaphore_mem>>)
      %dma_wait3A_87 = tpu.memref_slice %arg3[%add3A_34] : memref<327680xi32, #tpu.memory_space<hbm>> -> memref<80xi32, #tpu.memory_space<hbm>>
      %dma_wait3A_88 = tpu.memref_slice %arg3[%add3A_34] : memref<327680xi32, #tpu.memory_space<hbm>> -> memref<80xi32, #tpu.memory_space<hbm>>
      tpu.wait_dma2 semaphore(%run_scoped3A : memref<!tpu.dma_semaphore, #tpu.memory_space<semaphore_mem>>) src(%dma_wait3A_88 : memref<80xi32, #tpu.memory_space<hbm>>) dst(%arg14 : memref<80xi32, #tpu.memory_space<vmem>>)
      tpu.yield
    }) : () -> ()
    "tpu.region"() ({
      %run_scoped3A = tpu.sem_alloc : memref<!tpu.dma_semaphore, #tpu.memory_space<semaphore_mem>>
      %dma_start3A_85 = tpu.memref_slice %arg4[%add3A_34] : memref<327680xi32, #tpu.memory_space<hbm>> -> memref<80xi32, #tpu.memory_space<hbm>>
      %dma_start3A_86 = tpu.memref_slice %arg4[%add3A_34] : memref<327680xi32, #tpu.memory_space<hbm>> -> memref<80xi32, #tpu.memory_space<hbm>>
      tpu.enqueue_dma source(%dma_start3A_86 : memref<80xi32, #tpu.memory_space<hbm>>) target(%arg15 : memref<80xi32, #tpu.memory_space<vmem>>) target_semaphore(%run_scoped3A : memref<!tpu.dma_semaphore, #tpu.memory_space<semaphore_mem>>)
      %dma_wait3A_87 = tpu.memref_slice %arg4[%add3A_34] : memref<327680xi32, #tpu.memory_space<hbm>> -> memref<80xi32, #tpu.memory_space<hbm>>
      %dma_wait3A_88 = tpu.memref_slice %arg4[%add3A_34] : memref<327680xi32, #tpu.memory_space<hbm>> -> memref<80xi32, #tpu.memory_space<hbm>>
      tpu.wait_dma2 semaphore(%run_scoped3A : memref<!tpu.dma_semaphore, #tpu.memory_space<semaphore_mem>>) src(%dma_wait3A_88 : memref<80xi32, #tpu.memory_space<hbm>>) dst(%arg15 : memref<80xi32, #tpu.memory_space<vmem>>)
      tpu.yield
    }) : () -> ()
    %dma_start3A_35 = arith.constant 0 : i32
    %dma_start3A_36 = arith.constant 0 : i32
    %dma_start3A_37 = tpu.memref_slice %arg2[%dma_start3A_35, %dma_start3A_36] : memref<10000x128xf32, #tpu.memory_space<hbm>> -> memref<10000x128xf32, #tpu.memory_space<hbm>>
    tpu.enqueue_indirect_dma source(%dma_start3A_37 : memref<10000x128xf32, #tpu.memory_space<hbm>>) target(%arg19 : memref<80x128xf32, #tpu.memory_space<vmem>>) offsets(%arg14 : memref<80xi32, #tpu.memory_space<vmem>>) semaphore(%arg23 : memref<!tpu.dma_semaphore, #tpu.memory_space<semaphore_mem>>)
    %jit3A_38 = arith.constant 4 : i32
    %div3A = arith.divsi %select_n3A, %jit3A_38 : i32
    %sign3A = arith.constant 0 : i32
    %sign3A_39 = arith.cmpi sgt, %select_n3A, %sign3A : i32
    %sign3A_40 = arith.extui %sign3A_39 : i1 to i32
    %sign3A_41 = arith.constant 0 : i32
    %sign3A_42 = arith.cmpi slt, %select_n3A, %sign3A_41 : i32
    %sign3A_43 = arith.extui %sign3A_42 : i1 to i32
    %sign3A_44 = arith.subi %sign3A_40, %sign3A_43 : i32
    %sign3A_45 = arith.constant 0 : i32
    %sign3A_46 = arith.cmpi sgt, %jit3A_38, %sign3A_45 : i32
    %sign3A_47 = arith.extui %sign3A_46 : i1 to i32
    %sign3A_48 = arith.constant 0 : i32
    %sign3A_49 = arith.cmpi slt, %jit3A_38, %sign3A_48 : i32
    %sign3A_50 = arith.extui %sign3A_49 : i1 to i32
    %sign3A_51 = arith.subi %sign3A_47, %sign3A_50 : i32
    %ne3A = arith.cmpi ne, %sign3A_44, %sign3A_51 : i32
    %rem3A = arith.remsi %select_n3A, %jit3A_38 : i32
    %ne3A_52 = arith.constant 0 : i32
    %ne3A_53 = arith.cmpi ne, %rem3A, %ne3A_52 : i32
    %and3A = arith.andi %ne3A, %ne3A_53 : i1
    %sub3A = arith.constant 1 : i32
    %sub3A_54 = arith.subi %div3A, %sub3A : i32
    %select_n3A_55 = arith.select %and3A, %sub3A_54, %div3A : i32
    %sub3A_56 = arith.constant 1 : i32
    %sub3A_57 = arith.subi %select_n3A_55, %sub3A_56 : i32
    %while3A = arith.constant 0 : i32
    %while3A_58 = arith.constant 0 : i32
    %while3A_59 = arith.subi %sub3A_57, %while3A_58 : i32
    %while3A_60 = arith.addi %while3A_58, %while3A_59 : i32
    %while3A_61 = arith.constant 1 : i32
    %while3A_62 = arith.divsi %while3A_59, %while3A_61 : i32
    %while3A_63 = arith.muli %while3A_62, %while3A_61 : i32
    %while3A_64 = arith.addi %while3A_58, %while3A_63 : i32
    %while3A_65 = arith.constant 1 : i32
    scf.for %while3A_85 = %while3A_58 to %while3A_64 step %while3A_65  : i32 {
      %mul3A_86 = arith.constant 4 : i32
      %mul3A_87 = arith.muli %mul3A_86, %while3A_85 : i32
      %add3A_88 = arith.constant 0 : i32
      %add3A_89 = arith.addi %mul3A_87, %add3A_88 : i32
      %dma_wait3A_90 = arith.constant 0 : i32
      %dma_wait3A_91 = arith.constant 0 : i32
      %dma_wait3A_92 = tpu.memref_slice %arg2[%dma_wait3A_90, %dma_wait3A_91] : memref<10000x128xf32, #tpu.memory_space<hbm>> -> memref<10000x128xf32, #tpu.memory_space<hbm>>
      tpu.wait_indirect_dma semaphore(%arg20 : memref<!tpu.dma_semaphore, #tpu.memory_space<semaphore_mem>>) src(%dma_wait3A_92 : memref<10000x128xf32, #tpu.memory_space<hbm>>) dst(%arg16 : memref<80x128xf32, #tpu.memory_space<vmem>>)
      "tpu.region"() ({
        %run_scoped3A = tpu.sem_alloc : memref<!tpu.dma_semaphore, #tpu.memory_space<semaphore_mem>>
        %dma_start3A_146 = arith.constant 0 : i32
        %dma_start3A_147 = arith.constant 0 : i32
        %dma_start3A_148 = tpu.memref_slice %arg7[%dma_start3A_146, %dma_start3A_147] : memref<10240x128xf32, #tpu.memory_space<vmem_shared>> -> memref<10240x128xf32, #tpu.memory_space<vmem_shared>>
        tpu.enqueue_indirect_dma source(%arg16 : memref<80x128xf32, #tpu.memory_space<vmem>>) target(%dma_start3A_148 : memref<10240x128xf32, #tpu.memory_space<vmem_shared>>) offsets(%arg9 : memref<80xi32, #tpu.memory_space<vmem>>) semaphore(%run_scoped3A : memref<!tpu.dma_semaphore, #tpu.memory_space<semaphore_mem>>) {add = true}
        %dma_wait3A_149 = arith.constant 0 : i32
        %dma_wait3A_150 = arith.constant 0 : i32
        %dma_wait3A_151 = tpu.memref_slice %arg7[%dma_wait3A_149, %dma_wait3A_150] : memref<10240x128xf32, #tpu.memory_space<vmem_shared>> -> memref<10240x128xf32, #tpu.memory_space<vmem_shared>>
        tpu.wait_indirect_dma semaphore(%run_scoped3A : memref<!tpu.dma_semaphore, #tpu.memory_space<semaphore_mem>>) src(%arg16 : memref<80x128xf32, #tpu.memory_space<vmem>>) dst(%dma_wait3A_151 : memref<10240x128xf32, #tpu.memory_space<vmem_shared>>)
        tpu.yield
      }) : () -> ()
      %add3A_93 = arith.constant 4 : i32
      %add3A_94 = arith.addi %add3A_89, %add3A_93 : i32
      %mul3A_95 = arith.constant 80 : i32
      %mul3A_96 = arith.muli %add3A_94, %mul3A_95 : i32
      %add3A_97 = arith.addi %mul3A_18, %mul3A_96 : i32
      "tpu.region"() ({
        %run_scoped3A = tpu.sem_alloc : memref<!tpu.dma_semaphore, #tpu.memory_space<semaphore_mem>>
        %dma_start3A_146 = tpu.memref_slice %arg3[%add3A_97] : memref<327680xi32, #tpu.memory_space<hbm>> -> memref<80xi32, #tpu.memory_space<hbm>>
        %dma_start3A_147 = tpu.memref_slice %arg3[%add3A_97] : memref<327680xi32, #tpu.memory_space<hbm>> -> memref<80xi32, #tpu.memory_space<hbm>>
        tpu.enqueue_dma source(%dma_start3A_147 : memref<80xi32, #tpu.memory_space<hbm>>) target(%arg8 : memref<80xi32, #tpu.memory_space<vmem>>) target_semaphore(%run_scoped3A : memref<!tpu.dma_semaphore, #tpu.memory_space<semaphore_mem>>)
        %dma_wait3A_148 = tpu.memref_slice %arg3[%add3A_97] : memref<327680xi32, #tpu.memory_space<hbm>> -> memref<80xi32, #tpu.memory_space<hbm>>
        %dma_wait3A_149 = tpu.memref_slice %arg3[%add3A_97] : memref<327680xi32, #tpu.memory_space<hbm>> -> memref<80xi32, #tpu.memory_space<hbm>>
        tpu.wait_dma2 semaphore(%run_scoped3A : memref<!tpu.dma_semaphore, #tpu.memory_space<semaphore_mem>>) src(%dma_wait3A_149 : memref<80xi32, #tpu.memory_space<hbm>>) dst(%arg8 : memref<80xi32, #tpu.memory_space<vmem>>)
        tpu.yield
      }) : () -> ()
      "tpu.region"() ({
        %run_scoped3A = tpu.sem_alloc : memref<!tpu.dma_semaphore, #tpu.memory_space<semaphore_mem>>
        %dma_start3A_146 = tpu.memref_slice %arg4[%add3A_97] : memref<327680xi32, #tpu.memory_space<hbm>> -> memref<80xi32, #tpu.memory_space<hbm>>
        %dma_start3A_147 = tpu.memref_slice %arg4[%add3A_97] : memref<327680xi32, #tpu.memory_space<hbm>> -> memref<80xi32, #tpu.memory_space<hbm>>
        tpu.enqueue_dma source(%dma_start3A_147 : memref<80xi32, #tpu.memory_space<hbm>>) target(%arg9 : memref<80xi32, #tpu.memory_space<vmem>>) target_semaphore(%run_scoped3A : memref<!tpu.dma_semaphore, #tpu.memory_space<semaphore_mem>>)
        %dma_wait3A_148 = tpu.memref_slice %arg4[%add3A_97] : memref<327680xi32, #tpu.memory_space<hbm>> -> memref<80xi32, #tpu.memory_space<hbm>>
        %dma_wait3A_149 = tpu.memref_slice %arg4[%add3A_97] : memref<327680xi32, #tpu.memory_space<hbm>> -> memref<80xi32, #tpu.memory_space<hbm>>
        tpu.wait_dma2 semaphore(%run_scoped3A : memref<!tpu.dma_semaphore, #tpu.memory_space<semaphore_mem>>) src(%dma_wait3A_149 : memref<80xi32, #tpu.memory_space<hbm>>) dst(%arg9 : memref<80xi32, #tpu.memory_space<vmem>>)
        tpu.yield
      }) : () -> ()
      %dma_start3A_98 = arith.constant 0 : i32
      %dma_start3A_99 = arith.constant 0 : i32
      %dma_start3A_100 = tpu.memref_slice %arg2[%dma_start3A_98, %dma_start3A_99] : memref<10000x128xf32, #tpu.memory_space<hbm>> -> memref<10000x128xf32, #tpu.memory_space<hbm>>
      tpu.enqueue_indirect_dma source(%dma_start3A_100 : memref<10000x128xf32, #tpu.memory_space<hbm>>) target(%arg16 : memref<80x128xf32, #tpu.memory_space<vmem>>) offsets(%arg8 : memref<80xi32, #tpu.memory_space<vmem>>) semaphore(%arg20 : memref<!tpu.dma_semaphore, #tpu.memory_space<semaphore_mem>>)
      %mul3A_101 = arith.constant 4 : i32
      %mul3A_102 = arith.muli %mul3A_101, %while3A_85 : i32
      %add3A_103 = arith.constant 1 : i32
      %add3A_104 = arith.addi %mul3A_102, %add3A_103 : i32
      %dma_wait3A_105 = arith.constant 0 : i32
      %dma_wait3A_106 = arith.constant 0 : i32
      %dma_wait3A_107 = tpu.memref_slice %arg2[%dma_wait3A_105, %dma_wait3A_106] : memref<10000x128xf32, #tpu.memory_space<hbm>> -> memref<10000x128xf32, #tpu.memory_space<hbm>>
      tpu.wait_indirect_dma semaphore(%arg21 : memref<!tpu.dma_semaphore, #tpu.memory_space<semaphore_mem>>) src(%dma_wait3A_107 : memref<10000x128xf32, #tpu.memory_space<hbm>>) dst(%arg17 : memref<80x128xf32, #tpu.memory_space<vmem>>)
      "tpu.region"() ({
        %run_scoped3A = tpu.sem_alloc : memref<!tpu.dma_semaphore, #tpu.memory_space<semaphore_mem>>
        %dma_start3A_146 = arith.constant 0 : i32
        %dma_start3A_147 = arith.constant 0 : i32
        %dma_start3A_148 = tpu.memref_slice %arg7[%dma_start3A_146, %dma_start3A_147] : memref<10240x128xf32, #tpu.memory_space<vmem_shared>> -> memref<10240x128xf32, #tpu.memory_space<vmem_shared>>
        tpu.enqueue_indirect_dma source(%arg17 : memref<80x128xf32, #tpu.memory_space<vmem>>) target(%dma_start3A_148 : memref<10240x128xf32, #tpu.memory_space<vmem_shared>>) offsets(%arg11 : memref<80xi32, #tpu.memory_space<vmem>>) semaphore(%run_scoped3A : memref<!tpu.dma_semaphore, #tpu.memory_space<semaphore_mem>>) {add = true}
        %dma_wait3A_149 = arith.constant 0 : i32
        %dma_wait3A_150 = arith.constant 0 : i32
        %dma_wait3A_151 = tpu.memref_slice %arg7[%dma_wait3A_149, %dma_wait3A_150] : memref<10240x128xf32, #tpu.memory_space<vmem_shared>> -> memref<10240x128xf32, #tpu.memory_space<vmem_shared>>
        tpu.wait_indirect_dma semaphore(%run_scoped3A : memref<!tpu.dma_semaphore, #tpu.memory_space<semaphore_mem>>) src(%arg17 : memref<80x128xf32, #tpu.memory_space<vmem>>) dst(%dma_wait3A_151 : memref<10240x128xf32, #tpu.memory_space<vmem_shared>>)
        tpu.yield
      }) : () -> ()
      %add3A_108 = arith.constant 4 : i32
      %add3A_109 = arith.addi %add3A_104, %add3A_108 : i32
      %mul3A_110 = arith.constant 80 : i32
      %mul3A_111 = arith.muli %add3A_109, %mul3A_110 : i32
      %add3A_112 = arith.addi %mul3A_18, %mul3A_111 : i32
      "tpu.region"() ({
        %run_scoped3A = tpu.sem_alloc : memref<!tpu.dma_semaphore, #tpu.memory_space<semaphore_mem>>
        %dma_start3A_146 = tpu.memref_slice %arg3[%add3A_112] : memref<327680xi32, #tpu.memory_space<hbm>> -> memref<80xi32, #tpu.memory_space<hbm>>
        %dma_start3A_147 = tpu.memref_slice %arg3[%add3A_112] : memref<327680xi32, #tpu.memory_space<hbm>> -> memref<80xi32, #tpu.memory_space<hbm>>
        tpu.enqueue_dma source(%dma_start3A_147 : memref<80xi32, #tpu.memory_space<hbm>>) target(%arg10 : memref<80xi32, #tpu.memory_space<vmem>>) target_semaphore(%run_scoped3A : memref<!tpu.dma_semaphore, #tpu.memory_space<semaphore_mem>>)
        %dma_wait3A_148 = tpu.memref_slice %arg3[%add3A_112] : memref<327680xi32, #tpu.memory_space<hbm>> -> memref<80xi32, #tpu.memory_space<hbm>>
        %dma_wait3A_149 = tpu.memref_slice %arg3[%add3A_112] : memref<327680xi32, #tpu.memory_space<hbm>> -> memref<80xi32, #tpu.memory_space<hbm>>
        tpu.wait_dma2 semaphore(%run_scoped3A : memref<!tpu.dma_semaphore, #tpu.memory_space<semaphore_mem>>) src(%dma_wait3A_149 : memref<80xi32, #tpu.memory_space<hbm>>) dst(%arg10 : memref<80xi32, #tpu.memory_space<vmem>>)
        tpu.yield
      }) : () -> ()
      "tpu.region"() ({
        %run_scoped3A = tpu.sem_alloc : memref<!tpu.dma_semaphore, #tpu.memory_space<semaphore_mem>>
        %dma_start3A_146 = tpu.memref_slice %arg4[%add3A_112] : memref<327680xi32, #tpu.memory_space<hbm>> -> memref<80xi32, #tpu.memory_space<hbm>>
        %dma_start3A_147 = tpu.memref_slice %arg4[%add3A_112] : memref<327680xi32, #tpu.memory_space<hbm>> -> memref<80xi32, #tpu.memory_space<hbm>>
        tpu.enqueue_dma source(%dma_start3A_147 : memref<80xi32, #tpu.memory_space<hbm>>) target(%arg11 : memref<80xi32, #tpu.memory_space<vmem>>) target_semaphore(%run_scoped3A : memref<!tpu.dma_semaphore, #tpu.memory_space<semaphore_mem>>)
        %dma_wait3A_148 = tpu.memref_slice %arg4[%add3A_112] : memref<327680xi32, #tpu.memory_space<hbm>> -> memref<80xi32, #tpu.memory_space<hbm>>
        %dma_wait3A_149 = tpu.memref_slice %arg4[%add3A_112] : memref<327680xi32, #tpu.memory_space<hbm>> -> memref<80xi32, #tpu.memory_space<hbm>>
        tpu.wait_dma2 semaphore(%run_scoped3A : memref<!tpu.dma_semaphore, #tpu.memory_space<semaphore_mem>>) src(%dma_wait3A_149 : memref<80xi32, #tpu.memory_space<hbm>>) dst(%arg11 : memref<80xi32, #tpu.memory_space<vmem>>)
        tpu.yield
      }) : () -> ()
      %dma_start3A_113 = arith.constant 0 : i32
      %dma_start3A_114 = arith.constant 0 : i32
      %dma_start3A_115 = tpu.memref_slice %arg2[%dma_start3A_113, %dma_start3A_114] : memref<10000x128xf32, #tpu.memory_space<hbm>> -> memref<10000x128xf32, #tpu.memory_space<hbm>>
      tpu.enqueue_indirect_dma source(%dma_start3A_115 : memref<10000x128xf32, #tpu.memory_space<hbm>>) target(%arg17 : memref<80x128xf32, #tpu.memory_space<vmem>>) offsets(%arg10 : memref<80xi32, #tpu.memory_space<vmem>>) semaphore(%arg21 : memref<!tpu.dma_semaphore, #tpu.memory_space<semaphore_mem>>)
      %mul3A_116 = arith.constant 4 : i32
      %mul3A_117 = arith.muli %mul3A_116, %while3A_85 : i32
      %add3A_118 = arith.constant 2 : i32
      %add3A_119 = arith.addi %mul3A_117, %add3A_118 : i32
      %dma_wait3A_120 = arith.constant 0 : i32
      %dma_wait3A_121 = arith.constant 0 : i32
      %dma_wait3A_122 = tpu.memref_slice %arg2[%dma_wait3A_120, %dma_wait3A_121] : memref<10000x128xf32, #tpu.memory_space<hbm>> -> memref<10000x128xf32, #tpu.memory_space<hbm>>
      tpu.wait_indirect_dma semaphore(%arg22 : memref<!tpu.dma_semaphore, #tpu.memory_space<semaphore_mem>>) src(%dma_wait3A_122 : memref<10000x128xf32, #tpu.memory_space<hbm>>) dst(%arg18 : memref<80x128xf32, #tpu.memory_space<vmem>>)
      "tpu.region"() ({
        %run_scoped3A = tpu.sem_alloc : memref<!tpu.dma_semaphore, #tpu.memory_space<semaphore_mem>>
        %dma_start3A_146 = arith.constant 0 : i32
        %dma_start3A_147 = arith.constant 0 : i32
        %dma_start3A_148 = tpu.memref_slice %arg7[%dma_start3A_146, %dma_start3A_147] : memref<10240x128xf32, #tpu.memory_space<vmem_shared>> -> memref<10240x128xf32, #tpu.memory_space<vmem_shared>>
        tpu.enqueue_indirect_dma source(%arg18 : memref<80x128xf32, #tpu.memory_space<vmem>>) target(%dma_start3A_148 : memref<10240x128xf32, #tpu.memory_space<vmem_shared>>) offsets(%arg13 : memref<80xi32, #tpu.memory_space<vmem>>) semaphore(%run_scoped3A : memref<!tpu.dma_semaphore, #tpu.memory_space<semaphore_mem>>) {add = true}
        %dma_wait3A_149 = arith.constant 0 : i32
        %dma_wait3A_150 = arith.constant 0 : i32
        %dma_wait3A_151 = tpu.memref_slice %arg7[%dma_wait3A_149, %dma_wait3A_150] : memref<10240x128xf32, #tpu.memory_space<vmem_shared>> -> memref<10240x128xf32, #tpu.memory_space<vmem_shared>>
        tpu.wait_indirect_dma semaphore(%run_scoped3A : memref<!tpu.dma_semaphore, #tpu.memory_space<semaphore_mem>>) src(%arg18 : memref<80x128xf32, #tpu.memory_space<vmem>>) dst(%dma_wait3A_151 : memref<10240x128xf32, #tpu.memory_space<vmem_shared>>)
        tpu.yield
      }) : () -> ()
      %add3A_123 = arith.constant 4 : i32
      %add3A_124 = arith.addi %add3A_119, %add3A_123 : i32
      %mul3A_125 = arith.constant 80 : i32
      %mul3A_126 = arith.muli %add3A_124, %mul3A_125 : i32
      %add3A_127 = arith.addi %mul3A_18, %mul3A_126 : i32
      "tpu.region"() ({
        %run_scoped3A = tpu.sem_alloc : memref<!tpu.dma_semaphore, #tpu.memory_space<semaphore_mem>>
        %dma_start3A_146 = tpu.memref_slice %arg3[%add3A_127] : memref<327680xi32, #tpu.memory_space<hbm>> -> memref<80xi32, #tpu.memory_space<hbm>>
        %dma_start3A_147 = tpu.memref_slice %arg3[%add3A_127] : memref<327680xi32, #tpu.memory_space<hbm>> -> memref<80xi32, #tpu.memory_space<hbm>>
        tpu.enqueue_dma source(%dma_start3A_147 : memref<80xi32, #tpu.memory_space<hbm>>) target(%arg12 : memref<80xi32, #tpu.memory_space<vmem>>) target_semaphore(%run_scoped3A : memref<!tpu.dma_semaphore, #tpu.memory_space<semaphore_mem>>)
        %dma_wait3A_148 = tpu.memref_slice %arg3[%add3A_127] : memref<327680xi32, #tpu.memory_space<hbm>> -> memref<80xi32, #tpu.memory_space<hbm>>
        %dma_wait3A_149 = tpu.memref_slice %arg3[%add3A_127] : memref<327680xi32, #tpu.memory_space<hbm>> -> memref<80xi32, #tpu.memory_space<hbm>>
        tpu.wait_dma2 semaphore(%run_scoped3A : memref<!tpu.dma_semaphore, #tpu.memory_space<semaphore_mem>>) src(%dma_wait3A_149 : memref<80xi32, #tpu.memory_space<hbm>>) dst(%arg12 : memref<80xi32, #tpu.memory_space<vmem>>)
        tpu.yield
      }) : () -> ()
      "tpu.region"() ({
        %run_scoped3A = tpu.sem_alloc : memref<!tpu.dma_semaphore, #tpu.memory_space<semaphore_mem>>
        %dma_start3A_146 = tpu.memref_slice %arg4[%add3A_127] : memref<327680xi32, #tpu.memory_space<hbm>> -> memref<80xi32, #tpu.memory_space<hbm>>
        %dma_start3A_147 = tpu.memref_slice %arg4[%add3A_127] : memref<327680xi32, #tpu.memory_space<hbm>> -> memref<80xi32, #tpu.memory_space<hbm>>
        tpu.enqueue_dma source(%dma_start3A_147 : memref<80xi32, #tpu.memory_space<hbm>>) target(%arg13 : memref<80xi32, #tpu.memory_space<vmem>>) target_semaphore(%run_scoped3A : memref<!tpu.dma_semaphore, #tpu.memory_space<semaphore_mem>>)
        %dma_wait3A_148 = tpu.memref_slice %arg4[%add3A_127] : memref<327680xi32, #tpu.memory_space<hbm>> -> memref<80xi32, #tpu.memory_space<hbm>>
        %dma_wait3A_149 = tpu.memref_slice %arg4[%add3A_127] : memref<327680xi32, #tpu.memory_space<hbm>> -> memref<80xi32, #tpu.memory_space<hbm>>
        tpu.wait_dma2 semaphore(%run_scoped3A : memref<!tpu.dma_semaphore, #tpu.memory_space<semaphore_mem>>) src(%dma_wait3A_149 : memref<80xi32, #tpu.memory_space<hbm>>) dst(%arg13 : memref<80xi32, #tpu.memory_space<vmem>>)
        tpu.yield
      }) : () -> ()
      %dma_start3A_128 = arith.constant 0 : i32
      %dma_start3A_129 = arith.constant 0 : i32
      %dma_start3A_130 = tpu.memref_slice %arg2[%dma_start3A_128, %dma_start3A_129] : memref<10000x128xf32, #tpu.memory_space<hbm>> -> memref<10000x128xf32, #tpu.memory_space<hbm>>
      tpu.enqueue_indirect_dma source(%dma_start3A_130 : memref<10000x128xf32, #tpu.memory_space<hbm>>) target(%arg18 : memref<80x128xf32, #tpu.memory_space<vmem>>) offsets(%arg12 : memref<80xi32, #tpu.memory_space<vmem>>) semaphore(%arg22 : memref<!tpu.dma_semaphore, #tpu.memory_space<semaphore_mem>>)
      %mul3A_131 = arith.constant 4 : i32
      %mul3A_132 = arith.muli %mul3A_131, %while3A_85 : i32
      %add3A_133 = arith.constant 3 : i32
      %add3A_134 = arith.addi %mul3A_132, %add3A_133 : i32
      %dma_wait3A_135 = arith.constant 0 : i32
      %dma_wait3A_136 = arith.constant 0 : i32
      %dma_wait3A_137 = tpu.memref_slice %arg2[%dma_wait3A_135, %dma_wait3A_136] : memref<10000x128xf32, #tpu.memory_space<hbm>> -> memref<10000x128xf32, #tpu.memory_space<hbm>>
      tpu.wait_indirect_dma semaphore(%arg23 : memref<!tpu.dma_semaphore, #tpu.memory_space<semaphore_mem>>) src(%dma_wait3A_137 : memref<10000x128xf32, #tpu.memory_space<hbm>>) dst(%arg19 : memref<80x128xf32, #tpu.memory_space<vmem>>)
      "tpu.region"() ({
        %run_scoped3A = tpu.sem_alloc : memref<!tpu.dma_semaphore, #tpu.memory_space<semaphore_mem>>
        %dma_start3A_146 = arith.constant 0 : i32
        %dma_start3A_147 = arith.constant 0 : i32
        %dma_start3A_148 = tpu.memref_slice %arg7[%dma_start3A_146, %dma_start3A_147] : memref<10240x128xf32, #tpu.memory_space<vmem_shared>> -> memref<10240x128xf32, #tpu.memory_space<vmem_shared>>
        tpu.enqueue_indirect_dma source(%arg19 : memref<80x128xf32, #tpu.memory_space<vmem>>) target(%dma_start3A_148 : memref<10240x128xf32, #tpu.memory_space<vmem_shared>>) offsets(%arg15 : memref<80xi32, #tpu.memory_space<vmem>>) semaphore(%run_scoped3A : memref<!tpu.dma_semaphore, #tpu.memory_space<semaphore_mem>>) {add = true}
        %dma_wait3A_149 = arith.constant 0 : i32
        %dma_wait3A_150 = arith.constant 0 : i32
        %dma_wait3A_151 = tpu.memref_slice %arg7[%dma_wait3A_149, %dma_wait3A_150] : memref<10240x128xf32, #tpu.memory_space<vmem_shared>> -> memref<10240x128xf32, #tpu.memory_space<vmem_shared>>
        tpu.wait_indirect_dma semaphore(%run_scoped3A : memref<!tpu.dma_semaphore, #tpu.memory_space<semaphore_mem>>) src(%arg19 : memref<80x128xf32, #tpu.memory_space<vmem>>) dst(%dma_wait3A_151 : memref<10240x128xf32, #tpu.memory_space<vmem_shared>>)
        tpu.yield
      }) : () -> ()
      %add3A_138 = arith.constant 4 : i32
      %add3A_139 = arith.addi %add3A_134, %add3A_138 : i32
      %mul3A_140 = arith.constant 80 : i32
      %mul3A_141 = arith.muli %add3A_139, %mul3A_140 : i32
      %add3A_142 = arith.addi %mul3A_18, %mul3A_141 : i32
      "tpu.region"() ({
        %run_scoped3A = tpu.sem_alloc : memref<!tpu.dma_semaphore, #tpu.memory_space<semaphore_mem>>
        %dma_start3A_146 = tpu.memref_slice %arg3[%add3A_142] : memref<327680xi32, #tpu.memory_space<hbm>> -> memref<80xi32, #tpu.memory_space<hbm>>
        %dma_start3A_147 = tpu.memref_slice %arg3[%add3A_142] : memref<327680xi32, #tpu.memory_space<hbm>> -> memref<80xi32, #tpu.memory_space<hbm>>
        tpu.enqueue_dma source(%dma_start3A_147 : memref<80xi32, #tpu.memory_space<hbm>>) target(%arg14 : memref<80xi32, #tpu.memory_space<vmem>>) target_semaphore(%run_scoped3A : memref<!tpu.dma_semaphore, #tpu.memory_space<semaphore_mem>>)
        %dma_wait3A_148 = tpu.memref_slice %arg3[%add3A_142] : memref<327680xi32, #tpu.memory_space<hbm>> -> memref<80xi32, #tpu.memory_space<hbm>>
        %dma_wait3A_149 = tpu.memref_slice %arg3[%add3A_142] : memref<327680xi32, #tpu.memory_space<hbm>> -> memref<80xi32, #tpu.memory_space<hbm>>
        tpu.wait_dma2 semaphore(%run_scoped3A : memref<!tpu.dma_semaphore, #tpu.memory_space<semaphore_mem>>) src(%dma_wait3A_149 : memref<80xi32, #tpu.memory_space<hbm>>) dst(%arg14 : memref<80xi32, #tpu.memory_space<vmem>>)
        tpu.yield
      }) : () -> ()
      "tpu.region"() ({
        %run_scoped3A = tpu.sem_alloc : memref<!tpu.dma_semaphore, #tpu.memory_space<semaphore_mem>>
        %dma_start3A_146 = tpu.memref_slice %arg4[%add3A_142] : memref<327680xi32, #tpu.memory_space<hbm>> -> memref<80xi32, #tpu.memory_space<hbm>>
        %dma_start3A_147 = tpu.memref_slice %arg4[%add3A_142] : memref<327680xi32, #tpu.memory_space<hbm>> -> memref<80xi32, #tpu.memory_space<hbm>>
        tpu.enqueue_dma source(%dma_start3A_147 : memref<80xi32, #tpu.memory_space<hbm>>) target(%arg15 : memref<80xi32, #tpu.memory_space<vmem>>) target_semaphore(%run_scoped3A : memref<!tpu.dma_semaphore, #tpu.memory_space<semaphore_mem>>)
        %dma_wait3A_148 = tpu.memref_slice %arg4[%add3A_142] : memref<327680xi32, #tpu.memory_space<hbm>> -> memref<80xi32, #tpu.memory_space<hbm>>
        %dma_wait3A_149 = tpu.memref_slice %arg4[%add3A_142] : memref<327680xi32, #tpu.memory_space<hbm>> -> memref<80xi32, #tpu.memory_space<hbm>>
        tpu.wait_dma2 semaphore(%run_scoped3A : memref<!tpu.dma_semaphore, #tpu.memory_space<semaphore_mem>>) src(%dma_wait3A_149 : memref<80xi32, #tpu.memory_space<hbm>>) dst(%arg15 : memref<80xi32, #tpu.memory_space<vmem>>)
        tpu.yield
      }) : () -> ()
      %dma_start3A_143 = arith.constant 0 : i32
      %dma_start3A_144 = arith.constant 0 : i32
      %dma_start3A_145 = tpu.memref_slice %arg2[%dma_start3A_143, %dma_start3A_144] : memref<10000x128xf32, #tpu.memory_space<hbm>> -> memref<10000x128xf32, #tpu.memory_space<hbm>>
      tpu.enqueue_indirect_dma source(%dma_start3A_145 : memref<10000x128xf32, #tpu.memory_space<hbm>>) target(%arg19 : memref<80x128xf32, #tpu.memory_space<vmem>>) offsets(%arg14 : memref<80xi32, #tpu.memory_space<vmem>>) semaphore(%arg23 : memref<!tpu.dma_semaphore, #tpu.memory_space<semaphore_mem>>)
    }
    %while3A_66 = arith.constant 1 : i32
    scf.for %while3A_85 = %while3A_64 to %while3A_60 step %while3A_66  : i32 {
      %mul3A_86 = arith.constant 4 : i32
      %mul3A_87 = arith.muli %mul3A_86, %while3A_85 : i32
      %add3A_88 = arith.constant 0 : i32
      %add3A_89 = arith.addi %mul3A_87, %add3A_88 : i32
      %dma_wait3A_90 = arith.constant 0 : i32
      %dma_wait3A_91 = arith.constant 0 : i32
      %dma_wait3A_92 = tpu.memref_slice %arg2[%dma_wait3A_90, %dma_wait3A_91] : memref<10000x128xf32, #tpu.memory_space<hbm>> -> memref<10000x128xf32, #tpu.memory_space<hbm>>
      tpu.wait_indirect_dma semaphore(%arg20 : memref<!tpu.dma_semaphore, #tpu.memory_space<semaphore_mem>>) src(%dma_wait3A_92 : memref<10000x128xf32, #tpu.memory_space<hbm>>) dst(%arg16 : memref<80x128xf32, #tpu.memory_space<vmem>>)
      "tpu.region"() ({
        %run_scoped3A = tpu.sem_alloc : memref<!tpu.dma_semaphore, #tpu.memory_space<semaphore_mem>>
        %dma_start3A_146 = arith.constant 0 : i32
        %dma_start3A_147 = arith.constant 0 : i32
        %dma_start3A_148 = tpu.memref_slice %arg7[%dma_start3A_146, %dma_start3A_147] : memref<10240x128xf32, #tpu.memory_space<vmem_shared>> -> memref<10240x128xf32, #tpu.memory_space<vmem_shared>>
        tpu.enqueue_indirect_dma source(%arg16 : memref<80x128xf32, #tpu.memory_space<vmem>>) target(%dma_start3A_148 : memref<10240x128xf32, #tpu.memory_space<vmem_shared>>) offsets(%arg9 : memref<80xi32, #tpu.memory_space<vmem>>) semaphore(%run_scoped3A : memref<!tpu.dma_semaphore, #tpu.memory_space<semaphore_mem>>) {add = true}
        %dma_wait3A_149 = arith.constant 0 : i32
        %dma_wait3A_150 = arith.constant 0 : i32
        %dma_wait3A_151 = tpu.memref_slice %arg7[%dma_wait3A_149, %dma_wait3A_150] : memref<10240x128xf32, #tpu.memory_space<vmem_shared>> -> memref<10240x128xf32, #tpu.memory_space<vmem_shared>>
        tpu.wait_indirect_dma semaphore(%run_scoped3A : memref<!tpu.dma_semaphore, #tpu.memory_space<semaphore_mem>>) src(%arg16 : memref<80x128xf32, #tpu.memory_space<vmem>>) dst(%dma_wait3A_151 : memref<10240x128xf32, #tpu.memory_space<vmem_shared>>)
        tpu.yield
      }) : () -> ()
      %add3A_93 = arith.constant 4 : i32
      %add3A_94 = arith.addi %add3A_89, %add3A_93 : i32
      %mul3A_95 = arith.constant 80 : i32
      %mul3A_96 = arith.muli %add3A_94, %mul3A_95 : i32
      %add3A_97 = arith.addi %mul3A_18, %mul3A_96 : i32
      "tpu.region"() ({
        %run_scoped3A = tpu.sem_alloc : memref<!tpu.dma_semaphore, #tpu.memory_space<semaphore_mem>>
        %dma_start3A_146 = tpu.memref_slice %arg3[%add3A_97] : memref<327680xi32, #tpu.memory_space<hbm>> -> memref<80xi32, #tpu.memory_space<hbm>>
        %dma_start3A_147 = tpu.memref_slice %arg3[%add3A_97] : memref<327680xi32, #tpu.memory_space<hbm>> -> memref<80xi32, #tpu.memory_space<hbm>>
        tpu.enqueue_dma source(%dma_start3A_147 : memref<80xi32, #tpu.memory_space<hbm>>) target(%arg8 : memref<80xi32, #tpu.memory_space<vmem>>) target_semaphore(%run_scoped3A : memref<!tpu.dma_semaphore, #tpu.memory_space<semaphore_mem>>)
        %dma_wait3A_148 = tpu.memref_slice %arg3[%add3A_97] : memref<327680xi32, #tpu.memory_space<hbm>> -> memref<80xi32, #tpu.memory_space<hbm>>
        %dma_wait3A_149 = tpu.memref_slice %arg3[%add3A_97] : memref<327680xi32, #tpu.memory_space<hbm>> -> memref<80xi32, #tpu.memory_space<hbm>>
        tpu.wait_dma2 semaphore(%run_scoped3A : memref<!tpu.dma_semaphore, #tpu.memory_space<semaphore_mem>>) src(%dma_wait3A_149 : memref<80xi32, #tpu.memory_space<hbm>>) dst(%arg8 : memref<80xi32, #tpu.memory_space<vmem>>)
        tpu.yield
      }) : () -> ()
      "tpu.region"() ({
        %run_scoped3A = tpu.sem_alloc : memref<!tpu.dma_semaphore, #tpu.memory_space<semaphore_mem>>
        %dma_start3A_146 = tpu.memref_slice %arg4[%add3A_97] : memref<327680xi32, #tpu.memory_space<hbm>> -> memref<80xi32, #tpu.memory_space<hbm>>
        %dma_start3A_147 = tpu.memref_slice %arg4[%add3A_97] : memref<327680xi32, #tpu.memory_space<hbm>> -> memref<80xi32, #tpu.memory_space<hbm>>
        tpu.enqueue_dma source(%dma_start3A_147 : memref<80xi32, #tpu.memory_space<hbm>>) target(%arg9 : memref<80xi32, #tpu.memory_space<vmem>>) target_semaphore(%run_scoped3A : memref<!tpu.dma_semaphore, #tpu.memory_space<semaphore_mem>>)
        %dma_wait3A_148 = tpu.memref_slice %arg4[%add3A_97] : memref<327680xi32, #tpu.memory_space<hbm>> -> memref<80xi32, #tpu.memory_space<hbm>>
        %dma_wait3A_149 = tpu.memref_slice %arg4[%add3A_97] : memref<327680xi32, #tpu.memory_space<hbm>> -> memref<80xi32, #tpu.memory_space<hbm>>
        tpu.wait_dma2 semaphore(%run_scoped3A : memref<!tpu.dma_semaphore, #tpu.memory_space<semaphore_mem>>) src(%dma_wait3A_149 : memref<80xi32, #tpu.memory_space<hbm>>) dst(%arg9 : memref<80xi32, #tpu.memory_space<vmem>>)
        tpu.yield
      }) : () -> ()
      %dma_start3A_98 = arith.constant 0 : i32
      %dma_start3A_99 = arith.constant 0 : i32
      %dma_start3A_100 = tpu.memref_slice %arg2[%dma_start3A_98, %dma_start3A_99] : memref<10000x128xf32, #tpu.memory_space<hbm>> -> memref<10000x128xf32, #tpu.memory_space<hbm>>
      tpu.enqueue_indirect_dma source(%dma_start3A_100 : memref<10000x128xf32, #tpu.memory_space<hbm>>) target(%arg16 : memref<80x128xf32, #tpu.memory_space<vmem>>) offsets(%arg8 : memref<80xi32, #tpu.memory_space<vmem>>) semaphore(%arg20 : memref<!tpu.dma_semaphore, #tpu.memory_space<semaphore_mem>>)
      %mul3A_101 = arith.constant 4 : i32
      %mul3A_102 = arith.muli %mul3A_101, %while3A_85 : i32
      %add3A_103 = arith.constant 1 : i32
      %add3A_104 = arith.addi %mul3A_102, %add3A_103 : i32
      %dma_wait3A_105 = arith.constant 0 : i32
      %dma_wait3A_106 = arith.constant 0 : i32
      %dma_wait3A_107 = tpu.memref_slice %arg2[%dma_wait3A_105, %dma_wait3A_106] : memref<10000x128xf32, #tpu.memory_space<hbm>> -> memref<10000x128xf32, #tpu.memory_space<hbm>>
      tpu.wait_indirect_dma semaphore(%arg21 : memref<!tpu.dma_semaphore, #tpu.memory_space<semaphore_mem>>) src(%dma_wait3A_107 : memref<10000x128xf32, #tpu.memory_space<hbm>>) dst(%arg17 : memref<80x128xf32, #tpu.memory_space<vmem>>)
      "tpu.region"() ({
        %run_scoped3A = tpu.sem_alloc : memref<!tpu.dma_semaphore, #tpu.memory_space<semaphore_mem>>
        %dma_start3A_146 = arith.constant 0 : i32
        %dma_start3A_147 = arith.constant 0 : i32
        %dma_start3A_148 = tpu.memref_slice %arg7[%dma_start3A_146, %dma_start3A_147] : memref<10240x128xf32, #tpu.memory_space<vmem_shared>> -> memref<10240x128xf32, #tpu.memory_space<vmem_shared>>
        tpu.enqueue_indirect_dma source(%arg17 : memref<80x128xf32, #tpu.memory_space<vmem>>) target(%dma_start3A_148 : memref<10240x128xf32, #tpu.memory_space<vmem_shared>>) offsets(%arg11 : memref<80xi32, #tpu.memory_space<vmem>>) semaphore(%run_scoped3A : memref<!tpu.dma_semaphore, #tpu.memory_space<semaphore_mem>>) {add = true}
        %dma_wait3A_149 = arith.constant 0 : i32
        %dma_wait3A_150 = arith.constant 0 : i32
        %dma_wait3A_151 = tpu.memref_slice %arg7[%dma_wait3A_149, %dma_wait3A_150] : memref<10240x128xf32, #tpu.memory_space<vmem_shared>> -> memref<10240x128xf32, #tpu.memory_space<vmem_shared>>
        tpu.wait_indirect_dma semaphore(%run_scoped3A : memref<!tpu.dma_semaphore, #tpu.memory_space<semaphore_mem>>) src(%arg17 : memref<80x128xf32, #tpu.memory_space<vmem>>) dst(%dma_wait3A_151 : memref<10240x128xf32, #tpu.memory_space<vmem_shared>>)
        tpu.yield
      }) : () -> ()
      %add3A_108 = arith.constant 4 : i32
      %add3A_109 = arith.addi %add3A_104, %add3A_108 : i32
      %mul3A_110 = arith.constant 80 : i32
      %mul3A_111 = arith.muli %add3A_109, %mul3A_110 : i32
      %add3A_112 = arith.addi %mul3A_18, %mul3A_111 : i32
      "tpu.region"() ({
        %run_scoped3A = tpu.sem_alloc : memref<!tpu.dma_semaphore, #tpu.memory_space<semaphore_mem>>
        %dma_start3A_146 = tpu.memref_slice %arg3[%add3A_112] : memref<327680xi32, #tpu.memory_space<hbm>> -> memref<80xi32, #tpu.memory_space<hbm>>
        %dma_start3A_147 = tpu.memref_slice %arg3[%add3A_112] : memref<327680xi32, #tpu.memory_space<hbm>> -> memref<80xi32, #tpu.memory_space<hbm>>
        tpu.enqueue_dma source(%dma_start3A_147 : memref<80xi32, #tpu.memory_space<hbm>>) target(%arg10 : memref<80xi32, #tpu.memory_space<vmem>>) target_semaphore(%run_scoped3A : memref<!tpu.dma_semaphore, #tpu.memory_space<semaphore_mem>>)
        %dma_wait3A_148 = tpu.memref_slice %arg3[%add3A_112] : memref<327680xi32, #tpu.memory_space<hbm>> -> memref<80xi32, #tpu.memory_space<hbm>>
        %dma_wait3A_149 = tpu.memref_slice %arg3[%add3A_112] : memref<327680xi32, #tpu.memory_space<hbm>> -> memref<80xi32, #tpu.memory_space<hbm>>
        tpu.wait_dma2 semaphore(%run_scoped3A : memref<!tpu.dma_semaphore, #tpu.memory_space<semaphore_mem>>) src(%dma_wait3A_149 : memref<80xi32, #tpu.memory_space<hbm>>) dst(%arg10 : memref<80xi32, #tpu.memory_space<vmem>>)
        tpu.yield
      }) : () -> ()
      "tpu.region"() ({
        %run_scoped3A = tpu.sem_alloc : memref<!tpu.dma_semaphore, #tpu.memory_space<semaphore_mem>>
        %dma_start3A_146 = tpu.memref_slice %arg4[%add3A_112] : memref<327680xi32, #tpu.memory_space<hbm>> -> memref<80xi32, #tpu.memory_space<hbm>>
        %dma_start3A_147 = tpu.memref_slice %arg4[%add3A_112] : memref<327680xi32, #tpu.memory_space<hbm>> -> memref<80xi32, #tpu.memory_space<hbm>>
        tpu.enqueue_dma source(%dma_start3A_147 : memref<80xi32, #tpu.memory_space<hbm>>) target(%arg11 : memref<80xi32, #tpu.memory_space<vmem>>) target_semaphore(%run_scoped3A : memref<!tpu.dma_semaphore, #tpu.memory_space<semaphore_mem>>)
        %dma_wait3A_148 = tpu.memref_slice %arg4[%add3A_112] : memref<327680xi32, #tpu.memory_space<hbm>> -> memref<80xi32, #tpu.memory_space<hbm>>
        %dma_wait3A_149 = tpu.memref_slice %arg4[%add3A_112] : memref<327680xi32, #tpu.memory_space<hbm>> -> memref<80xi32, #tpu.memory_space<hbm>>
        tpu.wait_dma2 semaphore(%run_scoped3A : memref<!tpu.dma_semaphore, #tpu.memory_space<semaphore_mem>>) src(%dma_wait3A_149 : memref<80xi32, #tpu.memory_space<hbm>>) dst(%arg11 : memref<80xi32, #tpu.memory_space<vmem>>)
        tpu.yield
      }) : () -> ()
      %dma_start3A_113 = arith.constant 0 : i32
      %dma_start3A_114 = arith.constant 0 : i32
      %dma_start3A_115 = tpu.memref_slice %arg2[%dma_start3A_113, %dma_start3A_114] : memref<10000x128xf32, #tpu.memory_space<hbm>> -> memref<10000x128xf32, #tpu.memory_space<hbm>>
      tpu.enqueue_indirect_dma source(%dma_start3A_115 : memref<10000x128xf32, #tpu.memory_space<hbm>>) target(%arg17 : memref<80x128xf32, #tpu.memory_space<vmem>>) offsets(%arg10 : memref<80xi32, #tpu.memory_space<vmem>>) semaphore(%arg21 : memref<!tpu.dma_semaphore, #tpu.memory_space<semaphore_mem>>)
      %mul3A_116 = arith.constant 4 : i32
      %mul3A_117 = arith.muli %mul3A_116, %while3A_85 : i32
      %add3A_118 = arith.constant 2 : i32
      %add3A_119 = arith.addi %mul3A_117, %add3A_118 : i32
      %dma_wait3A_120 = arith.constant 0 : i32
      %dma_wait3A_121 = arith.constant 0 : i32
      %dma_wait3A_122 = tpu.memref_slice %arg2[%dma_wait3A_120, %dma_wait3A_121] : memref<10000x128xf32, #tpu.memory_space<hbm>> -> memref<10000x128xf32, #tpu.memory_space<hbm>>
      tpu.wait_indirect_dma semaphore(%arg22 : memref<!tpu.dma_semaphore, #tpu.memory_space<semaphore_mem>>) src(%dma_wait3A_122 : memref<10000x128xf32, #tpu.memory_space<hbm>>) dst(%arg18 : memref<80x128xf32, #tpu.memory_space<vmem>>)
      "tpu.region"() ({
        %run_scoped3A = tpu.sem_alloc : memref<!tpu.dma_semaphore, #tpu.memory_space<semaphore_mem>>
        %dma_start3A_146 = arith.constant 0 : i32
        %dma_start3A_147 = arith.constant 0 : i32
        %dma_start3A_148 = tpu.memref_slice %arg7[%dma_start3A_146, %dma_start3A_147] : memref<10240x128xf32, #tpu.memory_space<vmem_shared>> -> memref<10240x128xf32, #tpu.memory_space<vmem_shared>>
        tpu.enqueue_indirect_dma source(%arg18 : memref<80x128xf32, #tpu.memory_space<vmem>>) target(%dma_start3A_148 : memref<10240x128xf32, #tpu.memory_space<vmem_shared>>) offsets(%arg13 : memref<80xi32, #tpu.memory_space<vmem>>) semaphore(%run_scoped3A : memref<!tpu.dma_semaphore, #tpu.memory_space<semaphore_mem>>) {add = true}
        %dma_wait3A_149 = arith.constant 0 : i32
        %dma_wait3A_150 = arith.constant 0 : i32
        %dma_wait3A_151 = tpu.memref_slice %arg7[%dma_wait3A_149, %dma_wait3A_150] : memref<10240x128xf32, #tpu.memory_space<vmem_shared>> -> memref<10240x128xf32, #tpu.memory_space<vmem_shared>>
        tpu.wait_indirect_dma semaphore(%run_scoped3A : memref<!tpu.dma_semaphore, #tpu.memory_space<semaphore_mem>>) src(%arg18 : memref<80x128xf32, #tpu.memory_space<vmem>>) dst(%dma_wait3A_151 : memref<10240x128xf32, #tpu.memory_space<vmem_shared>>)
        tpu.yield
      }) : () -> ()
      %add3A_123 = arith.constant 4 : i32
      %add3A_124 = arith.addi %add3A_119, %add3A_123 : i32
      %mul3A_125 = arith.constant 80 : i32
      %mul3A_126 = arith.muli %add3A_124, %mul3A_125 : i32
      %add3A_127 = arith.addi %mul3A_18, %mul3A_126 : i32
      "tpu.region"() ({
        %run_scoped3A = tpu.sem_alloc : memref<!tpu.dma_semaphore, #tpu.memory_space<semaphore_mem>>
        %dma_start3A_146 = tpu.memref_slice %arg3[%add3A_127] : memref<327680xi32, #tpu.memory_space<hbm>> -> memref<80xi32, #tpu.memory_space<hbm>>
        %dma_start3A_147 = tpu.memref_slice %arg3[%add3A_127] : memref<327680xi32, #tpu.memory_space<hbm>> -> memref<80xi32, #tpu.memory_space<hbm>>
        tpu.enqueue_dma source(%dma_start3A_147 : memref<80xi32, #tpu.memory_space<hbm>>) target(%arg12 : memref<80xi32, #tpu.memory_space<vmem>>) target_semaphore(%run_scoped3A : memref<!tpu.dma_semaphore, #tpu.memory_space<semaphore_mem>>)
        %dma_wait3A_148 = tpu.memref_slice %arg3[%add3A_127] : memref<327680xi32, #tpu.memory_space<hbm>> -> memref<80xi32, #tpu.memory_space<hbm>>
        %dma_wait3A_149 = tpu.memref_slice %arg3[%add3A_127] : memref<327680xi32, #tpu.memory_space<hbm>> -> memref<80xi32, #tpu.memory_space<hbm>>
        tpu.wait_dma2 semaphore(%run_scoped3A : memref<!tpu.dma_semaphore, #tpu.memory_space<semaphore_mem>>) src(%dma_wait3A_149 : memref<80xi32, #tpu.memory_space<hbm>>) dst(%arg12 : memref<80xi32, #tpu.memory_space<vmem>>)
        tpu.yield
      }) : () -> ()
      "tpu.region"() ({
        %run_scoped3A = tpu.sem_alloc : memref<!tpu.dma_semaphore, #tpu.memory_space<semaphore_mem>>
        %dma_start3A_146 = tpu.memref_slice %arg4[%add3A_127] : memref<327680xi32, #tpu.memory_space<hbm>> -> memref<80xi32, #tpu.memory_space<hbm>>
        %dma_start3A_147 = tpu.memref_slice %arg4[%add3A_127] : memref<327680xi32, #tpu.memory_space<hbm>> -> memref<80xi32, #tpu.memory_space<hbm>>
        tpu.enqueue_dma source(%dma_start3A_147 : memref<80xi32, #tpu.memory_space<hbm>>) target(%arg13 : memref<80xi32, #tpu.memory_space<vmem>>) target_semaphore(%run_scoped3A : memref<!tpu.dma_semaphore, #tpu.memory_space<semaphore_mem>>)
        %dma_wait3A_148 = tpu.memref_slice %arg4[%add3A_127] : memref<327680xi32, #tpu.memory_space<hbm>> -> memref<80xi32, #tpu.memory_space<hbm>>
        %dma_wait3A_149 = tpu.memref_slice %arg4[%add3A_127] : memref<327680xi32, #tpu.memory_space<hbm>> -> memref<80xi32, #tpu.memory_space<hbm>>
        tpu.wait_dma2 semaphore(%run_scoped3A : memref<!tpu.dma_semaphore, #tpu.memory_space<semaphore_mem>>) src(%dma_wait3A_149 : memref<80xi32, #tpu.memory_space<hbm>>) dst(%arg13 : memref<80xi32, #tpu.memory_space<vmem>>)
        tpu.yield
      }) : () -> ()
      %dma_start3A_128 = arith.constant 0 : i32
      %dma_start3A_129 = arith.constant 0 : i32
      %dma_start3A_130 = tpu.memref_slice %arg2[%dma_start3A_128, %dma_start3A_129] : memref<10000x128xf32, #tpu.memory_space<hbm>> -> memref<10000x128xf32, #tpu.memory_space<hbm>>
      tpu.enqueue_indirect_dma source(%dma_start3A_130 : memref<10000x128xf32, #tpu.memory_space<hbm>>) target(%arg18 : memref<80x128xf32, #tpu.memory_space<vmem>>) offsets(%arg12 : memref<80xi32, #tpu.memory_space<vmem>>) semaphore(%arg22 : memref<!tpu.dma_semaphore, #tpu.memory_space<semaphore_mem>>)
      %mul3A_131 = arith.constant 4 : i32
      %mul3A_132 = arith.muli %mul3A_131, %while3A_85 : i32
      %add3A_133 = arith.constant 3 : i32
      %add3A_134 = arith.addi %mul3A_132, %add3A_133 : i32
      %dma_wait3A_135 = arith.constant 0 : i32
      %dma_wait3A_136 = arith.constant 0 : i32
      %dma_wait3A_137 = tpu.memref_slice %arg2[%dma_wait3A_135, %dma_wait3A_136] : memref<10000x128xf32, #tpu.memory_space<hbm>> -> memref<10000x128xf32, #tpu.memory_space<hbm>>
      tpu.wait_indirect_dma semaphore(%arg23 : memref<!tpu.dma_semaphore, #tpu.memory_space<semaphore_mem>>) src(%dma_wait3A_137 : memref<10000x128xf32, #tpu.memory_space<hbm>>) dst(%arg19 : memref<80x128xf32, #tpu.memory_space<vmem>>)
      "tpu.region"() ({
        %run_scoped3A = tpu.sem_alloc : memref<!tpu.dma_semaphore, #tpu.memory_space<semaphore_mem>>
        %dma_start3A_146 = arith.constant 0 : i32
        %dma_start3A_147 = arith.constant 0 : i32
        %dma_start3A_148 = tpu.memref_slice %arg7[%dma_start3A_146, %dma_start3A_147] : memref<10240x128xf32, #tpu.memory_space<vmem_shared>> -> memref<10240x128xf32, #tpu.memory_space<vmem_shared>>
        tpu.enqueue_indirect_dma source(%arg19 : memref<80x128xf32, #tpu.memory_space<vmem>>) target(%dma_start3A_148 : memref<10240x128xf32, #tpu.memory_space<vmem_shared>>) offsets(%arg15 : memref<80xi32, #tpu.memory_space<vmem>>) semaphore(%run_scoped3A : memref<!tpu.dma_semaphore, #tpu.memory_space<semaphore_mem>>) {add = true}
        %dma_wait3A_149 = arith.constant 0 : i32
        %dma_wait3A_150 = arith.constant 0 : i32
        %dma_wait3A_151 = tpu.memref_slice %arg7[%dma_wait3A_149, %dma_wait3A_150] : memref<10240x128xf32, #tpu.memory_space<vmem_shared>> -> memref<10240x128xf32, #tpu.memory_space<vmem_shared>>
        tpu.wait_indirect_dma semaphore(%run_scoped3A : memref<!tpu.dma_semaphore, #tpu.memory_space<semaphore_mem>>) src(%arg19 : memref<80x128xf32, #tpu.memory_space<vmem>>) dst(%dma_wait3A_151 : memref<10240x128xf32, #tpu.memory_space<vmem_shared>>)
        tpu.yield
      }) : () -> ()
      %add3A_138 = arith.constant 4 : i32
      %add3A_139 = arith.addi %add3A_134, %add3A_138 : i32
      %mul3A_140 = arith.constant 80 : i32
      %mul3A_141 = arith.muli %add3A_139, %mul3A_140 : i32
      %add3A_142 = arith.addi %mul3A_18, %mul3A_141 : i32
      "tpu.region"() ({
        %run_scoped3A = tpu.sem_alloc : memref<!tpu.dma_semaphore, #tpu.memory_space<semaphore_mem>>
        %dma_start3A_146 = tpu.memref_slice %arg3[%add3A_142] : memref<327680xi32, #tpu.memory_space<hbm>> -> memref<80xi32, #tpu.memory_space<hbm>>
        %dma_start3A_147 = tpu.memref_slice %arg3[%add3A_142] : memref<327680xi32, #tpu.memory_space<hbm>> -> memref<80xi32, #tpu.memory_space<hbm>>
        tpu.enqueue_dma source(%dma_start3A_147 : memref<80xi32, #tpu.memory_space<hbm>>) target(%arg14 : memref<80xi32, #tpu.memory_space<vmem>>) target_semaphore(%run_scoped3A : memref<!tpu.dma_semaphore, #tpu.memory_space<semaphore_mem>>)
        %dma_wait3A_148 = tpu.memref_slice %arg3[%add3A_142] : memref<327680xi32, #tpu.memory_space<hbm>> -> memref<80xi32, #tpu.memory_space<hbm>>
        %dma_wait3A_149 = tpu.memref_slice %arg3[%add3A_142] : memref<327680xi32, #tpu.memory_space<hbm>> -> memref<80xi32, #tpu.memory_space<hbm>>
        tpu.wait_dma2 semaphore(%run_scoped3A : memref<!tpu.dma_semaphore, #tpu.memory_space<semaphore_mem>>) src(%dma_wait3A_149 : memref<80xi32, #tpu.memory_space<hbm>>) dst(%arg14 : memref<80xi32, #tpu.memory_space<vmem>>)
        tpu.yield
      }) : () -> ()
      "tpu.region"() ({
        %run_scoped3A = tpu.sem_alloc : memref<!tpu.dma_semaphore, #tpu.memory_space<semaphore_mem>>
        %dma_start3A_146 = tpu.memref_slice %arg4[%add3A_142] : memref<327680xi32, #tpu.memory_space<hbm>> -> memref<80xi32, #tpu.memory_space<hbm>>
        %dma_start3A_147 = tpu.memref_slice %arg4[%add3A_142] : memref<327680xi32, #tpu.memory_space<hbm>> -> memref<80xi32, #tpu.memory_space<hbm>>
        tpu.enqueue_dma source(%dma_start3A_147 : memref<80xi32, #tpu.memory_space<hbm>>) target(%arg15 : memref<80xi32, #tpu.memory_space<vmem>>) target_semaphore(%run_scoped3A : memref<!tpu.dma_semaphore, #tpu.memory_space<semaphore_mem>>)
        %dma_wait3A_148 = tpu.memref_slice %arg4[%add3A_142] : memref<327680xi32, #tpu.memory_space<hbm>> -> memref<80xi32, #tpu.memory_space<hbm>>
        %dma_wait3A_149 = tpu.memref_slice %arg4[%add3A_142] : memref<327680xi32, #tpu.memory_space<hbm>> -> memref<80xi32, #tpu.memory_space<hbm>>
        tpu.wait_dma2 semaphore(%run_scoped3A : memref<!tpu.dma_semaphore, #tpu.memory_space<semaphore_mem>>) src(%dma_wait3A_149 : memref<80xi32, #tpu.memory_space<hbm>>) dst(%arg15 : memref<80xi32, #tpu.memory_space<vmem>>)
        tpu.yield
      }) : () -> ()
      %dma_start3A_143 = arith.constant 0 : i32
      %dma_start3A_144 = arith.constant 0 : i32
      %dma_start3A_145 = tpu.memref_slice %arg2[%dma_start3A_143, %dma_start3A_144] : memref<10000x128xf32, #tpu.memory_space<hbm>> -> memref<10000x128xf32, #tpu.memory_space<hbm>>
      tpu.enqueue_indirect_dma source(%dma_start3A_145 : memref<10000x128xf32, #tpu.memory_space<hbm>>) target(%arg19 : memref<80x128xf32, #tpu.memory_space<vmem>>) offsets(%arg14 : memref<80xi32, #tpu.memory_space<vmem>>) semaphore(%arg23 : memref<!tpu.dma_semaphore, #tpu.memory_space<semaphore_mem>>)
    }
    %dma_wait3A = arith.constant 0 : i32
    %dma_wait3A_67 = arith.constant 0 : i32
    %dma_wait3A_68 = tpu.memref_slice %arg2[%dma_wait3A, %dma_wait3A_67] : memref<10000x128xf32, #tpu.memory_space<hbm>> -> memref<10000x128xf32, #tpu.memory_space<hbm>>
    tpu.wait_indirect_dma semaphore(%arg20 : memref<!tpu.dma_semaphore, #tpu.memory_space<semaphore_mem>>) src(%dma_wait3A_68 : memref<10000x128xf32, #tpu.memory_space<hbm>>) dst(%arg16 : memref<80x128xf32, #tpu.memory_space<vmem>>)
    "tpu.region"() ({
      %run_scoped3A = tpu.sem_alloc : memref<!tpu.dma_semaphore, #tpu.memory_space<semaphore_mem>>
      %dma_start3A_85 = arith.constant 0 : i32
      %dma_start3A_86 = arith.constant 0 : i32
      %dma_start3A_87 = tpu.memref_slice %arg7[%dma_start3A_85, %dma_start3A_86] : memref<10240x128xf32, #tpu.memory_space<vmem_shared>> -> memref<10240x128xf32, #tpu.memory_space<vmem_shared>>
      tpu.enqueue_indirect_dma source(%arg16 : memref<80x128xf32, #tpu.memory_space<vmem>>) target(%dma_start3A_87 : memref<10240x128xf32, #tpu.memory_space<vmem_shared>>) offsets(%arg9 : memref<80xi32, #tpu.memory_space<vmem>>) semaphore(%run_scoped3A : memref<!tpu.dma_semaphore, #tpu.memory_space<semaphore_mem>>) {add = true}
      %dma_wait3A_88 = arith.constant 0 : i32
      %dma_wait3A_89 = arith.constant 0 : i32
      %dma_wait3A_90 = tpu.memref_slice %arg7[%dma_wait3A_88, %dma_wait3A_89] : memref<10240x128xf32, #tpu.memory_space<vmem_shared>> -> memref<10240x128xf32, #tpu.memory_space<vmem_shared>>
      tpu.wait_indirect_dma semaphore(%run_scoped3A : memref<!tpu.dma_semaphore, #tpu.memory_space<semaphore_mem>>) src(%arg16 : memref<80x128xf32, #tpu.memory_space<vmem>>) dst(%dma_wait3A_90 : memref<10240x128xf32, #tpu.memory_space<vmem_shared>>)
      tpu.yield
    }) : () -> ()
    %dma_wait3A_69 = arith.constant 0 : i32
    %dma_wait3A_70 = arith.constant 0 : i32
    %dma_wait3A_71 = tpu.memref_slice %arg2[%dma_wait3A_69, %dma_wait3A_70] : memref<10000x128xf32, #tpu.memory_space<hbm>> -> memref<10000x128xf32, #tpu.memory_space<hbm>>
    tpu.wait_indirect_dma semaphore(%arg21 : memref<!tpu.dma_semaphore, #tpu.memory_space<semaphore_mem>>) src(%dma_wait3A_71 : memref<10000x128xf32, #tpu.memory_space<hbm>>) dst(%arg17 : memref<80x128xf32, #tpu.memory_space<vmem>>)
    "tpu.region"() ({
      %run_scoped3A = tpu.sem_alloc : memref<!tpu.dma_semaphore, #tpu.memory_space<semaphore_mem>>
      %dma_start3A_85 = arith.constant 0 : i32
      %dma_start3A_86 = arith.constant 0 : i32
      %dma_start3A_87 = tpu.memref_slice %arg7[%dma_start3A_85, %dma_start3A_86] : memref<10240x128xf32, #tpu.memory_space<vmem_shared>> -> memref<10240x128xf32, #tpu.memory_space<vmem_shared>>
      tpu.enqueue_indirect_dma source(%arg17 : memref<80x128xf32, #tpu.memory_space<vmem>>) target(%dma_start3A_87 : memref<10240x128xf32, #tpu.memory_space<vmem_shared>>) offsets(%arg11 : memref<80xi32, #tpu.memory_space<vmem>>) semaphore(%run_scoped3A : memref<!tpu.dma_semaphore, #tpu.memory_space<semaphore_mem>>) {add = true}
      %dma_wait3A_88 = arith.constant 0 : i32
      %dma_wait3A_89 = arith.constant 0 : i32
      %dma_wait3A_90 = tpu.memref_slice %arg7[%dma_wait3A_88, %dma_wait3A_89] : memref<10240x128xf32, #tpu.memory_space<vmem_shared>> -> memref<10240x128xf32, #tpu.memory_space<vmem_shared>>
      tpu.wait_indirect_dma semaphore(%run_scoped3A : memref<!tpu.dma_semaphore, #tpu.memory_space<semaphore_mem>>) src(%arg17 : memref<80x128xf32, #tpu.memory_space<vmem>>) dst(%dma_wait3A_90 : memref<10240x128xf32, #tpu.memory_space<vmem_shared>>)
      tpu.yield
    }) : () -> ()
    %dma_wait3A_72 = arith.constant 0 : i32
    %dma_wait3A_73 = arith.constant 0 : i32
    %dma_wait3A_74 = tpu.memref_slice %arg2[%dma_wait3A_72, %dma_wait3A_73] : memref<10000x128xf32, #tpu.memory_space<hbm>> -> memref<10000x128xf32, #tpu.memory_space<hbm>>
    tpu.wait_indirect_dma semaphore(%arg22 : memref<!tpu.dma_semaphore, #tpu.memory_space<semaphore_mem>>) src(%dma_wait3A_74 : memref<10000x128xf32, #tpu.memory_space<hbm>>) dst(%arg18 : memref<80x128xf32, #tpu.memory_space<vmem>>)
    "tpu.region"() ({
      %run_scoped3A = tpu.sem_alloc : memref<!tpu.dma_semaphore, #tpu.memory_space<semaphore_mem>>
      %dma_start3A_85 = arith.constant 0 : i32
      %dma_start3A_86 = arith.constant 0 : i32
      %dma_start3A_87 = tpu.memref_slice %arg7[%dma_start3A_85, %dma_start3A_86] : memref<10240x128xf32, #tpu.memory_space<vmem_shared>> -> memref<10240x128xf32, #tpu.memory_space<vmem_shared>>
      tpu.enqueue_indirect_dma source(%arg18 : memref<80x128xf32, #tpu.memory_space<vmem>>) target(%dma_start3A_87 : memref<10240x128xf32, #tpu.memory_space<vmem_shared>>) offsets(%arg13 : memref<80xi32, #tpu.memory_space<vmem>>) semaphore(%run_scoped3A : memref<!tpu.dma_semaphore, #tpu.memory_space<semaphore_mem>>) {add = true}
      %dma_wait3A_88 = arith.constant 0 : i32
      %dma_wait3A_89 = arith.constant 0 : i32
      %dma_wait3A_90 = tpu.memref_slice %arg7[%dma_wait3A_88, %dma_wait3A_89] : memref<10240x128xf32, #tpu.memory_space<vmem_shared>> -> memref<10240x128xf32, #tpu.memory_space<vmem_shared>>
      tpu.wait_indirect_dma semaphore(%run_scoped3A : memref<!tpu.dma_semaphore, #tpu.memory_space<semaphore_mem>>) src(%arg18 : memref<80x128xf32, #tpu.memory_space<vmem>>) dst(%dma_wait3A_90 : memref<10240x128xf32, #tpu.memory_space<vmem_shared>>)
      tpu.yield
    }) : () -> ()
    %dma_wait3A_75 = arith.constant 0 : i32
    %dma_wait3A_76 = arith.constant 0 : i32
    %dma_wait3A_77 = tpu.memref_slice %arg2[%dma_wait3A_75, %dma_wait3A_76] : memref<10000x128xf32, #tpu.memory_space<hbm>> -> memref<10000x128xf32, #tpu.memory_space<hbm>>
    tpu.wait_indirect_dma semaphore(%arg23 : memref<!tpu.dma_semaphore, #tpu.memory_space<semaphore_mem>>) src(%dma_wait3A_77 : memref<10000x128xf32, #tpu.memory_space<hbm>>) dst(%arg19 : memref<80x128xf32, #tpu.memory_space<vmem>>)
    "tpu.region"() ({
      %run_scoped3A = tpu.sem_alloc : memref<!tpu.dma_semaphore, #tpu.memory_space<semaphore_mem>>
      %dma_start3A_85 = arith.constant 0 : i32
      %dma_start3A_86 = arith.constant 0 : i32
      %dma_start3A_87 = tpu.memref_slice %arg7[%dma_start3A_85, %dma_start3A_86] : memref<10240x128xf32, #tpu.memory_space<vmem_shared>> -> memref<10240x128xf32, #tpu.memory_space<vmem_shared>>
      tpu.enqueue_indirect_dma source(%arg19 : memref<80x128xf32, #tpu.memory_space<vmem>>) target(%dma_start3A_87 : memref<10240x128xf32, #tpu.memory_space<vmem_shared>>) offsets(%arg15 : memref<80xi32, #tpu.memory_space<vmem>>) semaphore(%run_scoped3A : memref<!tpu.dma_semaphore, #tpu.memory_space<semaphore_mem>>) {add = true}
      %dma_wait3A_88 = arith.constant 0 : i32
      %dma_wait3A_89 = arith.constant 0 : i32
      %dma_wait3A_90 = tpu.memref_slice %arg7[%dma_wait3A_88, %dma_wait3A_89] : memref<10240x128xf32, #tpu.memory_space<vmem_shared>> -> memref<10240x128xf32, #tpu.memory_space<vmem_shared>>
      tpu.wait_indirect_dma semaphore(%run_scoped3A : memref<!tpu.dma_semaphore, #tpu.memory_space<semaphore_mem>>) src(%arg19 : memref<80x128xf32, #tpu.memory_space<vmem>>) dst(%dma_wait3A_90 : memref<10240x128xf32, #tpu.memory_space<vmem_shared>>)
      tpu.yield
    }) : () -> ()
    %barrier3A_78 = arith.constant 0 : index
    tpu.barrier barrier_id(%barrier3A_78)
    %scan3A_79 = arith.constant 0 : i32
    %scan3A_80 = arith.constant 0 : i32
    %scan3A_81 = arith.constant 8 : i32
    %scan3A_82 = arith.addi %scan3A_80, %scan3A_81 : i32
    %scan3A_83 = arith.constant 1 : i32
    scf.for %scan3A_85 = %scan3A_80 to %scan3A_82 step %scan3A_83  : i32 {
      %mul3A_86 = arith.constant 640 : i32
      %mul3A_87 = arith.muli %arg1, %mul3A_86 : i32
      %mul3A_88 = arith.constant 80 : i32
      %mul3A_89 = arith.muli %scan3A_85, %mul3A_88 : i32
      %add3A_90 = arith.addi %mul3A_87, %mul3A_89 : i32
      "tpu.region"() ({
        %run_scoped3A = tpu.sem_alloc : memref<!tpu.dma_semaphore, #tpu.memory_space<semaphore_mem>>
        %dma_start3A_94 = arith.constant 0 : i32
        %dma_start3A_95 = tpu.memref_slice %arg7[%add3A_90, %dma_start3A_94] : memref<10240x128xf32, #tpu.memory_space<vmem_shared>> -> memref<80x128xf32, #tpu.memory_space<vmem_shared>>
        %dma_start3A_96 = arith.constant 0 : i32
        %dma_start3A_97 = tpu.memref_slice %arg7[%add3A_90, %dma_start3A_96] : memref<10240x128xf32, #tpu.memory_space<vmem_shared>> -> memref<80x128xf32, #tpu.memory_space<vmem_shared>>
        tpu.enqueue_dma source(%dma_start3A_97 : memref<80x128xf32, #tpu.memory_space<vmem_shared>>) target(%arg16 : memref<80x128xf32, #tpu.memory_space<vmem>>) target_semaphore(%run_scoped3A : memref<!tpu.dma_semaphore, #tpu.memory_space<semaphore_mem>>)
        %dma_wait3A_98 = arith.constant 0 : i32
        %dma_wait3A_99 = tpu.memref_slice %arg7[%add3A_90, %dma_wait3A_98] : memref<10240x128xf32, #tpu.memory_space<vmem_shared>> -> memref<80x128xf32, #tpu.memory_space<vmem_shared>>
        %dma_wait3A_100 = arith.constant 0 : i32
        %dma_wait3A_101 = tpu.memref_slice %arg7[%add3A_90, %dma_wait3A_100] : memref<10240x128xf32, #tpu.memory_space<vmem_shared>> -> memref<80x128xf32, #tpu.memory_space<vmem_shared>>
        tpu.wait_dma2 semaphore(%run_scoped3A : memref<!tpu.dma_semaphore, #tpu.memory_space<semaphore_mem>>) src(%dma_wait3A_101 : memref<80x128xf32, #tpu.memory_space<vmem_shared>>) dst(%arg16 : memref<80x128xf32, #tpu.memory_space<vmem>>)
        tpu.yield
      }) : () -> ()
      %mul3A_91 = arith.constant 10240 : i32
      %mul3A_92 = arith.muli %arg0, %mul3A_91 : i32
      %add3A_93 = arith.addi %mul3A_92, %add3A_90 : i32
      "tpu.region"() ({
        %run_scoped3A = tpu.sem_alloc : memref<!tpu.dma_semaphore, #tpu.memory_space<semaphore_mem>>
        %dma_start3A_94 = arith.constant 0 : i32
        %dma_start3A_95 = tpu.memref_slice %arg6[%add3A_93, %dma_start3A_94] : memref<20480x128xf32, #tpu.memory_space<hbm>> -> memref<80x128xf32, #tpu.memory_space<hbm>>
        %dma_start3A_96 = arith.constant 0 : i32
        %dma_start3A_97 = tpu.memref_slice %arg6[%add3A_93, %dma_start3A_96] : memref<20480x128xf32, #tpu.memory_space<hbm>> -> memref<80x128xf32, #tpu.memory_space<hbm>>
        tpu.enqueue_dma source(%arg16 : memref<80x128xf32, #tpu.memory_space<vmem>>) target(%dma_start3A_97 : memref<80x128xf32, #tpu.memory_space<hbm>>) target_semaphore(%run_scoped3A : memref<!tpu.dma_semaphore, #tpu.memory_space<semaphore_mem>>)
        %dma_wait3A_98 = arith.constant 0 : i32
        %dma_wait3A_99 = tpu.memref_slice %arg6[%add3A_93, %dma_wait3A_98] : memref<20480x128xf32, #tpu.memory_space<hbm>> -> memref<80x128xf32, #tpu.memory_space<hbm>>
        %dma_wait3A_100 = arith.constant 0 : i32
        %dma_wait3A_101 = tpu.memref_slice %arg6[%add3A_93, %dma_wait3A_100] : memref<20480x128xf32, #tpu.memory_space<hbm>> -> memref<80x128xf32, #tpu.memory_space<hbm>>
        tpu.wait_dma2 semaphore(%run_scoped3A : memref<!tpu.dma_semaphore, #tpu.memory_space<semaphore_mem>>) src(%arg16 : memref<80x128xf32, #tpu.memory_space<vmem>>) dst(%dma_wait3A_101 : memref<80x128xf32, #tpu.memory_space<hbm>>)
        tpu.yield
      }) : () -> ()
    }
    %scan3A_84 = arith.constant 8 : i32
    return
  }
}

#map = affine_map<(d0, d1) -> (0, 0)>
#map1 = affine_map<(d0, d1) -> (0)>
module attributes {stable_mosaic.version = 14 : i64} {
  func.func @body(%arg0: i32, %arg1: i32, %arg2: memref<10000x128xf32, #tpu.memory_space<hbm>>, %arg3: memref<327680xi32, #tpu.memory_space<hbm>>, %arg4: memref<327680xi32, #tpu.memory_space<hbm>>, %arg5: memref<10240x128xf32, #tpu.memory_space<hbm>>, %arg6: memref<20480x128xf32, #tpu.memory_space<hbm>>, %arg7: memref<10240x128xf32, #tpu.memory_space<vmem_shared>>, %arg8: memref<80xi32, #tpu.memory_space<vmem>>, %arg9: memref<80xi32, #tpu.memory_space<vmem>>, %arg10: memref<80xi32, #tpu.memory_space<vmem>>, %arg11: memref<80xi32, #tpu.memory_space<vmem>>, %arg12: memref<80xi32, #tpu.memory_space<vmem>>, %arg13: memref<80xi32, #tpu.memory_space<vmem>>, %arg14: memref<80xi32, #tpu.memory_space<vmem>>, %arg15: memref<80xi32, #tpu.memory_space<vmem>>, %arg16: memref<80x128xf32, #tpu.memory_space<vmem>>, %arg17: memref<80x128xf32, #tpu.memory_space<vmem>>, %arg18: memref<80x128xf32, #tpu.memory_space<vmem>>, %arg19: memref<80x128xf32, #tpu.memory_space<vmem>>, %arg20: memref<!tpu.dma_semaphore, #tpu.memory_space<semaphore_mem>>, %arg21: memref<!tpu.dma_semaphore, #tpu.memory_space<semaphore_mem>>, %arg22: memref<!tpu.dma_semaphore, #tpu.memory_space<semaphore_mem>>, %arg23: memref<!tpu.dma_semaphore, #tpu.memory_space<semaphore_mem>>) attributes {dimension_semantics = [#tpu.dimension_semantics<core_parallel>, #tpu.dimension_semantics<subcore_parallel>], iteration_bounds = array<i64: 2, 16>, scalar_prefetch = 0 : i64, scratch_operands = 17 : i64, tpu.core_type = #tpu.core_type<sc_vector_subcore>, window_params = [{transform_indices = #map}, {transform_indices = #map1}, {transform_indices = #map1}, {transform_indices = #map}, {transform_indices = #map}]} {
    %mul3A = arith.constant 2 : i32
    %mul3A_0 = arith.muli %arg1, %mul3A : i32
    %add3A = arith.addi %mul3A_0, %arg0 : i32
    "tpu.region"() ({
      %run_scoped3A = tpu.sem_alloc : memref<!tpu.dma_semaphore, #tpu.memory_space<semaphore_mem>>
      %dma_start3A_85 = arith.constant 0 : i32
      %dma_start3A_86 = arith.constant 0 : i32
      %dma_start3A_87 = tpu.memref_slice %arg5[%dma_start3A_85, %dma_start3A_86] : memref<10240x128xf32, #tpu.memory_space<hbm>> -> memref<80x128xf32, #tpu.memory_space<hbm>>
      %dma_start3A_88 = arith.constant 0 : i32
      %dma_start3A_89 = arith.constant 0 : i32
      %dma_start3A_90 = tpu.memref_slice %arg5[%dma_start3A_88, %dma_start3A_89] : memref<10240x128xf32, #tpu.memory_space<hbm>> -> memref<80x128xf32, #tpu.memory_space<hbm>>
      tpu.enqueue_dma source(%dma_start3A_90 : memref<80x128xf32, #tpu.memory_space<hbm>>) target(%arg16 : memref<80x128xf32, #tpu.memory_space<vmem>>) target_semaphore(%run_scoped3A : memref<!tpu.dma_semaphore, #tpu.memory_space<semaphore_mem>>)
      %dma_wait3A_91 = arith.constant 0 : i32
      %dma_wait3A_92 = arith.constant 0 : i32
      %dma_wait3A_93 = tpu.memref_slice %arg5[%dma_wait3A_91, %dma_wait3A_92] : memref<10240x128xf32, #tpu.memory_space<hbm>> -> memref<80x128xf32, #tpu.memory_space<hbm>>
      %dma_wait3A_94 = arith.constant 0 : i32
      %dma_wait3A_95 = arith.constant 0 : i32
      %dma_wait3A_96 = tpu.memref_slice %arg5[%dma_wait3A_94, %dma_wait3A_95] : memref<10240x128xf32, #tpu.memory_space<hbm>> -> memref<80x128xf32, #tpu.memory_space<hbm>>
      tpu.wait_dma2 semaphore(%run_scoped3A : memref<!tpu.dma_semaphore, #tpu.memory_space<semaphore_mem>>) src(%dma_wait3A_96 : memref<80x128xf32, #tpu.memory_space<hbm>>) dst(%arg16 : memref<80x128xf32, #tpu.memory_space<vmem>>)
      tpu.yield
    }) : () -> ()
    %scan3A = arith.constant 0 : i32
    %scan3A_1 = arith.constant 0 : i32
    %scan3A_2 = arith.constant 8 : i32
    %scan3A_3 = arith.addi %scan3A_1, %scan3A_2 : i32
    %scan3A_4 = arith.constant 1 : i32
    scf.for %scan3A_85 = %scan3A_1 to %scan3A_3 step %scan3A_4  : i32 {
      %mul3A_86 = arith.constant 640 : i32
      %mul3A_87 = arith.muli %arg1, %mul3A_86 : i32
      %mul3A_88 = arith.constant 80 : i32
      %mul3A_89 = arith.muli %scan3A_85, %mul3A_88 : i32
      %add3A_90 = arith.addi %mul3A_87, %mul3A_89 : i32
      "tpu.region"() ({
        %run_scoped3A = tpu.sem_alloc : memref<!tpu.dma_semaphore, #tpu.memory_space<semaphore_mem>>
        %dma_start3A_91 = arith.constant 0 : i32
        %dma_start3A_92 = tpu.memref_slice %arg7[%add3A_90, %dma_start3A_91] : memref<10240x128xf32, #tpu.memory_space<vmem_shared>> -> memref<80x128xf32, #tpu.memory_space<vmem_shared>>
        %dma_start3A_93 = arith.constant 0 : i32
        %dma_start3A_94 = tpu.memref_slice %arg7[%add3A_90, %dma_start3A_93] : memref<10240x128xf32, #tpu.memory_space<vmem_shared>> -> memref<80x128xf32, #tpu.memory_space<vmem_shared>>
        tpu.enqueue_dma source(%arg16 : memref<80x128xf32, #tpu.memory_space<vmem>>) target(%dma_start3A_94 : memref<80x128xf32, #tpu.memory_space<vmem_shared>>) target_semaphore(%run_scoped3A : memref<!tpu.dma_semaphore, #tpu.memory_space<semaphore_mem>>)
        %dma_wait3A_95 = arith.constant 0 : i32
        %dma_wait3A_96 = tpu.memref_slice %arg7[%add3A_90, %dma_wait3A_95] : memref<10240x128xf32, #tpu.memory_space<vmem_shared>> -> memref<80x128xf32, #tpu.memory_space<vmem_shared>>
        %dma_wait3A_97 = arith.constant 0 : i32
        %dma_wait3A_98 = tpu.memref_slice %arg7[%add3A_90, %dma_wait3A_97] : memref<10240x128xf32, #tpu.memory_space<vmem_shared>> -> memref<80x128xf32, #tpu.memory_space<vmem_shared>>
        tpu.wait_dma2 semaphore(%run_scoped3A : memref<!tpu.dma_semaphore, #tpu.memory_space<semaphore_mem>>) src(%arg16 : memref<80x128xf32, #tpu.memory_space<vmem>>) dst(%dma_wait3A_98 : memref<80x128xf32, #tpu.memory_space<vmem_shared>>)
        tpu.yield
      }) : () -> ()
    }
    %scan3A_5 = arith.constant 8 : i32
    %barrier3A = arith.constant 0 : index
    tpu.barrier barrier_id(%barrier3A)
    %eq3A = arith.constant 0 : i32
    %eq3A_6 = arith.cmpi eq, %arg0, %eq3A : i32
    %jit3A = arith.constant 192 : i32
    %jit3A_7 = arith.constant 64 : i32
    %select_n3A = arith.select %eq3A_6, %jit3A, %jit3A_7 : i32
    %eq3A_8 = arith.constant 0 : i32
    %eq3A_9 = arith.cmpi eq, %arg0, %eq3A_8 : i32
    %mul3A_10 = arith.constant 192 : i32
    %mul3A_11 = arith.muli %arg1, %mul3A_10 : i32
    %mul3A_12 = arith.constant 64 : i32
    %mul3A_13 = arith.muli %arg1, %mul3A_12 : i32
    %add3A_14 = arith.constant 3072 : i32
    %add3A_15 = arith.addi %add3A_14, %mul3A_13 : i32
    %select_n3A_16 = arith.select %eq3A_9, %mul3A_11, %add3A_15 : i32
    %mul3A_17 = arith.constant 80 : i32
    %mul3A_18 = arith.muli %select_n3A_16, %mul3A_17 : i32
    %add3A_19 = arith.constant 0 : i32
    %add3A_20 = arith.addi %mul3A_18, %add3A_19 : i32
    "tpu.region"() ({
      %run_scoped3A = tpu.sem_alloc : memref<!tpu.dma_semaphore, #tpu.memory_space<semaphore_mem>>
      %dma_start3A_85 = tpu.memref_slice %arg3[%add3A_20] : memref<327680xi32, #tpu.memory_space<hbm>> -> memref<80xi32, #tpu.memory_space<hbm>>
      %dma_start3A_86 = tpu.memref_slice %arg3[%add3A_20] : memref<327680xi32, #tpu.memory_space<hbm>> -> memref<80xi32, #tpu.memory_space<hbm>>
      tpu.enqueue_dma source(%dma_start3A_86 : memref<80xi32, #tpu.memory_space<hbm>>) target(%arg8 : memref<80xi32, #tpu.memory_space<vmem>>) target_semaphore(%run_scoped3A : memref<!tpu.dma_semaphore, #tpu.memory_space<semaphore_mem>>)
      %dma_wait3A_87 = tpu.memref_slice %arg3[%add3A_20] : memref<327680xi32, #tpu.memory_space<hbm>> -> memref<80xi32, #tpu.memory_space<hbm>>
      %dma_wait3A_88 = tpu.memref_slice %arg3[%add3A_20] : memref<327680xi32, #tpu.memory_space<hbm>> -> memref<80xi32, #tpu.memory_space<hbm>>
      tpu.wait_dma2 semaphore(%run_scoped3A : memref<!tpu.dma_semaphore, #tpu.memory_space<semaphore_mem>>) src(%dma_wait3A_88 : memref<80xi32, #tpu.memory_space<hbm>>) dst(%arg8 : memref<80xi32, #tpu.memory_space<vmem>>)
      tpu.yield
    }) : () -> ()
    "tpu.region"() ({
      %run_scoped3A = tpu.sem_alloc : memref<!tpu.dma_semaphore, #tpu.memory_space<semaphore_mem>>
      %dma_start3A_85 = tpu.memref_slice %arg4[%add3A_20] : memref<327680xi32, #tpu.memory_space<hbm>> -> memref<80xi32, #tpu.memory_space<hbm>>
      %dma_start3A_86 = tpu.memref_slice %arg4[%add3A_20] : memref<327680xi32, #tpu.memory_space<hbm>> -> memref<80xi32, #tpu.memory_space<hbm>>
      tpu.enqueue_dma source(%dma_start3A_86 : memref<80xi32, #tpu.memory_space<hbm>>) target(%arg9 : memref<80xi32, #tpu.memory_space<vmem>>) target_semaphore(%run_scoped3A : memref<!tpu.dma_semaphore, #tpu.memory_space<semaphore_mem>>)
      %dma_wait3A_87 = tpu.memref_slice %arg4[%add3A_20] : memref<327680xi32, #tpu.memory_space<hbm>> -> memref<80xi32, #tpu.memory_space<hbm>>
      %dma_wait3A_88 = tpu.memref_slice %arg4[%add3A_20] : memref<327680xi32, #tpu.memory_space<hbm>> -> memref<80xi32, #tpu.memory_space<hbm>>
      tpu.wait_dma2 semaphore(%run_scoped3A : memref<!tpu.dma_semaphore, #tpu.memory_space<semaphore_mem>>) src(%dma_wait3A_88 : memref<80xi32, #tpu.memory_space<hbm>>) dst(%arg9 : memref<80xi32, #tpu.memory_space<vmem>>)
      tpu.yield
    }) : () -> ()
    %dma_start3A = arith.constant 0 : i32
    %dma_start3A_21 = arith.constant 0 : i32
    %dma_start3A_22 = tpu.memref_slice %arg2[%dma_start3A, %dma_start3A_21] : memref<10000x128xf32, #tpu.memory_space<hbm>> -> memref<10000x128xf32, #tpu.memory_space<hbm>>
    tpu.enqueue_indirect_dma source(%dma_start3A_22 : memref<10000x128xf32, #tpu.memory_space<hbm>>) target(%arg16 : memref<80x128xf32, #tpu.memory_space<vmem>>) offsets(%arg8 : memref<80xi32, #tpu.memory_space<vmem>>) semaphore(%arg20 : memref<!tpu.dma_semaphore, #tpu.memory_space<semaphore_mem>>)
    %add3A_23 = arith.constant 80 : i32
    %add3A_24 = arith.addi %mul3A_18, %add3A_23 : i32
    "tpu.region"() ({
      %run_scoped3A = tpu.sem_alloc : memref<!tpu.dma_semaphore, #tpu.memory_space<semaphore_mem>>
      %dma_start3A_85 = tpu.memref_slice %arg3[%add3A_24] : memref<327680xi32, #tpu.memory_space<hbm>> -> memref<80xi32, #tpu.memory_space<hbm>>
      %dma_start3A_86 = tpu.memref_slice %arg3[%add3A_24] : memref<327680xi32, #tpu.memory_space<hbm>> -> memref<80xi32, #tpu.memory_space<hbm>>
      tpu.enqueue_dma source(%dma_start3A_86 : memref<80xi32, #tpu.memory_space<hbm>>) target(%arg10 : memref<80xi32, #tpu.memory_space<vmem>>) target_semaphore(%run_scoped3A : memref<!tpu.dma_semaphore, #tpu.memory_space<semaphore_mem>>)
      %dma_wait3A_87 = tpu.memref_slice %arg3[%add3A_24] : memref<327680xi32, #tpu.memory_space<hbm>> -> memref<80xi32, #tpu.memory_space<hbm>>
      %dma_wait3A_88 = tpu.memref_slice %arg3[%add3A_24] : memref<327680xi32, #tpu.memory_space<hbm>> -> memref<80xi32, #tpu.memory_space<hbm>>
      tpu.wait_dma2 semaphore(%run_scoped3A : memref<!tpu.dma_semaphore, #tpu.memory_space<semaphore_mem>>) src(%dma_wait3A_88 : memref<80xi32, #tpu.memory_space<hbm>>) dst(%arg10 : memref<80xi32, #tpu.memory_space<vmem>>)
      tpu.yield
    }) : () -> ()
    "tpu.region"() ({
      %run_scoped3A = tpu.sem_alloc : memref<!tpu.dma_semaphore, #tpu.memory_space<semaphore_mem>>
      %dma_start3A_85 = tpu.memref_slice %arg4[%add3A_24] : memref<327680xi32, #tpu.memory_space<hbm>> -> memref<80xi32, #tpu.memory_space<hbm>>
      %dma_start3A_86 = tpu.memref_slice %arg4[%add3A_24] : memref<327680xi32, #tpu.memory_space<hbm>> -> memref<80xi32, #tpu.memory_space<hbm>>
      tpu.enqueue_dma source(%dma_start3A_86 : memref<80xi32, #tpu.memory_space<hbm>>) target(%arg11 : memref<80xi32, #tpu.memory_space<vmem>>) target_semaphore(%run_scoped3A : memref<!tpu.dma_semaphore, #tpu.memory_space<semaphore_mem>>)
      %dma_wait3A_87 = tpu.memref_slice %arg4[%add3A_24] : memref<327680xi32, #tpu.memory_space<hbm>> -> memref<80xi32, #tpu.memory_space<hbm>>
      %dma_wait3A_88 = tpu.memref_slice %arg4[%add3A_24] : memref<327680xi32, #tpu.memory_space<hbm>> -> memref<80xi32, #tpu.memory_space<hbm>>
      tpu.wait_dma2 semaphore(%run_scoped3A : memref<!tpu.dma_semaphore, #tpu.memory_space<semaphore_mem>>) src(%dma_wait3A_88 : memref<80xi32, #tpu.memory_space<hbm>>) dst(%arg11 : memref<80xi32, #tpu.memory_space<vmem>>)
      tpu.yield
    }) : () -> ()
    %dma_start3A_25 = arith.constant 0 : i32
    %dma_start3A_26 = arith.constant 0 : i32
    %dma_start3A_27 = tpu.memref_slice %arg2[%dma_start3A_25, %dma_start3A_26] : memref<10000x128xf32, #tpu.memory_space<hbm>> -> memref<10000x128xf32, #tpu.memory_space<hbm>>
    tpu.enqueue_indirect_dma source(%dma_start3A_27 : memref<10000x128xf32, #tpu.memory_space<hbm>>) target(%arg17 : memref<80x128xf32, #tpu.memory_space<vmem>>) offsets(%arg10 : memref<80xi32, #tpu.memory_space<vmem>>) semaphore(%arg21 : memref<!tpu.dma_semaphore, #tpu.memory_space<semaphore_mem>>)
    %add3A_28 = arith.constant 160 : i32
    %add3A_29 = arith.addi %mul3A_18, %add3A_28 : i32
    "tpu.region"() ({
      %run_scoped3A = tpu.sem_alloc : memref<!tpu.dma_semaphore, #tpu.memory_space<semaphore_mem>>
      %dma_start3A_85 = tpu.memref_slice %arg3[%add3A_29] : memref<327680xi32, #tpu.memory_space<hbm>> -> memref<80xi32, #tpu.memory_space<hbm>>
      %dma_start3A_86 = tpu.memref_slice %arg3[%add3A_29] : memref<327680xi32, #tpu.memory_space<hbm>> -> memref<80xi32, #tpu.memory_space<hbm>>
      tpu.enqueue_dma source(%dma_start3A_86 : memref<80xi32, #tpu.memory_space<hbm>>) target(%arg12 : memref<80xi32, #tpu.memory_space<vmem>>) target_semaphore(%run_scoped3A : memref<!tpu.dma_semaphore, #tpu.memory_space<semaphore_mem>>)
      %dma_wait3A_87 = tpu.memref_slice %arg3[%add3A_29] : memref<327680xi32, #tpu.memory_space<hbm>> -> memref<80xi32, #tpu.memory_space<hbm>>
      %dma_wait3A_88 = tpu.memref_slice %arg3[%add3A_29] : memref<327680xi32, #tpu.memory_space<hbm>> -> memref<80xi32, #tpu.memory_space<hbm>>
      tpu.wait_dma2 semaphore(%run_scoped3A : memref<!tpu.dma_semaphore, #tpu.memory_space<semaphore_mem>>) src(%dma_wait3A_88 : memref<80xi32, #tpu.memory_space<hbm>>) dst(%arg12 : memref<80xi32, #tpu.memory_space<vmem>>)
      tpu.yield
    }) : () -> ()
    "tpu.region"() ({
      %run_scoped3A = tpu.sem_alloc : memref<!tpu.dma_semaphore, #tpu.memory_space<semaphore_mem>>
      %dma_start3A_85 = tpu.memref_slice %arg4[%add3A_29] : memref<327680xi32, #tpu.memory_space<hbm>> -> memref<80xi32, #tpu.memory_space<hbm>>
      %dma_start3A_86 = tpu.memref_slice %arg4[%add3A_29] : memref<327680xi32, #tpu.memory_space<hbm>> -> memref<80xi32, #tpu.memory_space<hbm>>
      tpu.enqueue_dma source(%dma_start3A_86 : memref<80xi32, #tpu.memory_space<hbm>>) target(%arg13 : memref<80xi32, #tpu.memory_space<vmem>>) target_semaphore(%run_scoped3A : memref<!tpu.dma_semaphore, #tpu.memory_space<semaphore_mem>>)
      %dma_wait3A_87 = tpu.memref_slice %arg4[%add3A_29] : memref<327680xi32, #tpu.memory_space<hbm>> -> memref<80xi32, #tpu.memory_space<hbm>>
      %dma_wait3A_88 = tpu.memref_slice %arg4[%add3A_29] : memref<327680xi32, #tpu.memory_space<hbm>> -> memref<80xi32, #tpu.memory_space<hbm>>
      tpu.wait_dma2 semaphore(%run_scoped3A : memref<!tpu.dma_semaphore, #tpu.memory_space<semaphore_mem>>) src(%dma_wait3A_88 : memref<80xi32, #tpu.memory_space<hbm>>) dst(%arg13 : memref<80xi32, #tpu.memory_space<vmem>>)
      tpu.yield
    }) : () -> ()
    %dma_start3A_30 = arith.constant 0 : i32
    %dma_start3A_31 = arith.constant 0 : i32
    %dma_start3A_32 = tpu.memref_slice %arg2[%dma_start3A_30, %dma_start3A_31] : memref<10000x128xf32, #tpu.memory_space<hbm>> -> memref<10000x128xf32, #tpu.memory_space<hbm>>
    tpu.enqueue_indirect_dma source(%dma_start3A_32 : memref<10000x128xf32, #tpu.memory_space<hbm>>) target(%arg18 : memref<80x128xf32, #tpu.memory_space<vmem>>) offsets(%arg12 : memref<80xi32, #tpu.memory_space<vmem>>) semaphore(%arg22 : memref<!tpu.dma_semaphore, #tpu.memory_space<semaphore_mem>>)
    %add3A_33 = arith.constant 240 : i32
    %add3A_34 = arith.addi %mul3A_18, %add3A_33 : i32
    "tpu.region"() ({
      %run_scoped3A = tpu.sem_alloc : memref<!tpu.dma_semaphore, #tpu.memory_space<semaphore_mem>>
      %dma_start3A_85 = tpu.memref_slice %arg3[%add3A_34] : memref<327680xi32, #tpu.memory_space<hbm>> -> memref<80xi32, #tpu.memory_space<hbm>>
      %dma_start3A_86 = tpu.memref_slice %arg3[%add3A_34] : memref<327680xi32, #tpu.memory_space<hbm>> -> memref<80xi32, #tpu.memory_space<hbm>>
      tpu.enqueue_dma source(%dma_start3A_86 : memref<80xi32, #tpu.memory_space<hbm>>) target(%arg14 : memref<80xi32, #tpu.memory_space<vmem>>) target_semaphore(%run_scoped3A : memref<!tpu.dma_semaphore, #tpu.memory_space<semaphore_mem>>)
      %dma_wait3A_87 = tpu.memref_slice %arg3[%add3A_34] : memref<327680xi32, #tpu.memory_space<hbm>> -> memref<80xi32, #tpu.memory_space<hbm>>
      %dma_wait3A_88 = tpu.memref_slice %arg3[%add3A_34] : memref<327680xi32, #tpu.memory_space<hbm>> -> memref<80xi32, #tpu.memory_space<hbm>>
      tpu.wait_dma2 semaphore(%run_scoped3A : memref<!tpu.dma_semaphore, #tpu.memory_space<semaphore_mem>>) src(%dma_wait3A_88 : memref<80xi32, #tpu.memory_space<hbm>>) dst(%arg14 : memref<80xi32, #tpu.memory_space<vmem>>)
      tpu.yield
    }) : () -> ()
    "tpu.region"() ({
      %run_scoped3A = tpu.sem_alloc : memref<!tpu.dma_semaphore, #tpu.memory_space<semaphore_mem>>
      %dma_start3A_85 = tpu.memref_slice %arg4[%add3A_34] : memref<327680xi32, #tpu.memory_space<hbm>> -> memref<80xi32, #tpu.memory_space<hbm>>
      %dma_start3A_86 = tpu.memref_slice %arg4[%add3A_34] : memref<327680xi32, #tpu.memory_space<hbm>> -> memref<80xi32, #tpu.memory_space<hbm>>
      tpu.enqueue_dma source(%dma_start3A_86 : memref<80xi32, #tpu.memory_space<hbm>>) target(%arg15 : memref<80xi32, #tpu.memory_space<vmem>>) target_semaphore(%run_scoped3A : memref<!tpu.dma_semaphore, #tpu.memory_space<semaphore_mem>>)
      %dma_wait3A_87 = tpu.memref_slice %arg4[%add3A_34] : memref<327680xi32, #tpu.memory_space<hbm>> -> memref<80xi32, #tpu.memory_space<hbm>>
      %dma_wait3A_88 = tpu.memref_slice %arg4[%add3A_34] : memref<327680xi32, #tpu.memory_space<hbm>> -> memref<80xi32, #tpu.memory_space<hbm>>
      tpu.wait_dma2 semaphore(%run_scoped3A : memref<!tpu.dma_semaphore, #tpu.memory_space<semaphore_mem>>) src(%dma_wait3A_88 : memref<80xi32, #tpu.memory_space<hbm>>) dst(%arg15 : memref<80xi32, #tpu.memory_space<vmem>>)
      tpu.yield
    }) : () -> ()
    %dma_start3A_35 = arith.constant 0 : i32
    %dma_start3A_36 = arith.constant 0 : i32
    %dma_start3A_37 = tpu.memref_slice %arg2[%dma_start3A_35, %dma_start3A_36] : memref<10000x128xf32, #tpu.memory_space<hbm>> -> memref<10000x128xf32, #tpu.memory_space<hbm>>
    tpu.enqueue_indirect_dma source(%dma_start3A_37 : memref<10000x128xf32, #tpu.memory_space<hbm>>) target(%arg19 : memref<80x128xf32, #tpu.memory_space<vmem>>) offsets(%arg14 : memref<80xi32, #tpu.memory_space<vmem>>) semaphore(%arg23 : memref<!tpu.dma_semaphore, #tpu.memory_space<semaphore_mem>>)
    %jit3A_38 = arith.constant 4 : i32
    %div3A = arith.divsi %select_n3A, %jit3A_38 : i32
    %sign3A = arith.constant 0 : i32
    %sign3A_39 = arith.cmpi sgt, %select_n3A, %sign3A : i32
    %sign3A_40 = arith.extui %sign3A_39 : i1 to i32
    %sign3A_41 = arith.constant 0 : i32
    %sign3A_42 = arith.cmpi slt, %select_n3A, %sign3A_41 : i32
    %sign3A_43 = arith.extui %sign3A_42 : i1 to i32
    %sign3A_44 = arith.subi %sign3A_40, %sign3A_43 : i32
    %sign3A_45 = arith.constant 0 : i32
    %sign3A_46 = arith.cmpi sgt, %jit3A_38, %sign3A_45 : i32
    %sign3A_47 = arith.extui %sign3A_46 : i1 to i32
    %sign3A_48 = arith.constant 0 : i32
    %sign3A_49 = arith.cmpi slt, %jit3A_38, %sign3A_48 : i32
    %sign3A_50 = arith.extui %sign3A_49 : i1 to i32
    %sign3A_51 = arith.subi %sign3A_47, %sign3A_50 : i32
    %ne3A = arith.cmpi ne, %sign3A_44, %sign3A_51 : i32
    %rem3A = arith.remsi %select_n3A, %jit3A_38 : i32
    %ne3A_52 = arith.constant 0 : i32
    %ne3A_53 = arith.cmpi ne, %rem3A, %ne3A_52 : i32
    %and3A = arith.andi %ne3A, %ne3A_53 : i1
    %sub3A = arith.constant 1 : i32
    %sub3A_54 = arith.subi %div3A, %sub3A : i32
    %select_n3A_55 = arith.select %and3A, %sub3A_54, %div3A : i32
    %sub3A_56 = arith.constant 1 : i32
    %sub3A_57 = arith.subi %select_n3A_55, %sub3A_56 : i32
    %while3A = arith.constant 0 : i32
    %while3A_58 = arith.constant 0 : i32
    %while3A_59 = arith.subi %sub3A_57, %while3A_58 : i32
    %while3A_60 = arith.addi %while3A_58, %while3A_59 : i32
    %while3A_61 = arith.constant 1 : i32
    %while3A_62 = arith.divsi %while3A_59, %while3A_61 : i32
    %while3A_63 = arith.muli %while3A_62, %while3A_61 : i32
    %while3A_64 = arith.addi %while3A_58, %while3A_63 : i32
    %while3A_65 = arith.constant 1 : i32
    scf.for %while3A_85 = %while3A_58 to %while3A_64 step %while3A_65  : i32 {
      %mul3A_86 = arith.constant 4 : i32
      %mul3A_87 = arith.muli %mul3A_86, %while3A_85 : i32
      %add3A_88 = arith.constant 0 : i32
      %add3A_89 = arith.addi %mul3A_87, %add3A_88 : i32
      %dma_wait3A_90 = arith.constant 0 : i32
      %dma_wait3A_91 = arith.constant 0 : i32
      %dma_wait3A_92 = tpu.memref_slice %arg2[%dma_wait3A_90, %dma_wait3A_91] : memref<10000x128xf32, #tpu.memory_space<hbm>> -> memref<10000x128xf32, #tpu.memory_space<hbm>>
      tpu.wait_indirect_dma semaphore(%arg20 : memref<!tpu.dma_semaphore, #tpu.memory_space<semaphore_mem>>) src(%dma_wait3A_92 : memref<10000x128xf32, #tpu.memory_space<hbm>>) dst(%arg16 : memref<80x128xf32, #tpu.memory_space<vmem>>)
      "tpu.region"() ({
        %run_scoped3A = tpu.sem_alloc : memref<!tpu.dma_semaphore, #tpu.memory_space<semaphore_mem>>
        %dma_start3A_146 = arith.constant 0 : i32
        %dma_start3A_147 = arith.constant 0 : i32
        %dma_start3A_148 = tpu.memref_slice %arg7[%dma_start3A_146, %dma_start3A_147] : memref<10240x128xf32, #tpu.memory_space<vmem_shared>> -> memref<10240x128xf32, #tpu.memory_space<vmem_shared>>
        tpu.enqueue_indirect_dma source(%arg16 : memref<80x128xf32, #tpu.memory_space<vmem>>) target(%dma_start3A_148 : memref<10240x128xf32, #tpu.memory_space<vmem_shared>>) offsets(%arg9 : memref<80xi32, #tpu.memory_space<vmem>>) semaphore(%run_scoped3A : memref<!tpu.dma_semaphore, #tpu.memory_space<semaphore_mem>>) {add = true}
        %dma_wait3A_149 = arith.constant 0 : i32
        %dma_wait3A_150 = arith.constant 0 : i32
        %dma_wait3A_151 = tpu.memref_slice %arg7[%dma_wait3A_149, %dma_wait3A_150] : memref<10240x128xf32, #tpu.memory_space<vmem_shared>> -> memref<10240x128xf32, #tpu.memory_space<vmem_shared>>
        tpu.wait_indirect_dma semaphore(%run_scoped3A : memref<!tpu.dma_semaphore, #tpu.memory_space<semaphore_mem>>) src(%arg16 : memref<80x128xf32, #tpu.memory_space<vmem>>) dst(%dma_wait3A_151 : memref<10240x128xf32, #tpu.memory_space<vmem_shared>>)
        tpu.yield
      }) : () -> ()
      %add3A_93 = arith.constant 4 : i32
      %add3A_94 = arith.addi %add3A_89, %add3A_93 : i32
      %mul3A_95 = arith.constant 80 : i32
      %mul3A_96 = arith.muli %add3A_94, %mul3A_95 : i32
      %add3A_97 = arith.addi %mul3A_18, %mul3A_96 : i32
      "tpu.region"() ({
        %run_scoped3A = tpu.sem_alloc : memref<!tpu.dma_semaphore, #tpu.memory_space<semaphore_mem>>
        %dma_start3A_146 = tpu.memref_slice %arg3[%add3A_97] : memref<327680xi32, #tpu.memory_space<hbm>> -> memref<80xi32, #tpu.memory_space<hbm>>
        %dma_start3A_147 = tpu.memref_slice %arg3[%add3A_97] : memref<327680xi32, #tpu.memory_space<hbm>> -> memref<80xi32, #tpu.memory_space<hbm>>
        tpu.enqueue_dma source(%dma_start3A_147 : memref<80xi32, #tpu.memory_space<hbm>>) target(%arg8 : memref<80xi32, #tpu.memory_space<vmem>>) target_semaphore(%run_scoped3A : memref<!tpu.dma_semaphore, #tpu.memory_space<semaphore_mem>>)
        %dma_wait3A_148 = tpu.memref_slice %arg3[%add3A_97] : memref<327680xi32, #tpu.memory_space<hbm>> -> memref<80xi32, #tpu.memory_space<hbm>>
        %dma_wait3A_149 = tpu.memref_slice %arg3[%add3A_97] : memref<327680xi32, #tpu.memory_space<hbm>> -> memref<80xi32, #tpu.memory_space<hbm>>
        tpu.wait_dma2 semaphore(%run_scoped3A : memref<!tpu.dma_semaphore, #tpu.memory_space<semaphore_mem>>) src(%dma_wait3A_149 : memref<80xi32, #tpu.memory_space<hbm>>) dst(%arg8 : memref<80xi32, #tpu.memory_space<vmem>>)
        tpu.yield
      }) : () -> ()
      "tpu.region"() ({
        %run_scoped3A = tpu.sem_alloc : memref<!tpu.dma_semaphore, #tpu.memory_space<semaphore_mem>>
        %dma_start3A_146 = tpu.memref_slice %arg4[%add3A_97] : memref<327680xi32, #tpu.memory_space<hbm>> -> memref<80xi32, #tpu.memory_space<hbm>>
        %dma_start3A_147 = tpu.memref_slice %arg4[%add3A_97] : memref<327680xi32, #tpu.memory_space<hbm>> -> memref<80xi32, #tpu.memory_space<hbm>>
        tpu.enqueue_dma source(%dma_start3A_147 : memref<80xi32, #tpu.memory_space<hbm>>) target(%arg9 : memref<80xi32, #tpu.memory_space<vmem>>) target_semaphore(%run_scoped3A : memref<!tpu.dma_semaphore, #tpu.memory_space<semaphore_mem>>)
        %dma_wait3A_148 = tpu.memref_slice %arg4[%add3A_97] : memref<327680xi32, #tpu.memory_space<hbm>> -> memref<80xi32, #tpu.memory_space<hbm>>
        %dma_wait3A_149 = tpu.memref_slice %arg4[%add3A_97] : memref<327680xi32, #tpu.memory_space<hbm>> -> memref<80xi32, #tpu.memory_space<hbm>>
        tpu.wait_dma2 semaphore(%run_scoped3A : memref<!tpu.dma_semaphore, #tpu.memory_space<semaphore_mem>>) src(%dma_wait3A_149 : memref<80xi32, #tpu.memory_space<hbm>>) dst(%arg9 : memref<80xi32, #tpu.memory_space<vmem>>)
        tpu.yield
      }) : () -> ()
      %dma_start3A_98 = arith.constant 0 : i32
      %dma_start3A_99 = arith.constant 0 : i32
      %dma_start3A_100 = tpu.memref_slice %arg2[%dma_start3A_98, %dma_start3A_99] : memref<10000x128xf32, #tpu.memory_space<hbm>> -> memref<10000x128xf32, #tpu.memory_space<hbm>>
      tpu.enqueue_indirect_dma source(%dma_start3A_100 : memref<10000x128xf32, #tpu.memory_space<hbm>>) target(%arg16 : memref<80x128xf32, #tpu.memory_space<vmem>>) offsets(%arg8 : memref<80xi32, #tpu.memory_space<vmem>>) semaphore(%arg20 : memref<!tpu.dma_semaphore, #tpu.memory_space<semaphore_mem>>)
      %mul3A_101 = arith.constant 4 : i32
      %mul3A_102 = arith.muli %mul3A_101, %while3A_85 : i32
      %add3A_103 = arith.constant 1 : i32
      %add3A_104 = arith.addi %mul3A_102, %add3A_103 : i32
      %dma_wait3A_105 = arith.constant 0 : i32
      %dma_wait3A_106 = arith.constant 0 : i32
      %dma_wait3A_107 = tpu.memref_slice %arg2[%dma_wait3A_105, %dma_wait3A_106] : memref<10000x128xf32, #tpu.memory_space<hbm>> -> memref<10000x128xf32, #tpu.memory_space<hbm>>
      tpu.wait_indirect_dma semaphore(%arg21 : memref<!tpu.dma_semaphore, #tpu.memory_space<semaphore_mem>>) src(%dma_wait3A_107 : memref<10000x128xf32, #tpu.memory_space<hbm>>) dst(%arg17 : memref<80x128xf32, #tpu.memory_space<vmem>>)
      "tpu.region"() ({
        %run_scoped3A = tpu.sem_alloc : memref<!tpu.dma_semaphore, #tpu.memory_space<semaphore_mem>>
        %dma_start3A_146 = arith.constant 0 : i32
        %dma_start3A_147 = arith.constant 0 : i32
        %dma_start3A_148 = tpu.memref_slice %arg7[%dma_start3A_146, %dma_start3A_147] : memref<10240x128xf32, #tpu.memory_space<vmem_shared>> -> memref<10240x128xf32, #tpu.memory_space<vmem_shared>>
        tpu.enqueue_indirect_dma source(%arg17 : memref<80x128xf32, #tpu.memory_space<vmem>>) target(%dma_start3A_148 : memref<10240x128xf32, #tpu.memory_space<vmem_shared>>) offsets(%arg11 : memref<80xi32, #tpu.memory_space<vmem>>) semaphore(%run_scoped3A : memref<!tpu.dma_semaphore, #tpu.memory_space<semaphore_mem>>) {add = true}
        %dma_wait3A_149 = arith.constant 0 : i32
        %dma_wait3A_150 = arith.constant 0 : i32
        %dma_wait3A_151 = tpu.memref_slice %arg7[%dma_wait3A_149, %dma_wait3A_150] : memref<10240x128xf32, #tpu.memory_space<vmem_shared>> -> memref<10240x128xf32, #tpu.memory_space<vmem_shared>>
        tpu.wait_indirect_dma semaphore(%run_scoped3A : memref<!tpu.dma_semaphore, #tpu.memory_space<semaphore_mem>>) src(%arg17 : memref<80x128xf32, #tpu.memory_space<vmem>>) dst(%dma_wait3A_151 : memref<10240x128xf32, #tpu.memory_space<vmem_shared>>)
        tpu.yield
      }) : () -> ()
      %add3A_108 = arith.constant 4 : i32
      %add3A_109 = arith.addi %add3A_104, %add3A_108 : i32
      %mul3A_110 = arith.constant 80 : i32
      %mul3A_111 = arith.muli %add3A_109, %mul3A_110 : i32
      %add3A_112 = arith.addi %mul3A_18, %mul3A_111 : i32
      "tpu.region"() ({
        %run_scoped3A = tpu.sem_alloc : memref<!tpu.dma_semaphore, #tpu.memory_space<semaphore_mem>>
        %dma_start3A_146 = tpu.memref_slice %arg3[%add3A_112] : memref<327680xi32, #tpu.memory_space<hbm>> -> memref<80xi32, #tpu.memory_space<hbm>>
        %dma_start3A_147 = tpu.memref_slice %arg3[%add3A_112] : memref<327680xi32, #tpu.memory_space<hbm>> -> memref<80xi32, #tpu.memory_space<hbm>>
        tpu.enqueue_dma source(%dma_start3A_147 : memref<80xi32, #tpu.memory_space<hbm>>) target(%arg10 : memref<80xi32, #tpu.memory_space<vmem>>) target_semaphore(%run_scoped3A : memref<!tpu.dma_semaphore, #tpu.memory_space<semaphore_mem>>)
        %dma_wait3A_148 = tpu.memref_slice %arg3[%add3A_112] : memref<327680xi32, #tpu.memory_space<hbm>> -> memref<80xi32, #tpu.memory_space<hbm>>
        %dma_wait3A_149 = tpu.memref_slice %arg3[%add3A_112] : memref<327680xi32, #tpu.memory_space<hbm>> -> memref<80xi32, #tpu.memory_space<hbm>>
        tpu.wait_dma2 semaphore(%run_scoped3A : memref<!tpu.dma_semaphore, #tpu.memory_space<semaphore_mem>>) src(%dma_wait3A_149 : memref<80xi32, #tpu.memory_space<hbm>>) dst(%arg10 : memref<80xi32, #tpu.memory_space<vmem>>)
        tpu.yield
      }) : () -> ()
      "tpu.region"() ({
        %run_scoped3A = tpu.sem_alloc : memref<!tpu.dma_semaphore, #tpu.memory_space<semaphore_mem>>
        %dma_start3A_146 = tpu.memref_slice %arg4[%add3A_112] : memref<327680xi32, #tpu.memory_space<hbm>> -> memref<80xi32, #tpu.memory_space<hbm>>
        %dma_start3A_147 = tpu.memref_slice %arg4[%add3A_112] : memref<327680xi32, #tpu.memory_space<hbm>> -> memref<80xi32, #tpu.memory_space<hbm>>
        tpu.enqueue_dma source(%dma_start3A_147 : memref<80xi32, #tpu.memory_space<hbm>>) target(%arg11 : memref<80xi32, #tpu.memory_space<vmem>>) target_semaphore(%run_scoped3A : memref<!tpu.dma_semaphore, #tpu.memory_space<semaphore_mem>>)
        %dma_wait3A_148 = tpu.memref_slice %arg4[%add3A_112] : memref<327680xi32, #tpu.memory_space<hbm>> -> memref<80xi32, #tpu.memory_space<hbm>>
        %dma_wait3A_149 = tpu.memref_slice %arg4[%add3A_112] : memref<327680xi32, #tpu.memory_space<hbm>> -> memref<80xi32, #tpu.memory_space<hbm>>
        tpu.wait_dma2 semaphore(%run_scoped3A : memref<!tpu.dma_semaphore, #tpu.memory_space<semaphore_mem>>) src(%dma_wait3A_149 : memref<80xi32, #tpu.memory_space<hbm>>) dst(%arg11 : memref<80xi32, #tpu.memory_space<vmem>>)
        tpu.yield
      }) : () -> ()
      %dma_start3A_113 = arith.constant 0 : i32
      %dma_start3A_114 = arith.constant 0 : i32
      %dma_start3A_115 = tpu.memref_slice %arg2[%dma_start3A_113, %dma_start3A_114] : memref<10000x128xf32, #tpu.memory_space<hbm>> -> memref<10000x128xf32, #tpu.memory_space<hbm>>
      tpu.enqueue_indirect_dma source(%dma_start3A_115 : memref<10000x128xf32, #tpu.memory_space<hbm>>) target(%arg17 : memref<80x128xf32, #tpu.memory_space<vmem>>) offsets(%arg10 : memref<80xi32, #tpu.memory_space<vmem>>) semaphore(%arg21 : memref<!tpu.dma_semaphore, #tpu.memory_space<semaphore_mem>>)
      %mul3A_116 = arith.constant 4 : i32
      %mul3A_117 = arith.muli %mul3A_116, %while3A_85 : i32
      %add3A_118 = arith.constant 2 : i32
      %add3A_119 = arith.addi %mul3A_117, %add3A_118 : i32
      %dma_wait3A_120 = arith.constant 0 : i32
      %dma_wait3A_121 = arith.constant 0 : i32
      %dma_wait3A_122 = tpu.memref_slice %arg2[%dma_wait3A_120, %dma_wait3A_121] : memref<10000x128xf32, #tpu.memory_space<hbm>> -> memref<10000x128xf32, #tpu.memory_space<hbm>>
      tpu.wait_indirect_dma semaphore(%arg22 : memref<!tpu.dma_semaphore, #tpu.memory_space<semaphore_mem>>) src(%dma_wait3A_122 : memref<10000x128xf32, #tpu.memory_space<hbm>>) dst(%arg18 : memref<80x128xf32, #tpu.memory_space<vmem>>)
      "tpu.region"() ({
        %run_scoped3A = tpu.sem_alloc : memref<!tpu.dma_semaphore, #tpu.memory_space<semaphore_mem>>
        %dma_start3A_146 = arith.constant 0 : i32
        %dma_start3A_147 = arith.constant 0 : i32
        %dma_start3A_148 = tpu.memref_slice %arg7[%dma_start3A_146, %dma_start3A_147] : memref<10240x128xf32, #tpu.memory_space<vmem_shared>> -> memref<10240x128xf32, #tpu.memory_space<vmem_shared>>
        tpu.enqueue_indirect_dma source(%arg18 : memref<80x128xf32, #tpu.memory_space<vmem>>) target(%dma_start3A_148 : memref<10240x128xf32, #tpu.memory_space<vmem_shared>>) offsets(%arg13 : memref<80xi32, #tpu.memory_space<vmem>>) semaphore(%run_scoped3A : memref<!tpu.dma_semaphore, #tpu.memory_space<semaphore_mem>>) {add = true}
        %dma_wait3A_149 = arith.constant 0 : i32
        %dma_wait3A_150 = arith.constant 0 : i32
        %dma_wait3A_151 = tpu.memref_slice %arg7[%dma_wait3A_149, %dma_wait3A_150] : memref<10240x128xf32, #tpu.memory_space<vmem_shared>> -> memref<10240x128xf32, #tpu.memory_space<vmem_shared>>
        tpu.wait_indirect_dma semaphore(%run_scoped3A : memref<!tpu.dma_semaphore, #tpu.memory_space<semaphore_mem>>) src(%arg18 : memref<80x128xf32, #tpu.memory_space<vmem>>) dst(%dma_wait3A_151 : memref<10240x128xf32, #tpu.memory_space<vmem_shared>>)
        tpu.yield
      }) : () -> ()
      %add3A_123 = arith.constant 4 : i32
      %add3A_124 = arith.addi %add3A_119, %add3A_123 : i32
      %mul3A_125 = arith.constant 80 : i32
      %mul3A_126 = arith.muli %add3A_124, %mul3A_125 : i32
      %add3A_127 = arith.addi %mul3A_18, %mul3A_126 : i32
      "tpu.region"() ({
        %run_scoped3A = tpu.sem_alloc : memref<!tpu.dma_semaphore, #tpu.memory_space<semaphore_mem>>
        %dma_start3A_146 = tpu.memref_slice %arg3[%add3A_127] : memref<327680xi32, #tpu.memory_space<hbm>> -> memref<80xi32, #tpu.memory_space<hbm>>
        %dma_start3A_147 = tpu.memref_slice %arg3[%add3A_127] : memref<327680xi32, #tpu.memory_space<hbm>> -> memref<80xi32, #tpu.memory_space<hbm>>
        tpu.enqueue_dma source(%dma_start3A_147 : memref<80xi32, #tpu.memory_space<hbm>>) target(%arg12 : memref<80xi32, #tpu.memory_space<vmem>>) target_semaphore(%run_scoped3A : memref<!tpu.dma_semaphore, #tpu.memory_space<semaphore_mem>>)
        %dma_wait3A_148 = tpu.memref_slice %arg3[%add3A_127] : memref<327680xi32, #tpu.memory_space<hbm>> -> memref<80xi32, #tpu.memory_space<hbm>>
        %dma_wait3A_149 = tpu.memref_slice %arg3[%add3A_127] : memref<327680xi32, #tpu.memory_space<hbm>> -> memref<80xi32, #tpu.memory_space<hbm>>
        tpu.wait_dma2 semaphore(%run_scoped3A : memref<!tpu.dma_semaphore, #tpu.memory_space<semaphore_mem>>) src(%dma_wait3A_149 : memref<80xi32, #tpu.memory_space<hbm>>) dst(%arg12 : memref<80xi32, #tpu.memory_space<vmem>>)
        tpu.yield
      }) : () -> ()
      "tpu.region"() ({
        %run_scoped3A = tpu.sem_alloc : memref<!tpu.dma_semaphore, #tpu.memory_space<semaphore_mem>>
        %dma_start3A_146 = tpu.memref_slice %arg4[%add3A_127] : memref<327680xi32, #tpu.memory_space<hbm>> -> memref<80xi32, #tpu.memory_space<hbm>>
        %dma_start3A_147 = tpu.memref_slice %arg4[%add3A_127] : memref<327680xi32, #tpu.memory_space<hbm>> -> memref<80xi32, #tpu.memory_space<hbm>>
        tpu.enqueue_dma source(%dma_start3A_147 : memref<80xi32, #tpu.memory_space<hbm>>) target(%arg13 : memref<80xi32, #tpu.memory_space<vmem>>) target_semaphore(%run_scoped3A : memref<!tpu.dma_semaphore, #tpu.memory_space<semaphore_mem>>)
        %dma_wait3A_148 = tpu.memref_slice %arg4[%add3A_127] : memref<327680xi32, #tpu.memory_space<hbm>> -> memref<80xi32, #tpu.memory_space<hbm>>
        %dma_wait3A_149 = tpu.memref_slice %arg4[%add3A_127] : memref<327680xi32, #tpu.memory_space<hbm>> -> memref<80xi32, #tpu.memory_space<hbm>>
        tpu.wait_dma2 semaphore(%run_scoped3A : memref<!tpu.dma_semaphore, #tpu.memory_space<semaphore_mem>>) src(%dma_wait3A_149 : memref<80xi32, #tpu.memory_space<hbm>>) dst(%arg13 : memref<80xi32, #tpu.memory_space<vmem>>)
        tpu.yield
      }) : () -> ()
      %dma_start3A_128 = arith.constant 0 : i32
      %dma_start3A_129 = arith.constant 0 : i32
      %dma_start3A_130 = tpu.memref_slice %arg2[%dma_start3A_128, %dma_start3A_129] : memref<10000x128xf32, #tpu.memory_space<hbm>> -> memref<10000x128xf32, #tpu.memory_space<hbm>>
      tpu.enqueue_indirect_dma source(%dma_start3A_130 : memref<10000x128xf32, #tpu.memory_space<hbm>>) target(%arg18 : memref<80x128xf32, #tpu.memory_space<vmem>>) offsets(%arg12 : memref<80xi32, #tpu.memory_space<vmem>>) semaphore(%arg22 : memref<!tpu.dma_semaphore, #tpu.memory_space<semaphore_mem>>)
      %mul3A_131 = arith.constant 4 : i32
      %mul3A_132 = arith.muli %mul3A_131, %while3A_85 : i32
      %add3A_133 = arith.constant 3 : i32
      %add3A_134 = arith.addi %mul3A_132, %add3A_133 : i32
      %dma_wait3A_135 = arith.constant 0 : i32
      %dma_wait3A_136 = arith.constant 0 : i32
      %dma_wait3A_137 = tpu.memref_slice %arg2[%dma_wait3A_135, %dma_wait3A_136] : memref<10000x128xf32, #tpu.memory_space<hbm>> -> memref<10000x128xf32, #tpu.memory_space<hbm>>
      tpu.wait_indirect_dma semaphore(%arg23 : memref<!tpu.dma_semaphore, #tpu.memory_space<semaphore_mem>>) src(%dma_wait3A_137 : memref<10000x128xf32, #tpu.memory_space<hbm>>) dst(%arg19 : memref<80x128xf32, #tpu.memory_space<vmem>>)
      "tpu.region"() ({
        %run_scoped3A = tpu.sem_alloc : memref<!tpu.dma_semaphore, #tpu.memory_space<semaphore_mem>>
        %dma_start3A_146 = arith.constant 0 : i32
        %dma_start3A_147 = arith.constant 0 : i32
        %dma_start3A_148 = tpu.memref_slice %arg7[%dma_start3A_146, %dma_start3A_147] : memref<10240x128xf32, #tpu.memory_space<vmem_shared>> -> memref<10240x128xf32, #tpu.memory_space<vmem_shared>>
        tpu.enqueue_indirect_dma source(%arg19 : memref<80x128xf32, #tpu.memory_space<vmem>>) target(%dma_start3A_148 : memref<10240x128xf32, #tpu.memory_space<vmem_shared>>) offsets(%arg15 : memref<80xi32, #tpu.memory_space<vmem>>) semaphore(%run_scoped3A : memref<!tpu.dma_semaphore, #tpu.memory_space<semaphore_mem>>) {add = true}
        %dma_wait3A_149 = arith.constant 0 : i32
        %dma_wait3A_150 = arith.constant 0 : i32
        %dma_wait3A_151 = tpu.memref_slice %arg7[%dma_wait3A_149, %dma_wait3A_150] : memref<10240x128xf32, #tpu.memory_space<vmem_shared>> -> memref<10240x128xf32, #tpu.memory_space<vmem_shared>>
        tpu.wait_indirect_dma semaphore(%run_scoped3A : memref<!tpu.dma_semaphore, #tpu.memory_space<semaphore_mem>>) src(%arg19 : memref<80x128xf32, #tpu.memory_space<vmem>>) dst(%dma_wait3A_151 : memref<10240x128xf32, #tpu.memory_space<vmem_shared>>)
        tpu.yield
      }) : () -> ()
      %add3A_138 = arith.constant 4 : i32
      %add3A_139 = arith.addi %add3A_134, %add3A_138 : i32
      %mul3A_140 = arith.constant 80 : i32
      %mul3A_141 = arith.muli %add3A_139, %mul3A_140 : i32
      %add3A_142 = arith.addi %mul3A_18, %mul3A_141 : i32
      "tpu.region"() ({
        %run_scoped3A = tpu.sem_alloc : memref<!tpu.dma_semaphore, #tpu.memory_space<semaphore_mem>>
        %dma_start3A_146 = tpu.memref_slice %arg3[%add3A_142] : memref<327680xi32, #tpu.memory_space<hbm>> -> memref<80xi32, #tpu.memory_space<hbm>>
        %dma_start3A_147 = tpu.memref_slice %arg3[%add3A_142] : memref<327680xi32, #tpu.memory_space<hbm>> -> memref<80xi32, #tpu.memory_space<hbm>>
        tpu.enqueue_dma source(%dma_start3A_147 : memref<80xi32, #tpu.memory_space<hbm>>) target(%arg14 : memref<80xi32, #tpu.memory_space<vmem>>) target_semaphore(%run_scoped3A : memref<!tpu.dma_semaphore, #tpu.memory_space<semaphore_mem>>)
        %dma_wait3A_148 = tpu.memref_slice %arg3[%add3A_142] : memref<327680xi32, #tpu.memory_space<hbm>> -> memref<80xi32, #tpu.memory_space<hbm>>
        %dma_wait3A_149 = tpu.memref_slice %arg3[%add3A_142] : memref<327680xi32, #tpu.memory_space<hbm>> -> memref<80xi32, #tpu.memory_space<hbm>>
        tpu.wait_dma2 semaphore(%run_scoped3A : memref<!tpu.dma_semaphore, #tpu.memory_space<semaphore_mem>>) src(%dma_wait3A_149 : memref<80xi32, #tpu.memory_space<hbm>>) dst(%arg14 : memref<80xi32, #tpu.memory_space<vmem>>)
        tpu.yield
      }) : () -> ()
      "tpu.region"() ({
        %run_scoped3A = tpu.sem_alloc : memref<!tpu.dma_semaphore, #tpu.memory_space<semaphore_mem>>
        %dma_start3A_146 = tpu.memref_slice %arg4[%add3A_142] : memref<327680xi32, #tpu.memory_space<hbm>> -> memref<80xi32, #tpu.memory_space<hbm>>
        %dma_start3A_147 = tpu.memref_slice %arg4[%add3A_142] : memref<327680xi32, #tpu.memory_space<hbm>> -> memref<80xi32, #tpu.memory_space<hbm>>
        tpu.enqueue_dma source(%dma_start3A_147 : memref<80xi32, #tpu.memory_space<hbm>>) target(%arg15 : memref<80xi32, #tpu.memory_space<vmem>>) target_semaphore(%run_scoped3A : memref<!tpu.dma_semaphore, #tpu.memory_space<semaphore_mem>>)
        %dma_wait3A_148 = tpu.memref_slice %arg4[%add3A_142] : memref<327680xi32, #tpu.memory_space<hbm>> -> memref<80xi32, #tpu.memory_space<hbm>>
        %dma_wait3A_149 = tpu.memref_slice %arg4[%add3A_142] : memref<327680xi32, #tpu.memory_space<hbm>> -> memref<80xi32, #tpu.memory_space<hbm>>
        tpu.wait_dma2 semaphore(%run_scoped3A : memref<!tpu.dma_semaphore, #tpu.memory_space<semaphore_mem>>) src(%dma_wait3A_149 : memref<80xi32, #tpu.memory_space<hbm>>) dst(%arg15 : memref<80xi32, #tpu.memory_space<vmem>>)
        tpu.yield
      }) : () -> ()
      %dma_start3A_143 = arith.constant 0 : i32
      %dma_start3A_144 = arith.constant 0 : i32
      %dma_start3A_145 = tpu.memref_slice %arg2[%dma_start3A_143, %dma_start3A_144] : memref<10000x128xf32, #tpu.memory_space<hbm>> -> memref<10000x128xf32, #tpu.memory_space<hbm>>
      tpu.enqueue_indirect_dma source(%dma_start3A_145 : memref<10000x128xf32, #tpu.memory_space<hbm>>) target(%arg19 : memref<80x128xf32, #tpu.memory_space<vmem>>) offsets(%arg14 : memref<80xi32, #tpu.memory_space<vmem>>) semaphore(%arg23 : memref<!tpu.dma_semaphore, #tpu.memory_space<semaphore_mem>>)
    }
    %while3A_66 = arith.constant 1 : i32
    scf.for %while3A_85 = %while3A_64 to %while3A_60 step %while3A_66  : i32 {
      %mul3A_86 = arith.constant 4 : i32
      %mul3A_87 = arith.muli %mul3A_86, %while3A_85 : i32
      %add3A_88 = arith.constant 0 : i32
      %add3A_89 = arith.addi %mul3A_87, %add3A_88 : i32
      %dma_wait3A_90 = arith.constant 0 : i32
      %dma_wait3A_91 = arith.constant 0 : i32
      %dma_wait3A_92 = tpu.memref_slice %arg2[%dma_wait3A_90, %dma_wait3A_91] : memref<10000x128xf32, #tpu.memory_space<hbm>> -> memref<10000x128xf32, #tpu.memory_space<hbm>>
      tpu.wait_indirect_dma semaphore(%arg20 : memref<!tpu.dma_semaphore, #tpu.memory_space<semaphore_mem>>) src(%dma_wait3A_92 : memref<10000x128xf32, #tpu.memory_space<hbm>>) dst(%arg16 : memref<80x128xf32, #tpu.memory_space<vmem>>)
      "tpu.region"() ({
        %run_scoped3A = tpu.sem_alloc : memref<!tpu.dma_semaphore, #tpu.memory_space<semaphore_mem>>
        %dma_start3A_146 = arith.constant 0 : i32
        %dma_start3A_147 = arith.constant 0 : i32
        %dma_start3A_148 = tpu.memref_slice %arg7[%dma_start3A_146, %dma_start3A_147] : memref<10240x128xf32, #tpu.memory_space<vmem_shared>> -> memref<10240x128xf32, #tpu.memory_space<vmem_shared>>
        tpu.enqueue_indirect_dma source(%arg16 : memref<80x128xf32, #tpu.memory_space<vmem>>) target(%dma_start3A_148 : memref<10240x128xf32, #tpu.memory_space<vmem_shared>>) offsets(%arg9 : memref<80xi32, #tpu.memory_space<vmem>>) semaphore(%run_scoped3A : memref<!tpu.dma_semaphore, #tpu.memory_space<semaphore_mem>>) {add = true}
        %dma_wait3A_149 = arith.constant 0 : i32
        %dma_wait3A_150 = arith.constant 0 : i32
        %dma_wait3A_151 = tpu.memref_slice %arg7[%dma_wait3A_149, %dma_wait3A_150] : memref<10240x128xf32, #tpu.memory_space<vmem_shared>> -> memref<10240x128xf32, #tpu.memory_space<vmem_shared>>
        tpu.wait_indirect_dma semaphore(%run_scoped3A : memref<!tpu.dma_semaphore, #tpu.memory_space<semaphore_mem>>) src(%arg16 : memref<80x128xf32, #tpu.memory_space<vmem>>) dst(%dma_wait3A_151 : memref<10240x128xf32, #tpu.memory_space<vmem_shared>>)
        tpu.yield
      }) : () -> ()
      %add3A_93 = arith.constant 4 : i32
      %add3A_94 = arith.addi %add3A_89, %add3A_93 : i32
      %mul3A_95 = arith.constant 80 : i32
      %mul3A_96 = arith.muli %add3A_94, %mul3A_95 : i32
      %add3A_97 = arith.addi %mul3A_18, %mul3A_96 : i32
      "tpu.region"() ({
        %run_scoped3A = tpu.sem_alloc : memref<!tpu.dma_semaphore, #tpu.memory_space<semaphore_mem>>
        %dma_start3A_146 = tpu.memref_slice %arg3[%add3A_97] : memref<327680xi32, #tpu.memory_space<hbm>> -> memref<80xi32, #tpu.memory_space<hbm>>
        %dma_start3A_147 = tpu.memref_slice %arg3[%add3A_97] : memref<327680xi32, #tpu.memory_space<hbm>> -> memref<80xi32, #tpu.memory_space<hbm>>
        tpu.enqueue_dma source(%dma_start3A_147 : memref<80xi32, #tpu.memory_space<hbm>>) target(%arg8 : memref<80xi32, #tpu.memory_space<vmem>>) target_semaphore(%run_scoped3A : memref<!tpu.dma_semaphore, #tpu.memory_space<semaphore_mem>>)
        %dma_wait3A_148 = tpu.memref_slice %arg3[%add3A_97] : memref<327680xi32, #tpu.memory_space<hbm>> -> memref<80xi32, #tpu.memory_space<hbm>>
        %dma_wait3A_149 = tpu.memref_slice %arg3[%add3A_97] : memref<327680xi32, #tpu.memory_space<hbm>> -> memref<80xi32, #tpu.memory_space<hbm>>
        tpu.wait_dma2 semaphore(%run_scoped3A : memref<!tpu.dma_semaphore, #tpu.memory_space<semaphore_mem>>) src(%dma_wait3A_149 : memref<80xi32, #tpu.memory_space<hbm>>) dst(%arg8 : memref<80xi32, #tpu.memory_space<vmem>>)
        tpu.yield
      }) : () -> ()
      "tpu.region"() ({
        %run_scoped3A = tpu.sem_alloc : memref<!tpu.dma_semaphore, #tpu.memory_space<semaphore_mem>>
        %dma_start3A_146 = tpu.memref_slice %arg4[%add3A_97] : memref<327680xi32, #tpu.memory_space<hbm>> -> memref<80xi32, #tpu.memory_space<hbm>>
        %dma_start3A_147 = tpu.memref_slice %arg4[%add3A_97] : memref<327680xi32, #tpu.memory_space<hbm>> -> memref<80xi32, #tpu.memory_space<hbm>>
        tpu.enqueue_dma source(%dma_start3A_147 : memref<80xi32, #tpu.memory_space<hbm>>) target(%arg9 : memref<80xi32, #tpu.memory_space<vmem>>) target_semaphore(%run_scoped3A : memref<!tpu.dma_semaphore, #tpu.memory_space<semaphore_mem>>)
        %dma_wait3A_148 = tpu.memref_slice %arg4[%add3A_97] : memref<327680xi32, #tpu.memory_space<hbm>> -> memref<80xi32, #tpu.memory_space<hbm>>
        %dma_wait3A_149 = tpu.memref_slice %arg4[%add3A_97] : memref<327680xi32, #tpu.memory_space<hbm>> -> memref<80xi32, #tpu.memory_space<hbm>>
        tpu.wait_dma2 semaphore(%run_scoped3A : memref<!tpu.dma_semaphore, #tpu.memory_space<semaphore_mem>>) src(%dma_wait3A_149 : memref<80xi32, #tpu.memory_space<hbm>>) dst(%arg9 : memref<80xi32, #tpu.memory_space<vmem>>)
        tpu.yield
      }) : () -> ()
      %dma_start3A_98 = arith.constant 0 : i32
      %dma_start3A_99 = arith.constant 0 : i32
      %dma_start3A_100 = tpu.memref_slice %arg2[%dma_start3A_98, %dma_start3A_99] : memref<10000x128xf32, #tpu.memory_space<hbm>> -> memref<10000x128xf32, #tpu.memory_space<hbm>>
      tpu.enqueue_indirect_dma source(%dma_start3A_100 : memref<10000x128xf32, #tpu.memory_space<hbm>>) target(%arg16 : memref<80x128xf32, #tpu.memory_space<vmem>>) offsets(%arg8 : memref<80xi32, #tpu.memory_space<vmem>>) semaphore(%arg20 : memref<!tpu.dma_semaphore, #tpu.memory_space<semaphore_mem>>)
      %mul3A_101 = arith.constant 4 : i32
      %mul3A_102 = arith.muli %mul3A_101, %while3A_85 : i32
      %add3A_103 = arith.constant 1 : i32
      %add3A_104 = arith.addi %mul3A_102, %add3A_103 : i32
      %dma_wait3A_105 = arith.constant 0 : i32
      %dma_wait3A_106 = arith.constant 0 : i32
      %dma_wait3A_107 = tpu.memref_slice %arg2[%dma_wait3A_105, %dma_wait3A_106] : memref<10000x128xf32, #tpu.memory_space<hbm>> -> memref<10000x128xf32, #tpu.memory_space<hbm>>
      tpu.wait_indirect_dma semaphore(%arg21 : memref<!tpu.dma_semaphore, #tpu.memory_space<semaphore_mem>>) src(%dma_wait3A_107 : memref<10000x128xf32, #tpu.memory_space<hbm>>) dst(%arg17 : memref<80x128xf32, #tpu.memory_space<vmem>>)
      "tpu.region"() ({
        %run_scoped3A = tpu.sem_alloc : memref<!tpu.dma_semaphore, #tpu.memory_space<semaphore_mem>>
        %dma_start3A_146 = arith.constant 0 : i32
        %dma_start3A_147 = arith.constant 0 : i32
        %dma_start3A_148 = tpu.memref_slice %arg7[%dma_start3A_146, %dma_start3A_147] : memref<10240x128xf32, #tpu.memory_space<vmem_shared>> -> memref<10240x128xf32, #tpu.memory_space<vmem_shared>>
        tpu.enqueue_indirect_dma source(%arg17 : memref<80x128xf32, #tpu.memory_space<vmem>>) target(%dma_start3A_148 : memref<10240x128xf32, #tpu.memory_space<vmem_shared>>) offsets(%arg11 : memref<80xi32, #tpu.memory_space<vmem>>) semaphore(%run_scoped3A : memref<!tpu.dma_semaphore, #tpu.memory_space<semaphore_mem>>) {add = true}
        %dma_wait3A_149 = arith.constant 0 : i32
        %dma_wait3A_150 = arith.constant 0 : i32
        %dma_wait3A_151 = tpu.memref_slice %arg7[%dma_wait3A_149, %dma_wait3A_150] : memref<10240x128xf32, #tpu.memory_space<vmem_shared>> -> memref<10240x128xf32, #tpu.memory_space<vmem_shared>>
        tpu.wait_indirect_dma semaphore(%run_scoped3A : memref<!tpu.dma_semaphore, #tpu.memory_space<semaphore_mem>>) src(%arg17 : memref<80x128xf32, #tpu.memory_space<vmem>>) dst(%dma_wait3A_151 : memref<10240x128xf32, #tpu.memory_space<vmem_shared>>)
        tpu.yield
      }) : () -> ()
      %add3A_108 = arith.constant 4 : i32
      %add3A_109 = arith.addi %add3A_104, %add3A_108 : i32
      %mul3A_110 = arith.constant 80 : i32
      %mul3A_111 = arith.muli %add3A_109, %mul3A_110 : i32
      %add3A_112 = arith.addi %mul3A_18, %mul3A_111 : i32
      "tpu.region"() ({
        %run_scoped3A = tpu.sem_alloc : memref<!tpu.dma_semaphore, #tpu.memory_space<semaphore_mem>>
        %dma_start3A_146 = tpu.memref_slice %arg3[%add3A_112] : memref<327680xi32, #tpu.memory_space<hbm>> -> memref<80xi32, #tpu.memory_space<hbm>>
        %dma_start3A_147 = tpu.memref_slice %arg3[%add3A_112] : memref<327680xi32, #tpu.memory_space<hbm>> -> memref<80xi32, #tpu.memory_space<hbm>>
        tpu.enqueue_dma source(%dma_start3A_147 : memref<80xi32, #tpu.memory_space<hbm>>) target(%arg10 : memref<80xi32, #tpu.memory_space<vmem>>) target_semaphore(%run_scoped3A : memref<!tpu.dma_semaphore, #tpu.memory_space<semaphore_mem>>)
        %dma_wait3A_148 = tpu.memref_slice %arg3[%add3A_112] : memref<327680xi32, #tpu.memory_space<hbm>> -> memref<80xi32, #tpu.memory_space<hbm>>
        %dma_wait3A_149 = tpu.memref_slice %arg3[%add3A_112] : memref<327680xi32, #tpu.memory_space<hbm>> -> memref<80xi32, #tpu.memory_space<hbm>>
        tpu.wait_dma2 semaphore(%run_scoped3A : memref<!tpu.dma_semaphore, #tpu.memory_space<semaphore_mem>>) src(%dma_wait3A_149 : memref<80xi32, #tpu.memory_space<hbm>>) dst(%arg10 : memref<80xi32, #tpu.memory_space<vmem>>)
        tpu.yield
      }) : () -> ()
      "tpu.region"() ({
        %run_scoped3A = tpu.sem_alloc : memref<!tpu.dma_semaphore, #tpu.memory_space<semaphore_mem>>
        %dma_start3A_146 = tpu.memref_slice %arg4[%add3A_112] : memref<327680xi32, #tpu.memory_space<hbm>> -> memref<80xi32, #tpu.memory_space<hbm>>
        %dma_start3A_147 = tpu.memref_slice %arg4[%add3A_112] : memref<327680xi32, #tpu.memory_space<hbm>> -> memref<80xi32, #tpu.memory_space<hbm>>
        tpu.enqueue_dma source(%dma_start3A_147 : memref<80xi32, #tpu.memory_space<hbm>>) target(%arg11 : memref<80xi32, #tpu.memory_space<vmem>>) target_semaphore(%run_scoped3A : memref<!tpu.dma_semaphore, #tpu.memory_space<semaphore_mem>>)
        %dma_wait3A_148 = tpu.memref_slice %arg4[%add3A_112] : memref<327680xi32, #tpu.memory_space<hbm>> -> memref<80xi32, #tpu.memory_space<hbm>>
        %dma_wait3A_149 = tpu.memref_slice %arg4[%add3A_112] : memref<327680xi32, #tpu.memory_space<hbm>> -> memref<80xi32, #tpu.memory_space<hbm>>
        tpu.wait_dma2 semaphore(%run_scoped3A : memref<!tpu.dma_semaphore, #tpu.memory_space<semaphore_mem>>) src(%dma_wait3A_149 : memref<80xi32, #tpu.memory_space<hbm>>) dst(%arg11 : memref<80xi32, #tpu.memory_space<vmem>>)
        tpu.yield
      }) : () -> ()
      %dma_start3A_113 = arith.constant 0 : i32
      %dma_start3A_114 = arith.constant 0 : i32
      %dma_start3A_115 = tpu.memref_slice %arg2[%dma_start3A_113, %dma_start3A_114] : memref<10000x128xf32, #tpu.memory_space<hbm>> -> memref<10000x128xf32, #tpu.memory_space<hbm>>
      tpu.enqueue_indirect_dma source(%dma_start3A_115 : memref<10000x128xf32, #tpu.memory_space<hbm>>) target(%arg17 : memref<80x128xf32, #tpu.memory_space<vmem>>) offsets(%arg10 : memref<80xi32, #tpu.memory_space<vmem>>) semaphore(%arg21 : memref<!tpu.dma_semaphore, #tpu.memory_space<semaphore_mem>>)
      %mul3A_116 = arith.constant 4 : i32
      %mul3A_117 = arith.muli %mul3A_116, %while3A_85 : i32
      %add3A_118 = arith.constant 2 : i32
      %add3A_119 = arith.addi %mul3A_117, %add3A_118 : i32
      %dma_wait3A_120 = arith.constant 0 : i32
      %dma_wait3A_121 = arith.constant 0 : i32
      %dma_wait3A_122 = tpu.memref_slice %arg2[%dma_wait3A_120, %dma_wait3A_121] : memref<10000x128xf32, #tpu.memory_space<hbm>> -> memref<10000x128xf32, #tpu.memory_space<hbm>>
      tpu.wait_indirect_dma semaphore(%arg22 : memref<!tpu.dma_semaphore, #tpu.memory_space<semaphore_mem>>) src(%dma_wait3A_122 : memref<10000x128xf32, #tpu.memory_space<hbm>>) dst(%arg18 : memref<80x128xf32, #tpu.memory_space<vmem>>)
      "tpu.region"() ({
        %run_scoped3A = tpu.sem_alloc : memref<!tpu.dma_semaphore, #tpu.memory_space<semaphore_mem>>
        %dma_start3A_146 = arith.constant 0 : i32
        %dma_start3A_147 = arith.constant 0 : i32
        %dma_start3A_148 = tpu.memref_slice %arg7[%dma_start3A_146, %dma_start3A_147] : memref<10240x128xf32, #tpu.memory_space<vmem_shared>> -> memref<10240x128xf32, #tpu.memory_space<vmem_shared>>
        tpu.enqueue_indirect_dma source(%arg18 : memref<80x128xf32, #tpu.memory_space<vmem>>) target(%dma_start3A_148 : memref<10240x128xf32, #tpu.memory_space<vmem_shared>>) offsets(%arg13 : memref<80xi32, #tpu.memory_space<vmem>>) semaphore(%run_scoped3A : memref<!tpu.dma_semaphore, #tpu.memory_space<semaphore_mem>>) {add = true}
        %dma_wait3A_149 = arith.constant 0 : i32
        %dma_wait3A_150 = arith.constant 0 : i32
        %dma_wait3A_151 = tpu.memref_slice %arg7[%dma_wait3A_149, %dma_wait3A_150] : memref<10240x128xf32, #tpu.memory_space<vmem_shared>> -> memref<10240x128xf32, #tpu.memory_space<vmem_shared>>
        tpu.wait_indirect_dma semaphore(%run_scoped3A : memref<!tpu.dma_semaphore, #tpu.memory_space<semaphore_mem>>) src(%arg18 : memref<80x128xf32, #tpu.memory_space<vmem>>) dst(%dma_wait3A_151 : memref<10240x128xf32, #tpu.memory_space<vmem_shared>>)
        tpu.yield
      }) : () -> ()
      %add3A_123 = arith.constant 4 : i32
      %add3A_124 = arith.addi %add3A_119, %add3A_123 : i32
      %mul3A_125 = arith.constant 80 : i32
      %mul3A_126 = arith.muli %add3A_124, %mul3A_125 : i32
      %add3A_127 = arith.addi %mul3A_18, %mul3A_126 : i32
      "tpu.region"() ({
        %run_scoped3A = tpu.sem_alloc : memref<!tpu.dma_semaphore, #tpu.memory_space<semaphore_mem>>
        %dma_start3A_146 = tpu.memref_slice %arg3[%add3A_127] : memref<327680xi32, #tpu.memory_space<hbm>> -> memref<80xi32, #tpu.memory_space<hbm>>
        %dma_start3A_147 = tpu.memref_slice %arg3[%add3A_127] : memref<327680xi32, #tpu.memory_space<hbm>> -> memref<80xi32, #tpu.memory_space<hbm>>
        tpu.enqueue_dma source(%dma_start3A_147 : memref<80xi32, #tpu.memory_space<hbm>>) target(%arg12 : memref<80xi32, #tpu.memory_space<vmem>>) target_semaphore(%run_scoped3A : memref<!tpu.dma_semaphore, #tpu.memory_space<semaphore_mem>>)
        %dma_wait3A_148 = tpu.memref_slice %arg3[%add3A_127] : memref<327680xi32, #tpu.memory_space<hbm>> -> memref<80xi32, #tpu.memory_space<hbm>>
        %dma_wait3A_149 = tpu.memref_slice %arg3[%add3A_127] : memref<327680xi32, #tpu.memory_space<hbm>> -> memref<80xi32, #tpu.memory_space<hbm>>
        tpu.wait_dma2 semaphore(%run_scoped3A : memref<!tpu.dma_semaphore, #tpu.memory_space<semaphore_mem>>) src(%dma_wait3A_149 : memref<80xi32, #tpu.memory_space<hbm>>) dst(%arg12 : memref<80xi32, #tpu.memory_space<vmem>>)
        tpu.yield
      }) : () -> ()
      "tpu.region"() ({
        %run_scoped3A = tpu.sem_alloc : memref<!tpu.dma_semaphore, #tpu.memory_space<semaphore_mem>>
        %dma_start3A_146 = tpu.memref_slice %arg4[%add3A_127] : memref<327680xi32, #tpu.memory_space<hbm>> -> memref<80xi32, #tpu.memory_space<hbm>>
        %dma_start3A_147 = tpu.memref_slice %arg4[%add3A_127] : memref<327680xi32, #tpu.memory_space<hbm>> -> memref<80xi32, #tpu.memory_space<hbm>>
        tpu.enqueue_dma source(%dma_start3A_147 : memref<80xi32, #tpu.memory_space<hbm>>) target(%arg13 : memref<80xi32, #tpu.memory_space<vmem>>) target_semaphore(%run_scoped3A : memref<!tpu.dma_semaphore, #tpu.memory_space<semaphore_mem>>)
        %dma_wait3A_148 = tpu.memref_slice %arg4[%add3A_127] : memref<327680xi32, #tpu.memory_space<hbm>> -> memref<80xi32, #tpu.memory_space<hbm>>
        %dma_wait3A_149 = tpu.memref_slice %arg4[%add3A_127] : memref<327680xi32, #tpu.memory_space<hbm>> -> memref<80xi32, #tpu.memory_space<hbm>>
        tpu.wait_dma2 semaphore(%run_scoped3A : memref<!tpu.dma_semaphore, #tpu.memory_space<semaphore_mem>>) src(%dma_wait3A_149 : memref<80xi32, #tpu.memory_space<hbm>>) dst(%arg13 : memref<80xi32, #tpu.memory_space<vmem>>)
        tpu.yield
      }) : () -> ()
      %dma_start3A_128 = arith.constant 0 : i32
      %dma_start3A_129 = arith.constant 0 : i32
      %dma_start3A_130 = tpu.memref_slice %arg2[%dma_start3A_128, %dma_start3A_129] : memref<10000x128xf32, #tpu.memory_space<hbm>> -> memref<10000x128xf32, #tpu.memory_space<hbm>>
      tpu.enqueue_indirect_dma source(%dma_start3A_130 : memref<10000x128xf32, #tpu.memory_space<hbm>>) target(%arg18 : memref<80x128xf32, #tpu.memory_space<vmem>>) offsets(%arg12 : memref<80xi32, #tpu.memory_space<vmem>>) semaphore(%arg22 : memref<!tpu.dma_semaphore, #tpu.memory_space<semaphore_mem>>)
      %mul3A_131 = arith.constant 4 : i32
      %mul3A_132 = arith.muli %mul3A_131, %while3A_85 : i32
      %add3A_133 = arith.constant 3 : i32
      %add3A_134 = arith.addi %mul3A_132, %add3A_133 : i32
      %dma_wait3A_135 = arith.constant 0 : i32
      %dma_wait3A_136 = arith.constant 0 : i32
      %dma_wait3A_137 = tpu.memref_slice %arg2[%dma_wait3A_135, %dma_wait3A_136] : memref<10000x128xf32, #tpu.memory_space<hbm>> -> memref<10000x128xf32, #tpu.memory_space<hbm>>
      tpu.wait_indirect_dma semaphore(%arg23 : memref<!tpu.dma_semaphore, #tpu.memory_space<semaphore_mem>>) src(%dma_wait3A_137 : memref<10000x128xf32, #tpu.memory_space<hbm>>) dst(%arg19 : memref<80x128xf32, #tpu.memory_space<vmem>>)
      "tpu.region"() ({
        %run_scoped3A = tpu.sem_alloc : memref<!tpu.dma_semaphore, #tpu.memory_space<semaphore_mem>>
        %dma_start3A_146 = arith.constant 0 : i32
        %dma_start3A_147 = arith.constant 0 : i32
        %dma_start3A_148 = tpu.memref_slice %arg7[%dma_start3A_146, %dma_start3A_147] : memref<10240x128xf32, #tpu.memory_space<vmem_shared>> -> memref<10240x128xf32, #tpu.memory_space<vmem_shared>>
        tpu.enqueue_indirect_dma source(%arg19 : memref<80x128xf32, #tpu.memory_space<vmem>>) target(%dma_start3A_148 : memref<10240x128xf32, #tpu.memory_space<vmem_shared>>) offsets(%arg15 : memref<80xi32, #tpu.memory_space<vmem>>) semaphore(%run_scoped3A : memref<!tpu.dma_semaphore, #tpu.memory_space<semaphore_mem>>) {add = true}
        %dma_wait3A_149 = arith.constant 0 : i32
        %dma_wait3A_150 = arith.constant 0 : i32
        %dma_wait3A_151 = tpu.memref_slice %arg7[%dma_wait3A_149, %dma_wait3A_150] : memref<10240x128xf32, #tpu.memory_space<vmem_shared>> -> memref<10240x128xf32, #tpu.memory_space<vmem_shared>>
        tpu.wait_indirect_dma semaphore(%run_scoped3A : memref<!tpu.dma_semaphore, #tpu.memory_space<semaphore_mem>>) src(%arg19 : memref<80x128xf32, #tpu.memory_space<vmem>>) dst(%dma_wait3A_151 : memref<10240x128xf32, #tpu.memory_space<vmem_shared>>)
        tpu.yield
      }) : () -> ()
      %add3A_138 = arith.constant 4 : i32
      %add3A_139 = arith.addi %add3A_134, %add3A_138 : i32
      %mul3A_140 = arith.constant 80 : i32
      %mul3A_141 = arith.muli %add3A_139, %mul3A_140 : i32
      %add3A_142 = arith.addi %mul3A_18, %mul3A_141 : i32
      "tpu.region"() ({
        %run_scoped3A = tpu.sem_alloc : memref<!tpu.dma_semaphore, #tpu.memory_space<semaphore_mem>>
        %dma_start3A_146 = tpu.memref_slice %arg3[%add3A_142] : memref<327680xi32, #tpu.memory_space<hbm>> -> memref<80xi32, #tpu.memory_space<hbm>>
        %dma_start3A_147 = tpu.memref_slice %arg3[%add3A_142] : memref<327680xi32, #tpu.memory_space<hbm>> -> memref<80xi32, #tpu.memory_space<hbm>>
        tpu.enqueue_dma source(%dma_start3A_147 : memref<80xi32, #tpu.memory_space<hbm>>) target(%arg14 : memref<80xi32, #tpu.memory_space<vmem>>) target_semaphore(%run_scoped3A : memref<!tpu.dma_semaphore, #tpu.memory_space<semaphore_mem>>)
        %dma_wait3A_148 = tpu.memref_slice %arg3[%add3A_142] : memref<327680xi32, #tpu.memory_space<hbm>> -> memref<80xi32, #tpu.memory_space<hbm>>
        %dma_wait3A_149 = tpu.memref_slice %arg3[%add3A_142] : memref<327680xi32, #tpu.memory_space<hbm>> -> memref<80xi32, #tpu.memory_space<hbm>>
        tpu.wait_dma2 semaphore(%run_scoped3A : memref<!tpu.dma_semaphore, #tpu.memory_space<semaphore_mem>>) src(%dma_wait3A_149 : memref<80xi32, #tpu.memory_space<hbm>>) dst(%arg14 : memref<80xi32, #tpu.memory_space<vmem>>)
        tpu.yield
      }) : () -> ()
      "tpu.region"() ({
        %run_scoped3A = tpu.sem_alloc : memref<!tpu.dma_semaphore, #tpu.memory_space<semaphore_mem>>
        %dma_start3A_146 = tpu.memref_slice %arg4[%add3A_142] : memref<327680xi32, #tpu.memory_space<hbm>> -> memref<80xi32, #tpu.memory_space<hbm>>
        %dma_start3A_147 = tpu.memref_slice %arg4[%add3A_142] : memref<327680xi32, #tpu.memory_space<hbm>> -> memref<80xi32, #tpu.memory_space<hbm>>
        tpu.enqueue_dma source(%dma_start3A_147 : memref<80xi32, #tpu.memory_space<hbm>>) target(%arg15 : memref<80xi32, #tpu.memory_space<vmem>>) target_semaphore(%run_scoped3A : memref<!tpu.dma_semaphore, #tpu.memory_space<semaphore_mem>>)
        %dma_wait3A_148 = tpu.memref_slice %arg4[%add3A_142] : memref<327680xi32, #tpu.memory_space<hbm>> -> memref<80xi32, #tpu.memory_space<hbm>>
        %dma_wait3A_149 = tpu.memref_slice %arg4[%add3A_142] : memref<327680xi32, #tpu.memory_space<hbm>> -> memref<80xi32, #tpu.memory_space<hbm>>
        tpu.wait_dma2 semaphore(%run_scoped3A : memref<!tpu.dma_semaphore, #tpu.memory_space<semaphore_mem>>) src(%dma_wait3A_149 : memref<80xi32, #tpu.memory_space<hbm>>) dst(%arg15 : memref<80xi32, #tpu.memory_space<vmem>>)
        tpu.yield
      }) : () -> ()
      %dma_start3A_143 = arith.constant 0 : i32
      %dma_start3A_144 = arith.constant 0 : i32
      %dma_start3A_145 = tpu.memref_slice %arg2[%dma_start3A_143, %dma_start3A_144] : memref<10000x128xf32, #tpu.memory_space<hbm>> -> memref<10000x128xf32, #tpu.memory_space<hbm>>
      tpu.enqueue_indirect_dma source(%dma_start3A_145 : memref<10000x128xf32, #tpu.memory_space<hbm>>) target(%arg19 : memref<80x128xf32, #tpu.memory_space<vmem>>) offsets(%arg14 : memref<80xi32, #tpu.memory_space<vmem>>) semaphore(%arg23 : memref<!tpu.dma_semaphore, #tpu.memory_space<semaphore_mem>>)
    }
    %dma_wait3A = arith.constant 0 : i32
    %dma_wait3A_67 = arith.constant 0 : i32
    %dma_wait3A_68 = tpu.memref_slice %arg2[%dma_wait3A, %dma_wait3A_67] : memref<10000x128xf32, #tpu.memory_space<hbm>> -> memref<10000x128xf32, #tpu.memory_space<hbm>>
    tpu.wait_indirect_dma semaphore(%arg20 : memref<!tpu.dma_semaphore, #tpu.memory_space<semaphore_mem>>) src(%dma_wait3A_68 : memref<10000x128xf32, #tpu.memory_space<hbm>>) dst(%arg16 : memref<80x128xf32, #tpu.memory_space<vmem>>)
    "tpu.region"() ({
      %run_scoped3A = tpu.sem_alloc : memref<!tpu.dma_semaphore, #tpu.memory_space<semaphore_mem>>
      %dma_start3A_85 = arith.constant 0 : i32
      %dma_start3A_86 = arith.constant 0 : i32
      %dma_start3A_87 = tpu.memref_slice %arg7[%dma_start3A_85, %dma_start3A_86] : memref<10240x128xf32, #tpu.memory_space<vmem_shared>> -> memref<10240x128xf32, #tpu.memory_space<vmem_shared>>
      tpu.enqueue_indirect_dma source(%arg16 : memref<80x128xf32, #tpu.memory_space<vmem>>) target(%dma_start3A_87 : memref<10240x128xf32, #tpu.memory_space<vmem_shared>>) offsets(%arg9 : memref<80xi32, #tpu.memory_space<vmem>>) semaphore(%run_scoped3A : memref<!tpu.dma_semaphore, #tpu.memory_space<semaphore_mem>>) {add = true}
      %dma_wait3A_88 = arith.constant 0 : i32
      %dma_wait3A_89 = arith.constant 0 : i32
      %dma_wait3A_90 = tpu.memref_slice %arg7[%dma_wait3A_88, %dma_wait3A_89] : memref<10240x128xf32, #tpu.memory_space<vmem_shared>> -> memref<10240x128xf32, #tpu.memory_space<vmem_shared>>
      tpu.wait_indirect_dma semaphore(%run_scoped3A : memref<!tpu.dma_semaphore, #tpu.memory_space<semaphore_mem>>) src(%arg16 : memref<80x128xf32, #tpu.memory_space<vmem>>) dst(%dma_wait3A_90 : memref<10240x128xf32, #tpu.memory_space<vmem_shared>>)
      tpu.yield
    }) : () -> ()
    %dma_wait3A_69 = arith.constant 0 : i32
    %dma_wait3A_70 = arith.constant 0 : i32
    %dma_wait3A_71 = tpu.memref_slice %arg2[%dma_wait3A_69, %dma_wait3A_70] : memref<10000x128xf32, #tpu.memory_space<hbm>> -> memref<10000x128xf32, #tpu.memory_space<hbm>>
    tpu.wait_indirect_dma semaphore(%arg21 : memref<!tpu.dma_semaphore, #tpu.memory_space<semaphore_mem>>) src(%dma_wait3A_71 : memref<10000x128xf32, #tpu.memory_space<hbm>>) dst(%arg17 : memref<80x128xf32, #tpu.memory_space<vmem>>)
    "tpu.region"() ({
      %run_scoped3A = tpu.sem_alloc : memref<!tpu.dma_semaphore, #tpu.memory_space<semaphore_mem>>
      %dma_start3A_85 = arith.constant 0 : i32
      %dma_start3A_86 = arith.constant 0 : i32
      %dma_start3A_87 = tpu.memref_slice %arg7[%dma_start3A_85, %dma_start3A_86] : memref<10240x128xf32, #tpu.memory_space<vmem_shared>> -> memref<10240x128xf32, #tpu.memory_space<vmem_shared>>
      tpu.enqueue_indirect_dma source(%arg17 : memref<80x128xf32, #tpu.memory_space<vmem>>) target(%dma_start3A_87 : memref<10240x128xf32, #tpu.memory_space<vmem_shared>>) offsets(%arg11 : memref<80xi32, #tpu.memory_space<vmem>>) semaphore(%run_scoped3A : memref<!tpu.dma_semaphore, #tpu.memory_space<semaphore_mem>>) {add = true}
      %dma_wait3A_88 = arith.constant 0 : i32
      %dma_wait3A_89 = arith.constant 0 : i32
      %dma_wait3A_90 = tpu.memref_slice %arg7[%dma_wait3A_88, %dma_wait3A_89] : memref<10240x128xf32, #tpu.memory_space<vmem_shared>> -> memref<10240x128xf32, #tpu.memory_space<vmem_shared>>
      tpu.wait_indirect_dma semaphore(%run_scoped3A : memref<!tpu.dma_semaphore, #tpu.memory_space<semaphore_mem>>) src(%arg17 : memref<80x128xf32, #tpu.memory_space<vmem>>) dst(%dma_wait3A_90 : memref<10240x128xf32, #tpu.memory_space<vmem_shared>>)
      tpu.yield
    }) : () -> ()
    %dma_wait3A_72 = arith.constant 0 : i32
    %dma_wait3A_73 = arith.constant 0 : i32
    %dma_wait3A_74 = tpu.memref_slice %arg2[%dma_wait3A_72, %dma_wait3A_73] : memref<10000x128xf32, #tpu.memory_space<hbm>> -> memref<10000x128xf32, #tpu.memory_space<hbm>>
    tpu.wait_indirect_dma semaphore(%arg22 : memref<!tpu.dma_semaphore, #tpu.memory_space<semaphore_mem>>) src(%dma_wait3A_74 : memref<10000x128xf32, #tpu.memory_space<hbm>>) dst(%arg18 : memref<80x128xf32, #tpu.memory_space<vmem>>)
    "tpu.region"() ({
      %run_scoped3A = tpu.sem_alloc : memref<!tpu.dma_semaphore, #tpu.memory_space<semaphore_mem>>
      %dma_start3A_85 = arith.constant 0 : i32
      %dma_start3A_86 = arith.constant 0 : i32
      %dma_start3A_87 = tpu.memref_slice %arg7[%dma_start3A_85, %dma_start3A_86] : memref<10240x128xf32, #tpu.memory_space<vmem_shared>> -> memref<10240x128xf32, #tpu.memory_space<vmem_shared>>
      tpu.enqueue_indirect_dma source(%arg18 : memref<80x128xf32, #tpu.memory_space<vmem>>) target(%dma_start3A_87 : memref<10240x128xf32, #tpu.memory_space<vmem_shared>>) offsets(%arg13 : memref<80xi32, #tpu.memory_space<vmem>>) semaphore(%run_scoped3A : memref<!tpu.dma_semaphore, #tpu.memory_space<semaphore_mem>>) {add = true}
      %dma_wait3A_88 = arith.constant 0 : i32
      %dma_wait3A_89 = arith.constant 0 : i32
      %dma_wait3A_90 = tpu.memref_slice %arg7[%dma_wait3A_88, %dma_wait3A_89] : memref<10240x128xf32, #tpu.memory_space<vmem_shared>> -> memref<10240x128xf32, #tpu.memory_space<vmem_shared>>
      tpu.wait_indirect_dma semaphore(%run_scoped3A : memref<!tpu.dma_semaphore, #tpu.memory_space<semaphore_mem>>) src(%arg18 : memref<80x128xf32, #tpu.memory_space<vmem>>) dst(%dma_wait3A_90 : memref<10240x128xf32, #tpu.memory_space<vmem_shared>>)
      tpu.yield
    }) : () -> ()
    %dma_wait3A_75 = arith.constant 0 : i32
    %dma_wait3A_76 = arith.constant 0 : i32
    %dma_wait3A_77 = tpu.memref_slice %arg2[%dma_wait3A_75, %dma_wait3A_76] : memref<10000x128xf32, #tpu.memory_space<hbm>> -> memref<10000x128xf32, #tpu.memory_space<hbm>>
    tpu.wait_indirect_dma semaphore(%arg23 : memref<!tpu.dma_semaphore, #tpu.memory_space<semaphore_mem>>) src(%dma_wait3A_77 : memref<10000x128xf32, #tpu.memory_space<hbm>>) dst(%arg19 : memref<80x128xf32, #tpu.memory_space<vmem>>)
    "tpu.region"() ({
      %run_scoped3A = tpu.sem_alloc : memref<!tpu.dma_semaphore, #tpu.memory_space<semaphore_mem>>
      %dma_start3A_85 = arith.constant 0 : i32
      %dma_start3A_86 = arith.constant 0 : i32
      %dma_start3A_87 = tpu.memref_slice %arg7[%dma_start3A_85, %dma_start3A_86] : memref<10240x128xf32, #tpu.memory_space<vmem_shared>> -> memref<10240x128xf32, #tpu.memory_space<vmem_shared>>
      tpu.enqueue_indirect_dma source(%arg19 : memref<80x128xf32, #tpu.memory_space<vmem>>) target(%dma_start3A_87 : memref<10240x128xf32, #tpu.memory_space<vmem_shared>>) offsets(%arg15 : memref<80xi32, #tpu.memory_space<vmem>>) semaphore(%run_scoped3A : memref<!tpu.dma_semaphore, #tpu.memory_space<semaphore_mem>>) {add = true}
      %dma_wait3A_88 = arith.constant 0 : i32
      %dma_wait3A_89 = arith.constant 0 : i32
      %dma_wait3A_90 = tpu.memref_slice %arg7[%dma_wait3A_88, %dma_wait3A_89] : memref<10240x128xf32, #tpu.memory_space<vmem_shared>> -> memref<10240x128xf32, #tpu.memory_space<vmem_shared>>
      tpu.wait_indirect_dma semaphore(%run_scoped3A : memref<!tpu.dma_semaphore, #tpu.memory_space<semaphore_mem>>) src(%arg19 : memref<80x128xf32, #tpu.memory_space<vmem>>) dst(%dma_wait3A_90 : memref<10240x128xf32, #tpu.memory_space<vmem_shared>>)
      tpu.yield
    }) : () -> ()
    %barrier3A_78 = arith.constant 0 : index
    tpu.barrier barrier_id(%barrier3A_78)
    %scan3A_79 = arith.constant 0 : i32
    %scan3A_80 = arith.constant 0 : i32
    %scan3A_81 = arith.constant 8 : i32
    %scan3A_82 = arith.addi %scan3A_80, %scan3A_81 : i32
    %scan3A_83 = arith.constant 1 : i32
    scf.for %scan3A_85 = %scan3A_80 to %scan3A_82 step %scan3A_83  : i32 {
      %mul3A_86 = arith.constant 640 : i32
      %mul3A_87 = arith.muli %arg1, %mul3A_86 : i32
      %mul3A_88 = arith.constant 80 : i32
      %mul3A_89 = arith.muli %scan3A_85, %mul3A_88 : i32
      %add3A_90 = arith.addi %mul3A_87, %mul3A_89 : i32
      "tpu.region"() ({
        %run_scoped3A = tpu.sem_alloc : memref<!tpu.dma_semaphore, #tpu.memory_space<semaphore_mem>>
        %dma_start3A_94 = arith.constant 0 : i32
        %dma_start3A_95 = tpu.memref_slice %arg7[%add3A_90, %dma_start3A_94] : memref<10240x128xf32, #tpu.memory_space<vmem_shared>> -> memref<80x128xf32, #tpu.memory_space<vmem_shared>>
        %dma_start3A_96 = arith.constant 0 : i32
        %dma_start3A_97 = tpu.memref_slice %arg7[%add3A_90, %dma_start3A_96] : memref<10240x128xf32, #tpu.memory_space<vmem_shared>> -> memref<80x128xf32, #tpu.memory_space<vmem_shared>>
        tpu.enqueue_dma source(%dma_start3A_97 : memref<80x128xf32, #tpu.memory_space<vmem_shared>>) target(%arg16 : memref<80x128xf32, #tpu.memory_space<vmem>>) target_semaphore(%run_scoped3A : memref<!tpu.dma_semaphore, #tpu.memory_space<semaphore_mem>>)
        %dma_wait3A_98 = arith.constant 0 : i32
        %dma_wait3A_99 = tpu.memref_slice %arg7[%add3A_90, %dma_wait3A_98] : memref<10240x128xf32, #tpu.memory_space<vmem_shared>> -> memref<80x128xf32, #tpu.memory_space<vmem_shared>>
        %dma_wait3A_100 = arith.constant 0 : i32
        %dma_wait3A_101 = tpu.memref_slice %arg7[%add3A_90, %dma_wait3A_100] : memref<10240x128xf32, #tpu.memory_space<vmem_shared>> -> memref<80x128xf32, #tpu.memory_space<vmem_shared>>
        tpu.wait_dma2 semaphore(%run_scoped3A : memref<!tpu.dma_semaphore, #tpu.memory_space<semaphore_mem>>) src(%dma_wait3A_101 : memref<80x128xf32, #tpu.memory_space<vmem_shared>>) dst(%arg16 : memref<80x128xf32, #tpu.memory_space<vmem>>)
        tpu.yield
      }) : () -> ()
      %mul3A_91 = arith.constant 10240 : i32
      %mul3A_92 = arith.muli %arg0, %mul3A_91 : i32
      %add3A_93 = arith.addi %mul3A_92, %add3A_90 : i32
      "tpu.region"() ({
        %run_scoped3A = tpu.sem_alloc : memref<!tpu.dma_semaphore, #tpu.memory_space<semaphore_mem>>
        %dma_start3A_94 = arith.constant 0 : i32
        %dma_start3A_95 = tpu.memref_slice %arg6[%add3A_93, %dma_start3A_94] : memref<20480x128xf32, #tpu.memory_space<hbm>> -> memref<80x128xf32, #tpu.memory_space<hbm>>
        %dma_start3A_96 = arith.constant 0 : i32
        %dma_start3A_97 = tpu.memref_slice %arg6[%add3A_93, %dma_start3A_96] : memref<20480x128xf32, #tpu.memory_space<hbm>> -> memref<80x128xf32, #tpu.memory_space<hbm>>
        tpu.enqueue_dma source(%arg16 : memref<80x128xf32, #tpu.memory_space<vmem>>) target(%dma_start3A_97 : memref<80x128xf32, #tpu.memory_space<hbm>>) target_semaphore(%run_scoped3A : memref<!tpu.dma_semaphore, #tpu.memory_space<semaphore_mem>>)
        %dma_wait3A_98 = arith.constant 0 : i32
        %dma_wait3A_99 = tpu.memref_slice %arg6[%add3A_93, %dma_wait3A_98] : memref<20480x128xf32, #tpu.memory_space<hbm>> -> memref<80x128xf32, #tpu.memory_space<hbm>>
        %dma_wait3A_100 = arith.constant 0 : i32
        %dma_wait3A_101 = tpu.memref_slice %arg6[%add3A_93, %dma_wait3A_100] : memref<20480x128xf32, #tpu.memory_space<hbm>> -> memref<80x128xf32, #tpu.memory_space<hbm>>
        tpu.wait_dma2 semaphore(%run_scoped3A : memref<!tpu.dma_semaphore, #tpu.memory_space<semaphore_mem>>) src(%arg16 : memref<80x128xf32, #tpu.memory_space<vmem>>) dst(%dma_wait3A_101 : memref<80x128xf32, #tpu.memory_space<hbm>>)
        tpu.yield
      }) : () -> ()
    }
    %scan3A_84 = arith.constant 8 : i32
    return
  }
}

#map = affine_map<(d0, d1) -> (0)>
#map1 = affine_map<(d0, d1) -> (0, 0, 0)>
#map2 = affine_map<(d0, d1) -> (0, 0)>
module attributes {stable_mosaic.version = 14 : i64} {
  func.func @body(%arg0: i32, %arg1: i32, %arg2: memref<327680xi32, #tpu.memory_space<hbm>>, %arg3: memref<2x128x128xf32, #tpu.memory_space<hbm>>, %arg4: memref<20480x128xf32, #tpu.memory_space<hbm>>, %arg5: memref<10240x128xf32, #tpu.memory_space<vmem_shared>>, %arg6: memref<128xi32, #tpu.memory_space<vmem>>, %arg7: memref<128x128xf32, #tpu.memory_space<vmem>>) attributes {dimension_semantics = [#tpu.dimension_semantics<core_parallel>, #tpu.dimension_semantics<subcore_parallel>], iteration_bounds = array<i64: 2, 16>, scalar_prefetch = 0 : i64, scratch_operands = 3 : i64, tpu.core_type = #tpu.core_type<sc_vector_subcore>, window_params = [{transform_indices = #map}, {transform_indices = #map1}, {transform_indices = #map2}]} {
    %mul3A = arith.constant 2 : i32
    %mul3A_0 = arith.muli %arg1, %mul3A : i32
    %add3A = arith.addi %mul3A_0, %arg0 : i32
    %run_scoped3A = arith.constant 1 : i32
    "tpu.region"() ({
      %run_scoped3A_22 = tpu.sem_alloc : memref<!tpu.dma_semaphore, #tpu.memory_space<semaphore_mem>>
      %dma_start3A = arith.constant 0 : i32
      %dma_start3A_23 = arith.constant 0 : i32
      %dma_start3A_24 = tpu.memref_slice %arg3[%run_scoped3A, %dma_start3A, %dma_start3A_23] : memref<2x128x128xf32, #tpu.memory_space<hbm>> -> memref<1x128x128xf32, #tpu.memory_space<hbm>>
      %dma_start3A_25 = tpu.memref_squeeze %dma_start3A_24 : memref<1x128x128xf32, #tpu.memory_space<hbm>> -> memref<128x128xf32, #tpu.memory_space<hbm>>
      %dma_start3A_26 = arith.constant 0 : i32
      %dma_start3A_27 = arith.constant 0 : i32
      %dma_start3A_28 = tpu.memref_slice %arg3[%run_scoped3A, %dma_start3A_26, %dma_start3A_27] : memref<2x128x128xf32, #tpu.memory_space<hbm>> -> memref<1x128x128xf32, #tpu.memory_space<hbm>>
      %dma_start3A_29 = tpu.memref_squeeze %dma_start3A_28 : memref<1x128x128xf32, #tpu.memory_space<hbm>> -> memref<128x128xf32, #tpu.memory_space<hbm>>
      tpu.enqueue_dma source(%dma_start3A_29 : memref<128x128xf32, #tpu.memory_space<hbm>>) target(%arg7 : memref<128x128xf32, #tpu.memory_space<vmem>>) target_semaphore(%run_scoped3A_22 : memref<!tpu.dma_semaphore, #tpu.memory_space<semaphore_mem>>)
      %dma_wait3A = arith.constant 0 : i32
      %dma_wait3A_30 = arith.constant 0 : i32
      %dma_wait3A_31 = tpu.memref_slice %arg3[%run_scoped3A, %dma_wait3A, %dma_wait3A_30] : memref<2x128x128xf32, #tpu.memory_space<hbm>> -> memref<1x128x128xf32, #tpu.memory_space<hbm>>
      %dma_wait3A_32 = tpu.memref_squeeze %dma_wait3A_31 : memref<1x128x128xf32, #tpu.memory_space<hbm>> -> memref<128x128xf32, #tpu.memory_space<hbm>>
      %dma_wait3A_33 = arith.constant 0 : i32
      %dma_wait3A_34 = arith.constant 0 : i32
      %dma_wait3A_35 = tpu.memref_slice %arg3[%run_scoped3A, %dma_wait3A_33, %dma_wait3A_34] : memref<2x128x128xf32, #tpu.memory_space<hbm>> -> memref<1x128x128xf32, #tpu.memory_space<hbm>>
      %dma_wait3A_36 = tpu.memref_squeeze %dma_wait3A_35 : memref<1x128x128xf32, #tpu.memory_space<hbm>> -> memref<128x128xf32, #tpu.memory_space<hbm>>
      tpu.wait_dma2 semaphore(%run_scoped3A_22 : memref<!tpu.dma_semaphore, #tpu.memory_space<semaphore_mem>>) src(%dma_wait3A_36 : memref<128x128xf32, #tpu.memory_space<hbm>>) dst(%arg7 : memref<128x128xf32, #tpu.memory_space<vmem>>)
      tpu.yield
    }) : () -> ()
    %scan3A = arith.constant 0 : i32
    %scan3A_1 = arith.constant 0 : i32
    %scan3A_2 = arith.constant 5 : i32
    %scan3A_3 = arith.addi %scan3A_1, %scan3A_2 : i32
    %scan3A_4 = arith.constant 1 : i32
    scf.for %scan3A_22 = %scan3A_1 to %scan3A_3 step %scan3A_4  : i32 {
      %mul3A_23 = arith.constant 640 : i32
      %mul3A_24 = arith.muli %arg1, %mul3A_23 : i32
      %mul3A_25 = arith.constant 128 : i32
      %mul3A_26 = arith.muli %scan3A_22, %mul3A_25 : i32
      %add3A_27 = arith.addi %mul3A_24, %mul3A_26 : i32
      "tpu.region"() ({
        %run_scoped3A_28 = tpu.sem_alloc : memref<!tpu.dma_semaphore, #tpu.memory_space<semaphore_mem>>
        %dma_start3A = arith.constant 0 : i32
        %dma_start3A_29 = tpu.memref_slice %arg5[%add3A_27, %dma_start3A] : memref<10240x128xf32, #tpu.memory_space<vmem_shared>> -> memref<128x128xf32, #tpu.memory_space<vmem_shared>>
        %dma_start3A_30 = arith.constant 0 : i32
        %dma_start3A_31 = tpu.memref_slice %arg5[%add3A_27, %dma_start3A_30] : memref<10240x128xf32, #tpu.memory_space<vmem_shared>> -> memref<128x128xf32, #tpu.memory_space<vmem_shared>>
        tpu.enqueue_dma source(%arg7 : memref<128x128xf32, #tpu.memory_space<vmem>>) target(%dma_start3A_31 : memref<128x128xf32, #tpu.memory_space<vmem_shared>>) target_semaphore(%run_scoped3A_28 : memref<!tpu.dma_semaphore, #tpu.memory_space<semaphore_mem>>)
        %dma_wait3A = arith.constant 0 : i32
        %dma_wait3A_32 = tpu.memref_slice %arg5[%add3A_27, %dma_wait3A] : memref<10240x128xf32, #tpu.memory_space<vmem_shared>> -> memref<128x128xf32, #tpu.memory_space<vmem_shared>>
        %dma_wait3A_33 = arith.constant 0 : i32
        %dma_wait3A_34 = tpu.memref_slice %arg5[%add3A_27, %dma_wait3A_33] : memref<10240x128xf32, #tpu.memory_space<vmem_shared>> -> memref<128x128xf32, #tpu.memory_space<vmem_shared>>
        tpu.wait_dma2 semaphore(%run_scoped3A_28 : memref<!tpu.dma_semaphore, #tpu.memory_space<semaphore_mem>>) src(%arg7 : memref<128x128xf32, #tpu.memory_space<vmem>>) dst(%dma_wait3A_34 : memref<128x128xf32, #tpu.memory_space<vmem_shared>>)
        tpu.yield
      }) : () -> ()
    }
    %scan3A_5 = arith.constant 5 : i32
    %run_scoped3A_6 = arith.constant 0 : i32
    "tpu.region"() ({
      %run_scoped3A_22 = tpu.sem_alloc : memref<!tpu.dma_semaphore, #tpu.memory_space<semaphore_mem>>
      %dma_start3A = arith.constant 0 : i32
      %dma_start3A_23 = arith.constant 0 : i32
      %dma_start3A_24 = tpu.memref_slice %arg3[%run_scoped3A_6, %dma_start3A, %dma_start3A_23] : memref<2x128x128xf32, #tpu.memory_space<hbm>> -> memref<1x128x128xf32, #tpu.memory_space<hbm>>
      %dma_start3A_25 = tpu.memref_squeeze %dma_start3A_24 : memref<1x128x128xf32, #tpu.memory_space<hbm>> -> memref<128x128xf32, #tpu.memory_space<hbm>>
      %dma_start3A_26 = arith.constant 0 : i32
      %dma_start3A_27 = arith.constant 0 : i32
      %dma_start3A_28 = tpu.memref_slice %arg3[%run_scoped3A_6, %dma_start3A_26, %dma_start3A_27] : memref<2x128x128xf32, #tpu.memory_space<hbm>> -> memref<1x128x128xf32, #tpu.memory_space<hbm>>
      %dma_start3A_29 = tpu.memref_squeeze %dma_start3A_28 : memref<1x128x128xf32, #tpu.memory_space<hbm>> -> memref<128x128xf32, #tpu.memory_space<hbm>>
      tpu.enqueue_dma source(%dma_start3A_29 : memref<128x128xf32, #tpu.memory_space<hbm>>) target(%arg7 : memref<128x128xf32, #tpu.memory_space<vmem>>) target_semaphore(%run_scoped3A_22 : memref<!tpu.dma_semaphore, #tpu.memory_space<semaphore_mem>>)
      %dma_wait3A = arith.constant 0 : i32
      %dma_wait3A_30 = arith.constant 0 : i32
      %dma_wait3A_31 = tpu.memref_slice %arg3[%run_scoped3A_6, %dma_wait3A, %dma_wait3A_30] : memref<2x128x128xf32, #tpu.memory_space<hbm>> -> memref<1x128x128xf32, #tpu.memory_space<hbm>>
      %dma_wait3A_32 = tpu.memref_squeeze %dma_wait3A_31 : memref<1x128x128xf32, #tpu.memory_space<hbm>> -> memref<128x128xf32, #tpu.memory_space<hbm>>
      %dma_wait3A_33 = arith.constant 0 : i32
      %dma_wait3A_34 = arith.constant 0 : i32
      %dma_wait3A_35 = tpu.memref_slice %arg3[%run_scoped3A_6, %dma_wait3A_33, %dma_wait3A_34] : memref<2x128x128xf32, #tpu.memory_space<hbm>> -> memref<1x128x128xf32, #tpu.memory_space<hbm>>
      %dma_wait3A_36 = tpu.memref_squeeze %dma_wait3A_35 : memref<1x128x128xf32, #tpu.memory_space<hbm>> -> memref<128x128xf32, #tpu.memory_space<hbm>>
      tpu.wait_dma2 semaphore(%run_scoped3A_22 : memref<!tpu.dma_semaphore, #tpu.memory_space<semaphore_mem>>) src(%dma_wait3A_36 : memref<128x128xf32, #tpu.memory_space<hbm>>) dst(%arg7 : memref<128x128xf32, #tpu.memory_space<vmem>>)
      tpu.yield
    }) : () -> ()
    %barrier3A = arith.constant 0 : index
    tpu.barrier barrier_id(%barrier3A)
    %mul3A_7 = arith.constant 10240 : i32
    %mul3A_8 = arith.muli %add3A, %mul3A_7 : i32
    %scan3A_9 = arith.constant 0 : i32
    %scan3A_10 = arith.constant 0 : i32
    %scan3A_11 = arith.constant 80 : i32
    %scan3A_12 = arith.addi %scan3A_10, %scan3A_11 : i32
    %scan3A_13 = arith.constant 1 : i32
    scf.for %scan3A_22 = %scan3A_10 to %scan3A_12 step %scan3A_13  : i32 {
      %mul3A_23 = arith.constant 128 : i32
      %mul3A_24 = arith.muli %scan3A_22, %mul3A_23 : i32
      %add3A_25 = arith.addi %mul3A_8, %mul3A_24 : i32
      "tpu.region"() ({
        %run_scoped3A_26 = tpu.sem_alloc : memref<!tpu.dma_semaphore, #tpu.memory_space<semaphore_mem>>
        %dma_start3A = tpu.memref_slice %arg2[%add3A_25] : memref<327680xi32, #tpu.memory_space<hbm>> -> memref<128xi32, #tpu.memory_space<hbm>>
        %dma_start3A_27 = tpu.memref_slice %arg2[%add3A_25] : memref<327680xi32, #tpu.memory_space<hbm>> -> memref<128xi32, #tpu.memory_space<hbm>>
        tpu.enqueue_dma source(%dma_start3A_27 : memref<128xi32, #tpu.memory_space<hbm>>) target(%arg6 : memref<128xi32, #tpu.memory_space<vmem>>) target_semaphore(%run_scoped3A_26 : memref<!tpu.dma_semaphore, #tpu.memory_space<semaphore_mem>>)
        %dma_wait3A = tpu.memref_slice %arg2[%add3A_25] : memref<327680xi32, #tpu.memory_space<hbm>> -> memref<128xi32, #tpu.memory_space<hbm>>
        %dma_wait3A_28 = tpu.memref_slice %arg2[%add3A_25] : memref<327680xi32, #tpu.memory_space<hbm>> -> memref<128xi32, #tpu.memory_space<hbm>>
        tpu.wait_dma2 semaphore(%run_scoped3A_26 : memref<!tpu.dma_semaphore, #tpu.memory_space<semaphore_mem>>) src(%dma_wait3A_28 : memref<128xi32, #tpu.memory_space<hbm>>) dst(%arg6 : memref<128xi32, #tpu.memory_space<vmem>>)
        tpu.yield
      }) : () -> ()
      "tpu.region"() ({
        %run_scoped3A_26 = tpu.sem_alloc : memref<!tpu.dma_semaphore, #tpu.memory_space<semaphore_mem>>
        %dma_start3A = arith.constant 0 : i32
        %dma_start3A_27 = arith.constant 0 : i32
        %dma_start3A_28 = tpu.memref_slice %arg5[%dma_start3A, %dma_start3A_27] : memref<10240x128xf32, #tpu.memory_space<vmem_shared>> -> memref<10240x128xf32, #tpu.memory_space<vmem_shared>>
        tpu.enqueue_indirect_dma source(%arg7 : memref<128x128xf32, #tpu.memory_space<vmem>>) target(%dma_start3A_28 : memref<10240x128xf32, #tpu.memory_space<vmem_shared>>) offsets(%arg6 : memref<128xi32, #tpu.memory_space<vmem>>) semaphore(%run_scoped3A_26 : memref<!tpu.dma_semaphore, #tpu.memory_space<semaphore_mem>>) {add = true}
        %dma_wait3A = arith.constant 0 : i32
        %dma_wait3A_29 = arith.constant 0 : i32
        %dma_wait3A_30 = tpu.memref_slice %arg5[%dma_wait3A, %dma_wait3A_29] : memref<10240x128xf32, #tpu.memory_space<vmem_shared>> -> memref<10240x128xf32, #tpu.memory_space<vmem_shared>>
        tpu.wait_indirect_dma semaphore(%run_scoped3A_26 : memref<!tpu.dma_semaphore, #tpu.memory_space<semaphore_mem>>) src(%arg7 : memref<128x128xf32, #tpu.memory_space<vmem>>) dst(%dma_wait3A_30 : memref<10240x128xf32, #tpu.memory_space<vmem_shared>>)
        tpu.yield
      }) : () -> ()
    }
    %scan3A_14 = arith.constant 80 : i32
    %barrier3A_15 = arith.constant 0 : index
    tpu.barrier barrier_id(%barrier3A_15)
    %scan3A_16 = arith.constant 0 : i32
    %scan3A_17 = arith.constant 0 : i32
    %scan3A_18 = arith.constant 5 : i32
    %scan3A_19 = arith.addi %scan3A_17, %scan3A_18 : i32
    %scan3A_20 = arith.constant 1 : i32
    scf.for %scan3A_22 = %scan3A_17 to %scan3A_19 step %scan3A_20  : i32 {
      %mul3A_23 = arith.constant 640 : i32
      %mul3A_24 = arith.muli %arg1, %mul3A_23 : i32
      %mul3A_25 = arith.constant 128 : i32
      %mul3A_26 = arith.muli %scan3A_22, %mul3A_25 : i32
      %add3A_27 = arith.addi %mul3A_24, %mul3A_26 : i32
      "tpu.region"() ({
        %run_scoped3A_31 = tpu.sem_alloc : memref<!tpu.dma_semaphore, #tpu.memory_space<semaphore_mem>>
        %dma_start3A = arith.constant 0 : i32
        %dma_start3A_32 = tpu.memref_slice %arg5[%add3A_27, %dma_start3A] : memref<10240x128xf32, #tpu.memory_space<vmem_shared>> -> memref<128x128xf32, #tpu.memory_space<vmem_shared>>
        %dma_start3A_33 = arith.constant 0 : i32
        %dma_start3A_34 = tpu.memref_slice %arg5[%add3A_27, %dma_start3A_33] : memref<10240x128xf32, #tpu.memory_space<vmem_shared>> -> memref<128x128xf32, #tpu.memory_space<vmem_shared>>
        tpu.enqueue_dma source(%dma_start3A_34 : memref<128x128xf32, #tpu.memory_space<vmem_shared>>) target(%arg7 : memref<128x128xf32, #tpu.memory_space<vmem>>) target_semaphore(%run_scoped3A_31 : memref<!tpu.dma_semaphore, #tpu.memory_space<semaphore_mem>>)
        %dma_wait3A = arith.constant 0 : i32
        %dma_wait3A_35 = tpu.memref_slice %arg5[%add3A_27, %dma_wait3A] : memref<10240x128xf32, #tpu.memory_space<vmem_shared>> -> memref<128x128xf32, #tpu.memory_space<vmem_shared>>
        %dma_wait3A_36 = arith.constant 0 : i32
        %dma_wait3A_37 = tpu.memref_slice %arg5[%add3A_27, %dma_wait3A_36] : memref<10240x128xf32, #tpu.memory_space<vmem_shared>> -> memref<128x128xf32, #tpu.memory_space<vmem_shared>>
        tpu.wait_dma2 semaphore(%run_scoped3A_31 : memref<!tpu.dma_semaphore, #tpu.memory_space<semaphore_mem>>) src(%dma_wait3A_37 : memref<128x128xf32, #tpu.memory_space<vmem_shared>>) dst(%arg7 : memref<128x128xf32, #tpu.memory_space<vmem>>)
        tpu.yield
      }) : () -> ()
      %mul3A_28 = arith.constant 10240 : i32
      %mul3A_29 = arith.muli %arg0, %mul3A_28 : i32
      %add3A_30 = arith.addi %mul3A_29, %add3A_27 : i32
      "tpu.region"() ({
        %run_scoped3A_31 = tpu.sem_alloc : memref<!tpu.dma_semaphore, #tpu.memory_space<semaphore_mem>>
        %dma_start3A = arith.constant 0 : i32
        %dma_start3A_32 = tpu.memref_slice %arg4[%add3A_30, %dma_start3A] : memref<20480x128xf32, #tpu.memory_space<hbm>> -> memref<128x128xf32, #tpu.memory_space<hbm>>
        %dma_start3A_33 = arith.constant 0 : i32
        %dma_start3A_34 = tpu.memref_slice %arg4[%add3A_30, %dma_start3A_33] : memref<20480x128xf32, #tpu.memory_space<hbm>> -> memref<128x128xf32, #tpu.memory_space<hbm>>
        tpu.enqueue_dma source(%arg7 : memref<128x128xf32, #tpu.memory_space<vmem>>) target(%dma_start3A_34 : memref<128x128xf32, #tpu.memory_space<hbm>>) target_semaphore(%run_scoped3A_31 : memref<!tpu.dma_semaphore, #tpu.memory_space<semaphore_mem>>)
        %dma_wait3A = arith.constant 0 : i32
        %dma_wait3A_35 = tpu.memref_slice %arg4[%add3A_30, %dma_wait3A] : memref<20480x128xf32, #tpu.memory_space<hbm>> -> memref<128x128xf32, #tpu.memory_space<hbm>>
        %dma_wait3A_36 = arith.constant 0 : i32
        %dma_wait3A_37 = tpu.memref_slice %arg4[%add3A_30, %dma_wait3A_36] : memref<20480x128xf32, #tpu.memory_space<hbm>> -> memref<128x128xf32, #tpu.memory_space<hbm>>
        tpu.wait_dma2 semaphore(%run_scoped3A_31 : memref<!tpu.dma_semaphore, #tpu.memory_space<semaphore_mem>>) src(%arg7 : memref<128x128xf32, #tpu.memory_space<vmem>>) dst(%dma_wait3A_37 : memref<128x128xf32, #tpu.memory_space<hbm>>)
        tpu.yield
      }) : () -> ()
    }
    %scan3A_21 = arith.constant 5 : i32
    return
  }
}

module attributes {stable_mosaic.version = 14 : i64} {
  func.func @_tc_layer1(%arg0: i32, %arg1: memref<512x128xf32, #tpu.memory_space<vmem>>, %arg2: memref<512x128xf32, #tpu.memory_space<vmem>>, %arg3: memref<512x128xf32, #tpu.memory_space<vmem>>, %arg4: memref<512x128xf32, #tpu.memory_space<vmem>>, %arg5: memref<512x128xf32, #tpu.memory_space<vmem>>, %arg6: memref<128x128xf32, #tpu.memory_space<vmem>>, %arg7: memref<1x128xf32, #tpu.memory_space<vmem>>, %arg8: memref<128x128xf32, #tpu.memory_space<vmem>>, %arg9: memref<512x128xf32, #tpu.memory_space<vmem>>) attributes {dimension_semantics = [#tpu.dimension_semantics<arbitrary>], iteration_bounds = array<i64: 20>, scalar_prefetch = 0 : i64, scratch_operands = 0 : i64, tpu.core_type = #tpu.core_type<tc>, window_params = [{transform_indices = @transform_0, window_bounds = array<i64: 512, 128>}, {transform_indices = @transform_1, window_bounds = array<i64: 512, 128>}, {transform_indices = @transform_2, window_bounds = array<i64: 512, 128>}, {transform_indices = @transform_3, window_bounds = array<i64: 512, 128>}, {transform_indices = @transform_4, window_bounds = array<i64: 512, 128>}, {pipeline_mode = #tpu.pipeline_mode<synchronous>, transform_indices = @transform_5, window_bounds = array<i64: 128, 128>}, {pipeline_mode = #tpu.pipeline_mode<synchronous>, transform_indices = @transform_6, window_bounds = array<i64: 1, 128>}, {pipeline_mode = #tpu.pipeline_mode<synchronous>, transform_indices = @transform_7, window_bounds = array<i64: 128, 128>}, {transform_indices = @transform_8, window_bounds = array<i64: 512, 128>}]} {
    %get3A = arith.constant 0 : index
    %get3A_0 = arith.constant 0 : index
    %get3A_1 = vector.load %arg1[%get3A, %get3A_0] : memref<512x128xf32, #tpu.memory_space<vmem>>, vector<512x128xf32>
    %get3A_2 = arith.constant 0 : index
    %get3A_3 = arith.constant 0 : index
    %get3A_4 = vector.load %arg2[%get3A_2, %get3A_3] : memref<512x128xf32, #tpu.memory_space<vmem>>, vector<512x128xf32>
    %add3A = arith.addf %get3A_1, %get3A_4 : vector<512x128xf32>
    %get3A_5 = arith.constant 0 : index
    %get3A_6 = arith.constant 0 : index
    %get3A_7 = vector.load %arg3[%get3A_5, %get3A_6] : memref<512x128xf32, #tpu.memory_space<vmem>>, vector<512x1xf32>
    %get3A_8 = arith.constant 0 : index
    %get3A_9 = arith.constant 0 : index
    %get3A_10 = vector.load %arg4[%get3A_8, %get3A_9] : memref<512x128xf32, #tpu.memory_space<vmem>>, vector<512x1xf32>
    %add3A_11 = arith.addf %get3A_7, %get3A_10 : vector<512x1xf32>
    %max3A = arith.constant 1.000000e+00 : f32
    %max3A_12 = vector.broadcast %max3A : f32 to vector<512x1xf32>
    %max3A_13 = arith.maximumf %add3A_11, %max3A_12 : vector<512x1xf32>
    %div3A = arith.constant 1.000000e+00 : f32
    %div3A_14 = vector.broadcast %div3A : f32 to vector<512x1xf32>
    %div3A_15 = arith.divf %div3A_14, %max3A_13 : vector<512x1xf32>
    %mul3A = vector.broadcast %div3A_15 : vector<512x1xf32> to vector<512x128xf32>
    %mul3A_16 = arith.mulf %add3A, %mul3A : vector<512x128xf32>
    %get3A_17 = arith.constant 0 : index
    %get3A_18 = arith.constant 0 : index
    %get3A_19 = vector.load %arg6[%get3A_17, %get3A_18] : memref<128x128xf32, #tpu.memory_space<vmem>>, vector<128x128xf32>
    %dot_general3A = arith.constant dense<0.000000e+00> : vector<512x128xf32>
    %dot_general3A_20 = tpu.matmul %mul3A_16, %get3A_19, %dot_general3A {dimension_numbers = #tpu.dot_dimension_numbers<[1], [0], [0], [1], [0, 0, 1, 1], [], []>, transpose_lhs_hint = false} : vector<512x128xf32>, vector<128x128xf32>, vector<512x128xf32> -> vector<512x128xf32>
    %get3A_21 = arith.constant 0 : index
    %get3A_22 = arith.constant 0 : index
    %get3A_23 = vector.load %arg7[%get3A_21, %get3A_22] : memref<1x128xf32, #tpu.memory_space<vmem>>, vector<1x128xf32>
    %add3A_24 = vector.broadcast %get3A_23 : vector<1x128xf32> to vector<512x128xf32>
    %add3A_25 = arith.addf %dot_general3A_20, %add3A_24 : vector<512x128xf32>
    %get3A_26 = arith.constant 0 : index
    %get3A_27 = arith.constant 0 : index
    %get3A_28 = vector.load %arg5[%get3A_26, %get3A_27] : memref<512x128xf32, #tpu.memory_space<vmem>>, vector<512x128xf32>
    %get3A_29 = arith.constant 0 : index
    %get3A_30 = arith.constant 0 : index
    %get3A_31 = vector.load %arg8[%get3A_29, %get3A_30] : memref<128x128xf32, #tpu.memory_space<vmem>>, vector<128x128xf32>
    %dot_general3A_32 = arith.constant dense<0.000000e+00> : vector<512x128xf32>
    %dot_general3A_33 = tpu.matmul %get3A_28, %get3A_31, %dot_general3A_32 {dimension_numbers = #tpu.dot_dimension_numbers<[1], [0], [0], [1], [0, 0, 1, 1], [], []>, transpose_lhs_hint = false} : vector<512x128xf32>, vector<128x128xf32>, vector<512x128xf32> -> vector<512x128xf32>
    %add3A_34 = arith.addf %add3A_25, %dot_general3A_33 : vector<512x128xf32>
    %max3A_35 = arith.constant 0.000000e+00 : f32
    %max3A_36 = vector.broadcast %max3A_35 : f32 to vector<512x128xf32>
    %max3A_37 = arith.maximumf %add3A_34, %max3A_36 : vector<512x128xf32>
    %swap3A = arith.constant 0 : index
    %swap3A_38 = arith.constant 0 : index
    %swap3A_39 = vector.load %arg9[%swap3A, %swap3A_38] : memref<512x128xf32, #tpu.memory_space<vmem>>, vector<512x128xf32>
    tpu.vector_store %arg9[%swap3A, %swap3A_38], %max3A_37 {strides = array<i32>} : memref<512x128xf32, #tpu.memory_space<vmem>>, vector<512x128xf32>,
    return
  }
  func.func @transform_0(%arg0: i32) -> (i32, i32) {
    %c0_i32 = arith.constant 0 : i32
    %c0_i32_0 = arith.constant 0 : i32
    return %arg0, %c0_i32 : i32, i32
  }
  func.func @transform_1(%arg0: i32) -> (i32, i32) {
    %c0_i32 = arith.constant 0 : i32
    %c0_i32_0 = arith.constant 0 : i32
    return %arg0, %c0_i32 : i32, i32
  }
  func.func @transform_2(%arg0: i32) -> (i32, i32) {
    %c0_i32 = arith.constant 0 : i32
    %c0_i32_0 = arith.constant 0 : i32
    return %arg0, %c0_i32 : i32, i32
  }
  func.func @transform_3(%arg0: i32) -> (i32, i32) {
    %c0_i32 = arith.constant 0 : i32
    %c0_i32_0 = arith.constant 0 : i32
    return %arg0, %c0_i32 : i32, i32
  }
  func.func @transform_4(%arg0: i32) -> (i32, i32) {
    %c0_i32 = arith.constant 0 : i32
    %c0_i32_0 = arith.constant 0 : i32
    return %arg0, %c0_i32 : i32, i32
  }
  func.func @transform_5(%arg0: i32) -> (i32, i32) {
    %c0_i32 = arith.constant 0 : i32
    %c0_i32_0 = arith.constant 0 : i32
    %c0_i32_1 = arith.constant 0 : i32
    return %c0_i32, %c0_i32_0 : i32, i32
  }
  func.func @transform_6(%arg0: i32) -> (i32, i32) {
    %c0_i32 = arith.constant 0 : i32
    %c0_i32_0 = arith.constant 0 : i32
    %c0_i32_1 = arith.constant 0 : i32
    return %c0_i32, %c0_i32_0 : i32, i32
  }
  func.func @transform_7(%arg0: i32) -> (i32, i32) {
    %c0_i32 = arith.constant 0 : i32
    %c0_i32_0 = arith.constant 0 : i32
    %c0_i32_1 = arith.constant 0 : i32
    return %c0_i32, %c0_i32_0 : i32, i32
  }
  func.func @transform_8(%arg0: i32) -> (i32, i32) {
    %c0_i32 = arith.constant 0 : i32
    %c0_i32_0 = arith.constant 0 : i32
    return %arg0, %c0_i32 : i32, i32
  }
}

module attributes {stable_mosaic.version = 14 : i64} {
  func.func @_tc_final(%arg0: i32, %arg1: memref<512x128xf32, #tpu.memory_space<vmem>>, %arg2: memref<512x128xf32, #tpu.memory_space<vmem>>, %arg3: memref<512x128xf32, #tpu.memory_space<vmem>>, %arg4: memref<512x128xf32, #tpu.memory_space<vmem>>, %arg5: memref<512x128xf32, #tpu.memory_space<vmem>>, %arg6: memref<128x48xf32, #tpu.memory_space<vmem>>, %arg7: memref<128x48xf32, #tpu.memory_space<vmem>>, %arg8: memref<1x48xf32, #tpu.memory_space<vmem>>, %arg9: memref<512x48xf32, #tpu.memory_space<vmem>>) attributes {dimension_semantics = [#tpu.dimension_semantics<arbitrary>], iteration_bounds = array<i64: 20>, scalar_prefetch = 0 : i64, scratch_operands = 0 : i64, tpu.core_type = #tpu.core_type<tc>, window_params = [{transform_indices = @transform_0, window_bounds = array<i64: 512, 128>}, {transform_indices = @transform_1, window_bounds = array<i64: 512, 128>}, {transform_indices = @transform_2, window_bounds = array<i64: 512, 128>}, {transform_indices = @transform_3, window_bounds = array<i64: 512, 128>}, {transform_indices = @transform_4, window_bounds = array<i64: 512, 128>}, {pipeline_mode = #tpu.pipeline_mode<synchronous>, transform_indices = @transform_5, window_bounds = array<i64: 128, 48>}, {pipeline_mode = #tpu.pipeline_mode<synchronous>, transform_indices = @transform_6, window_bounds = array<i64: 128, 48>}, {pipeline_mode = #tpu.pipeline_mode<synchronous>, transform_indices = @transform_7, window_bounds = array<i64: 1, 48>}, {transform_indices = @transform_8, window_bounds = array<i64: 512, 48>}]} {
    %get3A = arith.constant 0 : index
    %get3A_0 = arith.constant 0 : index
    %get3A_1 = vector.load %arg1[%get3A, %get3A_0] : memref<512x128xf32, #tpu.memory_space<vmem>>, vector<512x128xf32>
    %get3A_2 = arith.constant 0 : index
    %get3A_3 = arith.constant 0 : index
    %get3A_4 = vector.load %arg2[%get3A_2, %get3A_3] : memref<512x128xf32, #tpu.memory_space<vmem>>, vector<512x128xf32>
    %add3A = arith.addf %get3A_1, %get3A_4 : vector<512x128xf32>
    %get3A_5 = arith.constant 0 : index
    %get3A_6 = arith.constant 0 : index
    %get3A_7 = vector.load %arg3[%get3A_5, %get3A_6] : memref<512x128xf32, #tpu.memory_space<vmem>>, vector<512x1xf32>
    %get3A_8 = arith.constant 0 : index
    %get3A_9 = arith.constant 0 : index
    %get3A_10 = vector.load %arg4[%get3A_8, %get3A_9] : memref<512x128xf32, #tpu.memory_space<vmem>>, vector<512x1xf32>
    %add3A_11 = arith.addf %get3A_7, %get3A_10 : vector<512x1xf32>
    %max3A = arith.constant 1.000000e+00 : f32
    %max3A_12 = vector.broadcast %max3A : f32 to vector<512x1xf32>
    %max3A_13 = arith.maximumf %add3A_11, %max3A_12 : vector<512x1xf32>
    %div3A = arith.constant 1.000000e+00 : f32
    %div3A_14 = vector.broadcast %div3A : f32 to vector<512x1xf32>
    %div3A_15 = arith.divf %div3A_14, %max3A_13 : vector<512x1xf32>
    %mul3A = vector.broadcast %div3A_15 : vector<512x1xf32> to vector<512x128xf32>
    %mul3A_16 = arith.mulf %add3A, %mul3A : vector<512x128xf32>
    %get3A_17 = arith.constant 0 : index
    %get3A_18 = arith.constant 0 : index
    %get3A_19 = vector.load %arg6[%get3A_17, %get3A_18] : memref<128x48xf32, #tpu.memory_space<vmem>>, vector<128x48xf32>
    %dot_general3A = arith.constant dense<0.000000e+00> : vector<512x48xf32>
    %dot_general3A_20 = tpu.matmul %mul3A_16, %get3A_19, %dot_general3A {dimension_numbers = #tpu.dot_dimension_numbers<[1], [0], [0], [1], [0, 0, 1, 1], [], []>, transpose_lhs_hint = false} : vector<512x128xf32>, vector<128x48xf32>, vector<512x48xf32> -> vector<512x48xf32>
    %get3A_21 = arith.constant 0 : index
    %get3A_22 = arith.constant 0 : index
    %get3A_23 = vector.load %arg5[%get3A_21, %get3A_22] : memref<512x128xf32, #tpu.memory_space<vmem>>, vector<512x128xf32>
    %get3A_24 = arith.constant 0 : index
    %get3A_25 = arith.constant 0 : index
    %get3A_26 = vector.load %arg7[%get3A_24, %get3A_25] : memref<128x48xf32, #tpu.memory_space<vmem>>, vector<128x48xf32>
    %dot_general3A_27 = arith.constant dense<0.000000e+00> : vector<512x48xf32>
    %dot_general3A_28 = tpu.matmul %get3A_23, %get3A_26, %dot_general3A_27 {dimension_numbers = #tpu.dot_dimension_numbers<[1], [0], [0], [1], [0, 0, 1, 1], [], []>, transpose_lhs_hint = false} : vector<512x128xf32>, vector<128x48xf32>, vector<512x48xf32> -> vector<512x48xf32>
    %add3A_29 = arith.addf %dot_general3A_20, %dot_general3A_28 : vector<512x48xf32>
    %get3A_30 = arith.constant 0 : index
    %get3A_31 = arith.constant 0 : index
    %get3A_32 = vector.load %arg8[%get3A_30, %get3A_31] : memref<1x48xf32, #tpu.memory_space<vmem>>, vector<1x48xf32>
    %add3A_33 = vector.broadcast %get3A_32 : vector<1x48xf32> to vector<512x48xf32>
    %add3A_34 = arith.addf %add3A_29, %add3A_33 : vector<512x48xf32>
    %iota3A = tpu.iota {dimensions = array<i32: 1>} : vector<1x48xi32>
    %lt3A = arith.constant 47 : i32
    %lt3A_35 = vector.broadcast %lt3A : i32 to vector<1x48xi32>
    %lt3A_36 = arith.cmpi slt, %iota3A, %lt3A_35 : vector<1x48xi32>
    %jit3A = arith.constant 0xFF800000 : f32
    %broadcast_in_dim3A = vector.shape_cast %lt3A_36 : vector<1x48xi1> to vector<1x48xi1>
    %broadcast_in_dim3A_37 = vector.broadcast %broadcast_in_dim3A : vector<1x48xi1> to vector<512x48xi1>
    %broadcast_in_dim3A_38 = vector.broadcast %jit3A : f32 to vector<512x48xf32>
    %select_n3A = arith.select %broadcast_in_dim3A_37, %add3A_34, %broadcast_in_dim3A_38 : vector<512x48xi1>, vector<512x48xf32>
    %reduce_max3A = arith.constant dense<0xFF800000> : vector<512xf32>
    %reduce_max3A_39 = vector.multi_reduction <maximumf>, %select_n3A, %reduce_max3A [1] : vector<512x48xf32> to vector<512xf32>
    %broadcast_in_dim3A_40 = vector.shape_cast %reduce_max3A_39 : vector<512xf32> to vector<512x1xf32>
    %sub3A = vector.broadcast %broadcast_in_dim3A_40 : vector<512x1xf32> to vector<512x48xf32>
    %sub3A_41 = arith.subf %add3A_34, %sub3A : vector<512x48xf32>
    %exp3A = math.exp %sub3A_41 : vector<512x48xf32>
    %jit3A_42 = arith.constant 0.000000e+00 : f32
    %broadcast_in_dim3A_43 = vector.shape_cast %lt3A_36 : vector<1x48xi1> to vector<1x48xi1>
    %broadcast_in_dim3A_44 = vector.broadcast %broadcast_in_dim3A_43 : vector<1x48xi1> to vector<512x48xi1>
    %broadcast_in_dim3A_45 = vector.broadcast %jit3A_42 : f32 to vector<512x48xf32>
    %select_n3A_46 = arith.select %broadcast_in_dim3A_44, %exp3A, %broadcast_in_dim3A_45 : vector<512x48xi1>, vector<512x48xf32>
    %reduce_sum3A = arith.constant dense<0.000000e+00> : vector<512xf32>
    %reduce_sum3A_47 = vector.multi_reduction <add>, %select_n3A_46, %reduce_sum3A [1] : vector<512x48xf32> to vector<512xf32>
    %broadcast_in_dim3A_48 = vector.shape_cast %reduce_sum3A_47 : vector<512xf32> to vector<512x1xf32>
    %log3A = math.log %broadcast_in_dim3A_48 : vector<512x1xf32>
    %add3A_49 = arith.addf %log3A, %broadcast_in_dim3A_40 : vector<512x1xf32>
    %sub3A_50 = vector.broadcast %add3A_49 : vector<512x1xf32> to vector<512x48xf32>
    %sub3A_51 = arith.subf %add3A_34, %sub3A_50 : vector<512x48xf32>
    %swap3A = arith.constant 0 : index
    %swap3A_52 = arith.constant 0 : index
    %swap3A_53 = vector.load %arg9[%swap3A, %swap3A_52] : memref<512x48xf32, #tpu.memory_space<vmem>>, vector<512x48xf32>
    tpu.vector_store %arg9[%swap3A, %swap3A_52], %sub3A_51 {strides = array<i32>} : memref<512x48xf32, #tpu.memory_space<vmem>>, vector<512x48xf32>,
    return
  }
  func.func @transform_0(%arg0: i32) -> (i32, i32) {
    %c0_i32 = arith.constant 0 : i32
    %c0_i32_0 = arith.constant 0 : i32
    return %arg0, %c0_i32 : i32, i32
  }
  func.func @transform_1(%arg0: i32) -> (i32, i32) {
    %c0_i32 = arith.constant 0 : i32
    %c0_i32_0 = arith.constant 0 : i32
    return %arg0, %c0_i32 : i32, i32
  }
  func.func @transform_2(%arg0: i32) -> (i32, i32) {
    %c0_i32 = arith.constant 0 : i32
    %c0_i32_0 = arith.constant 0 : i32
    return %arg0, %c0_i32 : i32, i32
  }
  func.func @transform_3(%arg0: i32) -> (i32, i32) {
    %c0_i32 = arith.constant 0 : i32
    %c0_i32_0 = arith.constant 0 : i32
    return %arg0, %c0_i32 : i32, i32
  }
  func.func @transform_4(%arg0: i32) -> (i32, i32) {
    %c0_i32 = arith.constant 0 : i32
    %c0_i32_0 = arith.constant 0 : i32
    return %arg0, %c0_i32 : i32, i32
  }
  func.func @transform_5(%arg0: i32) -> (i32, i32) {
    %c0_i32 = arith.constant 0 : i32
    %c0_i32_0 = arith.constant 0 : i32
    %c0_i32_1 = arith.constant 0 : i32
    return %c0_i32, %c0_i32_0 : i32, i32
  }
  func.func @transform_6(%arg0: i32) -> (i32, i32) {
    %c0_i32 = arith.constant 0 : i32
    %c0_i32_0 = arith.constant 0 : i32
    %c0_i32_1 = arith.constant 0 : i32
    return %c0_i32, %c0_i32_0 : i32, i32
  }
  func.func @transform_7(%arg0: i32) -> (i32, i32) {
    %c0_i32 = arith.constant 0 : i32
    %c0_i32_0 = arith.constant 0 : i32
    %c0_i32_1 = arith.constant 0 : i32
    return %c0_i32, %c0_i32_0 : i32, i32
  }
  func.func @transform_8(%arg0: i32) -> (i32, i32) {
    %c0_i32 = arith.constant 0 : i32
    %c0_i32_0 = arith.constant 0 : i32
    return %arg0, %c0_i32 : i32, i32
  }
}

</mosaic_0001>

<sc_bundles>
// kernel: kernel.12.cloned.1.call-start
scs
__scs_entry_jumppad:
0x0: {  	(pc) =	sbr.rel $0x88, $3  }
0x1: {  	(tag) =	ssettag $0x0;
	lr =	simm.s32 $0x1  }
0x2: {  	[smem:$0x3F96] =	sst lr;
	_ =	strace $0xD0000000  }
0x3: {  	_ = 	snop  }
0x4: {  	_ = 	snop  }
0x5: {  	_ = 	snop  }
0x6: {  	_ = 	snop  }
0x7: {  	_ = 	snop  }
__scs_overlays_trampoline_lowered:
0x8: {  	[smem:$0x3FA5] =	sst s0  }
0x9: {  	[smem:$0x3FA6] =	sst s1  }
0xa: {  	[smem:$0x3FA7] =	sst s2  }
0xb: {  	[smem:$0x3FA8] =	sst s3  }
0xc: {  	[smem:$0x3FA9] =	sst s4  }
0xd: {  	[smem:$0x3FAA] =	sst s5  }
0xe: {  	[smem:$0x3FAB] =	sst s6  }
0xf: {  	[smem:$0x3FAC] =	sst s7  }
0x10: {  	[smem:$0x3FAD] =	sst s8  }
0x11: {  	[smem:$0x3FAE] =	sst s9;
	s0 =	simm.s32 @!p0 $0x0  }
0x12: {  	s1 =	sld [smem:$0x3F94];
	s0 =	simm.s32 @p0 $0x1  }
0x13: {  	[smem:$0x3FAF] =	sst s0;
	s0 =	simm.s32 @!p1 $0x0  }
0x14: {  	s2 =	sld [smem:$0x3F93];
	s0 =	simm.s32 @p1 $0x1  }
0x15: {  	[smem:$0x3FB0] =	sst s0;
	s0 =	simm.s32 @!p2 $0x0  }
0x16: {  	s3 =	sld [smem:$0x3FDB];
	s0 =	simm.s32 @p2 $0x1  }
0x17: {  	s4 =	simm.s32 $0x1BF5;
	[smem:$0x3FB2] =	sst s0  }
0x18: {  	s0 =	sld [smem:$0x3F95];
	_ =	swait.ge [sflag:s4], $0x0  }
0x19: {  	s7 =	sld [smem:$0x3F96]  }
0x1a: {  	s8 =	sadd.s32 $0xFFFFE003, lr  }
0x1b: {  	s9 =	sadd.s32 $0xFFFFFEF7, lr;
	s5 =	simm.s32 $0xFFFFFFFF;
	p2 =	slt.u32 s8, $0xFFFFF086  }
0x1c: {  	p1 =	slt.u32 s9, $0xF7A;
	s5 =	simm.s32 @!p2 $0x0  }
0x1d: {  	s5 =	simm.s32 @p1 $0x1;
	p0 =	seq.s32 s7, s2  }
0x1e: {  	s7 =	smul.u32 @!p0 $0xF7A, s2;
	p2 =	seq.s32 @!p0 s5, $0x0  }
0x1f: {  	s9 =	smul.u32 $0xF7A, s1;
	s8 =	simm.s32 @!p0 $0x1BF5;
	p2 =	por !p2, p0  }
0x20: {  	[sflag:s8] =	ssyncset.s32 @!p0 $0xFFFFF086;
	s6 =	sadd.s32 @!p0 s3, s7;
	s7 =	simm.s32 @!p0 $0x108  }
0x21: {  	s3 =	sadd.s32 s3, s9;
	s6 =	sadd.s32 @!p0 $0x88, s6;
	s7 =	simm.s32 @p2 $0x1082  }
0x22: {  	[simem:s7], [sflag:s8] =	dma.local @!p0 [hbm:s6], $0xF7A  }
0x23: {  	s9 =	sor.u32 $0xD0000000, s2;
	s6 =	simm.s32 $0x108;
	_ =	swait.ge @!p0 [sflag:s8], $0x0  }
0x24: {  	s3 =	sadd.s32 $0x88, s3;
	s6 =	simm.s32 @!p1 $0x1082;
	[sflag:s4] =	ssyncset.s32 $0xFFFFF086  }
0x25: {  	[simem:s6], [sflag:s4] =	dma.local [hbm:s3], $0xF7A  }
0x26: {  	[smem:$0x3F96] =	sst s1;
	(tag) =	ssettag s2;
	_ =	strace s9  }
0x27: {  	s1 =	sld [smem:$0x3FA6]  }
0x28: {  	s2 =	sld [smem:$0x3FA7]  }
0x29: {  	s4 =	sld [smem:$0x3FA9]  }
0x2a: {  	p0 =	seq.s32 s5, $0x0;
	s5 =	sld [smem:$0x3FAA]  }
0x2b: {  	s6 =	sld [smem:$0x3FAB]  }
0x2c: {  	s7 =	sld [smem:$0x3FAC]  }
0x2d: {  	s3 =	simm.s32 $0x108;
	s8 =	sld [smem:$0x3FAD]  }
0x2e: {  	s3 =	simm.s32 @!p0 $0x1082;
	s9 =	sld [smem:$0x3FAE]  }
0x2f: {  	lr =	sadd.s32 s0, s3;
	s0 =	sld [smem:$0x3FA5]  }
0x30: {  	s3 =	sld [smem:$0x3FA8]  }
0x31: {  	[smem:$0x3FB1] =	sst s10  }
0x32: {  	s10 =	sld [smem:$0x3FAF];
	_ =	sdelay $0x3  }
0x33: {  	p0 =	seq.s32 s10, $0x1;
	s10 =	sld [smem:$0x3FB1];
	_ =	sdelay $0x3  }
0x34: {  	[smem:$0x3FB1] =	sst s10  }
0x35: {  	s10 =	sld [smem:$0x3FB0];
	_ =	sdelay $0x3  }
0x36: {  	p1 =	seq.s32 s10, $0x1;
	s10 =	sld [smem:$0x3FB1];
	_ =	sdelay $0x3  }
0x37: {  	[smem:$0x3FB1] =	sst s10  }
0x38: {  	s10 =	sld [smem:$0x3FB2]  }
0x39: {  	_ = 	snop;
	(pc) =	sbr.ind lr, $3  }
0x3a: {  	_ = 	snop  }
0x3b: {  	_ = 	snop  }
0x3c: {  	p2 =	seq.s32 s10, $0x1;
	s10 =	sld [smem:$0x3FB1]  }
0x3d: {  	_ =	shalt  }
0x3e: {  	_ =	shalt  }
0x3f: {  	_ =	shalt  }
0x40: {  	_ =	shalt  }
0x41: {  	_ =	shalt  }
0x42: {  	_ =	shalt  }
0x43: {  	_ =	shalt  }
0x44: {  	_ =	shalt  }
0x45: {  	_ =	shalt  }
0x46: {  	_ =	shalt  }
0x47: {  	_ =	shalt  }
0x48: {  	_ =	shalt  }
0x49: {  	_ =	shalt  }
0x4a: {  	_ =	shalt  }
0x4b: {  	_ =	shalt  }
0x4c: {  	_ =	shalt  }
0x4d: {  	_ =	shalt  }
0x4e: {  	_ =	shalt  }
0x4f: {  	_ =	shalt  }
0x50: {  	_ =	shalt  }
0x51: {  	_ =	shalt  }
0x52: {  	_ =	shalt  }
0x53: {  	_ =	shalt  }
0x54: {  	_ =	shalt  }
0x55: {  	_ =	shalt  }
0x56: {  	_ =	shalt  }
0x57: {  	_ =	shalt  }
0x58: {  	_ =	shalt  }
0x59: {  	_ =	shalt  }
0x5a: {  	_ =	shalt  }
0x5b: {  	_ =	shalt  }
0x5c: {  	_ =	shalt  }
0x5d: {  	_ =	shalt  }
0x5e: {  	_ =	shalt  }
0x5f: {  	_ =	shalt  }
0x60: {  	_ =	shalt  }
0x61: {  	_ =	shalt  }
0x62: {  	_ =	shalt  }
0x63: {  	_ =	shalt  }
0x64: {  	_ =	shalt  }
0x65: {  	_ =	shalt  }
0x66: {  	_ =	shalt  }
0x67: {  	_ =	shalt  }
0x68: {  	_ =	shalt  }
0x69: {  	_ =	shalt  }
0x6a: {  	_ =	shalt  }
0x6b: {  	_ =	shalt  }
0x6c: {  	_ =	shalt  }
0x6d: {  	_ =	shalt  }
0x6e: {  	_ =	shalt  }
0x6f: {  	_ =	shalt  }
0x70: {  	_ =	shalt  }
0x71: {  	_ =	shalt  }
0x72: {  	_ =	shalt  }
0x73: {  	_ =	shalt  }
0x74: {  	_ =	shalt  }
0x75: {  	_ =	shalt  }
0x76: {  	_ =	shalt  }
0x77: {  	_ =	shalt  }
0x78: {  	_ =	shalt  }
0x79: {  	_ =	shalt  }
0x7a: {  	_ =	shalt  }
0x7b: {  	_ =	shalt  }
0x7c: {  	_ =	shalt  }
0x7d: {  	_ =	shalt  }
0x7e: {  	_ =	shalt  }
0x7f: {  	_ =	shalt  }
0x80: {  	_ =	shalt  }
0x81: {  	_ =	shalt  }
0x82: {  	_ =	shalt  }
0x83: {  	_ =	shalt  }
0x84: {  	_ =	shalt  }
0x85: {  	_ =	shalt  }
0x86: {  	_ =	shalt  }
0x87: {  	_ =	shalt  }
.Lfunc_end0:
.L_simem_size_0:
called_computation.1_lowered:
.L_overlay_start_0:
0x88: {  	s2 =	sld [smem:$0x3FD9]  }
0x89: {  	s3 =	sld [smem:$0x3FFE];
	_ =	sdelay $0x1  }
0x8a: {  	s1 =	srdreg.scid  }
0x8b: {  	s0 =	sand.u32 $0x1, s1  }
0x8c: {  	s17 =	sshll.u32 s0, $0xA;
	s2 =	sadd.s32 s3, s2  }
0x8d: {  	s2 =	sadd.s32 s2, s17  }
0x8e: {  	[smem:$0x3FBD] =	sst s2  }
0x8f: {  	_ = 	snop  }
0x90: {  	s2 =	sld [smem:$0x3FC9]  }
0x91: {  	s18 =	sld [smem:$0x3FD0];
	(tm) =	ssettm $0x1  }
0x92: {  	s4 =	sld [smem:$0x3FFB];
	_ =	sdelay $0x3  }
0x93: {  	_ =	strace s4  }
0x94: {  	s4 =	sld [smem:$0x3FFC];
	_ =	sdelay $0x3  }
0x95: {  	_ =	strace s4  }
0x96: {  	s4 =	sld [smem:$0x3FFD];
	_ =	sdelay $0x3  }
0x97: {  	_ =	strace s4  }
0x98: {  	_ =	strace $0x8FFFFFFF  }
0x99: {  	s19 =	sld [smem:$0x3FDB];
	_ =	sdelay $0x1  }
0x9a: {  	s5 =	simm.s32 $_scs_section_size  }
0x9b: {  	s6 =	simm.s32 $_size__tile_overlayer_lowered;
	s7 =	simm.s32 $_tile_overlayer_lowered  }
0x9c: {  	s22 =	simm.s32 $0x1BFF;
	s21 =	sshll.u32 s7, $0x1;
	s4 =	sadd.s32 s5, s19  }
0x9d: {  	s8 =	simm.s32 $0x0;
	s20 =	sshll.u32 s6, $0x1;
	s6 =	sadd.s32 s21, s4  }
0x9e: {  	[timem:s8], [sflag:s22] =	dma.local [hbm:s6], s20  }
0x9f: {  	_ =	swait.ge [sflag:s22], s20  }
0xa0: {  	s5 =	ssub.s32 $0x0, s20;
	[sflag:s22] =	ssyncset.done $0x0  }
0xa1: {  	[sflag:s22] =	ssyncadd.s32 s5;
	_ =	sdelay $0x1  }
0xa2: {  	s23 =	simm.s32 $0x1B8B  }
0xa3: {  	_ =	swait.ge [sflag:s23], $0x1  }
0xa4: {  	[sflag:s23] =	ssyncset.done $0x0  }
0xa5: {  	s25 =	simm.s32 $0x1B8E;
	s24 =	sld [smem:$0x3FFE];
	[sflag:s23] =	ssyncadd.s32 $0xFFFFFFFF  }
0xa6: {  	s26 =	simm.s32 $execute0_lowered;
	[smem:$0x3FD2] =	sst s25  }
0xa7: {  	s6 =	sshll.u32 s26, $0x1;
	_ =	strace $0x80000046;
	[dreg:$0x1] =	wrdreg $0xFFFFFFFF  }
0xa8: {  	s28 =	simm.s32 $_size_execute0_lowered;
	s4 =	sadd.s32 s4, s6;
	[dreg:$0x0] =	wrdreg $0x0  }
0xa9: {  	s6 =	sshll.u32 s28, $0x1;
	[dreg:$0x2] =	wrdreg s4  }
0xaa: {  	[dreg:$0x3] =	wrdreg s6  }
0xab: {  	[dreg:$0x4] =	wrdreg $0xC0  }
0xac: {  	_ =	task [dreg:s8], $0x5FFFF  }
0xad: {  	[dreg:$0x1] =	wrdreg $0xFFFFFFFF  }
0xae: {  	[dreg:$0x0] =	wrdreg $0x60  }
0xaf: {  	[dreg:$0x2] =	wrdreg s2  }
0xb0: {  	[dreg:$0x3] =	wrdreg s24  }
0xb1: {  	[dreg:$0x4] =	wrdreg s18  }
0xb2: {  	[dreg:$0x5] =	wrdreg $0x0  }
0xb3: {  	[dreg:$0x6] =	wrdreg $0xA  }
0xb4: {  	_ =	task.clear_ibuf [dreg:s8], $0x7FFFF;
	_ =	strace $0x90000046  }
0xb5: {  	s29 =	simm.s32 $0xA;
	_ =	strace $0x80000048  }
0xb6: {  	_ =	swait.ge [sflag:s29], $0x1  }
0xb7: {  	[sflag:s29] =	ssyncadd.s32 $0xFFFFFFFF  }
0xb8: {  	_ =	strace $0x90000048  }
0xb9: {  	_ =	sfence  }
0xba: {  	s30 =	sld [smem:$0x0];
	_ =	sdelay $0x2  }
0xbb: {  	s31 =	sshll.u32 s1, $0xD;
	s1 =	sshrl.u32 s1, $0x2  }
0xbc: {  	s3 =	sand.u32 $0x4000, s31;
	s1 =	sadd.s32 s1, s30  }
0xbd: {  	s0 =	sor.u32 s3, s0;
	s1 =	sshll.u32 s1, $0x11  }
0xbe: {  	s0 =	sor.u32 s1, s0  }
0xbf: {  	s0 =	sadd.s32 $0x8F2B, s0  }
0xc0: {  	[sflag:s0] =	ssyncadd.remote.s32 $0x1  }
0xc1: {  	_ =	sfence.sel $0xFFFF  }
0xc2: {  	[dreg:$0x0] =	wrdreg $0xFFFFFFFF;
	(pc) =	sbr.abs _section_cstart, $3  }
0xc3: {  	[dreg:$0x1] =	wrdreg $0xFFFFFFFF  }
0xc4: {  	_ =	task.clear_ibuf [dreg:s8], $0x2FFFF;
	_ =	strace $0x9FFFFFFF  }
0xc5: {  	(tm) =	ssettm $0x7FFFFFFF  }
tec
execute0_lowered:
.L_overlay_start_1:
0x0: {  	(tag) =	ssettag $0x1  }
0x1: {  	s1 =	rddreg [dreg:$0x0]  }
0x2: {  	s0 =	rddreg [dreg:$0x1]  }
0x3: {  	s3 =	srdreg.scid;
	s17 =	stileid.u32  }
0x4: {  	s2 =	rddreg [dreg:$0x2];
	s5 =	sand.u32 $0x1, s3;
	s6 =	smul.u32 $0xC0, s17  }
0x5: {  	s4 =	sshll.u32 s17, $0x6;
	s3 =	rddreg [dreg:$0x3];
	s16 =	smul.u32 $0x280, s17  }
0x6: {  	s9 =	sadd.s32 $0x3E00, s0;
	s11 =	sadd.s32 $0x35E00, s0;
	s17 =	smul.u32 $0x50000, s17  }
0x7: {  	s0 =	sadd.s32 $0xDE00, s0;
	p0 =	seq.s32 s5, $0x0;
	s7 =	sor.u32 $0xC00, s4  }
0x8: {  	s4 =	simm.s32 $0x0;
	s15 =	ssub.s32 $0x2, s5;
	s5 =	smul.u32 $0x2800, s5  }
0x9: {  	s7 =	smov.u32 @p0 s6;
	[smem:$0x7FF] =	sst s4;
	s10 =	sshrl.u32 s15, $0x1  }
0xa: {  	s14 =	sadd.s32 $0x140, s16;
	s8 =	smul.u32 $0x50, s7;
	_ =	strace $0x80000047  }
0xb: {  	s6 =	ssub.s32 s15, s10;
	s7 =	smul.u32 $0xA, s7;
	s15 =	sadd.s32 $0x190, s16  }
0xc: {  	s24 =	sadd.s32 s5, s16;
	s10 =	sadd.s32 $0x230, s16;
	s8 =	sshrl.u32 s8, $0x3  }
0xd: {  	[dreg:$0x18] =	wrdreg s0;
	s0 =	simm.s32 $0x5;
	s12 =	sadd.s32 s9, s8  }
0xe: {  	s18 =	sor.u32 $0xA, s8;
	s13 =	sadd.s32 s2, s8;
	[dreg:$0x8] =	wrdreg s12  }
0xf: {  	s20 =	sor.u32 $0x14, s8;
	[dreg:$0x9] =	wrdreg s13;
	s19 =	sadd.s32 s9, s18  }
0x10: {  	s8 =	sor.u32 $0x1E, s8;
	s12 =	sadd.s32 s2, s18;
	[dreg:$0xa] =	wrdreg s19  }
0x11: {  	s21 =	sadd.s32 s9, s20;
	s22 =	sadd.s32 s2, s20;
	[dreg:$0xb] =	wrdreg s12  }
0x12: {  	s23 =	sadd.s32 s9, s8;
	s8 =	sadd.s32 s2, s8;
	[dreg:$0xc] =	wrdreg s21  }
0x13: {  	s13 =	sadd.s32 $0xF0, s16;
	s2 =	sadd.s32 s7, s2;
	[dreg:$0xd] =	wrdreg s22  }
0x14: {  	s7 =	sadd.s32 s7, s9;
	s9 =	sshll.u32 s24, $0x4;
	[dreg:$0xe] =	wrdreg s23  }
0x15: {  	s12 =	simm.s32 $0x758;
	[dreg:$0xf] =	wrdreg s8;
	s8 =	sor.u32 $0x50, s16  }
0x16: {  	[dreg:$0x6] =	wrdreg s2;
	s2 =	sadd.s32 $0x1E0, s16;
	s9 =	sadd.s32 s11, s9  }
0x17: {  	s19 =	sadd.s32 s5, s13;
	s21 =	sadd.s32 s5, s14;
	s23 =	sadd.s32 s5, s15  }
0x18: {  	[dreg:$0x7] =	wrdreg s7;
	s7 =	simm.s32 $0x50;
	s12 =	simm.s32 @!p0 $0x258  }
0x19: {  	[dreg:$0x10] =	wrdreg s9;
	s20 =	sshll.u32 s19, $0x4;
	s22 =	sshll.u32 s21, $0x4  }
0x1a: {  	s24 =	sshll.u32 s23, $0x4;
	s19 =	sshll.u32 s14, $0x7;
	s21 =	sshll.u32 s2, $0x7  }
0x1b: {  	s14 =	simm.s32 $0x14300;
	[dreg:$0x5] =	wrdreg s12;
	s12 =	sadd.s32 $0xA0, s16  }
0x1c: {  	s16 =	sadd.s32 s5, s8;
	s31 =	sadd.s32 s19, s3;
	s28 =	sadd.s32 s21, s3  }
0x1d: {  	s19 =	simm.s32 $0x3;
	s21 =	simm.s32 $0x0;
	[dreg:$0x1a] =	wrdreg s31  }
0x1e: {  	s25 =	sshll.u32 s16, $0x4;
	s26 =	sadd.s32 s5, s12;
	[dreg:$0x1d] =	wrdreg s28  }
0x1f: {  	s9 =	sadd.s32 s11, s25;
	s18 =	sshll.u32 s26, $0x4;
	s25 =	sadd.s32 s5, s2  }
0x20: {  	s5 =	sadd.s32 s5, s10;
	s2 =	simm.s32 $0x14400;
	[dreg:$0x11] =	wrdreg s9  }
0x21: {  	s9 =	sadd.s32 s11, s18;
	s16 =	sshll.u32 s25, $0x4;
	s5 =	sshll.u32 s5, $0x4  }
0x22: {  	s18 =	sshll.u32 s13, $0x7;
	s13 =	simm.s32 $0x19400;
	[dreg:$0x12] =	wrdreg s9  }
0x23: {  	s9 =	sadd.s32 s11, s20;
	s26 =	sadd.s32 s11, s16;
	s5 =	sadd.s32 s11, s5  }
0x24: {  	s16 =	smax.u32 s6, $0x1;
	s30 =	sadd.s32 s18, s3;
	[dreg:$0x13] =	wrdreg s9  }
0x25: {  	s20 =	sshll.u32 s15, $0x7;
	s6 =	simm.s32 $0x14080;
	[dreg:$0x16] =	wrdreg s26  }
0x26: {  	s15 =	simm.s32 $0x14380;
	s18 =	simm.s32 $0x2;
	[dreg:$0x17] =	wrdreg s5  }
0x27: {  	s9 =	sadd.s32 s11, s22;
	[dreg:$0x19] =	wrdreg s16;
	s26 =	sadd.s32 s20, s3  }
0x28: {  	s22 =	sshll.u32 s10, $0x7;
	s5 =	simm.s32 $0x14000;
	s10 =	simm.s32 $0x16C00  }
0x29: {  	s16 =	simm.s32 $0x1BC00;
	s20 =	simm.s32 $0x4;
	[dreg:$0x1c] =	wrdreg s30  }
0x2a: {  	[dreg:$0x14] =	wrdreg s9;
	s9 =	sadd.s32 s11, s24;
	s11 =	sshll.u32 s8, $0x7  }
0x2b: {  	s29 =	sadd.s32 s22, s3;
	s8 =	simm.s32 $0x14100;
	[dreg:$0x1b] =	wrdreg s26  }
0x2c: {  	[dreg:$0x15] =	wrdreg s9;
	s9 =	sshrl.u32 s17, $0x2;
	s24 =	sadd.s32 s11, s3  }
0x2d: {  	s17 =	sshll.u32 s12, $0x7;
	s11 =	simm.s32 $0x14200;
	s12 =	simm.s32 $0x14280  }
0x2e: {  	[dreg:$0x1e] =	wrdreg s29;
	s23 =	sadd.s32 s9, s3;
	s25 =	sadd.s32 s17, s3  }
0x2f: {  	s9 =	simm.s32 $0x14180;
	s17 =	simm.s32 $0x1;
	[dreg:$0x1f] =	wrdreg s25  }
.LBB2_1:
0x30: {  	s22 =	rddreg [dreg:$0x18]  }
0x31: {  	[tilespmem:s2], [sflag:$0x5] =	stream.linear.gather [hbm4b:s22+s4], $0x2800, $0x38;
	[tilespmem:$0x1E400] =	vst v63  }
0x32: {  	_ =	swait.ge [sflag:s0], $0x2800  }
0x33: {  	[sflag:s0] =	ssyncset.done $0x0  }
0x34: {  	[sflag:s0] =	ssyncadd.s32 $0xFFFFD800  }
0x35: {  	[spmem:s23] =	stream.linear.scatter [tilespmem:s2], [sflag:$0x5], $0x2800, $0x38;
	[tilespmem:$0x1E400] =	vst v63  }
0x36: {  	_ =	swait.ge [sflag:s0], $0x2800  }
0x37: {  	[sflag:s0] =	ssyncset.done $0x0  }
0x38: {  	[sflag:s0] =	ssyncadd.s32 $0xFFFFD800  }
0x39: {  	[spmem:s24] =	stream.linear.scatter [tilespmem:s2], [sflag:$0x5], $0x2800, $0x38;
	[tilespmem:$0x1E400] =	vst v63  }
0x3a: {  	_ =	swait.ge [sflag:s0], $0x2800  }
0x3b: {  	[sflag:s0] =	ssyncset.done $0x0  }
0x3c: {  	[sflag:s0] =	ssyncadd.s32 $0xFFFFD800  }
0x3d: {  	[spmem:s25] =	stream.linear.scatter [tilespmem:s2], [sflag:$0x5], $0x2800, $0x38;
	[tilespmem:$0x1E400] =	vst v63  }
0x3e: {  	_ =	swait.ge [sflag:s0], $0x2800  }
0x3f: {  	[sflag:s0] =	ssyncset.done $0x0  }
0x40: {  	s22 =	smov.u32 s30;
	[sflag:s0] =	ssyncadd.s32 $0xFFFFD800  }
0x41: {  	[spmem:s22] =	stream.linear.scatter [tilespmem:s2], [sflag:$0x5], $0x2800, $0x38;
	[tilespmem:$0x1E400] =	vst v63  }
0x42: {  	_ =	swait.ge [sflag:s0], $0x2800  }
0x43: {  	[sflag:s0] =	ssyncset.done $0x0  }
0x44: {  	[sflag:s0] =	ssyncadd.s32 $0xFFFFD800  }
0x45: {  	[spmem:s31] =	stream.linear.scatter [tilespmem:s2], [sflag:$0x5], $0x2800, $0x38;
	[tilespmem:$0x1E400] =	vst v63  }
0x46: {  	_ =	swait.ge [sflag:s0], $0x2800  }
0x47: {  	[sflag:s0] =	ssyncset.done $0x0  }
0x48: {  	[sflag:s0] =	ssyncadd.s32 $0xFFFFD800  }
0x49: {  	[spmem:s26] =	stream.linear.scatter [tilespmem:s2], [sflag:$0x5], $0x2800, $0x38;
	[tilespmem:$0x1E400] =	vst v63  }
0x4a: {  	_ =	swait.ge [sflag:s0], $0x2800  }
0x4b: {  	[sflag:s0] =	ssyncset.done $0x0  }
0x4c: {  	s30 =	smov.u32 s23;
	s23 =	smov.u32 s28;
	[sflag:s0] =	ssyncadd.s32 $0xFFFFD800  }
0x4d: {  	[spmem:s23] =	stream.linear.scatter [tilespmem:s2], [sflag:$0x5], $0x2800, $0x38;
	[tilespmem:$0x1E400] =	vst v63  }
0x4e: {  	_ =	swait.ge [sflag:s0], $0x2800  }
0x4f: {  	[sflag:s0] =	ssyncset.done $0x0  }
0x50: {  	[sflag:s0] =	ssyncadd.s32 $0xFFFFD800  }
0x51: {  	[spmem:s29] =	stream.linear.scatter [tilespmem:s2], [sflag:$0x5], $0x2800, $0x38;
	[tilespmem:$0x1E400] =	vst v63  }
0x52: {  	_ =	swait.ge [sflag:s0], $0x2800  }
0x53: {  	[sflag:s0] =	ssyncset.done $0x0  }
0x54: {  	[sflag:s0] =	ssyncadd.s32 $0xFFFFD800  }
0x55: {  	[bflag:$0x0] =	sbarrier.arrive $0xFFFF  }
0x56: {  	s29 =	rddreg [dreg:$0x8]  }
0x57: {  	[tilespmem:s5], [sflag:$0x5] =	stream.linear.gather [hbm4b:s29+s4], $0x50, $0x38;
	[tilespmem:$0x1E400] =	vst v63  }
0x58: {  	_ =	swait.ge [sflag:s0], $0x50  }
0x59: {  	[sflag:s0] =	ssyncset.done $0x0  }
0x5a: {  	s31 =	rddreg [dreg:$0x9];
	[sflag:s0] =	ssyncadd.s32 $0xFFFFFFB0  }
0x5b: {  	[tilespmem:s6], [sflag:$0x5] =	stream.linear.gather [hbm4b:s31+s4], $0x50, $0x38;
	[tilespmem:$0x1E400] =	vst v63  }
0x5c: {  	_ =	swait.ge [sflag:s0], $0x50  }
0x5d: {  	[sflag:s0] =	ssyncset.done $0x0  }
0x5e: {  	[sflag:s0] =	ssyncadd.s32 $0xFFFFFFB0  }
0x5f: {  	[tilespmem:s2], [sflag:$0x1] =	stream.indirect.gather [hbm4b:s1+s7], $0x80, s5, s7, $0xb8;
	[tilespmem:$0x1E400] =	vst v63  }
0x60: {  	s23 =	rddreg [dreg:$0xa]  }
0x61: {  	[tilespmem:s8], [sflag:$0x5] =	stream.linear.gather [hbm4b:s23+s4], $0x50, $0x38;
	[tilespmem:$0x1E400] =	vst v63  }
0x62: {  	_ =	swait.ge [sflag:s0], $0x50  }
0x63: {  	[sflag:s0] =	ssyncset.done $0x0  }
0x64: {  	s28 =	smov.u32 s24;
	s24 =	rddreg [dreg:$0xb];
	[sflag:s0] =	ssyncadd.s32 $0xFFFFFFB0  }
0x65: {  	[tilespmem:s9], [sflag:$0x5] =	stream.linear.gather [hbm4b:s24+s4], $0x50, $0x38;
	[tilespmem:$0x1E400] =	vst v63  }
0x66: {  	_ =	swait.ge [sflag:s0], $0x50  }
0x67: {  	[sflag:s0] =	ssyncset.done $0x0  }
0x68: {  	[sflag:s0] =	ssyncadd.s32 $0xFFFFFFB0  }
0x69: {  	[tilespmem:s10], [sflag:$0x2] =	stream.indirect.gather [hbm4b:s1+s7], $0x80, s8, s7, $0xb8;
	[tilespmem:$0x1E400] =	vst v63  }
0x6a: {  	s25 =	rddreg [dreg:$0xc]  }
0x6b: {  	[tilespmem:s11], [sflag:$0x5] =	stream.linear.gather [hbm4b:s25+s4], $0x50, $0x38;
	[tilespmem:$0x1E400] =	vst v63  }
0x6c: {  	_ =	swait.ge [sflag:s0], $0x50  }
0x6d: {  	[sflag:s0] =	ssyncset.done $0x0  }
0x6e: {  	s26 =	rddreg [dreg:$0xd];
	[sflag:s0] =	ssyncadd.s32 $0xFFFFFFB0  }
0x6f: {  	[tilespmem:s12], [sflag:$0x5] =	stream.linear.gather [hbm4b:s26+s4], $0x50, $0x38;
	[tilespmem:$0x1E400] =	vst v63  }
0x70: {  	_ =	swait.ge [sflag:s0], $0x50  }
0x71: {  	[sflag:s0] =	ssyncset.done $0x0  }
0x72: {  	[sflag:s0] =	ssyncadd.s32 $0xFFFFFFB0  }
0x73: {  	[tilespmem:s13], [sflag:$0x3] =	stream.indirect.gather [hbm4b:s1+s7], $0x80, s11, s7, $0xb8;
	[tilespmem:$0x1E400] =	vst v63  }
0x74: {  	s29 =	rddreg [dreg:$0xe]  }
0x75: {  	[tilespmem:s14], [sflag:$0x5] =	stream.linear.gather [hbm4b:s29+s4], $0x50, $0x38;
	[tilespmem:$0x1E400] =	vst v63  }
0x76: {  	_ =	swait.ge [sflag:s0], $0x50  }
0x77: {  	[sflag:s0] =	ssyncset.done $0x0  }
0x78: {  	s31 =	rddreg [dreg:$0xf];
	[sflag:s0] =	ssyncadd.s32 $0xFFFFFFB0  }
0x79: {  	[tilespmem:s15], [sflag:$0x5] =	stream.linear.gather [hbm4b:s31+s4], $0x50, $0x38;
	[tilespmem:$0x1E400] =	vst v63  }
0x7a: {  	_ =	swait.ge [sflag:s0], $0x50  }
0x7b: {  	[sflag:s0] =	ssyncset.done $0x0  }
0x7c: {  	s23 =	simm.s32 $0x0;
	[sflag:s0] =	ssyncadd.s32 $0xFFFFFFB0  }
0x7d: {  	[tilespmem:s16], [sflag:$0x4] =	stream.indirect.gather [hbm4b:s1+s7], $0x80, s14, s7, $0xb8;
	[tilespmem:$0x1E400] =	vst v63  }
.LBB2_2:
0x7e: {  	_ =	swait.ge [sflag:s17], $0x2800  }
0x7f: {  	[sflag:s17] =	ssyncset.done $0x0  }
0x80: {  	[sflag:s17] =	ssyncadd.s32 $0xFFFFD800  }
0x81: {  	[spmem:s3] =	stream.indirect.scatter.add.f32 [tilespmem:s2], [sflag:$0x5], $0x80, s6, s7, $0xb8;
	[tilespmem:$0x1E400] =	vst v63  }
0x82: {  	_ =	swait.ge [sflag:s0], $0x2800  }
0x83: {  	s22 =	rddreg [dreg:$0x7]  }
0x84: {  	[sflag:s0] =	ssyncset.done $0x0;
	s22 =	sadd.s32 s23, s22  }
0x85: {  	[sflag:s0] =	ssyncadd.s32 $0xFFFFD800;
	s24 =	sadd.s32 $0x28, s22  }
0x86: {  	[tilespmem:s5], [sflag:$0x5] =	stream.linear.gather [hbm4b:s24+s4], $0x50, $0x38;
	[tilespmem:$0x1E400] =	vst v63  }
0x87: {  	_ =	swait.ge [sflag:s0], $0x50  }
0x88: {  	s25 =	rddreg [dreg:$0x6]  }
0x89: {  	[sflag:s0] =	ssyncset.done $0x0;
	s24 =	sadd.s32 s23, s25  }
0x8a: {  	[sflag:s0] =	ssyncadd.s32 $0xFFFFFFB0;
	s25 =	sadd.s32 $0x28, s24  }
0x8b: {  	[tilespmem:s6], [sflag:$0x5] =	stream.linear.gather [hbm4b:s25+s4], $0x50, $0x38;
	[tilespmem:$0x1E400] =	vst v63  }
0x8c: {  	_ =	swait.ge [sflag:s0], $0x50  }
0x8d: {  	[sflag:s0] =	ssyncset.done $0x0  }
0x8e: {  	[sflag:s0] =	ssyncadd.s32 $0xFFFFFFB0  }
0x8f: {  	[tilespmem:s2], [sflag:$0x1] =	stream.indirect.gather [hbm4b:s1+s7], $0x80, s5, s7, $0xb8;
	[tilespmem:$0x1E400] =	vst v63  }
0x90: {  	_ =	swait.ge [sflag:s18], $0x2800  }
0x91: {  	[sflag:s18] =	ssyncset.done $0x0  }
0x92: {  	[sflag:s18] =	ssyncadd.s32 $0xFFFFD800  }
0x93: {  	[spmem:s3] =	stream.indirect.scatter.add.f32 [tilespmem:s10], [sflag:$0x5], $0x80, s9, s7, $0xb8;
	[tilespmem:$0x1E400] =	vst v63  }
0x94: {  	_ =	swait.ge [sflag:s0], $0x2800  }
0x95: {  	[sflag:s0] =	ssyncset.done $0x0  }
0x96: {  	s26 =	sadd.s32 $0x32, s22;
	[sflag:s0] =	ssyncadd.s32 $0xFFFFD800  }
0x97: {  	[tilespmem:s8], [sflag:$0x5] =	stream.linear.gather [hbm4b:s26+s4], $0x50, $0x38;
	[tilespmem:$0x1E400] =	vst v63  }
0x98: {  	_ =	swait.ge [sflag:s0], $0x50  }
0x99: {  	[sflag:s0] =	ssyncset.done $0x0  }
0x9a: {  	s29 =	sadd.s32 $0x32, s24;
	[sflag:s0] =	ssyncadd.s32 $0xFFFFFFB0  }
0x9b: {  	[tilespmem:s9], [sflag:$0x5] =	stream.linear.gather [hbm4b:s29+s4], $0x50, $0x38;
	[tilespmem:$0x1E400] =	vst v63  }
0x9c: {  	_ =	swait.ge [sflag:s0], $0x50  }
0x9d: {  	[sflag:s0] =	ssyncset.done $0x0  }
0x9e: {  	[sflag:s0] =	ssyncadd.s32 $0xFFFFFFB0  }
0x9f: {  	[tilespmem:s10], [sflag:$0x2] =	stream.indirect.gather [hbm4b:s1+s7], $0x80, s8, s7, $0xb8;
	[tilespmem:$0x1E400] =	vst v63  }
0xa0: {  	_ =	swait.ge [sflag:s19], $0x2800  }
0xa1: {  	[sflag:s19] =	ssyncset.done $0x0  }
0xa2: {  	[sflag:s19] =	ssyncadd.s32 $0xFFFFD800  }
0xa3: {  	[spmem:s3] =	stream.indirect.scatter.add.f32 [tilespmem:s13], [sflag:$0x5], $0x80, s12, s7, $0xb8;
	[tilespmem:$0x1E400] =	vst v63  }
0xa4: {  	_ =	swait.ge [sflag:s0], $0x2800  }
0xa5: {  	[sflag:s0] =	ssyncset.done $0x0  }
0xa6: {  	s31 =	sadd.s32 $0x3C, s22;
	[sflag:s0] =	ssyncadd.s32 $0xFFFFD800  }
0xa7: {  	[tilespmem:s11], [sflag:$0x5] =	stream.linear.gather [hbm4b:s31+s4], $0x50, $0x38;
	[tilespmem:$0x1E400] =	vst v63  }
0xa8: {  	_ =	swait.ge [sflag:s0], $0x50  }
0xa9: {  	[sflag:s0] =	ssyncset.done $0x0  }
0xaa: {  	s26 =	sadd.s32 $0x3C, s24;
	[sflag:s0] =	ssyncadd.s32 $0xFFFFFFB0  }
0xab: {  	[tilespmem:s12], [sflag:$0x5] =	stream.linear.gather [hbm4b:s26+s4], $0x50, $0x38;
	[tilespmem:$0x1E400] =	vst v63  }
0xac: {  	_ =	swait.ge [sflag:s0], $0x50  }
0xad: {  	[sflag:s0] =	ssyncset.done $0x0  }
0xae: {  	[sflag:s0] =	ssyncadd.s32 $0xFFFFFFB0  }
0xaf: {  	[tilespmem:s13], [sflag:$0x3] =	stream.indirect.gather [hbm4b:s1+s7], $0x80, s11, s7, $0xb8;
	[tilespmem:$0x1E400] =	vst v63  }
0xb0: {  	_ =	swait.ge [sflag:s20], $0x2800  }
0xb1: {  	[sflag:s20] =	ssyncset.done $0x0  }
0xb2: {  	[sflag:s20] =	ssyncadd.s32 $0xFFFFD800  }
0xb3: {  	[spmem:s3] =	stream.indirect.scatter.add.f32 [tilespmem:s16], [sflag:$0x5], $0x80, s15, s7, $0xb8;
	[tilespmem:$0x1E400] =	vst v63  }
0xb4: {  	_ =	swait.ge [sflag:s0], $0x2800  }
0xb5: {  	[sflag:s0] =	ssyncset.done $0x0  }
0xb6: {  	s22 =	sadd.s32 $0x46, s22;
	[sflag:s0] =	ssyncadd.s32 $0xFFFFD800  }
0xb7: {  	[tilespmem:s14], [sflag:$0x5] =	stream.linear.gather [hbm4b:s22+s4], $0x50, $0x38;
	[tilespmem:$0x1E400] =	vst v63  }
0xb8: {  	_ =	swait.ge [sflag:s0], $0x50  }
0xb9: {  	[sflag:s0] =	ssyncset.done $0x0  }
0xba: {  	s29 =	sadd.s32 $0x46, s24;
	[sflag:s0] =	ssyncadd.s32 $0xFFFFFFB0  }
0xbb: {  	[tilespmem:s15], [sflag:$0x5] =	stream.linear.gather [hbm4b:s29+s4], $0x50, $0x38;
	[tilespmem:$0x1E400] =	vst v63  }
0xbc: {  	_ =	swait.ge [sflag:s0], $0x50  }
0xbd: {  	s23 =	sadd.s32 $0x28, s23;
	s31 =	rddreg [dreg:$0x5]  }
0xbe: {  	p0 =	sne.s32 s31, s23  }
.Ltmp0:
0xbf: {  	_ = 	snop;
	(pc) =	sbr.rel @p0 .LBB2_2-.Ltmp0, $4  }
0xc0: {  	_ = 	snop  }
0xc1: {  	[sflag:s0] =	ssyncset.done $0x0  }
0xc2: {  	[sflag:s0] =	ssyncadd.s32 $0xFFFFFFB0  }
0xc3: {  	[tilespmem:s16], [sflag:$0x4] =	stream.indirect.gather [hbm4b:s1+s7], $0x80, s14, s7, $0xb8;
	[tilespmem:$0x1E400] =	vst v63  }
0xc4: {  	_ =	swait.ge [sflag:s17], $0x2800  }
0xc5: {  	[sflag:s17] =	ssyncset.done $0x0  }
0xc6: {  	[sflag:s17] =	ssyncadd.s32 $0xFFFFD800  }
0xc7: {  	[spmem:s3] =	stream.indirect.scatter.add.f32 [tilespmem:s2], [sflag:$0x5], $0x80, s6, s7, $0xb8;
	[tilespmem:$0x1E400] =	vst v63  }
0xc8: {  	_ =	swait.ge [sflag:s0], $0x2800  }
0xc9: {  	[sflag:s0] =	ssyncset.done $0x0  }
0xca: {  	[sflag:s0] =	ssyncadd.s32 $0xFFFFD800  }
0xcb: {  	_ =	swait.ge [sflag:s18], $0x2800  }
0xcc: {  	[sflag:s18] =	ssyncset.done $0x0  }
0xcd: {  	[sflag:s18] =	ssyncadd.s32 $0xFFFFD800  }
0xce: {  	[spmem:s3] =	stream.indirect.scatter.add.f32 [tilespmem:s10], [sflag:$0x5], $0x80, s9, s7, $0xb8;
	[tilespmem:$0x1E400] =	vst v63  }
0xcf: {  	_ =	swait.ge [sflag:s0], $0x2800  }
0xd0: {  	[sflag:s0] =	ssyncset.done $0x0  }
0xd1: {  	[sflag:s0] =	ssyncadd.s32 $0xFFFFD800  }
0xd2: {  	_ =	swait.ge [sflag:s19], $0x2800  }
0xd3: {  	[sflag:s19] =	ssyncset.done $0x0  }
0xd4: {  	[sflag:s19] =	ssyncadd.s32 $0xFFFFD800  }
0xd5: {  	[spmem:s3] =	stream.indirect.scatter.add.f32 [tilespmem:s13], [sflag:$0x5], $0x80, s12, s7, $0xb8;
	[tilespmem:$0x1E400] =	vst v63  }
0xd6: {  	_ =	swait.ge [sflag:s0], $0x2800  }
0xd7: {  	[sflag:s0] =	ssyncset.done $0x0  }
0xd8: {  	[sflag:s0] =	ssyncadd.s32 $0xFFFFD800  }
0xd9: {  	_ =	swait.ge [sflag:s20], $0x2800  }
0xda: {  	[sflag:s20] =	ssyncset.done $0x0  }
0xdb: {  	[sflag:s20] =	ssyncadd.s32 $0xFFFFD800  }
0xdc: {  	[spmem:s3] =	stream.indirect.scatter.add.f32 [tilespmem:s16], [sflag:$0x5], $0x80, s15, s7, $0xb8;
	[tilespmem:$0x1E400] =	vst v63  }
0xdd: {  	_ =	swait.ge [sflag:s0], $0x2800  }
0xde: {  	[sflag:s0] =	ssyncset.done $0x0  }
0xdf: {  	[sflag:s0] =	ssyncadd.s32 $0xFFFFD800  }
0xe0: {  	[bflag:$0x0] =	sbarrier.arrive $0xFFFF  }
0xe1: {  	[tilespmem:s2], [sflag:$0x5] =	stream.linear.gather [spmem:s30], $0x2800, $0x38;
	[tilespmem:$0x1E400] =	vst v63  }
0xe2: {  	_ =	swait.ge [sflag:s0], $0x2800  }
0xe3: {  	[sflag:s0] =	ssyncset.done $0x0  }
0xe4: {  	s22 =	rddreg [dreg:$0x10];
	[sflag:s0] =	ssyncadd.s32 $0xFFFFD800  }
0xe5: {  	[hbm4b:s22+s4] =	stream.linear.scatter [tilespmem:s2], [sflag:$0x5], $0x2800, $0x38;
	[tilespmem:$0x1E400] =	vst v63  }
0xe6: {  	_ =	swait.ge [sflag:s0], $0x2800  }
0xe7: {  	[sflag:s0] =	ssyncset.done $0x0  }
0xe8: {  	[sflag:s0] =	ssyncadd.s32 $0xFFFFD800  }
0xe9: {  	[tilespmem:s2], [sflag:$0x5] =	stream.linear.gather [spmem:s28], $0x2800, $0x38;
	[tilespmem:$0x1E400] =	vst v63  }
0xea: {  	_ =	swait.ge [sflag:s0], $0x2800  }
0xeb: {  	[sflag:s0] =	ssyncset.done $0x0  }
0xec: {  	s25 =	rddreg [dreg:$0x11];
	[sflag:s0] =	ssyncadd.s32 $0xFFFFD800  }
0xed: {  	[hbm4b:s25+s4] =	stream.linear.scatter [tilespmem:s2], [sflag:$0x5], $0x2800, $0x38;
	[tilespmem:$0x1E400] =	vst v63  }
0xee: {  	_ =	swait.ge [sflag:s0], $0x2800  }
0xef: {  	[sflag:s0] =	ssyncset.done $0x0  }
0xf0: {  	s25 =	rddreg [dreg:$0x1f];
	[sflag:s0] =	ssyncadd.s32 $0xFFFFD800  }
0xf1: {  	[tilespmem:s2], [sflag:$0x5] =	stream.linear.gather [spmem:s25], $0x2800, $0x38;
	[tilespmem:$0x1E400] =	vst v63  }
0xf2: {  	_ =	swait.ge [sflag:s0], $0x2800  }
0xf3: {  	[sflag:s0] =	ssyncset.done $0x0  }
0xf4: {  	s26 =	rddreg [dreg:$0x12];
	[sflag:s0] =	ssyncadd.s32 $0xFFFFD800  }
0xf5: {  	[hbm4b:s26+s4] =	stream.linear.scatter [tilespmem:s2], [sflag:$0x5], $0x2800, $0x38;
	[tilespmem:$0x1E400] =	vst v63  }
0xf6: {  	_ =	swait.ge [sflag:s0], $0x2800  }
0xf7: {  	[sflag:s0] =	ssyncset.done $0x0  }
0xf8: {  	s23 =	smov.u32 s30;
	s30 =	rddreg [dreg:$0x1c];
	[sflag:s0] =	ssyncadd.s32 $0xFFFFD800  }
0xf9: {  	[tilespmem:s2], [sflag:$0x5] =	stream.linear.gather [spmem:s30], $0x2800, $0x38;
	[tilespmem:$0x1E400] =	vst v63  }
0xfa: {  	_ =	swait.ge [sflag:s0], $0x2800  }
0xfb: {  	[sflag:s0] =	ssyncset.done $0x0  }
0xfc: {  	s26 =	rddreg [dreg:$0x13];
	[sflag:s0] =	ssyncadd.s32 $0xFFFFD800  }
0xfd: {  	[hbm4b:s26+s4] =	stream.linear.scatter [tilespmem:s2], [sflag:$0x5], $0x2800, $0x38;
	[tilespmem:$0x1E400] =	vst v63  }
0xfe: {  	_ =	swait.ge [sflag:s0], $0x2800  }
0xff: {  	[sflag:s0] =	ssyncset.done $0x0  }
0x100: {  	s31 =	rddreg [dreg:$0x1a];
	[sflag:s0] =	ssyncadd.s32 $0xFFFFD800  }
0x101: {  	[tilespmem:s2], [sflag:$0x5] =	stream.linear.gather [spmem:s31], $0x2800, $0x38;
	[tilespmem:$0x1E400] =	vst v63  }
0x102: {  	_ =	swait.ge [sflag:s0], $0x2800  }
0x103: {  	[sflag:s0] =	ssyncset.done $0x0  }
0x104: {  	s26 =	rddreg [dreg:$0x14];
	[sflag:s0] =	ssyncadd.s32 $0xFFFFD800  }
0x105: {  	[hbm4b:s26+s4] =	stream.linear.scatter [tilespmem:s2], [sflag:$0x5], $0x2800, $0x38;
	[tilespmem:$0x1E400] =	vst v63  }
0x106: {  	_ =	swait.ge [sflag:s0], $0x2800  }
0x107: {  	[sflag:s0] =	ssyncset.done $0x0  }
0x108: {  	s26 =	rddreg [dreg:$0x1b];
	[sflag:s0] =	ssyncadd.s32 $0xFFFFD800  }
0x109: {  	[tilespmem:s2], [sflag:$0x5] =	stream.linear.gather [spmem:s26], $0x2800, $0x38;
	[tilespmem:$0x1E400] =	vst v63  }
0x10a: {  	_ =	swait.ge [sflag:s0], $0x2800  }
0x10b: {  	[sflag:s0] =	ssyncset.done $0x0  }
0x10c: {  	s22 =	rddreg [dreg:$0x15];
	[sflag:s0] =	ssyncadd.s32 $0xFFFFD800  }
0x10d: {  	[hbm4b:s22+s4] =	stream.linear.scatter [tilespmem:s2], [sflag:$0x5], $0x2800, $0x38;
	[tilespmem:$0x1E400] =	vst v63  }
0x10e: {  	_ =	swait.ge [sflag:s0], $0x2800  }
0x10f: {  	[sflag:s0] =	ssyncset.done $0x0  }
0x110: {  	s24 =	smov.u32 s28;
	s28 =	rddreg [dreg:$0x1d];
	[sflag:s0] =	ssyncadd.s32 $0xFFFFD800  }
0x111: {  	[tilespmem:s2], [sflag:$0x5] =	stream.linear.gather [spmem:s28], $0x2800, $0x38;
	[tilespmem:$0x1E400] =	vst v63  }
0x112: {  	_ =	swait.ge [sflag:s0], $0x2800  }
0x113: {  	[sflag:s0] =	ssyncset.done $0x0  }
0x114: {  	s22 =	rddreg [dreg:$0x16];
	[sflag:s0] =	ssyncadd.s32 $0xFFFFD800  }
0x115: {  	[hbm4b:s22+s4] =	stream.linear.scatter [tilespmem:s2], [sflag:$0x5], $0x2800, $0x38;
	[tilespmem:$0x1E400] =	vst v63  }
0x116: {  	_ =	swait.ge [sflag:s0], $0x2800  }
0x117: {  	[sflag:s0] =	ssyncset.done $0x0  }
0x118: {  	s29 =	rddreg [dreg:$0x1e];
	[sflag:s0] =	ssyncadd.s32 $0xFFFFD800  }
0x119: {  	[tilespmem:s2], [sflag:$0x5] =	stream.linear.gather [spmem:s29], $0x2800, $0x38;
	[tilespmem:$0x1E400] =	vst v63  }
0x11a: {  	_ =	swait.ge [sflag:s0], $0x2800  }
0x11b: {  	[sflag:s0] =	ssyncset.done $0x0  }
0x11c: {  	s22 =	rddreg [dreg:$0x17];
	[sflag:s0] =	ssyncadd.s32 $0xFFFFD800  }
0x11d: {  	[hbm4b:s22+s4] =	stream.linear.scatter [tilespmem:s2], [sflag:$0x5], $0x2800, $0x38;
	[tilespmem:$0x1E400] =	vst v63  }
0x11e: {  	_ =	swait.ge [sflag:s0], $0x2800  }
0x11f: {  	s21 =	sadd.s32 $0x1, s21;
	s22 =	rddreg [dreg:$0x19]  }
0x120: {  	p0 =	sne.s32 s21, s22  }
.Ltmp1:
0x121: {  	_ = 	snop;
	(pc) =	sbr.rel @p0 .LBB2_1-.Ltmp1, $3  }
0x122: {  	_ =	sdelay $0x1  }
0x123: {  	[sflag:s0] =	ssyncset.done $0x0  }
0x124: {  	[sflag:s0] =	ssyncadd.s32 $0xFFFFD800  }
0x125: {  	_ =	sfence.sel $0x180000  }
0x126: {  	[bflag:$0x0] =	sbarrier.arrive $0xFFFF  }
0x127: {  	_ =	strace $0x90000047  }
0x128: {  	s0 =	stileid.u32;
	[bflag:$0x2] =	sbarrier.arrive $0xFFFF  }
0x129: {  	p0 =	sne.s32 s0, $0x0;
	s0 =	rddreg [dreg:$0x4]  }
0x12a: {  	s0 =	sadd.s32 @!p0 $0x100000, s0  }
0x12b: {  	[sflag:s0] =	ssyncadd.tile.s32 @!p0 $0x1;
	_ =	shalt  }
.Lfunc_end2:
_tile_overlayer_lowered:
.L_overlay_start_2:
0x12c: {  	(tag) =	ssettag $0x2  }
0x12d: {  	s0 =	rddreg [dreg:$0x0];
	s2 =	stileid.u32  }
0x12e: {  	s1 =	rddreg [dreg:$0x1];
	p0 =	sne.s32 s2, $0x0  }
0x12f: {  	s3 =	rddreg [dreg:$0x2];
	[bflag:$0x3] =	sbarrier.arrive $0xFFFF;
	s2 =	simm.s32 @!p0 $0x1C05  }
0x130: {  	[timem:s3], [sflag:s2] =	dma.local @!p0 [hbm:s0], s1  }
0x131: {  	s0 =	simm.s32 @!p0 $0x5  }
0x132: {  	_ =	swait.ge @!p0 [sflag:s0], s1  }
0x133: {  	s1 =	ssub.s32 @!p0 $0x0, s1;
	[sflag:s0] =	ssyncset.done @!p0 $0x0  }
0x134: {  	[sflag:s0] =	ssyncadd.s32 @!p0 s1  }
0x135: {  	[bflag:$0x3] =	sbarrier.arrive $0xFFFF  }
0x136: {  	_ =	shalt  }

// kernel: kernel.15.cloned.1.call-start
scs
__scs_entry_jumppad:
0x0: {  	(pc) =	sbr.rel $0x88, $3  }
0x1: {  	(tag) =	ssettag $0x0;
	lr =	simm.s32 $0x1  }
0x2: {  	[smem:$0x3F96] =	sst lr;
	_ =	strace $0xD0000000  }
0x3: {  	_ = 	snop  }
0x4: {  	_ = 	snop  }
0x5: {  	_ = 	snop  }
0x6: {  	_ = 	snop  }
0x7: {  	_ = 	snop  }
__scs_overlays_trampoline_lowered:
0x8: {  	[smem:$0x3FA5] =	sst s0  }
0x9: {  	[smem:$0x3FA6] =	sst s1  }
0xa: {  	[smem:$0x3FA7] =	sst s2  }
0xb: {  	[smem:$0x3FA8] =	sst s3  }
0xc: {  	[smem:$0x3FA9] =	sst s4  }
0xd: {  	[smem:$0x3FAA] =	sst s5  }
0xe: {  	[smem:$0x3FAB] =	sst s6  }
0xf: {  	[smem:$0x3FAC] =	sst s7  }
0x10: {  	[smem:$0x3FAD] =	sst s8  }
0x11: {  	[smem:$0x3FAE] =	sst s9;
	s0 =	simm.s32 @!p0 $0x0  }
0x12: {  	s1 =	sld [smem:$0x3F94];
	s0 =	simm.s32 @p0 $0x1  }
0x13: {  	[smem:$0x3FAF] =	sst s0;
	s0 =	simm.s32 @!p1 $0x0  }
0x14: {  	s2 =	sld [smem:$0x3F93];
	s0 =	simm.s32 @p1 $0x1  }
0x15: {  	[smem:$0x3FB0] =	sst s0;
	s0 =	simm.s32 @!p2 $0x0  }
0x16: {  	s3 =	sld [smem:$0x3FDB];
	s0 =	simm.s32 @p2 $0x1  }
0x17: {  	s4 =	simm.s32 $0x1BF5;
	[smem:$0x3FB2] =	sst s0  }
0x18: {  	s0 =	sld [smem:$0x3F95];
	_ =	swait.ge [sflag:s4], $0x0  }
0x19: {  	s7 =	sld [smem:$0x3F96]  }
0x1a: {  	s8 =	sadd.s32 $0xFFFFE003, lr  }
0x1b: {  	s9 =	sadd.s32 $0xFFFFFEF7, lr;
	s5 =	simm.s32 $0xFFFFFFFF;
	p2 =	slt.u32 s8, $0xFFFFF086  }
0x1c: {  	p1 =	slt.u32 s9, $0xF7A;
	s5 =	simm.s32 @!p2 $0x0  }
0x1d: {  	s5 =	simm.s32 @p1 $0x1;
	p0 =	seq.s32 s7, s2  }
0x1e: {  	s7 =	smul.u32 @!p0 $0xF7A, s2;
	p2 =	seq.s32 @!p0 s5, $0x0  }
0x1f: {  	s9 =	smul.u32 $0xF7A, s1;
	s8 =	simm.s32 @!p0 $0x1BF5;
	p2 =	por !p2, p0  }
0x20: {  	[sflag:s8] =	ssyncset.s32 @!p0 $0xFFFFF086;
	s6 =	sadd.s32 @!p0 s3, s7;
	s7 =	simm.s32 @!p0 $0x108  }
0x21: {  	s3 =	sadd.s32 s3, s9;
	s6 =	sadd.s32 @!p0 $0x88, s6;
	s7 =	simm.s32 @p2 $0x1082  }
0x22: {  	[simem:s7], [sflag:s8] =	dma.local @!p0 [hbm:s6], $0xF7A  }
0x23: {  	s9 =	sor.u32 $0xD0000000, s2;
	s6 =	simm.s32 $0x108;
	_ =	swait.ge @!p0 [sflag:s8], $0x0  }
0x24: {  	s3 =	sadd.s32 $0x88, s3;
	s6 =	simm.s32 @!p1 $0x1082;
	[sflag:s4] =	ssyncset.s32 $0xFFFFF086  }
0x25: {  	[simem:s6], [sflag:s4] =	dma.local [hbm:s3], $0xF7A  }
0x26: {  	[smem:$0x3F96] =	sst s1;
	(tag) =	ssettag s2;
	_ =	strace s9  }
0x27: {  	s1 =	sld [smem:$0x3FA6]  }
0x28: {  	s2 =	sld [smem:$0x3FA7]  }
0x29: {  	s4 =	sld [smem:$0x3FA9]  }
0x2a: {  	p0 =	seq.s32 s5, $0x0;
	s5 =	sld [smem:$0x3FAA]  }
0x2b: {  	s6 =	sld [smem:$0x3FAB]  }
0x2c: {  	s7 =	sld [smem:$0x3FAC]  }
0x2d: {  	s3 =	simm.s32 $0x108;
	s8 =	sld [smem:$0x3FAD]  }
0x2e: {  	s3 =	simm.s32 @!p0 $0x1082;
	s9 =	sld [smem:$0x3FAE]  }
0x2f: {  	lr =	sadd.s32 s0, s3;
	s0 =	sld [smem:$0x3FA5]  }
0x30: {  	s3 =	sld [smem:$0x3FA8]  }
0x31: {  	[smem:$0x3FB1] =	sst s10  }
0x32: {  	s10 =	sld [smem:$0x3FAF];
	_ =	sdelay $0x3  }
0x33: {  	p0 =	seq.s32 s10, $0x1;
	s10 =	sld [smem:$0x3FB1];
	_ =	sdelay $0x3  }
0x34: {  	[smem:$0x3FB1] =	sst s10  }
0x35: {  	s10 =	sld [smem:$0x3FB0];
	_ =	sdelay $0x3  }
0x36: {  	p1 =	seq.s32 s10, $0x1;
	s10 =	sld [smem:$0x3FB1];
	_ =	sdelay $0x3  }
0x37: {  	[smem:$0x3FB1] =	sst s10  }
0x38: {  	s10 =	sld [smem:$0x3FB2]  }
0x39: {  	_ = 	snop;
	(pc) =	sbr.ind lr, $3  }
0x3a: {  	_ = 	snop  }
0x3b: {  	_ = 	snop  }
0x3c: {  	p2 =	seq.s32 s10, $0x1;
	s10 =	sld [smem:$0x3FB1]  }
0x3d: {  	_ =	shalt  }
0x3e: {  	_ =	shalt  }
0x3f: {  	_ =	shalt  }
0x40: {  	_ =	shalt  }
0x41: {  	_ =	shalt  }
0x42: {  	_ =	shalt  }
0x43: {  	_ =	shalt  }
0x44: {  	_ =	shalt  }
0x45: {  	_ =	shalt  }
0x46: {  	_ =	shalt  }
0x47: {  	_ =	shalt  }
0x48: {  	_ =	shalt  }
0x49: {  	_ =	shalt  }
0x4a: {  	_ =	shalt  }
0x4b: {  	_ =	shalt  }
0x4c: {  	_ =	shalt  }
0x4d: {  	_ =	shalt  }
0x4e: {  	_ =	shalt  }
0x4f: {  	_ =	shalt  }
0x50: {  	_ =	shalt  }
0x51: {  	_ =	shalt  }
0x52: {  	_ =	shalt  }
0x53: {  	_ =	shalt  }
0x54: {  	_ =	shalt  }
0x55: {  	_ =	shalt  }
0x56: {  	_ =	shalt  }
0x57: {  	_ =	shalt  }
0x58: {  	_ =	shalt  }
0x59: {  	_ =	shalt  }
0x5a: {  	_ =	shalt  }
0x5b: {  	_ =	shalt  }
0x5c: {  	_ =	shalt  }
0x5d: {  	_ =	shalt  }
0x5e: {  	_ =	shalt  }
0x5f: {  	_ =	shalt  }
0x60: {  	_ =	shalt  }
0x61: {  	_ =	shalt  }
0x62: {  	_ =	shalt  }
0x63: {  	_ =	shalt  }
0x64: {  	_ =	shalt  }
0x65: {  	_ =	shalt  }
0x66: {  	_ =	shalt  }
0x67: {  	_ =	shalt  }
0x68: {  	_ =	shalt  }
0x69: {  	_ =	shalt  }
0x6a: {  	_ =	shalt  }
0x6b: {  	_ =	shalt  }
0x6c: {  	_ =	shalt  }
0x6d: {  	_ =	shalt  }
0x6e: {  	_ =	shalt  }
0x6f: {  	_ =	shalt  }
0x70: {  	_ =	shalt  }
0x71: {  	_ =	shalt  }
0x72: {  	_ =	shalt  }
0x73: {  	_ =	shalt  }
0x74: {  	_ =	shalt  }
0x75: {  	_ =	shalt  }
0x76: {  	_ =	shalt  }
0x77: {  	_ =	shalt  }
0x78: {  	_ =	shalt  }
0x79: {  	_ =	shalt  }
0x7a: {  	_ =	shalt  }
0x7b: {  	_ =	shalt  }
0x7c: {  	_ =	shalt  }
0x7d: {  	_ =	shalt  }
0x7e: {  	_ =	shalt  }
0x7f: {  	_ =	shalt  }
0x80: {  	_ =	shalt  }
0x81: {  	_ =	shalt  }
0x82: {  	_ =	shalt  }
0x83: {  	_ =	shalt  }
0x84: {  	_ =	shalt  }
0x85: {  	_ =	shalt  }
0x86: {  	_ =	shalt  }
0x87: {  	_ =	shalt  }
.Lfunc_end0:
.L_simem_size_0:
called_computation.2_lowered:
.L_overlay_start_0:
0x88: {  	s2 =	sld [smem:$0x3FD9]  }
0x89: {  	s3 =	sld [smem:$0x3FFE];
	_ =	sdelay $0x1  }
0x8a: {  	s1 =	srdreg.scid  }
0x8b: {  	s0 =	sand.u32 $0x1, s1  }
0x8c: {  	s17 =	sshll.u32 s0, $0xA;
	s2 =	sadd.s32 s3, s2  }
0x8d: {  	s2 =	sadd.s32 s2, s17  }
0x8e: {  	[smem:$0x3FBD] =	sst s2  }
0x8f: {  	_ = 	snop  }
0x90: {  	s2 =	sld [smem:$0x3FD0];
	(tm) =	ssettm $0x1  }
0x91: {  	s18 =	sld [smem:$0x3FFB];
	_ =	sdelay $0x3  }
0x92: {  	_ =	strace s18  }
0x93: {  	s3 =	sld [smem:$0x3FFC];
	_ =	sdelay $0x3  }
0x94: {  	_ =	strace s3  }
0x95: {  	s3 =	sld [smem:$0x3FFD];
	_ =	sdelay $0x3  }
0x96: {  	_ =	strace s3  }
0x97: {  	_ =	strace $0x8FFFFFFF  }
0x98: {  	s19 =	sld [smem:$0x3FDB];
	_ =	sdelay $0x1  }
0x99: {  	s4 =	simm.s32 $_scs_section_size  }
0x9a: {  	s5 =	simm.s32 $_size__tile_overlayer_lowered;
	s6 =	simm.s32 $_tile_overlayer_lowered  }
0x9b: {  	s22 =	simm.s32 $0x1BFF;
	s21 =	sshll.u32 s6, $0x1;
	s3 =	sadd.s32 s4, s19  }
0x9c: {  	s7 =	simm.s32 $0x0;
	s20 =	sshll.u32 s5, $0x1;
	s5 =	sadd.s32 s21, s3  }
0x9d: {  	[timem:s7], [sflag:s22] =	dma.local [hbm:s5], s20  }
0x9e: {  	_ =	swait.ge [sflag:s22], s20  }
0x9f: {  	s4 =	ssub.s32 $0x0, s20;
	[sflag:s22] =	ssyncset.done $0x0  }
0xa0: {  	[sflag:s22] =	ssyncadd.s32 s4;
	_ =	sdelay $0x1  }
0xa1: {  	s23 =	simm.s32 $0x1B8B  }
0xa2: {  	_ =	swait.ge [sflag:s23], $0x1  }
0xa3: {  	[sflag:s23] =	ssyncset.done $0x0  }
0xa4: {  	s25 =	simm.s32 $0x1B8E;
	s24 =	sld [smem:$0x3FFE];
	[sflag:s23] =	ssyncadd.s32 $0xFFFFFFFF  }
0xa5: {  	s26 =	simm.s32 $execute0_lowered;
	[smem:$0x3FD2] =	sst s25  }
0xa6: {  	s5 =	sshll.u32 s26, $0x1;
	_ =	strace $0x8000004C;
	[dreg:$0x1] =	wrdreg $0xFFFFFFFF  }
0xa7: {  	s28 =	simm.s32 $_size_execute0_lowered;
	s3 =	sadd.s32 s3, s5;
	[dreg:$0x0] =	wrdreg $0x0  }
0xa8: {  	s5 =	sshll.u32 s28, $0x1;
	[dreg:$0x2] =	wrdreg s3  }
0xa9: {  	[dreg:$0x3] =	wrdreg s5  }
0xaa: {  	[dreg:$0x4] =	wrdreg $0xC0  }
0xab: {  	_ =	task [dreg:s7], $0x5FFFF  }
0xac: {  	[dreg:$0x1] =	wrdreg $0xFFFFFFFF  }
0xad: {  	[dreg:$0x0] =	wrdreg $0x60  }
0xae: {  	[dreg:$0x2] =	wrdreg s24  }
0xaf: {  	[dreg:$0x3] =	wrdreg s2  }
0xb0: {  	[dreg:$0x4] =	wrdreg $0x0  }
0xb1: {  	[dreg:$0x5] =	wrdreg $0x9  }
0xb2: {  	_ =	task.clear_ibuf [dreg:s7], $0x6FFFF;
	_ =	strace $0x9000004C  }
0xb3: {  	s29 =	simm.s32 $0x9;
	_ =	strace $0x8000004E  }
0xb4: {  	_ =	swait.ge [sflag:s29], $0x1  }
0xb5: {  	[sflag:s29] =	ssyncadd.s32 $0xFFFFFFFF  }
0xb6: {  	_ =	strace $0x9000004E  }
0xb7: {  	_ =	sfence  }
0xb8: {  	s30 =	sld [smem:$0x0];
	_ =	sdelay $0x2  }
0xb9: {  	s31 =	sshll.u32 s1, $0xD;
	s1 =	sshrl.u32 s1, $0x2  }
0xba: {  	s3 =	sand.u32 $0x4000, s31;
	s1 =	sadd.s32 s1, s30  }
0xbb: {  	s0 =	sor.u32 s3, s0;
	s1 =	sshll.u32 s1, $0x11  }
0xbc: {  	s0 =	sor.u32 s1, s0  }
0xbd: {  	s0 =	sadd.s32 $0x8F2B, s0  }
0xbe: {  	[sflag:s0] =	ssyncadd.remote.s32 $0x1  }
0xbf: {  	_ =	sfence.sel $0xFFFF  }
0xc0: {  	[dreg:$0x0] =	wrdreg $0xFFFFFFFF;
	(pc) =	sbr.abs _section_cstart, $3  }
0xc1: {  	[dreg:$0x1] =	wrdreg $0xFFFFFFFF  }
0xc2: {  	_ =	task.clear_ibuf [dreg:s7], $0x2FFFF;
	_ =	strace $0x9FFFFFFF  }
0xc3: {  	(tm) =	ssettm $0x7FFFFFFF  }
tec
execute0_lowered:
.L_overlay_start_1:
0x0: {  	(tag) =	ssettag $0x1  }
0x1: {  	s0 =	rddreg [dreg:$0x0]  }
0x2: {  	s2 =	rddreg [dreg:$0x1]  }
0x3: {  	s1 =	rddreg [dreg:$0x2];
	s3 =	simm.s32 $0x0  }
0x4: {  	s4 =	srdreg.scid;
	s19 =	stileid.u32;
	s10 =	simm.s32 $0x758  }
0x5: {  	[smem:$0x7FF] =	sst s3;
	s4 =	sand.u32 $0x1, s4;
	s5 =	smul.u32 $0xC0, s19  }
0x6: {  	s6 =	sshll.u32 s19, $0x6;
	s7 =	sadd.s32 $0x5D000, s0;
	s26 =	smul.u32 $0x280, s19  }
0x7: {  	_ =	strace $0x8000004D;
	p0 =	seq.s32 s4, $0x0;
	s6 =	sor.u32 $0xC00, s6  }
0x8: {  	s8 =	ssub.s32 $0x2, s4;
	s4 =	smul.u32 $0x2800, s4;
	s6 =	smov.u32 @p0 s5  }
0x9: {  	s25 =	sshrl.u32 s8, $0x1;
	s10 =	simm.s32 @!p0 $0x258;
	s11 =	sadd.s32 $0xA0, s26  }
0xa: {  	s12 =	sadd.s32 $0xF0, s26;
	s13 =	sadd.s32 $0x140, s26;
	s14 =	sadd.s32 $0x190, s26  }
0xb: {  	s15 =	sadd.s32 $0x1E0, s26;
	s16 =	sadd.s32 $0x230, s26;
	s9 =	smul.u32 $0x50, s6  }
0xc: {  	s5 =	ssub.s32 s8, s25;
	[dreg:$0x4] =	wrdreg s10;
	s10 =	sor.u32 $0x50, s26  }
0xd: {  	s8 =	sadd.s32 s4, s26;
	s18 =	sadd.s32 s4, s11;
	s20 =	sadd.s32 s4, s12  }
0xe: {  	s21 =	sadd.s32 s4, s13;
	s22 =	sadd.s32 s4, s14;
	s25 =	sadd.s32 s4, s15  }
0xf: {  	s6 =	smul.u32 $0xA, s6;
	s11 =	sshll.u32 s11, $0x7;
	s17 =	sadd.s32 s4, s10  }
0x10: {  	s8 =	sshll.u32 s8, $0x4;
	s18 =	sshll.u32 s18, $0x4;
	s24 =	sshll.u32 s22, $0x4  }
0x11: {  	s4 =	sadd.s32 s4, s16;
	s26 =	sshll.u32 s25, $0x4;
	s9 =	sshrl.u32 s9, $0x3  }
0x12: {  	s17 =	sshll.u32 s17, $0x4;
	s8 =	sadd.s32 s7, s8;
	s4 =	sshll.u32 s4, $0x4  }
0x13: {  	[dreg:$0x7] =	wrdreg s8;
	s17 =	sadd.s32 s7, s17;
	s8 =	sadd.s32 s7, s18  }
0x14: {  	s4 =	sadd.s32 s7, s4;
	s18 =	sor.u32 $0xA, s9;
	[dreg:$0x8] =	wrdreg s17  }
0x15: {  	s25 =	sor.u32 $0x1E, s9;
	[dreg:$0x9] =	wrdreg s8;
	s8 =	sshll.u32 s20, $0x4  }
0x16: {  	s17 =	sshll.u32 s21, $0x4;
	[dreg:$0xe] =	wrdreg s4;
	s4 =	sadd.s32 s2, s18  }
0x17: {  	s21 =	sor.u32 $0x14, s9;
	s8 =	sadd.s32 s7, s8;
	[dreg:$0x10] =	wrdreg s4  }
0x18: {  	s23 =	sadd.s32 s7, s17;
	s17 =	sadd.s32 $0x3E00, s0;
	[dreg:$0xa] =	wrdreg s8  }
0x19: {  	s4 =	sadd.s32 s2, s21;
	[dreg:$0xb] =	wrdreg s23;
	s8 =	sadd.s32 s7, s24  }
0x1a: {  	s20 =	sadd.s32 s17, s18;
	s22 =	sadd.s32 s17, s21;
	[dreg:$0x12] =	wrdreg s4  }
0x1b: {  	s23 =	sadd.s32 s17, s9;
	s24 =	sadd.s32 s2, s9;
	[dreg:$0xc] =	wrdreg s8  }
0x1c: {  	s4 =	sadd.s32 s17, s25;
	s9 =	sshll.u32 s10, $0x7;
	[dreg:$0xf] =	wrdreg s20  }
0x1d: {  	s10 =	smax.u32 s5, $0x1;
	s18 =	sshll.u32 s13, $0x7;
	[dreg:$0x11] =	wrdreg s22  }
0x1e: {  	s21 =	sshll.u32 s15, $0x7;
	s5 =	simm.s32 $0x14080;
	[dreg:$0x13] =	wrdreg s23  }
0x1f: {  	s13 =	simm.s32 $0x14300;
	s15 =	simm.s32 $0x1BC00;
	[dreg:$0x14] =	wrdreg s24  }
0x20: {  	s8 =	sadd.s32 s7, s26;
	s26 =	smul.u32 $0x50000, s19;
	[dreg:$0x16] =	wrdreg s4  }
0x21: {  	s7 =	sadd.s32 s6, s17;
	s20 =	sadd.s32 $0x35E00, s0;
	s0 =	sadd.s32 $0xDE00, s0  }
0x22: {  	[dreg:$0x18] =	wrdreg s10;
	s24 =	sadd.s32 s9, s1;
	s17 =	sshll.u32 s12, $0x7  }
0x23: {  	s31 =	sadd.s32 s18, s1;
	s19 =	sshll.u32 s14, $0x7;
	s22 =	sshll.u32 s16, $0x7  }
0x24: {  	s28 =	sadd.s32 s21, s1;
	s4 =	simm.s32 $0x14000;
	s9 =	simm.s32 $0x16C00  }
0x25: {  	s10 =	simm.s32 $0x14200;
	s12 =	simm.s32 $0x19400;
	[dreg:$0xd] =	wrdreg s8  }
0x26: {  	s14 =	simm.s32 $0x14380;
	s16 =	simm.s32 $0x1;
	[dreg:$0x6] =	wrdreg s7  }
0x27: {  	s18 =	simm.s32 $0x3;
	s21 =	simm.s32 $0x0;
	[dreg:$0x17] =	wrdreg s0  }
0x28: {  	s8 =	sadd.s32 s6, s2;
	s2 =	sadd.s32 s2, s25;
	[dreg:$0x19] =	wrdreg s31  }
0x29: {  	s25 =	sadd.s32 s11, s1;
	s30 =	sadd.s32 s17, s1;
	[dreg:$0x1c] =	wrdreg s28  }
0x2a: {  	s29 =	sadd.s32 s22, s1;
	s0 =	simm.s32 $0x14400;
	[dreg:$0x5] =	wrdreg s8  }
0x2b: {  	s6 =	simm.s32 $0x50;
	s7 =	simm.s32 $0x14100;
	[dreg:$0x15] =	wrdreg s2  }
0x2c: {  	s11 =	simm.s32 $0x14280;
	s17 =	simm.s32 $0x2;
	[dreg:$0x1b] =	wrdreg s30  }
0x2d: {  	s8 =	sshrl.u32 s26, $0x2;
	s26 =	sadd.s32 s19, s1;
	[dreg:$0x1d] =	wrdreg s29  }
0x2e: {  	s2 =	simm.s32 $0x5;
	s19 =	simm.s32 $0x4;
	[dreg:$0x1e] =	wrdreg s25  }
0x2f: {  	s23 =	sadd.s32 s8, s1;
	s8 =	simm.s32 $0x14180;
	[dreg:$0x1a] =	wrdreg s26  }
.LBB2_1:
0x30: {  	s22 =	rddreg [dreg:$0x17]  }
0x31: {  	[tilespmem:s0], [sflag:$0x5] =	stream.linear.gather [hbm4b:s22+s3], $0x2800, $0x38;
	[tilespmem:$0x1E400] =	vst v63  }
0x32: {  	_ =	swait.ge [sflag:s2], $0x2800  }
0x33: {  	[sflag:s2] =	ssyncset.done $0x0  }
0x34: {  	[sflag:s2] =	ssyncadd.s32 $0xFFFFD800  }
0x35: {  	[spmem:s23] =	stream.linear.scatter [tilespmem:s0], [sflag:$0x5], $0x2800, $0x38;
	[tilespmem:$0x1E400] =	vst v63  }
0x36: {  	_ =	swait.ge [sflag:s2], $0x2800  }
0x37: {  	[sflag:s2] =	ssyncset.done $0x0  }
0x38: {  	[sflag:s2] =	ssyncadd.s32 $0xFFFFD800  }
0x39: {  	[spmem:s24] =	stream.linear.scatter [tilespmem:s0], [sflag:$0x5], $0x2800, $0x38;
	[tilespmem:$0x1E400] =	vst v63  }
0x3a: {  	_ =	swait.ge [sflag:s2], $0x2800  }
0x3b: {  	[sflag:s2] =	ssyncset.done $0x0  }
0x3c: {  	[sflag:s2] =	ssyncadd.s32 $0xFFFFD800  }
0x3d: {  	[spmem:s25] =	stream.linear.scatter [tilespmem:s0], [sflag:$0x5], $0x2800, $0x38;
	[tilespmem:$0x1E400] =	vst v63  }
0x3e: {  	_ =	swait.ge [sflag:s2], $0x2800  }
0x3f: {  	[sflag:s2] =	ssyncset.done $0x0  }
0x40: {  	s22 =	smov.u32 s30;
	[sflag:s2] =	ssyncadd.s32 $0xFFFFD800  }
0x41: {  	[spmem:s22] =	stream.linear.scatter [tilespmem:s0], [sflag:$0x5], $0x2800, $0x38;
	[tilespmem:$0x1E400] =	vst v63  }
0x42: {  	_ =	swait.ge [sflag:s2], $0x2800  }
0x43: {  	[sflag:s2] =	ssyncset.done $0x0  }
0x44: {  	[sflag:s2] =	ssyncadd.s32 $0xFFFFD800  }
0x45: {  	[spmem:s31] =	stream.linear.scatter [tilespmem:s0], [sflag:$0x5], $0x2800, $0x38;
	[tilespmem:$0x1E400] =	vst v63  }
0x46: {  	_ =	swait.ge [sflag:s2], $0x2800  }
0x47: {  	[sflag:s2] =	ssyncset.done $0x0  }
0x48: {  	[sflag:s2] =	ssyncadd.s32 $0xFFFFD800  }
0x49: {  	[spmem:s26] =	stream.linear.scatter [tilespmem:s0], [sflag:$0x5], $0x2800, $0x38;
	[tilespmem:$0x1E400] =	vst v63  }
0x4a: {  	_ =	swait.ge [sflag:s2], $0x2800  }
0x4b: {  	[sflag:s2] =	ssyncset.done $0x0  }
0x4c: {  	s30 =	smov.u32 s23;
	s23 =	smov.u32 s28;
	[sflag:s2] =	ssyncadd.s32 $0xFFFFD800  }
0x4d: {  	[spmem:s23] =	stream.linear.scatter [tilespmem:s0], [sflag:$0x5], $0x2800, $0x38;
	[tilespmem:$0x1E400] =	vst v63  }
0x4e: {  	_ =	swait.ge [sflag:s2], $0x2800  }
0x4f: {  	[sflag:s2] =	ssyncset.done $0x0  }
0x50: {  	[sflag:s2] =	ssyncadd.s32 $0xFFFFD800  }
0x51: {  	[spmem:s29] =	stream.linear.scatter [tilespmem:s0], [sflag:$0x5], $0x2800, $0x38;
	[tilespmem:$0x1E400] =	vst v63  }
0x52: {  	_ =	swait.ge [sflag:s2], $0x2800  }
0x53: {  	[sflag:s2] =	ssyncset.done $0x0  }
0x54: {  	[sflag:s2] =	ssyncadd.s32 $0xFFFFD800  }
0x55: {  	[bflag:$0x0] =	sbarrier.arrive $0xFFFF  }
0x56: {  	s29 =	rddreg [dreg:$0x13]  }
0x57: {  	[tilespmem:s4], [sflag:$0x5] =	stream.linear.gather [hbm4b:s29+s3], $0x50, $0x38;
	[tilespmem:$0x1E400] =	vst v63  }
0x58: {  	_ =	swait.ge [sflag:s2], $0x50  }
0x59: {  	[sflag:s2] =	ssyncset.done $0x0  }
0x5a: {  	s31 =	rddreg [dreg:$0x14];
	[sflag:s2] =	ssyncadd.s32 $0xFFFFFFB0  }
0x5b: {  	[tilespmem:s5], [sflag:$0x5] =	stream.linear.gather [hbm4b:s31+s3], $0x50, $0x38;
	[tilespmem:$0x1E400] =	vst v63  }
0x5c: {  	_ =	swait.ge [sflag:s2], $0x50  }
0x5d: {  	[sflag:s2] =	ssyncset.done $0x0  }
0x5e: {  	[sflag:s2] =	ssyncadd.s32 $0xFFFFFFB0  }
0x5f: {  	[tilespmem:s0], [sflag:$0x1] =	stream.indirect.gather [hbm4b:s20+s6], $0x80, s4, s6, $0xb8;
	[tilespmem:$0x1E400] =	vst v63  }
0x60: {  	s23 =	rddreg [dreg:$0xf]  }
0x61: {  	[tilespmem:s7], [sflag:$0x5] =	stream.linear.gather [hbm4b:s23+s3], $0x50, $0x38;
	[tilespmem:$0x1E400] =	vst v63  }
0x62: {  	_ =	swait.ge [sflag:s2], $0x50  }
0x63: {  	[sflag:s2] =	ssyncset.done $0x0  }
0x64: {  	s28 =	smov.u32 s24;
	s24 =	rddreg [dreg:$0x10];
	[sflag:s2] =	ssyncadd.s32 $0xFFFFFFB0  }
0x65: {  	[tilespmem:s8], [sflag:$0x5] =	stream.linear.gather [hbm4b:s24+s3], $0x50, $0x38;
	[tilespmem:$0x1E400] =	vst v63  }
0x66: {  	_ =	swait.ge [sflag:s2], $0x50  }
0x67: {  	[sflag:s2] =	ssyncset.done $0x0  }
0x68: {  	[sflag:s2] =	ssyncadd.s32 $0xFFFFFFB0  }
0x69: {  	[tilespmem:s9], [sflag:$0x2] =	stream.indirect.gather [hbm4b:s20+s6], $0x80, s7, s6, $0xb8;
	[tilespmem:$0x1E400] =	vst v63  }
0x6a: {  	s25 =	rddreg [dreg:$0x11]  }
0x6b: {  	[tilespmem:s10], [sflag:$0x5] =	stream.linear.gather [hbm4b:s25+s3], $0x50, $0x38;
	[tilespmem:$0x1E400] =	vst v63  }
0x6c: {  	_ =	swait.ge [sflag:s2], $0x50  }
0x6d: {  	[sflag:s2] =	ssyncset.done $0x0  }
0x6e: {  	s26 =	rddreg [dreg:$0x12];
	[sflag:s2] =	ssyncadd.s32 $0xFFFFFFB0  }
0x6f: {  	[tilespmem:s11], [sflag:$0x5] =	stream.linear.gather [hbm4b:s26+s3], $0x50, $0x38;
	[tilespmem:$0x1E400] =	vst v63  }
0x70: {  	_ =	swait.ge [sflag:s2], $0x50  }
0x71: {  	[sflag:s2] =	ssyncset.done $0x0  }
0x72: {  	[sflag:s2] =	ssyncadd.s32 $0xFFFFFFB0  }
0x73: {  	[tilespmem:s12], [sflag:$0x3] =	stream.indirect.gather [hbm4b:s20+s6], $0x80, s10, s6, $0xb8;
	[tilespmem:$0x1E400] =	vst v63  }
0x74: {  	s29 =	rddreg [dreg:$0x16]  }
0x75: {  	[tilespmem:s13], [sflag:$0x5] =	stream.linear.gather [hbm4b:s29+s3], $0x50, $0x38;
	[tilespmem:$0x1E400] =	vst v63  }
0x76: {  	_ =	swait.ge [sflag:s2], $0x50  }
0x77: {  	[sflag:s2] =	ssyncset.done $0x0  }
0x78: {  	s31 =	rddreg [dreg:$0x15];
	[sflag:s2] =	ssyncadd.s32 $0xFFFFFFB0  }
0x79: {  	[tilespmem:s14], [sflag:$0x5] =	stream.linear.gather [hbm4b:s31+s3], $0x50, $0x38;
	[tilespmem:$0x1E400] =	vst v63  }
0x7a: {  	_ =	swait.ge [sflag:s2], $0x50  }
0x7b: {  	[sflag:s2] =	ssyncset.done $0x0  }
0x7c: {  	s23 =	simm.s32 $0x0;
	[sflag:s2] =	ssyncadd.s32 $0xFFFFFFB0  }
0x7d: {  	[tilespmem:s15], [sflag:$0x4] =	stream.indirect.gather [hbm4b:s20+s6], $0x80, s13, s6, $0xb8;
	[tilespmem:$0x1E400] =	vst v63  }
.LBB2_2:
0x7e: {  	_ =	swait.ge [sflag:s16], $0x2800  }
0x7f: {  	[sflag:s16] =	ssyncset.done $0x0  }
0x80: {  	[sflag:s16] =	ssyncadd.s32 $0xFFFFD800  }
0x81: {  	[spmem:s1] =	stream.indirect.scatter.add.f32 [tilespmem:s0], [sflag:$0x5], $0x80, s5, s6, $0xb8;
	[tilespmem:$0x1E400] =	vst v63  }
0x82: {  	_ =	swait.ge [sflag:s2], $0x2800  }
0x83: {  	s22 =	rddreg [dreg:$0x6]  }
0x84: {  	[sflag:s2] =	ssyncset.done $0x0;
	s22 =	sadd.s32 s23, s22  }
0x85: {  	[sflag:s2] =	ssyncadd.s32 $0xFFFFD800;
	s24 =	sadd.s32 $0x28, s22  }
0x86: {  	[tilespmem:s4], [sflag:$0x5] =	stream.linear.gather [hbm4b:s24+s3], $0x50, $0x38;
	[tilespmem:$0x1E400] =	vst v63  }
0x87: {  	_ =	swait.ge [sflag:s2], $0x50  }
0x88: {  	s25 =	rddreg [dreg:$0x5]  }
0x89: {  	[sflag:s2] =	ssyncset.done $0x0;
	s24 =	sadd.s32 s23, s25  }
0x8a: {  	[sflag:s2] =	ssyncadd.s32 $0xFFFFFFB0;
	s25 =	sadd.s32 $0x28, s24  }
0x8b: {  	[tilespmem:s5], [sflag:$0x5] =	stream.linear.gather [hbm4b:s25+s3], $0x50, $0x38;
	[tilespmem:$0x1E400] =	vst v63  }
0x8c: {  	_ =	swait.ge [sflag:s2], $0x50  }
0x8d: {  	[sflag:s2] =	ssyncset.done $0x0  }
0x8e: {  	[sflag:s2] =	ssyncadd.s32 $0xFFFFFFB0  }
0x8f: {  	[tilespmem:s0], [sflag:$0x1] =	stream.indirect.gather [hbm4b:s20+s6], $0x80, s4, s6, $0xb8;
	[tilespmem:$0x1E400] =	vst v63  }
0x90: {  	_ =	swait.ge [sflag:s17], $0x2800  }
0x91: {  	[sflag:s17] =	ssyncset.done $0x0  }
0x92: {  	[sflag:s17] =	ssyncadd.s32 $0xFFFFD800  }
0x93: {  	[spmem:s1] =	stream.indirect.scatter.add.f32 [tilespmem:s9], [sflag:$0x5], $0x80, s8, s6, $0xb8;
	[tilespmem:$0x1E400] =	vst v63  }
0x94: {  	_ =	swait.ge [sflag:s2], $0x2800  }
0x95: {  	[sflag:s2] =	ssyncset.done $0x0  }
0x96: {  	s26 =	sadd.s32 $0x32, s22;
	[sflag:s2] =	ssyncadd.s32 $0xFFFFD800  }
0x97: {  	[tilespmem:s7], [sflag:$0x5] =	stream.linear.gather [hbm4b:s26+s3], $0x50, $0x38;
	[tilespmem:$0x1E400] =	vst v63  }
0x98: {  	_ =	swait.ge [sflag:s2], $0x50  }
0x99: {  	[sflag:s2] =	ssyncset.done $0x0  }
0x9a: {  	s29 =	sadd.s32 $0x32, s24;
	[sflag:s2] =	ssyncadd.s32 $0xFFFFFFB0  }
0x9b: {  	[tilespmem:s8], [sflag:$0x5] =	stream.linear.gather [hbm4b:s29+s3], $0x50, $0x38;
	[tilespmem:$0x1E400] =	vst v63  }
0x9c: {  	_ =	swait.ge [sflag:s2], $0x50  }
0x9d: {  	[sflag:s2] =	ssyncset.done $0x0  }
0x9e: {  	[sflag:s2] =	ssyncadd.s32 $0xFFFFFFB0  }
0x9f: {  	[tilespmem:s9], [sflag:$0x2] =	stream.indirect.gather [hbm4b:s20+s6], $0x80, s7, s6, $0xb8;
	[tilespmem:$0x1E400] =	vst v63  }
0xa0: {  	_ =	swait.ge [sflag:s18], $0x2800  }
0xa1: {  	[sflag:s18] =	ssyncset.done $0x0  }
0xa2: {  	[sflag:s18] =	ssyncadd.s32 $0xFFFFD800  }
0xa3: {  	[spmem:s1] =	stream.indirect.scatter.add.f32 [tilespmem:s12], [sflag:$0x5], $0x80, s11, s6, $0xb8;
	[tilespmem:$0x1E400] =	vst v63  }
0xa4: {  	_ =	swait.ge [sflag:s2], $0x2800  }
0xa5: {  	[sflag:s2] =	ssyncset.done $0x0  }
0xa6: {  	s31 =	sadd.s32 $0x3C, s22;
	[sflag:s2] =	ssyncadd.s32 $0xFFFFD800  }
0xa7: {  	[tilespmem:s10], [sflag:$0x5] =	stream.linear.gather [hbm4b:s31+s3], $0x50, $0x38;
	[tilespmem:$0x1E400] =	vst v63  }
0xa8: {  	_ =	swait.ge [sflag:s2], $0x50  }
0xa9: {  	[sflag:s2] =	ssyncset.done $0x0  }
0xaa: {  	s26 =	sadd.s32 $0x3C, s24;
	[sflag:s2] =	ssyncadd.s32 $0xFFFFFFB0  }
0xab: {  	[tilespmem:s11], [sflag:$0x5] =	stream.linear.gather [hbm4b:s26+s3], $0x50, $0x38;
	[tilespmem:$0x1E400] =	vst v63  }
0xac: {  	_ =	swait.ge [sflag:s2], $0x50  }
0xad: {  	[sflag:s2] =	ssyncset.done $0x0  }
0xae: {  	[sflag:s2] =	ssyncadd.s32 $0xFFFFFFB0  }
0xaf: {  	[tilespmem:s12], [sflag:$0x3] =	stream.indirect.gather [hbm4b:s20+s6], $0x80, s10, s6, $0xb8;
	[tilespmem:$0x1E400] =	vst v63  }
0xb0: {  	_ =	swait.ge [sflag:s19], $0x2800  }
0xb1: {  	[sflag:s19] =	ssyncset.done $0x0  }
0xb2: {  	[sflag:s19] =	ssyncadd.s32 $0xFFFFD800  }
0xb3: {  	[spmem:s1] =	stream.indirect.scatter.add.f32 [tilespmem:s15], [sflag:$0x5], $0x80, s14, s6, $0xb8;
	[tilespmem:$0x1E400] =	vst v63  }
0xb4: {  	_ =	swait.ge [sflag:s2], $0x2800  }
0xb5: {  	[sflag:s2] =	ssyncset.done $0x0  }
0xb6: {  	s22 =	sadd.s32 $0x46, s22;
	[sflag:s2] =	ssyncadd.s32 $0xFFFFD800  }
0xb7: {  	[tilespmem:s13], [sflag:$0x5] =	stream.linear.gather [hbm4b:s22+s3], $0x50, $0x38;
	[tilespmem:$0x1E400] =	vst v63  }
0xb8: {  	_ =	swait.ge [sflag:s2], $0x50  }
0xb9: {  	[sflag:s2] =	ssyncset.done $0x0  }
0xba: {  	s29 =	sadd.s32 $0x46, s24;
	[sflag:s2] =	ssyncadd.s32 $0xFFFFFFB0  }
0xbb: {  	[tilespmem:s14], [sflag:$0x5] =	stream.linear.gather [hbm4b:s29+s3], $0x50, $0x38;
	[tilespmem:$0x1E400] =	vst v63  }
0xbc: {  	_ =	swait.ge [sflag:s2], $0x50  }
0xbd: {  	s23 =	sadd.s32 $0x28, s23;
	s31 =	rddreg [dreg:$0x4]  }
0xbe: {  	p0 =	sne.s32 s31, s23  }
.Ltmp0:
0xbf: {  	_ = 	snop;
	(pc) =	sbr.rel @p0 .LBB2_2-.Ltmp0, $4  }
0xc0: {  	_ = 	snop  }
0xc1: {  	[sflag:s2] =	ssyncset.done $0x0  }
0xc2: {  	[sflag:s2] =	ssyncadd.s32 $0xFFFFFFB0  }
0xc3: {  	[tilespmem:s15], [sflag:$0x4] =	stream.indirect.gather [hbm4b:s20+s6], $0x80, s13, s6, $0xb8;
	[tilespmem:$0x1E400] =	vst v63  }
0xc4: {  	_ =	swait.ge [sflag:s16], $0x2800  }
0xc5: {  	[sflag:s16] =	ssyncset.done $0x0  }
0xc6: {  	[sflag:s16] =	ssyncadd.s32 $0xFFFFD800  }
0xc7: {  	[spmem:s1] =	stream.indirect.scatter.add.f32 [tilespmem:s0], [sflag:$0x5], $0x80, s5, s6, $0xb8;
	[tilespmem:$0x1E400] =	vst v63  }
0xc8: {  	_ =	swait.ge [sflag:s2], $0x2800  }
0xc9: {  	[sflag:s2] =	ssyncset.done $0x0  }
0xca: {  	[sflag:s2] =	ssyncadd.s32 $0xFFFFD800  }
0xcb: {  	_ =	swait.ge [sflag:s17], $0x2800  }
0xcc: {  	[sflag:s17] =	ssyncset.done $0x0  }
0xcd: {  	[sflag:s17] =	ssyncadd.s32 $0xFFFFD800  }
0xce: {  	[spmem:s1] =	stream.indirect.scatter.add.f32 [tilespmem:s9], [sflag:$0x5], $0x80, s8, s6, $0xb8;
	[tilespmem:$0x1E400] =	vst v63  }
0xcf: {  	_ =	swait.ge [sflag:s2], $0x2800  }
0xd0: {  	[sflag:s2] =	ssyncset.done $0x0  }
0xd1: {  	[sflag:s2] =	ssyncadd.s32 $0xFFFFD800  }
0xd2: {  	_ =	swait.ge [sflag:s18], $0x2800  }
0xd3: {  	[sflag:s18] =	ssyncset.done $0x0  }
0xd4: {  	[sflag:s18] =	ssyncadd.s32 $0xFFFFD800  }
0xd5: {  	[spmem:s1] =	stream.indirect.scatter.add.f32 [tilespmem:s12], [sflag:$0x5], $0x80, s11, s6, $0xb8;
	[tilespmem:$0x1E400] =	vst v63  }
0xd6: {  	_ =	swait.ge [sflag:s2], $0x2800  }
0xd7: {  	[sflag:s2] =	ssyncset.done $0x0  }
0xd8: {  	[sflag:s2] =	ssyncadd.s32 $0xFFFFD800  }
0xd9: {  	_ =	swait.ge [sflag:s19], $0x2800  }
0xda: {  	[sflag:s19] =	ssyncset.done $0x0  }
0xdb: {  	[sflag:s19] =	ssyncadd.s32 $0xFFFFD800  }
0xdc: {  	[spmem:s1] =	stream.indirect.scatter.add.f32 [tilespmem:s15], [sflag:$0x5], $0x80, s14, s6, $0xb8;
	[tilespmem:$0x1E400] =	vst v63  }
0xdd: {  	_ =	swait.ge [sflag:s2], $0x2800  }
0xde: {  	[sflag:s2] =	ssyncset.done $0x0  }
0xdf: {  	[sflag:s2] =	ssyncadd.s32 $0xFFFFD800  }
0xe0: {  	[bflag:$0x0] =	sbarrier.arrive $0xFFFF  }
0xe1: {  	[tilespmem:s0], [sflag:$0x5] =	stream.linear.gather [spmem:s30], $0x2800, $0x38;
	[tilespmem:$0x1E400] =	vst v63  }
0xe2: {  	_ =	swait.ge [sflag:s2], $0x2800  }
0xe3: {  	[sflag:s2] =	ssyncset.done $0x0  }
0xe4: {  	s22 =	rddreg [dreg:$0x7];
	[sflag:s2] =	ssyncadd.s32 $0xFFFFD800  }
0xe5: {  	[hbm4b:s22+s3] =	stream.linear.scatter [tilespmem:s0], [sflag:$0x5], $0x2800, $0x38;
	[tilespmem:$0x1E400] =	vst v63  }
0xe6: {  	_ =	swait.ge [sflag:s2], $0x2800  }
0xe7: {  	[sflag:s2] =	ssyncset.done $0x0  }
0xe8: {  	[sflag:s2] =	ssyncadd.s32 $0xFFFFD800  }
0xe9: {  	[tilespmem:s0], [sflag:$0x5] =	stream.linear.gather [spmem:s28], $0x2800, $0x38;
	[tilespmem:$0x1E400] =	vst v63  }
0xea: {  	_ =	swait.ge [sflag:s2], $0x2800  }
0xeb: {  	[sflag:s2] =	ssyncset.done $0x0  }
0xec: {  	s25 =	rddreg [dreg:$0x8];
	[sflag:s2] =	ssyncadd.s32 $0xFFFFD800  }
0xed: {  	[hbm4b:s25+s3] =	stream.linear.scatter [tilespmem:s0], [sflag:$0x5], $0x2800, $0x38;
	[tilespmem:$0x1E400] =	vst v63  }
0xee: {  	_ =	swait.ge [sflag:s2], $0x2800  }
0xef: {  	[sflag:s2] =	ssyncset.done $0x0  }
0xf0: {  	s25 =	rddreg [dreg:$0x1e];
	[sflag:s2] =	ssyncadd.s32 $0xFFFFD800  }
0xf1: {  	[tilespmem:s0], [sflag:$0x5] =	stream.linear.gather [spmem:s25], $0x2800, $0x38;
	[tilespmem:$0x1E400] =	vst v63  }
0xf2: {  	_ =	swait.ge [sflag:s2], $0x2800  }
0xf3: {  	[sflag:s2] =	ssyncset.done $0x0  }
0xf4: {  	s26 =	rddreg [dreg:$0x9];
	[sflag:s2] =	ssyncadd.s32 $0xFFFFD800  }
0xf5: {  	[hbm4b:s26+s3] =	stream.linear.scatter [tilespmem:s0], [sflag:$0x5], $0x2800, $0x38;
	[tilespmem:$0x1E400] =	vst v63  }
0xf6: {  	_ =	swait.ge [sflag:s2], $0x2800  }
0xf7: {  	[sflag:s2] =	ssyncset.done $0x0  }
0xf8: {  	s23 =	smov.u32 s30;
	s30 =	rddreg [dreg:$0x1b];
	[sflag:s2] =	ssyncadd.s32 $0xFFFFD800  }
0xf9: {  	[tilespmem:s0], [sflag:$0x5] =	stream.linear.gather [spmem:s30], $0x2800, $0x38;
	[tilespmem:$0x1E400] =	vst v63  }
0xfa: {  	_ =	swait.ge [sflag:s2], $0x2800  }
0xfb: {  	[sflag:s2] =	ssyncset.done $0x0  }
0xfc: {  	s26 =	rddreg [dreg:$0xa];
	[sflag:s2] =	ssyncadd.s32 $0xFFFFD800  }
0xfd: {  	[hbm4b:s26+s3] =	stream.linear.scatter [tilespmem:s0], [sflag:$0x5], $0x2800, $0x38;
	[tilespmem:$0x1E400] =	vst v63  }
0xfe: {  	_ =	swait.ge [sflag:s2], $0x2800  }
0xff: {  	[sflag:s2] =	ssyncset.done $0x0  }
0x100: {  	s31 =	rddreg [dreg:$0x19];
	[sflag:s2] =	ssyncadd.s32 $0xFFFFD800  }
0x101: {  	[tilespmem:s0], [sflag:$0x5] =	stream.linear.gather [spmem:s31], $0x2800, $0x38;
	[tilespmem:$0x1E400] =	vst v63  }
0x102: {  	_ =	swait.ge [sflag:s2], $0x2800  }
0x103: {  	[sflag:s2] =	ssyncset.done $0x0  }
0x104: {  	s26 =	rddreg [dreg:$0xb];
	[sflag:s2] =	ssyncadd.s32 $0xFFFFD800  }
0x105: {  	[hbm4b:s26+s3] =	stream.linear.scatter [tilespmem:s0], [sflag:$0x5], $0x2800, $0x38;
	[tilespmem:$0x1E400] =	vst v63  }
0x106: {  	_ =	swait.ge [sflag:s2], $0x2800  }
0x107: {  	[sflag:s2] =	ssyncset.done $0x0  }
0x108: {  	s26 =	rddreg [dreg:$0x1a];
	[sflag:s2] =	ssyncadd.s32 $0xFFFFD800  }
0x109: {  	[tilespmem:s0], [sflag:$0x5] =	stream.linear.gather [spmem:s26], $0x2800, $0x38;
	[tilespmem:$0x1E400] =	vst v63  }
0x10a: {  	_ =	swait.ge [sflag:s2], $0x2800  }
0x10b: {  	[sflag:s2] =	ssyncset.done $0x0  }
0x10c: {  	s22 =	rddreg [dreg:$0xc];
	[sflag:s2] =	ssyncadd.s32 $0xFFFFD800  }
0x10d: {  	[hbm4b:s22+s3] =	stream.linear.scatter [tilespmem:s0], [sflag:$0x5], $0x2800, $0x38;
	[tilespmem:$0x1E400] =	vst v63  }
0x10e: {  	_ =	swait.ge [sflag:s2], $0x2800  }
0x10f: {  	[sflag:s2] =	ssyncset.done $0x0  }
0x110: {  	s24 =	smov.u32 s28;
	s28 =	rddreg [dreg:$0x1c];
	[sflag:s2] =	ssyncadd.s32 $0xFFFFD800  }
0x111: {  	[tilespmem:s0], [sflag:$0x5] =	stream.linear.gather [spmem:s28], $0x2800, $0x38;
	[tilespmem:$0x1E400] =	vst v63  }
0x112: {  	_ =	swait.ge [sflag:s2], $0x2800  }
0x113: {  	[sflag:s2] =	ssyncset.done $0x0  }
0x114: {  	s22 =	rddreg [dreg:$0xd];
	[sflag:s2] =	ssyncadd.s32 $0xFFFFD800  }
0x115: {  	[hbm4b:s22+s3] =	stream.linear.scatter [tilespmem:s0], [sflag:$0x5], $0x2800, $0x38;
	[tilespmem:$0x1E400] =	vst v63  }
0x116: {  	_ =	swait.ge [sflag:s2], $0x2800  }
0x117: {  	[sflag:s2] =	ssyncset.done $0x0  }
0x118: {  	s29 =	rddreg [dreg:$0x1d];
	[sflag:s2] =	ssyncadd.s32 $0xFFFFD800  }
0x119: {  	[tilespmem:s0], [sflag:$0x5] =	stream.linear.gather [spmem:s29], $0x2800, $0x38;
	[tilespmem:$0x1E400] =	vst v63  }
0x11a: {  	_ =	swait.ge [sflag:s2], $0x2800  }
0x11b: {  	[sflag:s2] =	ssyncset.done $0x0  }
0x11c: {  	s22 =	rddreg [dreg:$0xe];
	[sflag:s2] =	ssyncadd.s32 $0xFFFFD800  }
0x11d: {  	[hbm4b:s22+s3] =	stream.linear.scatter [tilespmem:s0], [sflag:$0x5], $0x2800, $0x38;
	[tilespmem:$0x1E400] =	vst v63  }
0x11e: {  	_ =	swait.ge [sflag:s2], $0x2800  }
0x11f: {  	s21 =	sadd.s32 $0x1, s21;
	s22 =	rddreg [dreg:$0x18]  }
0x120: {  	p0 =	sne.s32 s21, s22  }
.Ltmp1:
0x121: {  	_ = 	snop;
	(pc) =	sbr.rel @p0 .LBB2_1-.Ltmp1, $3  }
0x122: {  	_ =	sdelay $0x1  }
0x123: {  	[sflag:s2] =	ssyncset.done $0x0  }
0x124: {  	[sflag:s2] =	ssyncadd.s32 $0xFFFFD800  }
0x125: {  	_ =	sfence.sel $0x180000  }
0x126: {  	[bflag:$0x0] =	sbarrier.arrive $0xFFFF  }
0x127: {  	_ =	strace $0x9000004D  }
0x128: {  	s0 =	stileid.u32;
	[bflag:$0x2] =	sbarrier.arrive $0xFFFF  }
0x129: {  	p0 =	sne.s32 s0, $0x0;
	s0 =	rddreg [dreg:$0x3]  }
0x12a: {  	s0 =	sadd.s32 @!p0 $0x100000, s0  }
0x12b: {  	[sflag:s0] =	ssyncadd.tile.s32 @!p0 $0x1;
	_ =	shalt  }
.Lfunc_end2:
_tile_overlayer_lowered:
.L_overlay_start_2:
0x12c: {  	(tag) =	ssettag $0x2  }
0x12d: {  	s0 =	rddreg [dreg:$0x0];
	s2 =	stileid.u32  }
0x12e: {  	s1 =	rddreg [dreg:$0x1];
	p0 =	sne.s32 s2, $0x0  }
0x12f: {  	s3 =	rddreg [dreg:$0x2];
	[bflag:$0x3] =	sbarrier.arrive $0xFFFF;
	s2 =	simm.s32 @!p0 $0x1C05  }
0x130: {  	[timem:s3], [sflag:s2] =	dma.local @!p0 [hbm:s0], s1  }
0x131: {  	s0 =	simm.s32 @!p0 $0x5  }
0x132: {  	_ =	swait.ge @!p0 [sflag:s0], s1  }
0x133: {  	s1 =	ssub.s32 @!p0 $0x0, s1;
	[sflag:s0] =	ssyncset.done @!p0 $0x0  }
0x134: {  	[sflag:s0] =	ssyncadd.s32 @!p0 s1  }
0x135: {  	[bflag:$0x3] =	sbarrier.arrive $0xFFFF  }
0x136: {  	_ =	shalt  }

// kernel: kernel.18.cloned.1.call-start
scs
__scs_entry_jumppad:
0x0: {  	(pc) =	sbr.rel $0x88, $3  }
0x1: {  	(tag) =	ssettag $0x0;
	lr =	simm.s32 $0x1  }
0x2: {  	[smem:$0x3F96] =	sst lr;
	_ =	strace $0xD0000000  }
0x3: {  	_ = 	snop  }
0x4: {  	_ = 	snop  }
0x5: {  	_ = 	snop  }
0x6: {  	_ = 	snop  }
0x7: {  	_ = 	snop  }
__scs_overlays_trampoline_lowered:
0x8: {  	[smem:$0x3FA5] =	sst s0  }
0x9: {  	[smem:$0x3FA6] =	sst s1  }
0xa: {  	[smem:$0x3FA7] =	sst s2  }
0xb: {  	[smem:$0x3FA8] =	sst s3  }
0xc: {  	[smem:$0x3FA9] =	sst s4  }
0xd: {  	[smem:$0x3FAA] =	sst s5  }
0xe: {  	[smem:$0x3FAB] =	sst s6  }
0xf: {  	[smem:$0x3FAC] =	sst s7  }
0x10: {  	[smem:$0x3FAD] =	sst s8  }
0x11: {  	[smem:$0x3FAE] =	sst s9;
	s0 =	simm.s32 @!p0 $0x0  }
0x12: {  	s1 =	sld [smem:$0x3F94];
	s0 =	simm.s32 @p0 $0x1  }
0x13: {  	[smem:$0x3FAF] =	sst s0;
	s0 =	simm.s32 @!p1 $0x0  }
0x14: {  	s2 =	sld [smem:$0x3F93];
	s0 =	simm.s32 @p1 $0x1  }
0x15: {  	[smem:$0x3FB0] =	sst s0;
	s0 =	simm.s32 @!p2 $0x0  }
0x16: {  	s3 =	sld [smem:$0x3FDB];
	s0 =	simm.s32 @p2 $0x1  }
0x17: {  	s4 =	simm.s32 $0x1BF5;
	[smem:$0x3FB2] =	sst s0  }
0x18: {  	s0 =	sld [smem:$0x3F95];
	_ =	swait.ge [sflag:s4], $0x0  }
0x19: {  	s7 =	sld [smem:$0x3F96]  }
0x1a: {  	s8 =	sadd.s32 $0xFFFFE003, lr  }
0x1b: {  	s9 =	sadd.s32 $0xFFFFFEF7, lr;
	s5 =	simm.s32 $0xFFFFFFFF;
	p2 =	slt.u32 s8, $0xFFFFF086  }
0x1c: {  	p1 =	slt.u32 s9, $0xF7A;
	s5 =	simm.s32 @!p2 $0x0  }
0x1d: {  	s5 =	simm.s32 @p1 $0x1;
	p0 =	seq.s32 s7, s2  }
0x1e: {  	s7 =	smul.u32 @!p0 $0xF7A, s2;
	p2 =	seq.s32 @!p0 s5, $0x0  }
0x1f: {  	s9 =	smul.u32 $0xF7A, s1;
	s8 =	simm.s32 @!p0 $0x1BF5;
	p2 =	por !p2, p0  }
0x20: {  	[sflag:s8] =	ssyncset.s32 @!p0 $0xFFFFF086;
	s6 =	sadd.s32 @!p0 s3, s7;
	s7 =	simm.s32 @!p0 $0x108  }
0x21: {  	s3 =	sadd.s32 s3, s9;
	s6 =	sadd.s32 @!p0 $0x88, s6;
	s7 =	simm.s32 @p2 $0x1082  }
0x22: {  	[simem:s7], [sflag:s8] =	dma.local @!p0 [hbm:s6], $0xF7A  }
0x23: {  	s9 =	sor.u32 $0xD0000000, s2;
	s6 =	simm.s32 $0x108;
	_ =	swait.ge @!p0 [sflag:s8], $0x0  }
0x24: {  	s3 =	sadd.s32 $0x88, s3;
	s6 =	simm.s32 @!p1 $0x1082;
	[sflag:s4] =	ssyncset.s32 $0xFFFFF086  }
0x25: {  	[simem:s6], [sflag:s4] =	dma.local [hbm:s3], $0xF7A  }
0x26: {  	[smem:$0x3F96] =	sst s1;
	(tag) =	ssettag s2;
	_ =	strace s9  }
0x27: {  	s1 =	sld [smem:$0x3FA6]  }
0x28: {  	s2 =	sld [smem:$0x3FA7]  }
0x29: {  	s4 =	sld [smem:$0x3FA9]  }
0x2a: {  	p0 =	seq.s32 s5, $0x0;
	s5 =	sld [smem:$0x3FAA]  }
0x2b: {  	s6 =	sld [smem:$0x3FAB]  }
0x2c: {  	s7 =	sld [smem:$0x3FAC]  }
0x2d: {  	s3 =	simm.s32 $0x108;
	s8 =	sld [smem:$0x3FAD]  }
0x2e: {  	s3 =	simm.s32 @!p0 $0x1082;
	s9 =	sld [smem:$0x3FAE]  }
0x2f: {  	lr =	sadd.s32 s0, s3;
	s0 =	sld [smem:$0x3FA5]  }
0x30: {  	s3 =	sld [smem:$0x3FA8]  }
0x31: {  	[smem:$0x3FB1] =	sst s10  }
0x32: {  	s10 =	sld [smem:$0x3FAF];
	_ =	sdelay $0x3  }
0x33: {  	p0 =	seq.s32 s10, $0x1;
	s10 =	sld [smem:$0x3FB1];
	_ =	sdelay $0x3  }
0x34: {  	[smem:$0x3FB1] =	sst s10  }
0x35: {  	s10 =	sld [smem:$0x3FB0];
	_ =	sdelay $0x3  }
0x36: {  	p1 =	seq.s32 s10, $0x1;
	s10 =	sld [smem:$0x3FB1];
	_ =	sdelay $0x3  }
0x37: {  	[smem:$0x3FB1] =	sst s10  }
0x38: {  	s10 =	sld [smem:$0x3FB2]  }
0x39: {  	_ = 	snop;
	(pc) =	sbr.ind lr, $3  }
0x3a: {  	_ = 	snop  }
0x3b: {  	_ = 	snop  }
0x3c: {  	p2 =	seq.s32 s10, $0x1;
	s10 =	sld [smem:$0x3FB1]  }
0x3d: {  	_ =	shalt  }
0x3e: {  	_ =	shalt  }
0x3f: {  	_ =	shalt  }
0x40: {  	_ =	shalt  }
0x41: {  	_ =	shalt  }
0x42: {  	_ =	shalt  }
0x43: {  	_ =	shalt  }
0x44: {  	_ =	shalt  }
0x45: {  	_ =	shalt  }
0x46: {  	_ =	shalt  }
0x47: {  	_ =	shalt  }
0x48: {  	_ =	shalt  }
0x49: {  	_ =	shalt  }
0x4a: {  	_ =	shalt  }
0x4b: {  	_ =	shalt  }
0x4c: {  	_ =	shalt  }
0x4d: {  	_ =	shalt  }
0x4e: {  	_ =	shalt  }
0x4f: {  	_ =	shalt  }
0x50: {  	_ =	shalt  }
0x51: {  	_ =	shalt  }
0x52: {  	_ =	shalt  }
0x53: {  	_ =	shalt  }
0x54: {  	_ =	shalt  }
0x55: {  	_ =	shalt  }
0x56: {  	_ =	shalt  }
0x57: {  	_ =	shalt  }
0x58: {  	_ =	shalt  }
0x59: {  	_ =	shalt  }
0x5a: {  	_ =	shalt  }
0x5b: {  	_ =	shalt  }
0x5c: {  	_ =	shalt  }
0x5d: {  	_ =	shalt  }
0x5e: {  	_ =	shalt  }
0x5f: {  	_ =	shalt  }
0x60: {  	_ =	shalt  }
0x61: {  	_ =	shalt  }
0x62: {  	_ =	shalt  }
0x63: {  	_ =	shalt  }
0x64: {  	_ =	shalt  }
0x65: {  	_ =	shalt  }
0x66: {  	_ =	shalt  }
0x67: {  	_ =	shalt  }
0x68: {  	_ =	shalt  }
0x69: {  	_ =	shalt  }
0x6a: {  	_ =	shalt  }
0x6b: {  	_ =	shalt  }
0x6c: {  	_ =	shalt  }
0x6d: {  	_ =	shalt  }
0x6e: {  	_ =	shalt  }
0x6f: {  	_ =	shalt  }
0x70: {  	_ =	shalt  }
0x71: {  	_ =	shalt  }
0x72: {  	_ =	shalt  }
0x73: {  	_ =	shalt  }
0x74: {  	_ =	shalt  }
0x75: {  	_ =	shalt  }
0x76: {  	_ =	shalt  }
0x77: {  	_ =	shalt  }
0x78: {  	_ =	shalt  }
0x79: {  	_ =	shalt  }
0x7a: {  	_ =	shalt  }
0x7b: {  	_ =	shalt  }
0x7c: {  	_ =	shalt  }
0x7d: {  	_ =	shalt  }
0x7e: {  	_ =	shalt  }
0x7f: {  	_ =	shalt  }
0x80: {  	_ =	shalt  }
0x81: {  	_ =	shalt  }
0x82: {  	_ =	shalt  }
0x83: {  	_ =	shalt  }
0x84: {  	_ =	shalt  }
0x85: {  	_ =	shalt  }
0x86: {  	_ =	shalt  }
0x87: {  	_ =	shalt  }
.Lfunc_end0:
.L_simem_size_0:
called_computation.3_lowered:
.L_overlay_start_0:
0x88: {  	s2 =	sld [smem:$0x3FD9]  }
0x89: {  	s3 =	sld [smem:$0x3FFE];
	_ =	sdelay $0x1  }
0x8a: {  	s1 =	srdreg.scid  }
0x8b: {  	s0 =	sand.u32 $0x1, s1  }
0x8c: {  	s17 =	sshll.u32 s0, $0xA;
	s2 =	sadd.s32 s3, s2  }
0x8d: {  	s2 =	sadd.s32 s2, s17  }
0x8e: {  	[smem:$0x3FBD] =	sst s2  }
0x8f: {  	_ = 	snop  }
0x90: {  	s2 =	sld [smem:$0x3FD0];
	(tm) =	ssettm $0x1  }
0x91: {  	s18 =	sld [smem:$0x3FFB];
	_ =	sdelay $0x3  }
0x92: {  	_ =	strace s18  }
0x93: {  	s3 =	sld [smem:$0x3FFC];
	_ =	sdelay $0x3  }
0x94: {  	_ =	strace s3  }
0x95: {  	s3 =	sld [smem:$0x3FFD];
	_ =	sdelay $0x3  }
0x96: {  	_ =	strace s3  }
0x97: {  	_ =	strace $0x8FFFFFFF  }
0x98: {  	s19 =	sld [smem:$0x3FDB];
	_ =	sdelay $0x1  }
0x99: {  	s4 =	simm.s32 $_scs_section_size  }
0x9a: {  	s5 =	simm.s32 $_size__tile_overlayer_lowered;
	s6 =	simm.s32 $_tile_overlayer_lowered  }
0x9b: {  	s22 =	simm.s32 $0x1BFF;
	s21 =	sshll.u32 s6, $0x1;
	s3 =	sadd.s32 s4, s19  }
0x9c: {  	s7 =	simm.s32 $0x0;
	s20 =	sshll.u32 s5, $0x1;
	s5 =	sadd.s32 s21, s3  }
0x9d: {  	[timem:s7], [sflag:s22] =	dma.local [hbm:s5], s20  }
0x9e: {  	_ =	swait.ge [sflag:s22], s20  }
0x9f: {  	s4 =	ssub.s32 $0x0, s20;
	[sflag:s22] =	ssyncset.done $0x0  }
0xa0: {  	[sflag:s22] =	ssyncadd.s32 s4;
	_ =	sdelay $0x1  }
0xa1: {  	s23 =	simm.s32 $0x1B8B  }
0xa2: {  	_ =	swait.ge [sflag:s23], $0x1  }
0xa3: {  	[sflag:s23] =	ssyncset.done $0x0  }
0xa4: {  	s25 =	simm.s32 $0x1B8E;
	s24 =	sld [smem:$0x3FFE];
	[sflag:s23] =	ssyncadd.s32 $0xFFFFFFFF  }
0xa5: {  	s26 =	simm.s32 $execute0_lowered;
	[smem:$0x3FD2] =	sst s25  }
0xa6: {  	s5 =	sshll.u32 s26, $0x1;
	_ =	strace $0x8000004F;
	[dreg:$0x1] =	wrdreg $0xFFFFFFFF  }
0xa7: {  	s28 =	simm.s32 $_size_execute0_lowered;
	s3 =	sadd.s32 s3, s5;
	[dreg:$0x0] =	wrdreg $0x0  }
0xa8: {  	s5 =	sshll.u32 s28, $0x1;
	[dreg:$0x2] =	wrdreg s3  }
0xa9: {  	[dreg:$0x3] =	wrdreg s5  }
0xaa: {  	[dreg:$0x4] =	wrdreg $0xC0  }
0xab: {  	_ =	task [dreg:s7], $0x5FFFF  }
0xac: {  	[dreg:$0x1] =	wrdreg $0xFFFFFFFF  }
0xad: {  	[dreg:$0x0] =	wrdreg $0x60  }
0xae: {  	[dreg:$0x2] =	wrdreg s24  }
0xaf: {  	[dreg:$0x3] =	wrdreg s2  }
0xb0: {  	[dreg:$0x4] =	wrdreg $0x0  }
0xb1: {  	[dreg:$0x5] =	wrdreg $0x9  }
0xb2: {  	_ =	task.clear_ibuf [dreg:s7], $0x6FFFF;
	_ =	strace $0x9000004F  }
0xb3: {  	s29 =	simm.s32 $0x9;
	_ =	strace $0x80000051  }
0xb4: {  	_ =	swait.ge [sflag:s29], $0x1  }
0xb5: {  	[sflag:s29] =	ssyncadd.s32 $0xFFFFFFFF  }
0xb6: {  	_ =	strace $0x90000051  }
0xb7: {  	_ =	sfence  }
0xb8: {  	s30 =	sld [smem:$0x0];
	_ =	sdelay $0x2  }
0xb9: {  	s31 =	sshll.u32 s1, $0xD;
	s1 =	sshrl.u32 s1, $0x2  }
0xba: {  	s3 =	sand.u32 $0x4000, s31;
	s1 =	sadd.s32 s1, s30  }
0xbb: {  	s0 =	sor.u32 s3, s0;
	s1 =	sshll.u32 s1, $0x11  }
0xbc: {  	s0 =	sor.u32 s1, s0  }
0xbd: {  	s0 =	sadd.s32 $0x8F2B, s0  }
0xbe: {  	[sflag:s0] =	ssyncadd.remote.s32 $0x1  }
0xbf: {  	_ =	sfence.sel $0xFFFF  }
0xc0: {  	[dreg:$0x0] =	wrdreg $0xFFFFFFFF;
	(pc) =	sbr.abs _section_cstart, $3  }
0xc1: {  	[dreg:$0x1] =	wrdreg $0xFFFFFFFF  }
0xc2: {  	_ =	task.clear_ibuf [dreg:s7], $0x2FFFF;
	_ =	strace $0x9FFFFFFF  }
0xc3: {  	(tm) =	ssettm $0x7FFFFFFF  }
tec
execute0_lowered:
.L_overlay_start_1:
0x0: {  	(tag) =	ssettag $0x1  }
0x1: {  	s0 =	rddreg [dreg:$0x0]  }
0x2: {  	s2 =	rddreg [dreg:$0x1]  }
0x3: {  	s1 =	rddreg [dreg:$0x2];
	s3 =	simm.s32 $0x0  }
0x4: {  	s4 =	srdreg.scid;
	s19 =	stileid.u32;
	s10 =	simm.s32 $0x758  }
0x5: {  	[smem:$0x7FF] =	sst s3;
	s4 =	sand.u32 $0x1, s4;
	s5 =	smul.u32 $0xC0, s19  }
0x6: {  	s6 =	sshll.u32 s19, $0x6;
	s7 =	sadd.s32 $0x5D000, s0;
	s26 =	smul.u32 $0x280, s19  }
0x7: {  	_ =	strace $0x80000050;
	p0 =	seq.s32 s4, $0x0;
	s6 =	sor.u32 $0xC00, s6  }
0x8: {  	s8 =	ssub.s32 $0x2, s4;
	s4 =	smul.u32 $0x2800, s4;
	s6 =	smov.u32 @p0 s5  }
0x9: {  	s25 =	sshrl.u32 s8, $0x1;
	s10 =	simm.s32 @!p0 $0x258;
	s11 =	sadd.s32 $0xA0, s26  }
0xa: {  	s12 =	sadd.s32 $0xF0, s26;
	s13 =	sadd.s32 $0x140, s26;
	s14 =	sadd.s32 $0x190, s26  }
0xb: {  	s15 =	sadd.s32 $0x1E0, s26;
	s16 =	sadd.s32 $0x230, s26;
	s9 =	smul.u32 $0x50, s6  }
0xc: {  	s5 =	ssub.s32 s8, s25;
	[dreg:$0x4] =	wrdreg s10;
	s10 =	sor.u32 $0x50, s26  }
0xd: {  	s8 =	sadd.s32 s4, s26;
	s18 =	sadd.s32 s4, s11;
	s20 =	sadd.s32 s4, s12  }
0xe: {  	s21 =	sadd.s32 s4, s13;
	s22 =	sadd.s32 s4, s14;
	s25 =	sadd.s32 s4, s15  }
0xf: {  	s6 =	smul.u32 $0xA, s6;
	s11 =	sshll.u32 s11, $0x7;
	s17 =	sadd.s32 s4, s10  }
0x10: {  	s8 =	sshll.u32 s8, $0x4;
	s18 =	sshll.u32 s18, $0x4;
	s24 =	sshll.u32 s22, $0x4  }
0x11: {  	s4 =	sadd.s32 s4, s16;
	s26 =	sshll.u32 s25, $0x4;
	s9 =	sshrl.u32 s9, $0x3  }
0x12: {  	s17 =	sshll.u32 s17, $0x4;
	s8 =	sadd.s32 s7, s8;
	s4 =	sshll.u32 s4, $0x4  }
0x13: {  	[dreg:$0x7] =	wrdreg s8;
	s17 =	sadd.s32 s7, s17;
	s8 =	sadd.s32 s7, s18  }
0x14: {  	s4 =	sadd.s32 s7, s4;
	s18 =	sor.u32 $0xA, s9;
	[dreg:$0x8] =	wrdreg s17  }
0x15: {  	s25 =	sor.u32 $0x1E, s9;
	[dreg:$0x9] =	wrdreg s8;
	s8 =	sshll.u32 s20, $0x4  }
0x16: {  	s17 =	sshll.u32 s21, $0x4;
	[dreg:$0xe] =	wrdreg s4;
	s4 =	sadd.s32 s2, s18  }
0x17: {  	s21 =	sor.u32 $0x14, s9;
	s8 =	sadd.s32 s7, s8;
	[dreg:$0x10] =	wrdreg s4  }
0x18: {  	s23 =	sadd.s32 s7, s17;
	s17 =	sadd.s32 $0x3E00, s0;
	[dreg:$0xa] =	wrdreg s8  }
0x19: {  	s4 =	sadd.s32 s2, s21;
	[dreg:$0xb] =	wrdreg s23;
	s8 =	sadd.s32 s7, s24  }
0x1a: {  	s20 =	sadd.s32 s17, s18;
	s22 =	sadd.s32 s17, s21;
	[dreg:$0x12] =	wrdreg s4  }
0x1b: {  	s23 =	sadd.s32 s17, s9;
	s24 =	sadd.s32 s2, s9;
	[dreg:$0xc] =	wrdreg s8  }
0x1c: {  	s4 =	sadd.s32 s17, s25;
	s9 =	sshll.u32 s10, $0x7;
	[dreg:$0xf] =	wrdreg s20  }
0x1d: {  	s10 =	smax.u32 s5, $0x1;
	s18 =	sshll.u32 s13, $0x7;
	[dreg:$0x11] =	wrdreg s22  }
0x1e: {  	s21 =	sshll.u32 s15, $0x7;
	s5 =	simm.s32 $0x14080;
	[dreg:$0x13] =	wrdreg s23  }
0x1f: {  	s13 =	simm.s32 $0x14300;
	s15 =	simm.s32 $0x1BC00;
	[dreg:$0x14] =	wrdreg s24  }
0x20: {  	s8 =	sadd.s32 s7, s26;
	s26 =	smul.u32 $0x50000, s19;
	[dreg:$0x16] =	wrdreg s4  }
0x21: {  	s7 =	sadd.s32 s6, s17;
	s20 =	sadd.s32 $0x35E00, s0;
	s0 =	sadd.s32 $0xDE00, s0  }
0x22: {  	[dreg:$0x18] =	wrdreg s10;
	s24 =	sadd.s32 s9, s1;
	s17 =	sshll.u32 s12, $0x7  }
0x23: {  	s31 =	sadd.s32 s18, s1;
	s19 =	sshll.u32 s14, $0x7;
	s22 =	sshll.u32 s16, $0x7  }
0x24: {  	s28 =	sadd.s32 s21, s1;
	s4 =	simm.s32 $0x14000;
	s9 =	simm.s32 $0x16C00  }
0x25: {  	s10 =	simm.s32 $0x14200;
	s12 =	simm.s32 $0x19400;
	[dreg:$0xd] =	wrdreg s8  }
0x26: {  	s14 =	simm.s32 $0x14380;
	s16 =	simm.s32 $0x1;
	[dreg:$0x6] =	wrdreg s7  }
0x27: {  	s18 =	simm.s32 $0x3;
	s21 =	simm.s32 $0x0;
	[dreg:$0x17] =	wrdreg s0  }
0x28: {  	s8 =	sadd.s32 s6, s2;
	s2 =	sadd.s32 s2, s25;
	[dreg:$0x19] =	wrdreg s31  }
0x29: {  	s25 =	sadd.s32 s11, s1;
	s30 =	sadd.s32 s17, s1;
	[dreg:$0x1c] =	wrdreg s28  }
0x2a: {  	s29 =	sadd.s32 s22, s1;
	s0 =	simm.s32 $0x14400;
	[dreg:$0x5] =	wrdreg s8  }
0x2b: {  	s6 =	simm.s32 $0x50;
	s7 =	simm.s32 $0x14100;
	[dreg:$0x15] =	wrdreg s2  }
0x2c: {  	s11 =	simm.s32 $0x14280;
	s17 =	simm.s32 $0x2;
	[dreg:$0x1b] =	wrdreg s30  }
0x2d: {  	s8 =	sshrl.u32 s26, $0x2;
	s26 =	sadd.s32 s19, s1;
	[dreg:$0x1d] =	wrdreg s29  }
0x2e: {  	s2 =	simm.s32 $0x5;
	s19 =	simm.s32 $0x4;
	[dreg:$0x1e] =	wrdreg s25  }
0x2f: {  	s23 =	sadd.s32 s8, s1;
	s8 =	simm.s32 $0x14180;
	[dreg:$0x1a] =	wrdreg s26  }
.LBB2_1:
0x30: {  	s22 =	rddreg [dreg:$0x17]  }
0x31: {  	[tilespmem:s0], [sflag:$0x5] =	stream.linear.gather [hbm4b:s22+s3], $0x2800, $0x38;
	[tilespmem:$0x1E400] =	vst v63  }
0x32: {  	_ =	swait.ge [sflag:s2], $0x2800  }
0x33: {  	[sflag:s2] =	ssyncset.done $0x0  }
0x34: {  	[sflag:s2] =	ssyncadd.s32 $0xFFFFD800  }
0x35: {  	[spmem:s23] =	stream.linear.scatter [tilespmem:s0], [sflag:$0x5], $0x2800, $0x38;
	[tilespmem:$0x1E400] =	vst v63  }
0x36: {  	_ =	swait.ge [sflag:s2], $0x2800  }
0x37: {  	[sflag:s2] =	ssyncset.done $0x0  }
0x38: {  	[sflag:s2] =	ssyncadd.s32 $0xFFFFD800  }
0x39: {  	[spmem:s24] =	stream.linear.scatter [tilespmem:s0], [sflag:$0x5], $0x2800, $0x38;
	[tilespmem:$0x1E400] =	vst v63  }
0x3a: {  	_ =	swait.ge [sflag:s2], $0x2800  }
0x3b: {  	[sflag:s2] =	ssyncset.done $0x0  }
0x3c: {  	[sflag:s2] =	ssyncadd.s32 $0xFFFFD800  }
0x3d: {  	[spmem:s25] =	stream.linear.scatter [tilespmem:s0], [sflag:$0x5], $0x2800, $0x38;
	[tilespmem:$0x1E400] =	vst v63  }
0x3e: {  	_ =	swait.ge [sflag:s2], $0x2800  }
0x3f: {  	[sflag:s2] =	ssyncset.done $0x0  }
0x40: {  	s22 =	smov.u32 s30;
	[sflag:s2] =	ssyncadd.s32 $0xFFFFD800  }
0x41: {  	[spmem:s22] =	stream.linear.scatter [tilespmem:s0], [sflag:$0x5], $0x2800, $0x38;
	[tilespmem:$0x1E400] =	vst v63  }
0x42: {  	_ =	swait.ge [sflag:s2], $0x2800  }
0x43: {  	[sflag:s2] =	ssyncset.done $0x0  }
0x44: {  	[sflag:s2] =	ssyncadd.s32 $0xFFFFD800  }
0x45: {  	[spmem:s31] =	stream.linear.scatter [tilespmem:s0], [sflag:$0x5], $0x2800, $0x38;
	[tilespmem:$0x1E400] =	vst v63  }
0x46: {  	_ =	swait.ge [sflag:s2], $0x2800  }
0x47: {  	[sflag:s2] =	ssyncset.done $0x0  }
0x48: {  	[sflag:s2] =	ssyncadd.s32 $0xFFFFD800  }
0x49: {  	[spmem:s26] =	stream.linear.scatter [tilespmem:s0], [sflag:$0x5], $0x2800, $0x38;
	[tilespmem:$0x1E400] =	vst v63  }
0x4a: {  	_ =	swait.ge [sflag:s2], $0x2800  }
0x4b: {  	[sflag:s2] =	ssyncset.done $0x0  }
0x4c: {  	s30 =	smov.u32 s23;
	s23 =	smov.u32 s28;
	[sflag:s2] =	ssyncadd.s32 $0xFFFFD800  }
0x4d: {  	[spmem:s23] =	stream.linear.scatter [tilespmem:s0], [sflag:$0x5], $0x2800, $0x38;
	[tilespmem:$0x1E400] =	vst v63  }
0x4e: {  	_ =	swait.ge [sflag:s2], $0x2800  }
0x4f: {  	[sflag:s2] =	ssyncset.done $0x0  }
0x50: {  	[sflag:s2] =	ssyncadd.s32 $0xFFFFD800  }
0x51: {  	[spmem:s29] =	stream.linear.scatter [tilespmem:s0], [sflag:$0x5], $0x2800, $0x38;
	[tilespmem:$0x1E400] =	vst v63  }
0x52: {  	_ =	swait.ge [sflag:s2], $0x2800  }
0x53: {  	[sflag:s2] =	ssyncset.done $0x0  }
0x54: {  	[sflag:s2] =	ssyncadd.s32 $0xFFFFD800  }
0x55: {  	[bflag:$0x0] =	sbarrier.arrive $0xFFFF  }
0x56: {  	s29 =	rddreg [dreg:$0x13]  }
0x57: {  	[tilespmem:s4], [sflag:$0x5] =	stream.linear.gather [hbm4b:s29+s3], $0x50, $0x38;
	[tilespmem:$0x1E400] =	vst v63  }
0x58: {  	_ =	swait.ge [sflag:s2], $0x50  }
0x59: {  	[sflag:s2] =	ssyncset.done $0x0  }
0x5a: {  	s31 =	rddreg [dreg:$0x14];
	[sflag:s2] =	ssyncadd.s32 $0xFFFFFFB0  }
0x5b: {  	[tilespmem:s5], [sflag:$0x5] =	stream.linear.gather [hbm4b:s31+s3], $0x50, $0x38;
	[tilespmem:$0x1E400] =	vst v63  }
0x5c: {  	_ =	swait.ge [sflag:s2], $0x50  }
0x5d: {  	[sflag:s2] =	ssyncset.done $0x0  }
0x5e: {  	[sflag:s2] =	ssyncadd.s32 $0xFFFFFFB0  }
0x5f: {  	[tilespmem:s0], [sflag:$0x1] =	stream.indirect.gather [hbm4b:s20+s6], $0x80, s4, s6, $0xb8;
	[tilespmem:$0x1E400] =	vst v63  }
0x60: {  	s23 =	rddreg [dreg:$0xf]  }
0x61: {  	[tilespmem:s7], [sflag:$0x5] =	stream.linear.gather [hbm4b:s23+s3], $0x50, $0x38;
	[tilespmem:$0x1E400] =	vst v63  }
0x62: {  	_ =	swait.ge [sflag:s2], $0x50  }
0x63: {  	[sflag:s2] =	ssyncset.done $0x0  }
0x64: {  	s28 =	smov.u32 s24;
	s24 =	rddreg [dreg:$0x10];
	[sflag:s2] =	ssyncadd.s32 $0xFFFFFFB0  }
0x65: {  	[tilespmem:s8], [sflag:$0x5] =	stream.linear.gather [hbm4b:s24+s3], $0x50, $0x38;
	[tilespmem:$0x1E400] =	vst v63  }
0x66: {  	_ =	swait.ge [sflag:s2], $0x50  }
0x67: {  	[sflag:s2] =	ssyncset.done $0x0  }
0x68: {  	[sflag:s2] =	ssyncadd.s32 $0xFFFFFFB0  }
0x69: {  	[tilespmem:s9], [sflag:$0x2] =	stream.indirect.gather [hbm4b:s20+s6], $0x80, s7, s6, $0xb8;
	[tilespmem:$0x1E400] =	vst v63  }
0x6a: {  	s25 =	rddreg [dreg:$0x11]  }
0x6b: {  	[tilespmem:s10], [sflag:$0x5] =	stream.linear.gather [hbm4b:s25+s3], $0x50, $0x38;
	[tilespmem:$0x1E400] =	vst v63  }
0x6c: {  	_ =	swait.ge [sflag:s2], $0x50  }
0x6d: {  	[sflag:s2] =	ssyncset.done $0x0  }
0x6e: {  	s26 =	rddreg [dreg:$0x12];
	[sflag:s2] =	ssyncadd.s32 $0xFFFFFFB0  }
0x6f: {  	[tilespmem:s11], [sflag:$0x5] =	stream.linear.gather [hbm4b:s26+s3], $0x50, $0x38;
	[tilespmem:$0x1E400] =	vst v63  }
0x70: {  	_ =	swait.ge [sflag:s2], $0x50  }
0x71: {  	[sflag:s2] =	ssyncset.done $0x0  }
0x72: {  	[sflag:s2] =	ssyncadd.s32 $0xFFFFFFB0  }
0x73: {  	[tilespmem:s12], [sflag:$0x3] =	stream.indirect.gather [hbm4b:s20+s6], $0x80, s10, s6, $0xb8;
	[tilespmem:$0x1E400] =	vst v63  }
0x74: {  	s29 =	rddreg [dreg:$0x16]  }
0x75: {  	[tilespmem:s13], [sflag:$0x5] =	stream.linear.gather [hbm4b:s29+s3], $0x50, $0x38;
	[tilespmem:$0x1E400] =	vst v63  }
0x76: {  	_ =	swait.ge [sflag:s2], $0x50  }
0x77: {  	[sflag:s2] =	ssyncset.done $0x0  }
0x78: {  	s31 =	rddreg [dreg:$0x15];
	[sflag:s2] =	ssyncadd.s32 $0xFFFFFFB0  }
0x79: {  	[tilespmem:s14], [sflag:$0x5] =	stream.linear.gather [hbm4b:s31+s3], $0x50, $0x38;
	[tilespmem:$0x1E400] =	vst v63  }
0x7a: {  	_ =	swait.ge [sflag:s2], $0x50  }
0x7b: {  	[sflag:s2] =	ssyncset.done $0x0  }
0x7c: {  	s23 =	simm.s32 $0x0;
	[sflag:s2] =	ssyncadd.s32 $0xFFFFFFB0  }
0x7d: {  	[tilespmem:s15], [sflag:$0x4] =	stream.indirect.gather [hbm4b:s20+s6], $0x80, s13, s6, $0xb8;
	[tilespmem:$0x1E400] =	vst v63  }
.LBB2_2:
0x7e: {  	_ =	swait.ge [sflag:s16], $0x2800  }
0x7f: {  	[sflag:s16] =	ssyncset.done $0x0  }
0x80: {  	[sflag:s16] =	ssyncadd.s32 $0xFFFFD800  }
0x81: {  	[spmem:s1] =	stream.indirect.scatter.add.f32 [tilespmem:s0], [sflag:$0x5], $0x80, s5, s6, $0xb8;
	[tilespmem:$0x1E400] =	vst v63  }
0x82: {  	_ =	swait.ge [sflag:s2], $0x2800  }
0x83: {  	s22 =	rddreg [dreg:$0x6]  }
0x84: {  	[sflag:s2] =	ssyncset.done $0x0;
	s22 =	sadd.s32 s23, s22  }
0x85: {  	[sflag:s2] =	ssyncadd.s32 $0xFFFFD800;
	s24 =	sadd.s32 $0x28, s22  }
0x86: {  	[tilespmem:s4], [sflag:$0x5] =	stream.linear.gather [hbm4b:s24+s3], $0x50, $0x38;
	[tilespmem:$0x1E400] =	vst v63  }
0x87: {  	_ =	swait.ge [sflag:s2], $0x50  }
0x88: {  	s25 =	rddreg [dreg:$0x5]  }
0x89: {  	[sflag:s2] =	ssyncset.done $0x0;
	s24 =	sadd.s32 s23, s25  }
0x8a: {  	[sflag:s2] =	ssyncadd.s32 $0xFFFFFFB0;
	s25 =	sadd.s32 $0x28, s24  }
0x8b: {  	[tilespmem:s5], [sflag:$0x5] =	stream.linear.gather [hbm4b:s25+s3], $0x50, $0x38;
	[tilespmem:$0x1E400] =	vst v63  }
0x8c: {  	_ =	swait.ge [sflag:s2], $0x50  }
0x8d: {  	[sflag:s2] =	ssyncset.done $0x0  }
0x8e: {  	[sflag:s2] =	ssyncadd.s32 $0xFFFFFFB0  }
0x8f: {  	[tilespmem:s0], [sflag:$0x1] =	stream.indirect.gather [hbm4b:s20+s6], $0x80, s4, s6, $0xb8;
	[tilespmem:$0x1E400] =	vst v63  }
0x90: {  	_ =	swait.ge [sflag:s17], $0x2800  }
0x91: {  	[sflag:s17] =	ssyncset.done $0x0  }
0x92: {  	[sflag:s17] =	ssyncadd.s32 $0xFFFFD800  }
0x93: {  	[spmem:s1] =	stream.indirect.scatter.add.f32 [tilespmem:s9], [sflag:$0x5], $0x80, s8, s6, $0xb8;
	[tilespmem:$0x1E400] =	vst v63  }
0x94: {  	_ =	swait.ge [sflag:s2], $0x2800  }
0x95: {  	[sflag:s2] =	ssyncset.done $0x0  }
0x96: {  	s26 =	sadd.s32 $0x32, s22;
	[sflag:s2] =	ssyncadd.s32 $0xFFFFD800  }
0x97: {  	[tilespmem:s7], [sflag:$0x5] =	stream.linear.gather [hbm4b:s26+s3], $0x50, $0x38;
	[tilespmem:$0x1E400] =	vst v63  }
0x98: {  	_ =	swait.ge [sflag:s2], $0x50  }
0x99: {  	[sflag:s2] =	ssyncset.done $0x0  }
0x9a: {  	s29 =	sadd.s32 $0x32, s24;
	[sflag:s2] =	ssyncadd.s32 $0xFFFFFFB0  }
0x9b: {  	[tilespmem:s8], [sflag:$0x5] =	stream.linear.gather [hbm4b:s29+s3], $0x50, $0x38;
	[tilespmem:$0x1E400] =	vst v63  }
0x9c: {  	_ =	swait.ge [sflag:s2], $0x50  }
0x9d: {  	[sflag:s2] =	ssyncset.done $0x0  }
0x9e: {  	[sflag:s2] =	ssyncadd.s32 $0xFFFFFFB0  }
0x9f: {  	[tilespmem:s9], [sflag:$0x2] =	stream.indirect.gather [hbm4b:s20+s6], $0x80, s7, s6, $0xb8;
	[tilespmem:$0x1E400] =	vst v63  }
0xa0: {  	_ =	swait.ge [sflag:s18], $0x2800  }
0xa1: {  	[sflag:s18] =	ssyncset.done $0x0  }
0xa2: {  	[sflag:s18] =	ssyncadd.s32 $0xFFFFD800  }
0xa3: {  	[spmem:s1] =	stream.indirect.scatter.add.f32 [tilespmem:s12], [sflag:$0x5], $0x80, s11, s6, $0xb8;
	[tilespmem:$0x1E400] =	vst v63  }
0xa4: {  	_ =	swait.ge [sflag:s2], $0x2800  }
0xa5: {  	[sflag:s2] =	ssyncset.done $0x0  }
0xa6: {  	s31 =	sadd.s32 $0x3C, s22;
	[sflag:s2] =	ssyncadd.s32 $0xFFFFD800  }
0xa7: {  	[tilespmem:s10], [sflag:$0x5] =	stream.linear.gather [hbm4b:s31+s3], $0x50, $0x38;
	[tilespmem:$0x1E400] =	vst v63  }
0xa8: {  	_ =	swait.ge [sflag:s2], $0x50  }
0xa9: {  	[sflag:s2] =	ssyncset.done $0x0  }
0xaa: {  	s26 =	sadd.s32 $0x3C, s24;
	[sflag:s2] =	ssyncadd.s32 $0xFFFFFFB0  }
0xab: {  	[tilespmem:s11], [sflag:$0x5] =	stream.linear.gather [hbm4b:s26+s3], $0x50, $0x38;
	[tilespmem:$0x1E400] =	vst v63  }
0xac: {  	_ =	swait.ge [sflag:s2], $0x50  }
0xad: {  	[sflag:s2] =	ssyncset.done $0x0  }
0xae: {  	[sflag:s2] =	ssyncadd.s32 $0xFFFFFFB0  }
0xaf: {  	[tilespmem:s12], [sflag:$0x3] =	stream.indirect.gather [hbm4b:s20+s6], $0x80, s10, s6, $0xb8;
	[tilespmem:$0x1E400] =	vst v63  }
0xb0: {  	_ =	swait.ge [sflag:s19], $0x2800  }
0xb1: {  	[sflag:s19] =	ssyncset.done $0x0  }
0xb2: {  	[sflag:s19] =	ssyncadd.s32 $0xFFFFD800  }
0xb3: {  	[spmem:s1] =	stream.indirect.scatter.add.f32 [tilespmem:s15], [sflag:$0x5], $0x80, s14, s6, $0xb8;
	[tilespmem:$0x1E400] =	vst v63  }
0xb4: {  	_ =	swait.ge [sflag:s2], $0x2800  }
0xb5: {  	[sflag:s2] =	ssyncset.done $0x0  }
0xb6: {  	s22 =	sadd.s32 $0x46, s22;
	[sflag:s2] =	ssyncadd.s32 $0xFFFFD800  }
0xb7: {  	[tilespmem:s13], [sflag:$0x5] =	stream.linear.gather [hbm4b:s22+s3], $0x50, $0x38;
	[tilespmem:$0x1E400] =	vst v63  }
0xb8: {  	_ =	swait.ge [sflag:s2], $0x50  }
0xb9: {  	[sflag:s2] =	ssyncset.done $0x0  }
0xba: {  	s29 =	sadd.s32 $0x46, s24;
	[sflag:s2] =	ssyncadd.s32 $0xFFFFFFB0  }
0xbb: {  	[tilespmem:s14], [sflag:$0x5] =	stream.linear.gather [hbm4b:s29+s3], $0x50, $0x38;
	[tilespmem:$0x1E400] =	vst v63  }
0xbc: {  	_ =	swait.ge [sflag:s2], $0x50  }
0xbd: {  	s23 =	sadd.s32 $0x28, s23;
	s31 =	rddreg [dreg:$0x4]  }
0xbe: {  	p0 =	sne.s32 s31, s23  }
.Ltmp0:
0xbf: {  	_ = 	snop;
	(pc) =	sbr.rel @p0 .LBB2_2-.Ltmp0, $4  }
0xc0: {  	_ = 	snop  }
0xc1: {  	[sflag:s2] =	ssyncset.done $0x0  }
0xc2: {  	[sflag:s2] =	ssyncadd.s32 $0xFFFFFFB0  }
0xc3: {  	[tilespmem:s15], [sflag:$0x4] =	stream.indirect.gather [hbm4b:s20+s6], $0x80, s13, s6, $0xb8;
	[tilespmem:$0x1E400] =	vst v63  }
0xc4: {  	_ =	swait.ge [sflag:s16], $0x2800  }
0xc5: {  	[sflag:s16] =	ssyncset.done $0x0  }
0xc6: {  	[sflag:s16] =	ssyncadd.s32 $0xFFFFD800  }
0xc7: {  	[spmem:s1] =	stream.indirect.scatter.add.f32 [tilespmem:s0], [sflag:$0x5], $0x80, s5, s6, $0xb8;
	[tilespmem:$0x1E400] =	vst v63  }
0xc8: {  	_ =	swait.ge [sflag:s2], $0x2800  }
0xc9: {  	[sflag:s2] =	ssyncset.done $0x0  }
0xca: {  	[sflag:s2] =	ssyncadd.s32 $0xFFFFD800  }
0xcb: {  	_ =	swait.ge [sflag:s17], $0x2800  }
0xcc: {  	[sflag:s17] =	ssyncset.done $0x0  }
0xcd: {  	[sflag:s17] =	ssyncadd.s32 $0xFFFFD800  }
0xce: {  	[spmem:s1] =	stream.indirect.scatter.add.f32 [tilespmem:s9], [sflag:$0x5], $0x80, s8, s6, $0xb8;
	[tilespmem:$0x1E400] =	vst v63  }
0xcf: {  	_ =	swait.ge [sflag:s2], $0x2800  }
0xd0: {  	[sflag:s2] =	ssyncset.done $0x0  }
0xd1: {  	[sflag:s2] =	ssyncadd.s32 $0xFFFFD800  }
0xd2: {  	_ =	swait.ge [sflag:s18], $0x2800  }
0xd3: {  	[sflag:s18] =	ssyncset.done $0x0  }
0xd4: {  	[sflag:s18] =	ssyncadd.s32 $0xFFFFD800  }
0xd5: {  	[spmem:s1] =	stream.indirect.scatter.add.f32 [tilespmem:s12], [sflag:$0x5], $0x80, s11, s6, $0xb8;
	[tilespmem:$0x1E400] =	vst v63  }
0xd6: {  	_ =	swait.ge [sflag:s2], $0x2800  }
0xd7: {  	[sflag:s2] =	ssyncset.done $0x0  }
0xd8: {  	[sflag:s2] =	ssyncadd.s32 $0xFFFFD800  }
0xd9: {  	_ =	swait.ge [sflag:s19], $0x2800  }
0xda: {  	[sflag:s19] =	ssyncset.done $0x0  }
0xdb: {  	[sflag:s19] =	ssyncadd.s32 $0xFFFFD800  }
0xdc: {  	[spmem:s1] =	stream.indirect.scatter.add.f32 [tilespmem:s15], [sflag:$0x5], $0x80, s14, s6, $0xb8;
	[tilespmem:$0x1E400] =	vst v63  }
0xdd: {  	_ =	swait.ge [sflag:s2], $0x2800  }
0xde: {  	[sflag:s2] =	ssyncset.done $0x0  }
0xdf: {  	[sflag:s2] =	ssyncadd.s32 $0xFFFFD800  }
0xe0: {  	[bflag:$0x0] =	sbarrier.arrive $0xFFFF  }
0xe1: {  	[tilespmem:s0], [sflag:$0x5] =	stream.linear.gather [spmem:s30], $0x2800, $0x38;
	[tilespmem:$0x1E400] =	vst v63  }
0xe2: {  	_ =	swait.ge [sflag:s2], $0x2800  }
0xe3: {  	[sflag:s2] =	ssyncset.done $0x0  }
0xe4: {  	s22 =	rddreg [dreg:$0x7];
	[sflag:s2] =	ssyncadd.s32 $0xFFFFD800  }
0xe5: {  	[hbm4b:s22+s3] =	stream.linear.scatter [tilespmem:s0], [sflag:$0x5], $0x2800, $0x38;
	[tilespmem:$0x1E400] =	vst v63  }
0xe6: {  	_ =	swait.ge [sflag:s2], $0x2800  }
0xe7: {  	[sflag:s2] =	ssyncset.done $0x0  }
0xe8: {  	[sflag:s2] =	ssyncadd.s32 $0xFFFFD800  }
0xe9: {  	[tilespmem:s0], [sflag:$0x5] =	stream.linear.gather [spmem:s28], $0x2800, $0x38;
	[tilespmem:$0x1E400] =	vst v63  }
0xea: {  	_ =	swait.ge [sflag:s2], $0x2800  }
0xeb: {  	[sflag:s2] =	ssyncset.done $0x0  }
0xec: {  	s25 =	rddreg [dreg:$0x8];
	[sflag:s2] =	ssyncadd.s32 $0xFFFFD800  }
0xed: {  	[hbm4b:s25+s3] =	stream.linear.scatter [tilespmem:s0], [sflag:$0x5], $0x2800, $0x38;
	[tilespmem:$0x1E400] =	vst v63  }
0xee: {  	_ =	swait.ge [sflag:s2], $0x2800  }
0xef: {  	[sflag:s2] =	ssyncset.done $0x0  }
0xf0: {  	s25 =	rddreg [dreg:$0x1e];
	[sflag:s2] =	ssyncadd.s32 $0xFFFFD800  }
0xf1: {  	[tilespmem:s0], [sflag:$0x5] =	stream.linear.gather [spmem:s25], $0x2800, $0x38;
	[tilespmem:$0x1E400] =	vst v63  }
0xf2: {  	_ =	swait.ge [sflag:s2], $0x2800  }
0xf3: {  	[sflag:s2] =	ssyncset.done $0x0  }
0xf4: {  	s26 =	rddreg [dreg:$0x9];
	[sflag:s2] =	ssyncadd.s32 $0xFFFFD800  }
0xf5: {  	[hbm4b:s26+s3] =	stream.linear.scatter [tilespmem:s0], [sflag:$0x5], $0x2800, $0x38;
	[tilespmem:$0x1E400] =	vst v63  }
0xf6: {  	_ =	swait.ge [sflag:s2], $0x2800  }
0xf7: {  	[sflag:s2] =	ssyncset.done $0x0  }
0xf8: {  	s23 =	smov.u32 s30;
	s30 =	rddreg [dreg:$0x1b];
	[sflag:s2] =	ssyncadd.s32 $0xFFFFD800  }
0xf9: {  	[tilespmem:s0], [sflag:$0x5] =	stream.linear.gather [spmem:s30], $0x2800, $0x38;
	[tilespmem:$0x1E400] =	vst v63  }
0xfa: {  	_ =	swait.ge [sflag:s2], $0x2800  }
0xfb: {  	[sflag:s2] =	ssyncset.done $0x0  }
0xfc: {  	s26 =	rddreg [dreg:$0xa];
	[sflag:s2] =	ssyncadd.s32 $0xFFFFD800  }
0xfd: {  	[hbm4b:s26+s3] =	stream.linear.scatter [tilespmem:s0], [sflag:$0x5], $0x2800, $0x38;
	[tilespmem:$0x1E400] =	vst v63  }
0xfe: {  	_ =	swait.ge [sflag:s2], $0x2800  }
0xff: {  	[sflag:s2] =	ssyncset.done $0x0  }
0x100: {  	s31 =	rddreg [dreg:$0x19];
	[sflag:s2] =	ssyncadd.s32 $0xFFFFD800  }
0x101: {  	[tilespmem:s0], [sflag:$0x5] =	stream.linear.gather [spmem:s31], $0x2800, $0x38;
	[tilespmem:$0x1E400] =	vst v63  }
0x102: {  	_ =	swait.ge [sflag:s2], $0x2800  }
0x103: {  	[sflag:s2] =	ssyncset.done $0x0  }
0x104: {  	s26 =	rddreg [dreg:$0xb];
	[sflag:s2] =	ssyncadd.s32 $0xFFFFD800  }
0x105: {  	[hbm4b:s26+s3] =	stream.linear.scatter [tilespmem:s0], [sflag:$0x5], $0x2800, $0x38;
	[tilespmem:$0x1E400] =	vst v63  }
0x106: {  	_ =	swait.ge [sflag:s2], $0x2800  }
0x107: {  	[sflag:s2] =	ssyncset.done $0x0  }
0x108: {  	s26 =	rddreg [dreg:$0x1a];
	[sflag:s2] =	ssyncadd.s32 $0xFFFFD800  }
0x109: {  	[tilespmem:s0], [sflag:$0x5] =	stream.linear.gather [spmem:s26], $0x2800, $0x38;
	[tilespmem:$0x1E400] =	vst v63  }
0x10a: {  	_ =	swait.ge [sflag:s2], $0x2800  }
0x10b: {  	[sflag:s2] =	ssyncset.done $0x0  }
0x10c: {  	s22 =	rddreg [dreg:$0xc];
	[sflag:s2] =	ssyncadd.s32 $0xFFFFD800  }
0x10d: {  	[hbm4b:s22+s3] =	stream.linear.scatter [tilespmem:s0], [sflag:$0x5], $0x2800, $0x38;
	[tilespmem:$0x1E400] =	vst v63  }
0x10e: {  	_ =	swait.ge [sflag:s2], $0x2800  }
0x10f: {  	[sflag:s2] =	ssyncset.done $0x0  }
0x110: {  	s24 =	smov.u32 s28;
	s28 =	rddreg [dreg:$0x1c];
	[sflag:s2] =	ssyncadd.s32 $0xFFFFD800  }
0x111: {  	[tilespmem:s0], [sflag:$0x5] =	stream.linear.gather [spmem:s28], $0x2800, $0x38;
	[tilespmem:$0x1E400] =	vst v63  }
0x112: {  	_ =	swait.ge [sflag:s2], $0x2800  }
0x113: {  	[sflag:s2] =	ssyncset.done $0x0  }
0x114: {  	s22 =	rddreg [dreg:$0xd];
	[sflag:s2] =	ssyncadd.s32 $0xFFFFD800  }
0x115: {  	[hbm4b:s22+s3] =	stream.linear.scatter [tilespmem:s0], [sflag:$0x5], $0x2800, $0x38;
	[tilespmem:$0x1E400] =	vst v63  }
0x116: {  	_ =	swait.ge [sflag:s2], $0x2800  }
0x117: {  	[sflag:s2] =	ssyncset.done $0x0  }
0x118: {  	s29 =	rddreg [dreg:$0x1d];
	[sflag:s2] =	ssyncadd.s32 $0xFFFFD800  }
0x119: {  	[tilespmem:s0], [sflag:$0x5] =	stream.linear.gather [spmem:s29], $0x2800, $0x38;
	[tilespmem:$0x1E400] =	vst v63  }
0x11a: {  	_ =	swait.ge [sflag:s2], $0x2800  }
0x11b: {  	[sflag:s2] =	ssyncset.done $0x0  }
0x11c: {  	s22 =	rddreg [dreg:$0xe];
	[sflag:s2] =	ssyncadd.s32 $0xFFFFD800  }
0x11d: {  	[hbm4b:s22+s3] =	stream.linear.scatter [tilespmem:s0], [sflag:$0x5], $0x2800, $0x38;
	[tilespmem:$0x1E400] =	vst v63  }
0x11e: {  	_ =	swait.ge [sflag:s2], $0x2800  }
0x11f: {  	s21 =	sadd.s32 $0x1, s21;
	s22 =	rddreg [dreg:$0x18]  }
0x120: {  	p0 =	sne.s32 s21, s22  }
.Ltmp1:
0x121: {  	_ = 	snop;
	(pc) =	sbr.rel @p0 .LBB2_1-.Ltmp1, $3  }
0x122: {  	_ =	sdelay $0x1  }
0x123: {  	[sflag:s2] =	ssyncset.done $0x0  }
0x124: {  	[sflag:s2] =	ssyncadd.s32 $0xFFFFD800  }
0x125: {  	_ =	sfence.sel $0x180000  }
0x126: {  	[bflag:$0x0] =	sbarrier.arrive $0xFFFF  }
0x127: {  	_ =	strace $0x90000050  }
0x128: {  	s0 =	stileid.u32;
	[bflag:$0x2] =	sbarrier.arrive $0xFFFF  }
0x129: {  	p0 =	sne.s32 s0, $0x0;
	s0 =	rddreg [dreg:$0x3]  }
0x12a: {  	s0 =	sadd.s32 @!p0 $0x100000, s0  }
0x12b: {  	[sflag:s0] =	ssyncadd.tile.s32 @!p0 $0x1;
	_ =	shalt  }
.Lfunc_end2:
_tile_overlayer_lowered:
.L_overlay_start_2:
0x12c: {  	(tag) =	ssettag $0x2  }
0x12d: {  	s0 =	rddreg [dreg:$0x0];
	s2 =	stileid.u32  }
0x12e: {  	s1 =	rddreg [dreg:$0x1];
	p0 =	sne.s32 s2, $0x0  }
0x12f: {  	s3 =	rddreg [dreg:$0x2];
	[bflag:$0x3] =	sbarrier.arrive $0xFFFF;
	s2 =	simm.s32 @!p0 $0x1C05  }
0x130: {  	[timem:s3], [sflag:s2] =	dma.local @!p0 [hbm:s0], s1  }
0x131: {  	s0 =	simm.s32 @!p0 $0x5  }
0x132: {  	_ =	swait.ge @!p0 [sflag:s0], s1  }
0x133: {  	s1 =	ssub.s32 @!p0 $0x0, s1;
	[sflag:s0] =	ssyncset.done @!p0 $0x0  }
0x134: {  	[sflag:s0] =	ssyncadd.s32 @!p0 s1  }
0x135: {  	[bflag:$0x3] =	sbarrier.arrive $0xFFFF  }
0x136: {  	_ =	shalt  }

// kernel: kernel.9.cloned.1.call-start
scs
__scs_entry_jumppad:
0x0: {  	(pc) =	sbr.rel $0x88, $3  }
0x1: {  	(tag) =	ssettag $0x0;
	lr =	simm.s32 $0x1  }
0x2: {  	[smem:$0x3F96] =	sst lr;
	_ =	strace $0xD0000000  }
0x3: {  	_ = 	snop  }
0x4: {  	_ = 	snop  }
0x5: {  	_ = 	snop  }
0x6: {  	_ = 	snop  }
0x7: {  	_ = 	snop  }
__scs_overlays_trampoline_lowered:
0x8: {  	[smem:$0x3FA5] =	sst s0  }
0x9: {  	[smem:$0x3FA6] =	sst s1  }
0xa: {  	[smem:$0x3FA7] =	sst s2  }
0xb: {  	[smem:$0x3FA8] =	sst s3  }
0xc: {  	[smem:$0x3FA9] =	sst s4  }
0xd: {  	[smem:$0x3FAA] =	sst s5  }
0xe: {  	[smem:$0x3FAB] =	sst s6  }
0xf: {  	[smem:$0x3FAC] =	sst s7  }
0x10: {  	[smem:$0x3FAD] =	sst s8  }
0x11: {  	[smem:$0x3FAE] =	sst s9;
	s0 =	simm.s32 @!p0 $0x0  }
0x12: {  	s1 =	sld [smem:$0x3F94];
	s0 =	simm.s32 @p0 $0x1  }
0x13: {  	[smem:$0x3FAF] =	sst s0;
	s0 =	simm.s32 @!p1 $0x0  }
0x14: {  	s2 =	sld [smem:$0x3F93];
	s0 =	simm.s32 @p1 $0x1  }
0x15: {  	[smem:$0x3FB0] =	sst s0;
	s0 =	simm.s32 @!p2 $0x0  }
0x16: {  	s3 =	sld [smem:$0x3FDB];
	s0 =	simm.s32 @p2 $0x1  }
0x17: {  	s4 =	simm.s32 $0x1BF5;
	[smem:$0x3FB2] =	sst s0  }
0x18: {  	s0 =	sld [smem:$0x3F95];
	_ =	swait.ge [sflag:s4], $0x0  }
0x19: {  	s7 =	sld [smem:$0x3F96]  }
0x1a: {  	s8 =	sadd.s32 $0xFFFFE003, lr  }
0x1b: {  	s9 =	sadd.s32 $0xFFFFFEF7, lr;
	s5 =	simm.s32 $0xFFFFFFFF;
	p2 =	slt.u32 s8, $0xFFFFF086  }
0x1c: {  	p1 =	slt.u32 s9, $0xF7A;
	s5 =	simm.s32 @!p2 $0x0  }
0x1d: {  	s5 =	simm.s32 @p1 $0x1;
	p0 =	seq.s32 s7, s2  }
0x1e: {  	s7 =	smul.u32 @!p0 $0xF7A, s2;
	p2 =	seq.s32 @!p0 s5, $0x0  }
0x1f: {  	s9 =	smul.u32 $0xF7A, s1;
	s8 =	simm.s32 @!p0 $0x1BF5;
	p2 =	por !p2, p0  }
0x20: {  	[sflag:s8] =	ssyncset.s32 @!p0 $0xFFFFF086;
	s6 =	sadd.s32 @!p0 s3, s7;
	s7 =	simm.s32 @!p0 $0x108  }
0x21: {  	s3 =	sadd.s32 s3, s9;
	s6 =	sadd.s32 @!p0 $0x88, s6;
	s7 =	simm.s32 @p2 $0x1082  }
0x22: {  	[simem:s7], [sflag:s8] =	dma.local @!p0 [hbm:s6], $0xF7A  }
0x23: {  	s9 =	sor.u32 $0xD0000000, s2;
	s6 =	simm.s32 $0x108;
	_ =	swait.ge @!p0 [sflag:s8], $0x0  }
0x24: {  	s3 =	sadd.s32 $0x88, s3;
	s6 =	simm.s32 @!p1 $0x1082;
	[sflag:s4] =	ssyncset.s32 $0xFFFFF086  }
0x25: {  	[simem:s6], [sflag:s4] =	dma.local [hbm:s3], $0xF7A  }
0x26: {  	[smem:$0x3F96] =	sst s1;
	(tag) =	ssettag s2;
	_ =	strace s9  }
0x27: {  	s1 =	sld [smem:$0x3FA6]  }
0x28: {  	s2 =	sld [smem:$0x3FA7]  }
0x29: {  	s4 =	sld [smem:$0x3FA9]  }
0x2a: {  	p0 =	seq.s32 s5, $0x0;
	s5 =	sld [smem:$0x3FAA]  }
0x2b: {  	s6 =	sld [smem:$0x3FAB]  }
0x2c: {  	s7 =	sld [smem:$0x3FAC]  }
0x2d: {  	s3 =	simm.s32 $0x108;
	s8 =	sld [smem:$0x3FAD]  }
0x2e: {  	s3 =	simm.s32 @!p0 $0x1082;
	s9 =	sld [smem:$0x3FAE]  }
0x2f: {  	lr =	sadd.s32 s0, s3;
	s0 =	sld [smem:$0x3FA5]  }
0x30: {  	s3 =	sld [smem:$0x3FA8]  }
0x31: {  	[smem:$0x3FB1] =	sst s10  }
0x32: {  	s10 =	sld [smem:$0x3FAF];
	_ =	sdelay $0x3  }
0x33: {  	p0 =	seq.s32 s10, $0x1;
	s10 =	sld [smem:$0x3FB1];
	_ =	sdelay $0x3  }
0x34: {  	[smem:$0x3FB1] =	sst s10  }
0x35: {  	s10 =	sld [smem:$0x3FB0];
	_ =	sdelay $0x3  }
0x36: {  	p1 =	seq.s32 s10, $0x1;
	s10 =	sld [smem:$0x3FB1];
	_ =	sdelay $0x3  }
0x37: {  	[smem:$0x3FB1] =	sst s10  }
0x38: {  	s10 =	sld [smem:$0x3FB2]  }
0x39: {  	_ = 	snop;
	(pc) =	sbr.ind lr, $3  }
0x3a: {  	_ = 	snop  }
0x3b: {  	_ = 	snop  }
0x3c: {  	p2 =	seq.s32 s10, $0x1;
	s10 =	sld [smem:$0x3FB1]  }
0x3d: {  	_ =	shalt  }
0x3e: {  	_ =	shalt  }
0x3f: {  	_ =	shalt  }
0x40: {  	_ =	shalt  }
0x41: {  	_ =	shalt  }
0x42: {  	_ =	shalt  }
0x43: {  	_ =	shalt  }
0x44: {  	_ =	shalt  }
0x45: {  	_ =	shalt  }
0x46: {  	_ =	shalt  }
0x47: {  	_ =	shalt  }
0x48: {  	_ =	shalt  }
0x49: {  	_ =	shalt  }
0x4a: {  	_ =	shalt  }
0x4b: {  	_ =	shalt  }
0x4c: {  	_ =	shalt  }
0x4d: {  	_ =	shalt  }
0x4e: {  	_ =	shalt  }
0x4f: {  	_ =	shalt  }
0x50: {  	_ =	shalt  }
0x51: {  	_ =	shalt  }
0x52: {  	_ =	shalt  }
0x53: {  	_ =	shalt  }
0x54: {  	_ =	shalt  }
0x55: {  	_ =	shalt  }
0x56: {  	_ =	shalt  }
0x57: {  	_ =	shalt  }
0x58: {  	_ =	shalt  }
0x59: {  	_ =	shalt  }
0x5a: {  	_ =	shalt  }
0x5b: {  	_ =	shalt  }
0x5c: {  	_ =	shalt  }
0x5d: {  	_ =	shalt  }
0x5e: {  	_ =	shalt  }
0x5f: {  	_ =	shalt  }
0x60: {  	_ =	shalt  }
0x61: {  	_ =	shalt  }
0x62: {  	_ =	shalt  }
0x63: {  	_ =	shalt  }
0x64: {  	_ =	shalt  }
0x65: {  	_ =	shalt  }
0x66: {  	_ =	shalt  }
0x67: {  	_ =	shalt  }
0x68: {  	_ =	shalt  }
0x69: {  	_ =	shalt  }
0x6a: {  	_ =	shalt  }
0x6b: {  	_ =	shalt  }
0x6c: {  	_ =	shalt  }
0x6d: {  	_ =	shalt  }
0x6e: {  	_ =	shalt  }
0x6f: {  	_ =	shalt  }
0x70: {  	_ =	shalt  }
0x71: {  	_ =	shalt  }
0x72: {  	_ =	shalt  }
0x73: {  	_ =	shalt  }
0x74: {  	_ =	shalt  }
0x75: {  	_ =	shalt  }
0x76: {  	_ =	shalt  }
0x77: {  	_ =	shalt  }
0x78: {  	_ =	shalt  }
0x79: {  	_ =	shalt  }
0x7a: {  	_ =	shalt  }
0x7b: {  	_ =	shalt  }
0x7c: {  	_ =	shalt  }
0x7d: {  	_ =	shalt  }
0x7e: {  	_ =	shalt  }
0x7f: {  	_ =	shalt  }
0x80: {  	_ =	shalt  }
0x81: {  	_ =	shalt  }
0x82: {  	_ =	shalt  }
0x83: {  	_ =	shalt  }
0x84: {  	_ =	shalt  }
0x85: {  	_ =	shalt  }
0x86: {  	_ =	shalt  }
0x87: {  	_ =	shalt  }
.Lfunc_end0:
.L_simem_size_0:
called_computation_lowered:
.L_overlay_start_0:
0x88: {  	s2 =	sld [smem:$0x3FD9]  }
0x89: {  	s3 =	sld [smem:$0x3FFE];
	_ =	sdelay $0x1  }
0x8a: {  	s1 =	srdreg.scid  }
0x8b: {  	s0 =	sand.u32 $0x1, s1  }
0x8c: {  	s17 =	sshll.u32 s0, $0xA;
	s2 =	sadd.s32 s3, s2  }
0x8d: {  	s2 =	sadd.s32 s2, s17  }
0x8e: {  	[smem:$0x3FBD] =	sst s2  }
0x8f: {  	_ = 	snop  }
0x90: {  	s18 =	sld [smem:$0x3FD0];
	(tm) =	ssettm $0x1  }
0x91: {  	s19 =	sld [smem:$0x3FFB];
	_ =	sdelay $0x3  }
0x92: {  	_ =	strace s19  }
0x93: {  	s2 =	sld [smem:$0x3FFC];
	_ =	sdelay $0x3  }
0x94: {  	_ =	strace s2  }
0x95: {  	s2 =	sld [smem:$0x3FFD];
	_ =	sdelay $0x3  }
0x96: {  	_ =	strace s2  }
0x97: {  	_ =	strace $0x8FFFFFFF  }
0x98: {  	s20 =	sld [smem:$0x3FDB];
	_ =	sdelay $0x1  }
0x99: {  	s4 =	simm.s32 $_scs_section_size  }
0x9a: {  	s5 =	simm.s32 $_size__tile_overlayer_lowered;
	s6 =	simm.s32 $_tile_overlayer_lowered  }
0x9b: {  	s7 =	simm.s32 $0x1BFF;
	s21 =	sshll.u32 s6, $0x1;
	s4 =	sadd.s32 s4, s20  }
0x9c: {  	s22 =	simm.s32 $0x0;
	s5 =	sshll.u32 s5, $0x1;
	s6 =	sadd.s32 s21, s4  }
0x9d: {  	[timem:s22], [sflag:s7] =	dma.local [hbm:s6], s5  }
0x9e: {  	_ =	swait.ge [sflag:s7], s5  }
0x9f: {  	s5 =	ssub.s32 $0x0, s5;
	[sflag:s7] =	ssyncset.done $0x0  }
0xa0: {  	[sflag:s7] =	ssyncadd.s32 s5;
	_ =	sdelay $0x1  }
0xa1: {  	s23 =	simm.s32 $0x1B8B  }
0xa2: {  	_ =	swait.ge [sflag:s23], $0x1  }
0xa3: {  	[sflag:s23] =	ssyncset.done $0x0  }
0xa4: {  	[sflag:s23] =	ssyncadd.s32 $0xFFFFFFFF  }
0xa5: {  	s5 =	sld [smem:$0x0]  }
0xa6: {  	s6 =	sand.u32 $0xFFFFFFFE, s1  }
0xa7: {  	p0 =	sne.s32 s1, s6  }
0xa8: {  	s6 =	sshll.u32 @p0 s6, $0xE  }
0xa9: {  	s6 =	sadd.s32 @p0 $0x11B8D, s6;
	s7 =	sshll.u32 @p0 s5, $0x11  }
0xaa: {  	s6 =	sor.u32 @p0 s7, s6  }
0xab: {  	[sflag:s6] =	ssyncadd.remote.s32 @p0 $0x1;
	_ =	sdelay $0x1  }
0xac: {  	s6 =	simm.s32 @p0 $0x1B8D  }
0xad: {  	_ =	swait.eq @p0 [sflag:s6], $0x1  }
0xae: {  	[sflag:s6] =	ssyncadd.s32 @p0 $0xFFFFFFFF  }
0xaf: {  	s7 =	sshll.u32 @!p0 s1, $0xE  }
0xb0: {  	s7 =	sor.u32 @!p0 $0x4000, s7;
	s6 =	simm.s32 @!p0 $0x1B8D  }
0xb1: {  	s5 =	sshll.u32 @!p0 s5, $0x11;
	s7 =	sadd.s32 @!p0 $0x11B8D, s7;
	_ =	swait.eq @!p0 [sflag:s6], $0x1  }
0xb2: {  	s5 =	sor.u32 @!p0 s5, s7;
	[sflag:s6] =	ssyncadd.s32 @!p0 $0xFFFFFFFF  }
0xb3: {  	s25 =	simm.s32 $0x1B8E;
	s24 =	sld [smem:$0x3FFE];
	[sflag:s5] =	ssyncadd.remote.s32 @!p0 $0x1  }
0xb4: {  	s26 =	simm.s32 $execute0_lowered;
	[smem:$0x3FD2] =	sst s25  }
0xb5: {  	s6 =	sshll.u32 s26, $0x1;
	_ =	strace $0x80000049;
	[dreg:$0x1] =	wrdreg $0xFFFFFFFF  }
0xb6: {  	s28 =	simm.s32 $_size_execute0_lowered;
	s4 =	sadd.s32 s4, s6;
	[dreg:$0x0] =	wrdreg $0x0  }
0xb7: {  	s6 =	sshll.u32 s28, $0x1;
	[dreg:$0x2] =	wrdreg s4  }
0xb8: {  	[dreg:$0x3] =	wrdreg s6  }
0xb9: {  	[dreg:$0x4] =	wrdreg $0xC0  }
0xba: {  	_ =	task [dreg:s22], $0x5FFFF  }
0xbb: {  	[dreg:$0x1] =	wrdreg $0xFFFFFFFF  }
0xbc: {  	[dreg:$0x0] =	wrdreg $0x60  }
0xbd: {  	[dreg:$0x2] =	wrdreg s18  }
0xbe: {  	[dreg:$0x3] =	wrdreg s24  }
0xbf: {  	[dreg:$0x4] =	wrdreg $0x0  }
0xc0: {  	[dreg:$0x5] =	wrdreg $0x9  }
0xc1: {  	_ =	task.clear_ibuf [dreg:s22], $0x6FFFF;
	_ =	strace $0x90000049  }
0xc2: {  	s29 =	simm.s32 $0x9;
	_ =	strace $0x8000004B  }
0xc3: {  	_ =	swait.ge [sflag:s29], $0x1  }
0xc4: {  	[sflag:s29] =	ssyncadd.s32 $0xFFFFFFFF  }
0xc5: {  	_ =	strace $0x9000004B  }
0xc6: {  	_ =	sfence  }
0xc7: {  	s30 =	sld [smem:$0x0];
	_ =	sdelay $0x2  }
0xc8: {  	s31 =	sshll.u32 s1, $0xD;
	s1 =	sshrl.u32 s1, $0x2  }
0xc9: {  	s4 =	sand.u32 $0x4000, s31;
	s1 =	sadd.s32 s1, s30  }
0xca: {  	s0 =	sor.u32 s4, s0;
	s1 =	sshll.u32 s1, $0x11  }
0xcb: {  	s0 =	sor.u32 s1, s0  }
0xcc: {  	s0 =	sadd.s32 $0x8F2B, s0  }
0xcd: {  	[sflag:s0] =	ssyncadd.remote.s32 $0x1  }
0xce: {  	_ =	sfence.sel $0xFFFF  }
0xcf: {  	[dreg:$0x0] =	wrdreg $0xFFFFFFFF;
	(pc) =	sbr.abs _section_cstart, $3  }
0xd0: {  	[dreg:$0x1] =	wrdreg $0xFFFFFFFF  }
0xd1: {  	_ =	task.clear_ibuf [dreg:s22], $0x2FFFF;
	_ =	strace $0x9FFFFFFF  }
0xd2: {  	(tm) =	ssettm $0x7FFFFFFF  }
0xd3: {  	_ =	shalt  }
tec
execute0_lowered:
.L_overlay_start_1:
0x0: {  	(tag) =	ssettag $0x1  }
0x1: {  	s21 =	rddreg [dreg:$0x0]  }
0x2: {  	s6 =	rddreg [dreg:$0x1]  }
0x3: {  	s1 =	rddreg [dreg:$0x2]  }
0x4: {  	s0 =	rddreg [dreg:$0x3];
	s3 =	simm.s32 $0x0;
	s4 =	srdreg.scid  }
0x5: {  	s2 =	stileid.u32;
	[smem:$0x7FF] =	sst s3  }
0x6: {  	s19 =	sand.u32 $0x1, s4;
	s5 =	smul.u32 $0x50000, s2;
	s4 =	sadd.s32 $0x85E00, s6  }
0x7: {  	s20 =	sadd.s32 $0x86E00, s6;
	s18 =	smul.u32 $0x280, s2;
	s6 =	sadd.s32 $0x86600, s6  }
0x8: {  	s31 =	smul.u32 $0xA00, s2;
	_ =	strace $0x8000004A;
	s7 =	ssub.s32 $0x2, s19  }
0x9: {  	s22 =	smul.u32 $0x2800, s19;
	s8 =	sshrl.u32 s7, $0x1;
	s5 =	sshrl.u32 s5, $0x2  }
0xa: {  	s13 =	sadd.s32 $0x80, s18;
	s25 =	sadd.s32 $0x100, s18;
	s28 =	sadd.s32 $0x180, s18  }
0xb: {  	s30 =	sadd.s32 $0x200, s18;
	s21 =	sadd.s32 s31, s21;
	s7 =	ssub.s32 s7, s8  }
0xc: {  	s5 =	sadd.s32 s5, s1;
	s12 =	sadd.s32 s22, s18;
	s14 =	sshll.u32 s13, $0x7  }
0xd: {  	s15 =	sadd.s32 s22, s13;
	s16 =	sshll.u32 s25, $0x7;
	s17 =	sadd.s32 s22, s25  }
0xe: {  	s23 =	sshll.u32 s28, $0x7;
	s25 =	smul.u32 $0x500, s19;
	s7 =	smax.u32 s7, $0x1  }
0xf: {  	s8 =	sadd.s32 $0x4000, s5;
	s9 =	sadd.s32 $0x8000, s5;
	s10 =	sadd.s32 $0xC000, s5  }
0x10: {  	s11 =	sadd.s32 $0x10000, s5;
	s12 =	sshll.u32 s12, $0x4;
	s13 =	sadd.s32 s14, s1  }
0x11: {  	s24 =	sshll.u32 s15, $0x4;
	s15 =	sadd.s32 s16, s1;
	s26 =	sshll.u32 s17, $0x4  }
0x12: {  	s17 =	sadd.s32 s23, s1;
	s23 =	simm.s32 $0x1;
	s12 =	sadd.s32 s20, s12  }
0x13: {  	s14 =	sadd.s32 s20, s24;
	s16 =	sadd.s32 s20, s26;
	s24 =	sadd.s32 s22, s28  }
0x14: {  	s22 =	sadd.s32 s22, s30;
	s21 =	sadd.s32 s25, s21;
	s25 =	simm.s32 $0x80  }
0x15: {  	s26 =	simm.s32 $0x0;
	s29 =	sshll.u32 s24, $0x4;
	s24 =	sshll.u32 s30, $0x7  }
0x16: {  	s22 =	sshll.u32 s22, $0x4;
	s18 =	sadd.s32 s20, s29;
	s19 =	sadd.s32 s24, s1  }
0x17: {  	s20 =	sadd.s32 s20, s22;
	s22 =	simm.s32 $0x14080;
	s24 =	simm.s32 $0x14000  }
.LBB2_1:
0x18: {  	[tilespmem:s22], [sflag:$0x1] =	stream.linear.gather [hbm4b:s6+s3], $0x4000, $0x38;
	[tilespmem:$0x18080] =	vst v63  }
0x19: {  	_ =	swait.ge [sflag:s23], $0x4000  }
0x1a: {  	[sflag:s23] =	ssyncset.done $0x0  }
0x1b: {  	[sflag:s23] =	ssyncadd.s32 $0xFFFFC000  }
0x1c: {  	[spmem:s5] =	stream.linear.scatter [tilespmem:s22], [sflag:$0x1], $0x4000, $0x38;
	[tilespmem:$0x18080] =	vst v63  }
0x1d: {  	_ =	swait.ge [sflag:s23], $0x4000  }
0x1e: {  	[sflag:s23] =	ssyncset.done $0x0  }
0x1f: {  	[sflag:s23] =	ssyncadd.s32 $0xFFFFC000  }
0x20: {  	[spmem:s8] =	stream.linear.scatter [tilespmem:s22], [sflag:$0x1], $0x4000, $0x38;
	[tilespmem:$0x18080] =	vst v63  }
0x21: {  	_ =	swait.ge [sflag:s23], $0x4000  }
0x22: {  	[sflag:s23] =	ssyncset.done $0x0  }
0x23: {  	[sflag:s23] =	ssyncadd.s32 $0xFFFFC000  }
0x24: {  	[spmem:s9] =	stream.linear.scatter [tilespmem:s22], [sflag:$0x1], $0x4000, $0x38;
	[tilespmem:$0x18080] =	vst v63  }
0x25: {  	_ =	swait.ge [sflag:s23], $0x4000  }
0x26: {  	[sflag:s23] =	ssyncset.done $0x0  }
0x27: {  	[sflag:s23] =	ssyncadd.s32 $0xFFFFC000  }
0x28: {  	[spmem:s10] =	stream.linear.scatter [tilespmem:s22], [sflag:$0x1], $0x4000, $0x38;
	[tilespmem:$0x18080] =	vst v63  }
0x29: {  	_ =	swait.ge [sflag:s23], $0x4000  }
0x2a: {  	[sflag:s23] =	ssyncset.done $0x0  }
0x2b: {  	[sflag:s23] =	ssyncadd.s32 $0xFFFFC000  }
0x2c: {  	[spmem:s11] =	stream.linear.scatter [tilespmem:s22], [sflag:$0x1], $0x4000, $0x38;
	[tilespmem:$0x18080] =	vst v63  }
0x2d: {  	_ =	swait.ge [sflag:s23], $0x4000  }
0x2e: {  	[sflag:s23] =	ssyncset.done $0x0  }
0x2f: {  	[sflag:s23] =	ssyncadd.s32 $0xFFFFC000  }
0x30: {  	[tilespmem:s22], [sflag:$0x1] =	stream.linear.gather [hbm4b:s4+s3], $0x4000, $0x38;
	[tilespmem:$0x18080] =	vst v63  }
0x31: {  	_ =	swait.ge [sflag:s23], $0x4000  }
0x32: {  	[sflag:s23] =	ssyncset.done $0x0  }
0x33: {  	[sflag:s23] =	ssyncadd.s32 $0xFFFFC000  }
0x34: {  	s28 =	sadd.s32 $0x0, s21;
	[bflag:$0x0] =	sbarrier.arrive $0xFFFF  }
0x35: {  	[tilespmem:s24], [sflag:$0x1] =	stream.linear.gather [hbm4b:s28+s3], $0x80, $0x38;
	[tilespmem:$0x18080] =	vst v63  }
0x36: {  	_ =	swait.ge [sflag:s23], $0x80  }
0x37: {  	[sflag:s23] =	ssyncset.done $0x0  }
0x38: {  	[sflag:s23] =	ssyncadd.s32 $0xFFFFFF80  }
0x39: {  	[spmem:s1] =	stream.indirect.scatter.add.f32 [tilespmem:s22], [sflag:$0x1], $0x80, s24, s25, $0xb8;
	[tilespmem:$0x18080] =	vst v63  }
0x3a: {  	_ =	swait.ge [sflag:s23], $0x4000  }
0x3b: {  	s29 =	simm.s32 $0x20;
	s28 =	simm.s32 $0x10;
	[sflag:s23] =	ssyncset.done $0x0  }
.LBB2_2:
0x3c: {  	s30 =	sadd.s32 s28, s21  }
0x3d: {  	[sflag:s23] =	ssyncadd.s32 $0xFFFFC000;
	s28 =	smov.u32 s29;
	s31 =	sadd.s32 $0x10, s29  }
0x3e: {  	[tilespmem:s24], [sflag:$0x1] =	stream.linear.gather [hbm4b:s30+s3], $0x80, $0x38;
	[tilespmem:$0x18080] =	vst v63  }
0x3f: {  	p0 =	sne.s32 s29, $0x4F0;
	_ =	swait.ge [sflag:s23], $0x80  }
.Ltmp0:
0x40: {  	[sflag:s23] =	ssyncset.done $0x0;
	(pc) =	sbr.rel @p0 .LBB2_2-.Ltmp0, $4  }
0x41: {  	[sflag:s23] =	ssyncadd.s32 $0xFFFFFF80  }
0x42: {  	[spmem:s1] =	stream.indirect.scatter.add.f32 [tilespmem:s22], [sflag:$0x1], $0x80, s24, s25, $0xb8;
	[tilespmem:$0x18080] =	vst v63  }
0x43: {  	_ =	swait.ge [sflag:s23], $0x4000  }
0x44: {  	s29 =	smov.u32 s31;
	[sflag:s23] =	ssyncset.done $0x0  }
0x45: {  	s28 =	sadd.s32 s28, s21;
	[sflag:s23] =	ssyncadd.s32 $0xFFFFC000  }
0x46: {  	[tilespmem:s24], [sflag:$0x1] =	stream.linear.gather [hbm4b:s28+s3], $0x80, $0x38;
	[tilespmem:$0x18080] =	vst v63  }
0x47: {  	_ =	swait.ge [sflag:s23], $0x80  }
0x48: {  	[sflag:s23] =	ssyncset.done $0x0  }
0x49: {  	[sflag:s23] =	ssyncadd.s32 $0xFFFFFF80  }
0x4a: {  	[spmem:s1] =	stream.indirect.scatter.add.f32 [tilespmem:s22], [sflag:$0x1], $0x80, s24, s25, $0xb8;
	[tilespmem:$0x18080] =	vst v63  }
0x4b: {  	_ =	swait.ge [sflag:s23], $0x4000  }
0x4c: {  	[sflag:s23] =	ssyncset.done $0x0  }
0x4d: {  	[sflag:s23] =	ssyncadd.s32 $0xFFFFC000  }
0x4e: {  	[bflag:$0x0] =	sbarrier.arrive $0xFFFF  }
0x4f: {  	[tilespmem:s22], [sflag:$0x1] =	stream.linear.gather [spmem:s5], $0x4000, $0x38;
	[tilespmem:$0x18080] =	vst v63  }
0x50: {  	_ =	swait.ge [sflag:s23], $0x4000  }
0x51: {  	[sflag:s23] =	ssyncset.done $0x0  }
0x52: {  	[sflag:s23] =	ssyncadd.s32 $0xFFFFC000  }
0x53: {  	[hbm4b:s12+s3] =	stream.linear.scatter [tilespmem:s22], [sflag:$0x1], $0x4000, $0x38;
	[tilespmem:$0x18080] =	vst v63  }
0x54: {  	_ =	swait.ge [sflag:s23], $0x4000  }
0x55: {  	[sflag:s23] =	ssyncset.done $0x0  }
0x56: {  	[sflag:s23] =	ssyncadd.s32 $0xFFFFC000  }
0x57: {  	[tilespmem:s22], [sflag:$0x1] =	stream.linear.gather [spmem:s13], $0x4000, $0x38;
	[tilespmem:$0x18080] =	vst v63  }
0x58: {  	_ =	swait.ge [sflag:s23], $0x4000  }
0x59: {  	[sflag:s23] =	ssyncset.done $0x0  }
0x5a: {  	[sflag:s23] =	ssyncadd.s32 $0xFFFFC000  }
0x5b: {  	[hbm4b:s14+s3] =	stream.linear.scatter [tilespmem:s22], [sflag:$0x1], $0x4000, $0x38;
	[tilespmem:$0x18080] =	vst v63  }
0x5c: {  	_ =	swait.ge [sflag:s23], $0x4000  }
0x5d: {  	[sflag:s23] =	ssyncset.done $0x0  }
0x5e: {  	[sflag:s23] =	ssyncadd.s32 $0xFFFFC000  }
0x5f: {  	[tilespmem:s22], [sflag:$0x1] =	stream.linear.gather [spmem:s15], $0x4000, $0x38;
	[tilespmem:$0x18080] =	vst v63  }
0x60: {  	_ =	swait.ge [sflag:s23], $0x4000  }
0x61: {  	[sflag:s23] =	ssyncset.done $0x0  }
0x62: {  	[sflag:s23] =	ssyncadd.s32 $0xFFFFC000  }
0x63: {  	[hbm4b:s16+s3] =	stream.linear.scatter [tilespmem:s22], [sflag:$0x1], $0x4000, $0x38;
	[tilespmem:$0x18080] =	vst v63  }
0x64: {  	_ =	swait.ge [sflag:s23], $0x4000  }
0x65: {  	[sflag:s23] =	ssyncset.done $0x0  }
0x66: {  	[sflag:s23] =	ssyncadd.s32 $0xFFFFC000  }
0x67: {  	[tilespmem:s22], [sflag:$0x1] =	stream.linear.gather [spmem:s17], $0x4000, $0x38;
	[tilespmem:$0x18080] =	vst v63  }
0x68: {  	_ =	swait.ge [sflag:s23], $0x4000  }
0x69: {  	[sflag:s23] =	ssyncset.done $0x0  }
0x6a: {  	[sflag:s23] =	ssyncadd.s32 $0xFFFFC000  }
0x6b: {  	[hbm4b:s18+s3] =	stream.linear.scatter [tilespmem:s22], [sflag:$0x1], $0x4000, $0x38;
	[tilespmem:$0x18080] =	vst v63  }
0x6c: {  	_ =	swait.ge [sflag:s23], $0x4000  }
0x6d: {  	[sflag:s23] =	ssyncset.done $0x0  }
0x6e: {  	[sflag:s23] =	ssyncadd.s32 $0xFFFFC000  }
0x6f: {  	[tilespmem:s22], [sflag:$0x1] =	stream.linear.gather [spmem:s19], $0x4000, $0x38;
	[tilespmem:$0x18080] =	vst v63  }
0x70: {  	s26 =	sadd.s32 $0x1, s26;
	_ =	swait.ge [sflag:s23], $0x4000  }
0x71: {  	p0 =	sne.s32 s26, s7;
	[sflag:s23] =	ssyncset.done $0x0  }
.Ltmp1:
0x72: {  	[sflag:s23] =	ssyncadd.s32 $0xFFFFC000;
	(pc) =	sbr.rel @p0 .LBB2_1-.Ltmp1, $4  }
0x73: {  	[hbm4b:s20+s3] =	stream.linear.scatter [tilespmem:s22], [sflag:$0x1], $0x4000, $0x38;
	[tilespmem:$0x18080] =	vst v63  }
0x74: {  	_ =	swait.ge [sflag:s23], $0x4000  }
0x75: {  	[sflag:s23] =	ssyncset.done $0x0  }
0x76: {  	[sflag:s23] =	ssyncadd.s32 $0xFFFFC000  }
0x77: {  	_ =	sfence.sel $0x180000  }
0x78: {  	[bflag:$0x0] =	sbarrier.arrive $0xFFFF  }
0x79: {  	p0 =	sne.s32 s2, $0x0;
	_ =	strace $0x9000004A  }
0x7a: {  	s0 =	sadd.s32 @!p0 $0x100000, s0;
	[bflag:$0x2] =	sbarrier.arrive $0xFFFF  }
0x7b: {  	[sflag:s0] =	ssyncadd.tile.s32 @!p0 $0x1;
	_ =	shalt  }
.Lfunc_end2:
_tile_overlayer_lowered:
.L_overlay_start_2:
0x7c: {  	(tag) =	ssettag $0x2  }
0x7d: {  	s0 =	rddreg [dreg:$0x0];
	s2 =	stileid.u32  }
0x7e: {  	s1 =	rddreg [dreg:$0x1];
	p0 =	sne.s32 s2, $0x0  }
0x7f: {  	s3 =	rddreg [dreg:$0x2];
	[bflag:$0x3] =	sbarrier.arrive $0xFFFF;
	s2 =	simm.s32 @!p0 $0x1C01  }
0x80: {  	[timem:s3], [sflag:s2] =	dma.local @!p0 [hbm:s0], s1  }
0x81: {  	s0 =	simm.s32 @!p0 $0x1  }
0x82: {  	_ =	swait.ge @!p0 [sflag:s0], s1  }
0x83: {  	s1 =	ssub.s32 @!p0 $0x0, s1;
	[sflag:s0] =	ssyncset.done @!p0 $0x0  }
0x84: {  	[sflag:s0] =	ssyncadd.s32 @!p0 s1  }
0x85: {  	[bflag:$0x3] =	sbarrier.arrive $0xFFFF  }
0x86: {  	_ =	shalt  }

</sc_bundles>
